<compile_context>
chip_gen: v7x
topology: tpu7x:2x2x1
jax: 0.10.2.dev20260603
libtpu: 0.0.44.dev20260713+nightly
codegen_flags: <defaults>
</compile_context>

<pallas_src>
import functools

import numpy as np
import jax
import jax.numpy as jnp
from jax import lax
from jax.experimental import pallas as pl
from jax.experimental.pallas import tpu as pltpu
from jax.experimental.pallas import tpu_sc as plsc

A_TOT, T_H, AG_IN = 10000, 20, 5
L_TOT, P_LEN, LN_IN = 40000, 10, 2
HID = 64
HEADS, HDIM = 4, 16
E_AA, E_AL = 400000, 200000
N_TOT = A_TOT + L_TOT
E_TOT = E_AA + 2 * E_AL

NC, NS, LANES = 2, 16, 16
NW = NC * NS

_g16 = np.zeros((HID, 16), np.float32)
for _h in range(HEADS):
    _g16[_h * HDIM:(_h + 1) * HDIM, _h] = 1.0
_e4 = np.zeros((HEADS, HID), np.float32)
for _h in range(HEADS):
    _e4[_h, _h * HDIM:(_h + 1) * HDIM] = 1.0



def _lstm_body(x_ref, wih_ref, whh_ref, b_ref, out_ref, *, T, mean):
    wih = wih_ref[...]
    whh = whh_ref[...]
    b = b_ref[...]
    B = x_ref.shape[1]
    h0 = jnp.zeros((B, HID), jnp.float32)

    def step(t, carry):
        h, c, acc = carry
        xt = x_ref[t]
        g = (jnp.dot(xt, wih, preferred_element_type=jnp.float32)
             + jnp.dot(h, whh, preferred_element_type=jnp.float32) + b)
        i = jax.nn.sigmoid(g[:, 0:HID])
        f = jax.nn.sigmoid(g[:, HID:2 * HID])
        gg = jnp.tanh(g[:, 2 * HID:3 * HID])
        o = jax.nn.sigmoid(g[:, 3 * HID:4 * HID])
        c2 = f * c + i * gg
        h2 = o * jnp.tanh(c2)
        return h2, c2, acc + h2

    hT, _, hacc = lax.fori_loop(0, T, step, (h0, h0, h0))
    out_ref[...] = (hacc / T) if mean else hT


def _lstm_encode(x_t, wihT, whhT, b2d, T, F, mean, blk):
    n = x_t.shape[1]
    return pl.pallas_call(
        functools.partial(_lstm_body, T=T, mean=mean),
        grid=(n // blk,),
        in_specs=[
            pl.BlockSpec((T, blk, F), lambda i: (0, i, 0)),
            pl.BlockSpec((F, 4 * HID), lambda i: (0, 0)),
            pl.BlockSpec((HID, 4 * HID), lambda i: (0, 0)),
            pl.BlockSpec((1, 4 * HID), lambda i: (0, 0)),
        ],
        out_specs=pl.BlockSpec((blk, HID), lambda i: (i, 0)),
        out_shape=jax.ShapeDtypeStruct((n, HID), jnp.float32),
    )(x_t, wihT, whhT, b2d)



def _prep_body(x_ref, wT_ref, af_ref, adf_ref, g16_ref, xw_ref, sds_ref, sdd_ref):
    xw = jnp.dot(x_ref[...], wT_ref[...], preferred_element_type=jnp.float32)
    g16 = g16_ref[...]
    xw_ref[...] = xw
    sds_ref[...] = jnp.dot(xw * af_ref[...], g16, preferred_element_type=jnp.float32)
    sdd_ref[...] = jnp.dot(xw * adf_ref[...], g16, preferred_element_type=jnp.float32)


def _prep(x, wT, af, adf, g16, blk=1000):
    n = x.shape[0]
    return pl.pallas_call(
        _prep_body,
        grid=(n // blk,),
        in_specs=[
            pl.BlockSpec((blk, HID), lambda i: (i, 0)),
            pl.BlockSpec((HID, HID), lambda i: (0, 0)),
            pl.BlockSpec((1, HID), lambda i: (0, 0)),
            pl.BlockSpec((1, HID), lambda i: (0, 0)),
            pl.BlockSpec((HID, 16), lambda i: (0, 0)),
        ],
        out_specs=[
            pl.BlockSpec((blk, HID), lambda i: (i, 0)),
            pl.BlockSpec((blk, 16), lambda i: (i, 0)),
            pl.BlockSpec((blk, 16), lambda i: (i, 0)),
        ],
        out_shape=[
            jax.ShapeDtypeStruct((n, HID), jnp.float32),
            jax.ShapeDtypeStruct((n, 16), jnp.float32),
            jax.ShapeDtypeStruct((n, 16), jnp.float32),
        ],
    )(x, wT, af, adf, g16)



def _mid_body(acc_ref, x_ref, sc_ref, cst_ref,
              w2T_ref, af2_ref, adf2_ref, g16_ref,
              h_ref, xw2_ref, sds2_ref, sdd2_ref):
    y = acc_ref[...][:, 0:HID] * sc_ref[...] + cst_ref[...]
    el = jnp.where(y > 0, y, jnp.exp(jnp.minimum(y, 0.0)) - 1.0)
    h = el + x_ref[...]
    h_ref[...] = h
    xw2 = jnp.dot(h, w2T_ref[...], preferred_element_type=jnp.float32)
    g16 = g16_ref[...]
    xw2_ref[...] = xw2
    sds2_ref[...] = jnp.dot(xw2 * af2_ref[...], g16, preferred_element_type=jnp.float32)
    sdd2_ref[...] = jnp.dot(xw2 * adf2_ref[...], g16, preferred_element_type=jnp.float32)


def _mid(out128, x, sc2d, cst2d, w2T, af2, adf2, g16, blk=1000):
    n = x.shape[0]
    return pl.pallas_call(
        _mid_body,
        grid=(n // blk,),
        in_specs=[
            pl.BlockSpec((blk, 128), lambda i: (i, 0)),
            pl.BlockSpec((blk, HID), lambda i: (i, 0)),
            pl.BlockSpec((1, HID), lambda i: (0, 0)),
            pl.BlockSpec((1, HID), lambda i: (0, 0)),
            pl.BlockSpec((HID, HID), lambda i: (0, 0)),
            pl.BlockSpec((1, HID), lambda i: (0, 0)),
            pl.BlockSpec((1, HID), lambda i: (0, 0)),
            pl.BlockSpec((HID, 16), lambda i: (0, 0)),
        ],
        out_specs=[
            pl.BlockSpec((blk, HID), lambda i: (i, 0)),
            pl.BlockSpec((blk, HID), lambda i: (i, 0)),
            pl.BlockSpec((blk, 16), lambda i: (i, 0)),
            pl.BlockSpec((blk, 16), lambda i: (i, 0)),
        ],
        out_shape=[
            jax.ShapeDtypeStruct((n, HID), jnp.float32),
            jax.ShapeDtypeStruct((n, HID), jnp.float32),
            jax.ShapeDtypeStruct((n, 16), jnp.float32),
            jax.ShapeDtypeStruct((n, 16), jnp.float32),
        ],
    )(out128, x, sc2d, cst2d, w2T, af2, adf2, g16)



def _final_body(acc_ref, h_ref, b2_ref, out_ref):
    out_ref[...] = acc_ref[...][:, 0:HID] + b2_ref[...] + h_ref[...]


def _final(out128, h, b2d, blk=1000):
    n = h.shape[0]
    return pl.pallas_call(
        _final_body,
        grid=(n // blk,),
        in_specs=[
            pl.BlockSpec((blk, 128), lambda i: (i, 0)),
            pl.BlockSpec((blk, HID), lambda i: (i, 0)),
            pl.BlockSpec((1, HID), lambda i: (0, 0)),
        ],
        out_specs=pl.BlockSpec((blk, HID), lambda i: (i, 0)),
        out_shape=jax.ShapeDtypeStruct((n, HID), jnp.float32),
    )(out128, h, b2d)



_B1 = 1000
_EPW = E_TOT // NW
_NB1 = _EPW // _B1
_NPAD = 51200
_RPW = _NPAD // NS

_mesh = plsc.VectorSubcoreMesh(core_axis_name="c", subcore_axis_name="s",
                               num_cores=NC, num_subcores=NS)


@functools.partial(
    pl.kernel, mesh=_mesh,
    compiler_params=pltpu.CompilerParams(use_tc_tiling_on_sc=False, needs_layout_passes=False),
    out_type=[
        jax.ShapeDtypeStruct((E_TOT, 4), jnp.float32),
        jax.ShapeDtypeStruct((NC * _NPAD, 16), jnp.float32),
    ],
    scratch_types=[
        pltpu.VMEM((_B1,), jnp.int32),
        pltpu.VMEM((_B1,), jnp.int32),
        pltpu.VMEM((_B1, 16), jnp.float32),
        pltpu.VMEM((_B1, 16), jnp.float32),
        pltpu.VMEM((_B1, 16), jnp.float32),
        pltpu.VMEM((_B1, 4), jnp.float32),
        pltpu.VMEM_SHARED((_NPAD, 16), jnp.float32),
        pltpu.SemaphoreType.DMA,
        pltpu.SemaphoreType.DMA,
    ],
)
def _p1(src_hbm, dst_hbm, sds_hbm, sdd_hbm, ex_hbm, denp_hbm,
        idx_s, idx_d, srow, drow, exb, ex4b, den_sh, sem1, sem2):
    c = lax.axis_index("c")
    s = lax.axis_index("s")
    wid = c * NS + s
    lane = lax.broadcasted_iota(jnp.int32, (LANES,), 0)
    m4 = lane < HEADS
    lane4 = lane & 3
    zv = jnp.zeros((LANES,), jnp.float32)

    def zrow(e, carry):
        exb[e] = zv
        return carry

    lax.fori_loop(0, _B1, zrow, None)
    for k in range(4):
        pltpu.sync_copy(exb.at[pl.ds(0, 800)],
                        den_sh.at[pl.ds(s * _RPW + k * 800, 800)])
    plsc.subcore_barrier()
    base = wid * _EPW

    def blk(b, carry):
        off = base + b * _B1
        pltpu.sync_copy(src_hbm.at[pl.ds(off, _B1)], idx_s)
        pltpu.sync_copy(dst_hbm.at[pl.ds(off, _B1)], idx_d)
        d1 = pltpu.async_copy(sds_hbm.at[idx_s], srow, sem1)
        d2 = pltpu.async_copy(sdd_hbm.at[idx_d], drow, sem2)
        d1.wait()
        d2.wait()

        def edge(e):
            t = srow[e] + drow[e]
            l = jnp.maximum(t, 0.2 * t)
            ex = jnp.where(m4, jnp.exp(l), 0.0)
            exb[e] = ex
            plsc.store_scatter(ex4b, [jnp.full((LANES,), e, jnp.int32), lane4],
                               ex, mask=m4)

        plsc.parallel_loop(0, _B1, 1, unroll=8)(edge)
        pltpu.sync_copy(ex4b, ex_hbm.at[pl.ds(off, _B1)])
        pltpu.sync_copy(exb, den_sh.at[idx_d], add=True)
        return carry

    lax.fori_loop(0, _NB1, blk, None)
    plsc.subcore_barrier()
    pltpu.sync_copy(den_sh.at[pl.ds(s * _RPW, _RPW)],
                    denp_hbm.at[pl.ds(c * _NPAD + s * _RPW, _RPW)])



_B2 = 400
_EPT = E_TOT // NS
_NB2 = _EPT // _B2
_EC = 200


@functools.partial(
    pl.kernel, mesh=_mesh,
    compiler_params=pltpu.CompilerParams(use_tc_tiling_on_sc=False, needs_layout_passes=False),
    out_type=jax.ShapeDtypeStruct((_NPAD, 128), jnp.float32),
    scratch_types=[
        pltpu.VMEM((_B2,), jnp.int32),
        pltpu.VMEM((_B2,), jnp.int32),
        pltpu.VMEM((_B2, 4), jnp.float32),
        pltpu.VMEM((_B2, 32), jnp.float32),
        pltpu.VMEM((_EC, 16), jnp.float32),
        pltpu.VMEM((_EC, 16), jnp.float32),
        pltpu.VMEM_SHARED((_NPAD, 32), jnp.float32),
        pltpu.SemaphoreType.DMA,
    ],
)
def _p2(src_hbm, dst_hbm, ex_hbm, xwcat_hbm, denp_hbm, out_hbm,
        idx_s, idx_d, exv, xwrow, denv, denv2, acc_sh, sem1):
    c = lax.axis_index("c")
    s = lax.axis_index("s")
    zv = jnp.zeros((LANES,), jnp.float32)

    def zrow(e, carry):
        xwrow[e, pl.ds(0, 16)] = zv
        xwrow[e, pl.ds(16, 16)] = zv
        return carry

    lax.fori_loop(0, _B2, zrow, None)
    for k in range(8):
        pltpu.sync_copy(xwrow, acc_sh.at[pl.ds(s * _RPW + k * _B2, _B2)])
    plsc.subcore_barrier()
    off_c = c * _NPAD
    col0 = jnp.full((LANES,), 2 * c, jnp.int32)
    col1 = col0 + 1
    base = s * _EPT

    def blk(b, carry):
        off = base + b * _B2
        pltpu.sync_copy(src_hbm.at[pl.ds(off, _B2)], idx_s)
        pltpu.sync_copy(dst_hbm.at[pl.ds(off, _B2)], idx_d)
        pltpu.sync_copy(ex_hbm.at[pl.ds(off, _B2)], exv)

        def addoff(k, carry2):
            sl = pl.ds(k * LANES, LANES)
            idx_s[sl] = idx_s[sl] + off_c
            return carry2

        lax.fori_loop(0, _B2 // LANES, addoff, None)
        pltpu.async_copy(xwcat_hbm.at[idx_s], xwrow, sem1).wait()

        def edge(e):
            row = jnp.full((LANES,), e, jnp.int32)
            m0 = plsc.load_gather(exv, [row, col0])
            xwrow[e, pl.ds(0, 16)] = xwrow[e, pl.ds(0, 16)] * m0
            m1 = plsc.load_gather(exv, [row, col1])
            xwrow[e, pl.ds(16, 16)] = xwrow[e, pl.ds(16, 16)] * m1

        plsc.parallel_loop(0, _B2, 1, unroll=8)(edge)
        pltpu.sync_copy(xwrow, acc_sh.at[idx_d], add=True)
        return carry

    lax.fori_loop(0, _NB2, blk, None)
    plsc.subcore_barrier()

    def ep(k, carry):
        r = s * _RPW + k * _EC
        pltpu.sync_copy(denp_hbm.at[pl.ds(r, _EC)], denv)
        pltpu.sync_copy(denp_hbm.at[pl.ds(_NPAD + r, _EC)], denv2)
        pltpu.sync_copy(acc_sh.at[pl.ds(r, _EC)], xwrow.at[pl.ds(0, _EC)])

        def inv_row(e, carry2):
            denv[e] = 1.0 / (denv[e] + denv2[e] + 1e-16)
            return carry2

        lax.fori_loop(0, _EC, inv_row, None)

        def mul_row(e):
            row = jnp.full((LANES,), e, jnp.int32)
            m0 = plsc.load_gather(denv, [row, col0])
            xwrow[e, pl.ds(0, 16)] = xwrow[e, pl.ds(0, 16)] * m0
            m1 = plsc.load_gather(denv, [row, col1])
            xwrow[e, pl.ds(16, 16)] = xwrow[e, pl.ds(16, 16)] * m1

        plsc.parallel_loop(0, _EC, 1, unroll=8)(mul_row)
        pltpu.sync_copy(xwrow.at[pl.ds(0, _EC)],
                        out_hbm.at[pl.ds(r, _EC), pl.ds(c * 32, 32)])
        return carry

    lax.fori_loop(0, _RPW // _EC, ep, None)



def _to_xwcat(xw):
    xwp = jnp.pad(xw.reshape(N_TOT, 2, 32), ((0, _NPAD - N_TOT), (0, 0), (0, 0)))
    return xwp.transpose(1, 0, 2).reshape(NC * _NPAD, 32)


def kernel(agent_hist, lane_nodes, edge_index_aa, edge_index_al,
           W_ih_a, W_hh_a, b_ih_a, b_hh_a,
           W_ih_l, W_hh_l, b_ih_l, b_hh_l,
           W1, as1, ad1, b1, bn_g, bn_b, bn_m, bn_v,
           W2, as2, ad2, b2):
    g16 = jnp.asarray(_g16)
    e4 = jnp.asarray(_e4)

    ah_t = jnp.transpose(agent_hist, (1, 0, 2))
    ln_t = jnp.transpose(lane_nodes, (1, 0, 2))
    agent_emb = _lstm_encode(ah_t, W_ih_a.T, W_hh_a.T,
                             (b_ih_a + b_hh_a).reshape(1, -1),
                             T_H, AG_IN, False, 400)
    lane_emb = _lstm_encode(ln_t, W_ih_l.T, W_hh_l.T,
                            (b_ih_l + b_hh_l).reshape(1, -1),
                            P_LEN, LN_IN, True, 800)
    x = jnp.concatenate([agent_emb, lane_emb], axis=0)

    ag = edge_index_al[0]
    ln = edge_index_al[1] + A_TOT
    src = jnp.concatenate([edge_index_aa[0], ag, ln])
    dst = jnp.concatenate([edge_index_aa[1], ln, ag])

    xw1, sds1, sdd1 = _prep(x, W1.T, as1.reshape(1, -1), ad1.reshape(1, -1), g16)
    xwcat1 = _to_xwcat(xw1)
    ex1, denp1 = _p1(src, dst, sds1, sdd1)
    out128_1 = _p2(src, dst, ex1, xwcat1, denp1)

    scale = bn_g / jnp.sqrt(bn_v + 1e-5)
    cst = (b1 - bn_m) * scale + bn_b

    h, xw2, sds2, sdd2 = _mid(out128_1, x, scale.reshape(1, -1),
                              cst.reshape(1, -1), W2.T,
                              as2.reshape(1, -1), ad2.reshape(1, -1), g16)

    xwcat2 = _to_xwcat(xw2)
    ex2, denp2 = _p1(src, dst, sds2, sdd2)
    out128_2 = _p2(src, dst, ex2, xwcat2, denp2)

    out = _final(out128_2, h, b2.reshape(1, -1))

    return agent_emb, out[:A_TOT], lane_emb, out[A_TOT:]

# --- scband reference (transcript-rebuilt; emitter-appended) ---
"""Pipeline reference for scband-motion-encoder-24592982737587 (READ-ONLY COPY).

The authoritative reference and input builder live on the scoring server;
editing this copy changes nothing except your own understanding.
"""

import jax, jax.numpy as jnp
import numpy as np

A_TOT, T_H, AG_IN = 10000, 20, 5
L_TOT, P_LEN, LN_IN = 40000, 10, 2
HID = 64
HEADS, HDIM = 4, 16
E_AA, E_AL = 400000, 200000
N_TOT = A_TOT + L_TOT


def lstm_seq(x, W_ih, W_hh, b_ih, b_hh):
    N = x.shape[0]
    h0 = jnp.zeros((N, HID), x.dtype)
    c0 = jnp.zeros((N, HID), x.dtype)
    def step(carry, xt):
        h, c = carry
        g = xt @ W_ih.T + h @ W_hh.T + b_ih + b_hh
        i, f, gg, o = jnp.split(g, 4, axis=-1)
        i = jax.nn.sigmoid(i)
        f = jax.nn.sigmoid(f)
        gg = jnp.tanh(gg)
        o = jax.nn.sigmoid(o)
        c2 = f * c + i * gg
        h2 = o * jnp.tanh(c2)
        return (h2, c2), h2
    _, hs = jax.lax.scan(step, (h0, c0), jnp.swapaxes(x, 0, 1))
    return jnp.swapaxes(hs, 0, 1)


def gat_conv(x, src, dst, W, a_src, a_dst, bias):
    xw = (x @ W.T).reshape(-1, HEADS, HDIM)
    als = (xw * a_src).sum(-1)
    ald = (xw * a_dst).sum(-1)
    e = jax.nn.leaky_relu(als[src] + ald[dst], 0.2)
    emax = jax.ops.segment_max(e, dst, num_segments=N_TOT)
    emax = jnp.where(jnp.isfinite(emax), emax, 0.0)
    ex = jnp.exp(e - emax[dst])
    den = jax.ops.segment_sum(ex, dst, num_segments=N_TOT)
    alpha = ex / (den[dst] + 1e-16)
    msg = xw[src] * alpha[..., None]
    out = jax.ops.segment_sum(msg, dst, num_segments=N_TOT)
    return out.reshape(N_TOT, HEADS * HDIM) + bias


def setup_inputs(seed: int = 0):
    key = jax.random.key(seed)
    ks = jax.random.split(key, 28)
    s = 0.05
    inp = {}
    inp['agent_hist'] = jax.random.normal(ks[0], (A_TOT, T_H, AG_IN), jnp.float32)
    inp['lane_nodes'] = jax.random.normal(ks[1], (L_TOT, P_LEN, LN_IN), jnp.float32)
    inp['edge_index_aa'] = jax.random.randint(ks[2], (2, E_AA), 0, A_TOT, jnp.int32)
    inp['edge_index_al'] = jax.random.randint(ks[3], (2, E_AL), 0, A_TOT, jnp.int32)
    inp['W_ih_a'] = jax.random.normal(ks[4], (4 * HID, AG_IN), jnp.float32) * s
    inp['W_hh_a'] = jax.random.normal(ks[5], (4 * HID, HID), jnp.float32) * s
    inp['b_ih_a'] = jnp.zeros((4 * HID,), jnp.float32)
    inp['b_hh_a'] = jnp.zeros((4 * HID,), jnp.float32)
    inp['W_ih_l'] = jax.random.normal(ks[6], (4 * HID, LN_IN), jnp.float32) * s
    inp['W_hh_l'] = jax.random.normal(ks[7], (4 * HID, HID), jnp.float32) * s
    inp['b_ih_l'] = jnp.zeros((4 * HID,), jnp.float32)
    inp['b_hh_l'] = jnp.zeros((4 * HID,), jnp.float32)
    inp['W1'] = jax.random.normal(ks[8], (HEADS * HDIM, HID), jnp.float32) * s
    inp['as1'] = jax.random.normal(ks[9], (HEADS, HDIM), jnp.float32) * s
    inp['ad1'] = jax.random.normal(ks[10], (HEADS, HDIM), jnp.float32) * s
    inp['b1'] = jnp.zeros((HEADS * HDIM,), jnp.float32)
    inp['bn_g'] = jnp.ones((HID,), jnp.float32)
    inp['bn_b'] = jnp.zeros((HID,), jnp.float32)
    inp['bn_m'] = jnp.zeros((HID,), jnp.float32)
    inp['bn_v'] = jnp.ones((HID,), jnp.float32)
    inp['W2'] = jax.random.normal(ks[11], (HEADS * HDIM, HID), jnp.float32) * s
    inp['as2'] = jax.random.normal(ks[12], (HEADS, HDIM), jnp.float32) * s
    inp['ad2'] = jax.random.normal(ks[13], (HEADS, HDIM), jnp.float32) * s
    inp['b2'] = jnp.zeros((HEADS * HDIM,), jnp.float32)
    return inp


def reference(agent_hist, lane_nodes, edge_index_aa, edge_index_al,
              W_ih_a, W_hh_a, b_ih_a, b_hh_a,
              W_ih_l, W_hh_l, b_ih_l, b_hh_l,
              W1, as1, ad1, b1, bn_g, bn_b, bn_m, bn_v,
              W2, as2, ad2, b2):
    agent_emb = lstm_seq(agent_hist, W_ih_a, W_hh_a, b_ih_a, b_hh_a)[:, -1]
    lane_emb = lstm_seq(lane_nodes, W_ih_l, W_hh_l, b_ih_l, b_hh_l).mean(1)
    x = jnp.concatenate([agent_emb, lane_emb], axis=0)
    ag = edge_index_al[0]
    ln = edge_index_al[1] + A_TOT
    src = jnp.concatenate([edge_index_aa[0], ag, ln])
    dst = jnp.concatenate([edge_index_aa[1], ln, ag])
    h = gat_conv(x, src, dst, W1, as1, ad1, b1)
    h = (h - bn_m) / jnp.sqrt(bn_v + 1e-5) * bn_g + bn_b
    h = jax.nn.elu(h)
    h = h + x
    out = gat_conv(h, src, dst, W2, as2, ad2, b2)
    out = out + h
    agent_map = out[:A_TOT]
    lane_out = out[A_TOT:]
    return agent_emb, agent_map, lane_emb, lane_out

if __name__ == "__main__":
    import jax
    _d = setup_inputs()
    print(jax.jit(kernel)(*tuple(_d.values())))

</pallas_src>

<mosaic_0001>
#map = affine_map<(d0, d1) -> (0)>
#map1 = affine_map<(d0, d1) -> (0, 0)>
module attributes {stable_mosaic.version = 14 : i64} {
  func.func @_p2(%arg0: i32, %arg1: i32, %arg2: memref<800000xi32, #tpu.memory_space<hbm>>, %arg3: memref<800000xi32, #tpu.memory_space<hbm>>, %arg4: memref<800000x4xf32, #tpu.memory_space<hbm>>, %arg5: memref<102400x32xf32, #tpu.memory_space<hbm>>, %arg6: memref<102400x16xf32, #tpu.memory_space<hbm>>, %arg7: memref<51200x128xf32, #tpu.memory_space<hbm>>, %arg8: memref<400xi32, #tpu.memory_space<vmem>>, %arg9: memref<400xi32, #tpu.memory_space<vmem>>, %arg10: memref<400x4xf32, #tpu.memory_space<vmem>>, %arg11: memref<400x32xf32, #tpu.memory_space<vmem>>, %arg12: memref<200x16xf32, #tpu.memory_space<vmem>>, %arg13: memref<200x16xf32, #tpu.memory_space<vmem>>, %arg14: memref<51200x32xf32, #tpu.memory_space<vmem_shared>>, %arg15: memref<!tpu.dma_semaphore, #tpu.memory_space<semaphore_mem>>) attributes {dimension_semantics = [#tpu.dimension_semantics<core_parallel>, #tpu.dimension_semantics<subcore_parallel>], iteration_bounds = array<i64: 2, 16>, scalar_prefetch = 0 : i64, scratch_operands = 8 : i64, tpu.core_type = #tpu.core_type<sc_vector_subcore>, window_params = [{transform_indices = #map}, {transform_indices = #map}, {transform_indices = #map1}, {transform_indices = #map1}, {transform_indices = #map1}, {transform_indices = #map1}]} {
    %broadcast_in_dim3A = arith.constant 0.000000e+00 : f32
    %broadcast_in_dim3A_0 = vector.broadcast %broadcast_in_dim3A : f32 to vector<16xf32>
    %scan3A = arith.constant 0 : i32
    %scan3A_1 = arith.constant 400 : i32
    %scan3A_2 = arith.addi %scan3A, %scan3A_1 : i32
    %scan3A_3 = arith.constant 1 : i32
    scf.for %scan3A_56 = %scan3A to %scan3A_2 step %scan3A_3  : i32 {
      %swap3A = arith.index_cast %scan3A_56 : i32 to index
      %swap3A_57 = arith.constant 0 : index
      %swap3A_58 = tpu.vector_load %arg11[%swap3A, %swap3A_57] {strides = array<i32>} : memref<400x32xf32, #tpu.memory_space<vmem>>, vector<16xf32>,
      tpu.vector_store %arg11[%swap3A, %swap3A_57], %broadcast_in_dim3A_0 {strides = array<i32>} : memref<400x32xf32, #tpu.memory_space<vmem>>, vector<16xf32>,
      %swap3A_59 = arith.index_cast %scan3A_56 : i32 to index
      %swap3A_60 = arith.constant 16 : index
      %swap3A_61 = tpu.vector_load %arg11[%swap3A_59, %swap3A_60] {strides = array<i32>} : memref<400x32xf32, #tpu.memory_space<vmem>>, vector<16xf32>,
      tpu.vector_store %arg11[%swap3A_59, %swap3A_60], %broadcast_in_dim3A_0 {strides = array<i32>} : memref<400x32xf32, #tpu.memory_space<vmem>>, vector<16xf32>,
    }
    %scan3A_4 = arith.constant 400 : i32
    %mul3A = arith.constant 3200 : i32
    %mul3A_5 = arith.muli %arg1, %mul3A : i32
    %add3A = arith.constant 0 : i32
    %add3A_6 = arith.addi %mul3A_5, %add3A : i32
    "tpu.region"() ({
      %run_scoped3A = tpu.sem_alloc : memref<!tpu.dma_semaphore, #tpu.memory_space<semaphore_mem>>
      %dma_start3A = arith.constant 0 : i32
      %dma_start3A_56 = tpu.memref_slice %arg14[%add3A_6, %dma_start3A] : memref<51200x32xf32, #tpu.memory_space<vmem_shared>> -> memref<400x32xf32, #tpu.memory_space<vmem_shared>>
      %dma_start3A_57 = arith.constant 0 : i32
      %dma_start3A_58 = tpu.memref_slice %arg14[%add3A_6, %dma_start3A_57] : memref<51200x32xf32, #tpu.memory_space<vmem_shared>> -> memref<400x32xf32, #tpu.memory_space<vmem_shared>>
      tpu.enqueue_dma source(%arg11 : memref<400x32xf32, #tpu.memory_space<vmem>>) target(%dma_start3A_58 : memref<400x32xf32, #tpu.memory_space<vmem_shared>>) target_semaphore(%run_scoped3A : memref<!tpu.dma_semaphore, #tpu.memory_space<semaphore_mem>>)
      %dma_wait3A = arith.constant 0 : i32
      %dma_wait3A_59 = tpu.memref_slice %arg14[%add3A_6, %dma_wait3A] : memref<51200x32xf32, #tpu.memory_space<vmem_shared>> -> memref<400x32xf32, #tpu.memory_space<vmem_shared>>
      %dma_wait3A_60 = arith.constant 0 : i32
      %dma_wait3A_61 = tpu.memref_slice %arg14[%add3A_6, %dma_wait3A_60] : memref<51200x32xf32, #tpu.memory_space<vmem_shared>> -> memref<400x32xf32, #tpu.memory_space<vmem_shared>>
      tpu.wait_dma2 semaphore(%run_scoped3A : memref<!tpu.dma_semaphore, #tpu.memory_space<semaphore_mem>>) src(%arg11 : memref<400x32xf32, #tpu.memory_space<vmem>>) dst(%dma_wait3A_61 : memref<400x32xf32, #tpu.memory_space<vmem_shared>>)
      tpu.yield
    }) : () -> ()
    %mul3A_7 = arith.constant 3200 : i32
    %mul3A_8 = arith.muli %arg1, %mul3A_7 : i32
    %add3A_9 = arith.constant 400 : i32
    %add3A_10 = arith.addi %mul3A_8, %add3A_9 : i32
    "tpu.region"() ({
      %run_scoped3A = tpu.sem_alloc : memref<!tpu.dma_semaphore, #tpu.memory_space<semaphore_mem>>
      %dma_start3A = arith.constant 0 : i32
      %dma_start3A_56 = tpu.memref_slice %arg14[%add3A_10, %dma_start3A] : memref<51200x32xf32, #tpu.memory_space<vmem_shared>> -> memref<400x32xf32, #tpu.memory_space<vmem_shared>>
      %dma_start3A_57 = arith.constant 0 : i32
      %dma_start3A_58 = tpu.memref_slice %arg14[%add3A_10, %dma_start3A_57] : memref<51200x32xf32, #tpu.memory_space<vmem_shared>> -> memref<400x32xf32, #tpu.memory_space<vmem_shared>>
      tpu.enqueue_dma source(%arg11 : memref<400x32xf32, #tpu.memory_space<vmem>>) target(%dma_start3A_58 : memref<400x32xf32, #tpu.memory_space<vmem_shared>>) target_semaphore(%run_scoped3A : memref<!tpu.dma_semaphore, #tpu.memory_space<semaphore_mem>>)
      %dma_wait3A = arith.constant 0 : i32
      %dma_wait3A_59 = tpu.memref_slice %arg14[%add3A_10, %dma_wait3A] : memref<51200x32xf32, #tpu.memory_space<vmem_shared>> -> memref<400x32xf32, #tpu.memory_space<vmem_shared>>
      %dma_wait3A_60 = arith.constant 0 : i32
      %dma_wait3A_61 = tpu.memref_slice %arg14[%add3A_10, %dma_wait3A_60] : memref<51200x32xf32, #tpu.memory_space<vmem_shared>> -> memref<400x32xf32, #tpu.memory_space<vmem_shared>>
      tpu.wait_dma2 semaphore(%run_scoped3A : memref<!tpu.dma_semaphore, #tpu.memory_space<semaphore_mem>>) src(%arg11 : memref<400x32xf32, #tpu.memory_space<vmem>>) dst(%dma_wait3A_61 : memref<400x32xf32, #tpu.memory_space<vmem_shared>>)
      tpu.yield
    }) : () -> ()
    %mul3A_11 = arith.constant 3200 : i32
    %mul3A_12 = arith.muli %arg1, %mul3A_11 : i32
    %add3A_13 = arith.constant 800 : i32
    %add3A_14 = arith.addi %mul3A_12, %add3A_13 : i32
    "tpu.region"() ({
      %run_scoped3A = tpu.sem_alloc : memref<!tpu.dma_semaphore, #tpu.memory_space<semaphore_mem>>
      %dma_start3A = arith.constant 0 : i32
      %dma_start3A_56 = tpu.memref_slice %arg14[%add3A_14, %dma_start3A] : memref<51200x32xf32, #tpu.memory_space<vmem_shared>> -> memref<400x32xf32, #tpu.memory_space<vmem_shared>>
      %dma_start3A_57 = arith.constant 0 : i32
      %dma_start3A_58 = tpu.memref_slice %arg14[%add3A_14, %dma_start3A_57] : memref<51200x32xf32, #tpu.memory_space<vmem_shared>> -> memref<400x32xf32, #tpu.memory_space<vmem_shared>>
      tpu.enqueue_dma source(%arg11 : memref<400x32xf32, #tpu.memory_space<vmem>>) target(%dma_start3A_58 : memref<400x32xf32, #tpu.memory_space<vmem_shared>>) target_semaphore(%run_scoped3A : memref<!tpu.dma_semaphore, #tpu.memory_space<semaphore_mem>>)
      %dma_wait3A = arith.constant 0 : i32
      %dma_wait3A_59 = tpu.memref_slice %arg14[%add3A_14, %dma_wait3A] : memref<51200x32xf32, #tpu.memory_space<vmem_shared>> -> memref<400x32xf32, #tpu.memory_space<vmem_shared>>
      %dma_wait3A_60 = arith.constant 0 : i32
      %dma_wait3A_61 = tpu.memref_slice %arg14[%add3A_14, %dma_wait3A_60] : memref<51200x32xf32, #tpu.memory_space<vmem_shared>> -> memref<400x32xf32, #tpu.memory_space<vmem_shared>>
      tpu.wait_dma2 semaphore(%run_scoped3A : memref<!tpu.dma_semaphore, #tpu.memory_space<semaphore_mem>>) src(%arg11 : memref<400x32xf32, #tpu.memory_space<vmem>>) dst(%dma_wait3A_61 : memref<400x32xf32, #tpu.memory_space<vmem_shared>>)
      tpu.yield
    }) : () -> ()
    %mul3A_15 = arith.constant 3200 : i32
    %mul3A_16 = arith.muli %arg1, %mul3A_15 : i32
    %add3A_17 = arith.constant 1200 : i32
    %add3A_18 = arith.addi %mul3A_16, %add3A_17 : i32
    "tpu.region"() ({
      %run_scoped3A = tpu.sem_alloc : memref<!tpu.dma_semaphore, #tpu.memory_space<semaphore_mem>>
      %dma_start3A = arith.constant 0 : i32
      %dma_start3A_56 = tpu.memref_slice %arg14[%add3A_18, %dma_start3A] : memref<51200x32xf32, #tpu.memory_space<vmem_shared>> -> memref<400x32xf32, #tpu.memory_space<vmem_shared>>
      %dma_start3A_57 = arith.constant 0 : i32
      %dma_start3A_58 = tpu.memref_slice %arg14[%add3A_18, %dma_start3A_57] : memref<51200x32xf32, #tpu.memory_space<vmem_shared>> -> memref<400x32xf32, #tpu.memory_space<vmem_shared>>
      tpu.enqueue_dma source(%arg11 : memref<400x32xf32, #tpu.memory_space<vmem>>) target(%dma_start3A_58 : memref<400x32xf32, #tpu.memory_space<vmem_shared>>) target_semaphore(%run_scoped3A : memref<!tpu.dma_semaphore, #tpu.memory_space<semaphore_mem>>)
      %dma_wait3A = arith.constant 0 : i32
      %dma_wait3A_59 = tpu.memref_slice %arg14[%add3A_18, %dma_wait3A] : memref<51200x32xf32, #tpu.memory_space<vmem_shared>> -> memref<400x32xf32, #tpu.memory_space<vmem_shared>>
      %dma_wait3A_60 = arith.constant 0 : i32
      %dma_wait3A_61 = tpu.memref_slice %arg14[%add3A_18, %dma_wait3A_60] : memref<51200x32xf32, #tpu.memory_space<vmem_shared>> -> memref<400x32xf32, #tpu.memory_space<vmem_shared>>
      tpu.wait_dma2 semaphore(%run_scoped3A : memref<!tpu.dma_semaphore, #tpu.memory_space<semaphore_mem>>) src(%arg11 : memref<400x32xf32, #tpu.memory_space<vmem>>) dst(%dma_wait3A_61 : memref<400x32xf32, #tpu.memory_space<vmem_shared>>)
      tpu.yield
    }) : () -> ()
    %mul3A_19 = arith.constant 3200 : i32
    %mul3A_20 = arith.muli %arg1, %mul3A_19 : i32
    %add3A_21 = arith.constant 1600 : i32
    %add3A_22 = arith.addi %mul3A_20, %add3A_21 : i32
    "tpu.region"() ({
      %run_scoped3A = tpu.sem_alloc : memref<!tpu.dma_semaphore, #tpu.memory_space<semaphore_mem>>
      %dma_start3A = arith.constant 0 : i32
      %dma_start3A_56 = tpu.memref_slice %arg14[%add3A_22, %dma_start3A] : memref<51200x32xf32, #tpu.memory_space<vmem_shared>> -> memref<400x32xf32, #tpu.memory_space<vmem_shared>>
      %dma_start3A_57 = arith.constant 0 : i32
      %dma_start3A_58 = tpu.memref_slice %arg14[%add3A_22, %dma_start3A_57] : memref<51200x32xf32, #tpu.memory_space<vmem_shared>> -> memref<400x32xf32, #tpu.memory_space<vmem_shared>>
      tpu.enqueue_dma source(%arg11 : memref<400x32xf32, #tpu.memory_space<vmem>>) target(%dma_start3A_58 : memref<400x32xf32, #tpu.memory_space<vmem_shared>>) target_semaphore(%run_scoped3A : memref<!tpu.dma_semaphore, #tpu.memory_space<semaphore_mem>>)
      %dma_wait3A = arith.constant 0 : i32
      %dma_wait3A_59 = tpu.memref_slice %arg14[%add3A_22, %dma_wait3A] : memref<51200x32xf32, #tpu.memory_space<vmem_shared>> -> memref<400x32xf32, #tpu.memory_space<vmem_shared>>
      %dma_wait3A_60 = arith.constant 0 : i32
      %dma_wait3A_61 = tpu.memref_slice %arg14[%add3A_22, %dma_wait3A_60] : memref<51200x32xf32, #tpu.memory_space<vmem_shared>> -> memref<400x32xf32, #tpu.memory_space<vmem_shared>>
      tpu.wait_dma2 semaphore(%run_scoped3A : memref<!tpu.dma_semaphore, #tpu.memory_space<semaphore_mem>>) src(%arg11 : memref<400x32xf32, #tpu.memory_space<vmem>>) dst(%dma_wait3A_61 : memref<400x32xf32, #tpu.memory_space<vmem_shared>>)
      tpu.yield
    }) : () -> ()
    %mul3A_23 = arith.constant 3200 : i32
    %mul3A_24 = arith.muli %arg1, %mul3A_23 : i32
    %add3A_25 = arith.constant 2000 : i32
    %add3A_26 = arith.addi %mul3A_24, %add3A_25 : i32
    "tpu.region"() ({
      %run_scoped3A = tpu.sem_alloc : memref<!tpu.dma_semaphore, #tpu.memory_space<semaphore_mem>>
      %dma_start3A = arith.constant 0 : i32
      %dma_start3A_56 = tpu.memref_slice %arg14[%add3A_26, %dma_start3A] : memref<51200x32xf32, #tpu.memory_space<vmem_shared>> -> memref<400x32xf32, #tpu.memory_space<vmem_shared>>
      %dma_start3A_57 = arith.constant 0 : i32
      %dma_start3A_58 = tpu.memref_slice %arg14[%add3A_26, %dma_start3A_57] : memref<51200x32xf32, #tpu.memory_space<vmem_shared>> -> memref<400x32xf32, #tpu.memory_space<vmem_shared>>
      tpu.enqueue_dma source(%arg11 : memref<400x32xf32, #tpu.memory_space<vmem>>) target(%dma_start3A_58 : memref<400x32xf32, #tpu.memory_space<vmem_shared>>) target_semaphore(%run_scoped3A : memref<!tpu.dma_semaphore, #tpu.memory_space<semaphore_mem>>)
      %dma_wait3A = arith.constant 0 : i32
      %dma_wait3A_59 = tpu.memref_slice %arg14[%add3A_26, %dma_wait3A] : memref<51200x32xf32, #tpu.memory_space<vmem_shared>> -> memref<400x32xf32, #tpu.memory_space<vmem_shared>>
      %dma_wait3A_60 = arith.constant 0 : i32
      %dma_wait3A_61 = tpu.memref_slice %arg14[%add3A_26, %dma_wait3A_60] : memref<51200x32xf32, #tpu.memory_space<vmem_shared>> -> memref<400x32xf32, #tpu.memory_space<vmem_shared>>
      tpu.wait_dma2 semaphore(%run_scoped3A : memref<!tpu.dma_semaphore, #tpu.memory_space<semaphore_mem>>) src(%arg11 : memref<400x32xf32, #tpu.memory_space<vmem>>) dst(%dma_wait3A_61 : memref<400x32xf32, #tpu.memory_space<vmem_shared>>)
      tpu.yield
    }) : () -> ()
    %mul3A_27 = arith.constant 3200 : i32
    %mul3A_28 = arith.muli %arg1, %mul3A_27 : i32
    %add3A_29 = arith.constant 2400 : i32
    %add3A_30 = arith.addi %mul3A_28, %add3A_29 : i32
    "tpu.region"() ({
      %run_scoped3A = tpu.sem_alloc : memref<!tpu.dma_semaphore, #tpu.memory_space<semaphore_mem>>
      %dma_start3A = arith.constant 0 : i32
      %dma_start3A_56 = tpu.memref_slice %arg14[%add3A_30, %dma_start3A] : memref<51200x32xf32, #tpu.memory_space<vmem_shared>> -> memref<400x32xf32, #tpu.memory_space<vmem_shared>>
      %dma_start3A_57 = arith.constant 0 : i32
      %dma_start3A_58 = tpu.memref_slice %arg14[%add3A_30, %dma_start3A_57] : memref<51200x32xf32, #tpu.memory_space<vmem_shared>> -> memref<400x32xf32, #tpu.memory_space<vmem_shared>>
      tpu.enqueue_dma source(%arg11 : memref<400x32xf32, #tpu.memory_space<vmem>>) target(%dma_start3A_58 : memref<400x32xf32, #tpu.memory_space<vmem_shared>>) target_semaphore(%run_scoped3A : memref<!tpu.dma_semaphore, #tpu.memory_space<semaphore_mem>>)
      %dma_wait3A = arith.constant 0 : i32
      %dma_wait3A_59 = tpu.memref_slice %arg14[%add3A_30, %dma_wait3A] : memref<51200x32xf32, #tpu.memory_space<vmem_shared>> -> memref<400x32xf32, #tpu.memory_space<vmem_shared>>
      %dma_wait3A_60 = arith.constant 0 : i32
      %dma_wait3A_61 = tpu.memref_slice %arg14[%add3A_30, %dma_wait3A_60] : memref<51200x32xf32, #tpu.memory_space<vmem_shared>> -> memref<400x32xf32, #tpu.memory_space<vmem_shared>>
      tpu.wait_dma2 semaphore(%run_scoped3A : memref<!tpu.dma_semaphore, #tpu.memory_space<semaphore_mem>>) src(%arg11 : memref<400x32xf32, #tpu.memory_space<vmem>>) dst(%dma_wait3A_61 : memref<400x32xf32, #tpu.memory_space<vmem_shared>>)
      tpu.yield
    }) : () -> ()
    %mul3A_31 = arith.constant 3200 : i32
    %mul3A_32 = arith.muli %arg1, %mul3A_31 : i32
    %add3A_33 = arith.constant 2800 : i32
    %add3A_34 = arith.addi %mul3A_32, %add3A_33 : i32
    "tpu.region"() ({
      %run_scoped3A = tpu.sem_alloc : memref<!tpu.dma_semaphore, #tpu.memory_space<semaphore_mem>>
      %dma_start3A = arith.constant 0 : i32
      %dma_start3A_56 = tpu.memref_slice %arg14[%add3A_34, %dma_start3A] : memref<51200x32xf32, #tpu.memory_space<vmem_shared>> -> memref<400x32xf32, #tpu.memory_space<vmem_shared>>
      %dma_start3A_57 = arith.constant 0 : i32
      %dma_start3A_58 = tpu.memref_slice %arg14[%add3A_34, %dma_start3A_57] : memref<51200x32xf32, #tpu.memory_space<vmem_shared>> -> memref<400x32xf32, #tpu.memory_space<vmem_shared>>
      tpu.enqueue_dma source(%arg11 : memref<400x32xf32, #tpu.memory_space<vmem>>) target(%dma_start3A_58 : memref<400x32xf32, #tpu.memory_space<vmem_shared>>) target_semaphore(%run_scoped3A : memref<!tpu.dma_semaphore, #tpu.memory_space<semaphore_mem>>)
      %dma_wait3A = arith.constant 0 : i32
      %dma_wait3A_59 = tpu.memref_slice %arg14[%add3A_34, %dma_wait3A] : memref<51200x32xf32, #tpu.memory_space<vmem_shared>> -> memref<400x32xf32, #tpu.memory_space<vmem_shared>>
      %dma_wait3A_60 = arith.constant 0 : i32
      %dma_wait3A_61 = tpu.memref_slice %arg14[%add3A_34, %dma_wait3A_60] : memref<51200x32xf32, #tpu.memory_space<vmem_shared>> -> memref<400x32xf32, #tpu.memory_space<vmem_shared>>
      tpu.wait_dma2 semaphore(%run_scoped3A : memref<!tpu.dma_semaphore, #tpu.memory_space<semaphore_mem>>) src(%arg11 : memref<400x32xf32, #tpu.memory_space<vmem>>) dst(%dma_wait3A_61 : memref<400x32xf32, #tpu.memory_space<vmem_shared>>)
      tpu.yield
    }) : () -> ()
    %barrier3A = arith.constant 0 : index
    tpu.barrier barrier_id(%barrier3A)
    %mul3A_35 = arith.constant 51200 : i32
    %mul3A_36 = arith.muli %arg0, %mul3A_35 : i32
    %mul3A_37 = arith.constant 2 : i32
    %mul3A_38 = arith.muli %mul3A_37, %arg0 : i32
    %broadcast_in_dim3A_39 = vector.broadcast %mul3A_38 : i32 to vector<16xi32>
    %add3A_40 = arith.constant 1 : i32
    %add3A_41 = vector.broadcast %add3A_40 : i32 to vector<16xi32>
    %add3A_42 = arith.addi %broadcast_in_dim3A_39, %add3A_41 : vector<16xi32>
    %mul3A_43 = arith.constant 50000 : i32
    %mul3A_44 = arith.muli %arg1, %mul3A_43 : i32
    %scan3A_45 = arith.constant 0 : i32
    %scan3A_46 = arith.constant 125 : i32
    %scan3A_47 = arith.addi %scan3A_45, %scan3A_46 : i32
    %scan3A_48 = arith.constant 1 : i32
    scf.for %scan3A_56 = %scan3A_45 to %scan3A_47 step %scan3A_48  : i32 {
      %mul3A_57 = arith.constant 400 : i32
      %mul3A_58 = arith.muli %scan3A_56, %mul3A_57 : i32
      %add3A_59 = arith.addi %mul3A_44, %mul3A_58 : i32
      "tpu.region"() ({
        %run_scoped3A = tpu.sem_alloc : memref<!tpu.dma_semaphore, #tpu.memory_space<semaphore_mem>>
        %dma_start3A_71 = tpu.memref_slice %arg2[%add3A_59] : memref<800000xi32, #tpu.memory_space<hbm>> -> memref<400xi32, #tpu.memory_space<hbm>>
        %dma_start3A_72 = tpu.memref_slice %arg2[%add3A_59] : memref<800000xi32, #tpu.memory_space<hbm>> -> memref<400xi32, #tpu.memory_space<hbm>>
        tpu.enqueue_dma source(%dma_start3A_72 : memref<400xi32, #tpu.memory_space<hbm>>) target(%arg8 : memref<400xi32, #tpu.memory_space<vmem>>) target_semaphore(%run_scoped3A : memref<!tpu.dma_semaphore, #tpu.memory_space<semaphore_mem>>)
        %dma_wait3A_73 = tpu.memref_slice %arg2[%add3A_59] : memref<800000xi32, #tpu.memory_space<hbm>> -> memref<400xi32, #tpu.memory_space<hbm>>
        %dma_wait3A_74 = tpu.memref_slice %arg2[%add3A_59] : memref<800000xi32, #tpu.memory_space<hbm>> -> memref<400xi32, #tpu.memory_space<hbm>>
        tpu.wait_dma2 semaphore(%run_scoped3A : memref<!tpu.dma_semaphore, #tpu.memory_space<semaphore_mem>>) src(%dma_wait3A_74 : memref<400xi32, #tpu.memory_space<hbm>>) dst(%arg8 : memref<400xi32, #tpu.memory_space<vmem>>)
        tpu.yield
      }) : () -> ()
      "tpu.region"() ({
        %run_scoped3A = tpu.sem_alloc : memref<!tpu.dma_semaphore, #tpu.memory_space<semaphore_mem>>
        %dma_start3A_71 = tpu.memref_slice %arg3[%add3A_59] : memref<800000xi32, #tpu.memory_space<hbm>> -> memref<400xi32, #tpu.memory_space<hbm>>
        %dma_start3A_72 = tpu.memref_slice %arg3[%add3A_59] : memref<800000xi32, #tpu.memory_space<hbm>> -> memref<400xi32, #tpu.memory_space<hbm>>
        tpu.enqueue_dma source(%dma_start3A_72 : memref<400xi32, #tpu.memory_space<hbm>>) target(%arg9 : memref<400xi32, #tpu.memory_space<vmem>>) target_semaphore(%run_scoped3A : memref<!tpu.dma_semaphore, #tpu.memory_space<semaphore_mem>>)
        %dma_wait3A_73 = tpu.memref_slice %arg3[%add3A_59] : memref<800000xi32, #tpu.memory_space<hbm>> -> memref<400xi32, #tpu.memory_space<hbm>>
        %dma_wait3A_74 = tpu.memref_slice %arg3[%add3A_59] : memref<800000xi32, #tpu.memory_space<hbm>> -> memref<400xi32, #tpu.memory_space<hbm>>
        tpu.wait_dma2 semaphore(%run_scoped3A : memref<!tpu.dma_semaphore, #tpu.memory_space<semaphore_mem>>) src(%dma_wait3A_74 : memref<400xi32, #tpu.memory_space<hbm>>) dst(%arg9 : memref<400xi32, #tpu.memory_space<vmem>>)
        tpu.yield
      }) : () -> ()
      "tpu.region"() ({
        %run_scoped3A = tpu.sem_alloc : memref<!tpu.dma_semaphore, #tpu.memory_space<semaphore_mem>>
        %dma_start3A_71 = arith.constant 0 : i32
        %dma_start3A_72 = tpu.memref_slice %arg4[%add3A_59, %dma_start3A_71] : memref<800000x4xf32, #tpu.memory_space<hbm>> -> memref<400x4xf32, #tpu.memory_space<hbm>>
        %dma_start3A_73 = arith.constant 0 : i32
        %dma_start3A_74 = tpu.memref_slice %arg4[%add3A_59, %dma_start3A_73] : memref<800000x4xf32, #tpu.memory_space<hbm>> -> memref<400x4xf32, #tpu.memory_space<hbm>>
        tpu.enqueue_dma source(%dma_start3A_74 : memref<400x4xf32, #tpu.memory_space<hbm>>) target(%arg10 : memref<400x4xf32, #tpu.memory_space<vmem>>) target_semaphore(%run_scoped3A : memref<!tpu.dma_semaphore, #tpu.memory_space<semaphore_mem>>)
        %dma_wait3A_75 = arith.constant 0 : i32
        %dma_wait3A_76 = tpu.memref_slice %arg4[%add3A_59, %dma_wait3A_75] : memref<800000x4xf32, #tpu.memory_space<hbm>> -> memref<400x4xf32, #tpu.memory_space<hbm>>
        %dma_wait3A_77 = arith.constant 0 : i32
        %dma_wait3A_78 = tpu.memref_slice %arg4[%add3A_59, %dma_wait3A_77] : memref<800000x4xf32, #tpu.memory_space<hbm>> -> memref<400x4xf32, #tpu.memory_space<hbm>>
        tpu.wait_dma2 semaphore(%run_scoped3A : memref<!tpu.dma_semaphore, #tpu.memory_space<semaphore_mem>>) src(%dma_wait3A_78 : memref<400x4xf32, #tpu.memory_space<hbm>>) dst(%arg10 : memref<400x4xf32, #tpu.memory_space<vmem>>)
        tpu.yield
      }) : () -> ()
      %scan3A_60 = arith.constant 0 : i32
      %scan3A_61 = arith.constant 25 : i32
      %scan3A_62 = arith.addi %scan3A_60, %scan3A_61 : i32
      %scan3A_63 = arith.constant 1 : i32
      scf.for %scan3A_71 = %scan3A_60 to %scan3A_62 step %scan3A_63  : i32 {
        %mul3A_72 = arith.constant 16 : i32
        %mul3A_73 = arith.muli %scan3A_71, %mul3A_72 : i32
        %get3A = arith.index_cast %mul3A_73 : i32 to index
        %get3A_74 = tpu.vector_load %arg8[%get3A] {strides = array<i32>} : memref<400xi32, #tpu.memory_space<vmem>>, vector<16xi32>,
        %add3A_75 = vector.broadcast %mul3A_36 : i32 to vector<16xi32>
        %add3A_76 = arith.addi %get3A_74, %add3A_75 : vector<16xi32>
        %swap3A = arith.index_cast %mul3A_73 : i32 to index
        %swap3A_77 = tpu.vector_load %arg8[%swap3A] {strides = array<i32>} : memref<400xi32, #tpu.memory_space<vmem>>, vector<16xi32>,
        tpu.vector_store %arg8[%swap3A], %add3A_76 {strides = array<i32>} : memref<400xi32, #tpu.memory_space<vmem>>, vector<16xi32>,
      }
      %scan3A_64 = arith.constant 25 : i32
      %dma_start3A = arith.constant 0 : i32
      %dma_start3A_65 = arith.constant 0 : i32
      %dma_start3A_66 = tpu.memref_slice %arg5[%dma_start3A, %dma_start3A_65] : memref<102400x32xf32, #tpu.memory_space<hbm>> -> memref<102400x32xf32, #tpu.memory_space<hbm>>
      tpu.enqueue_indirect_dma source(%dma_start3A_66 : memref<102400x32xf32, #tpu.memory_space<hbm>>) target(%arg11 : memref<400x32xf32, #tpu.memory_space<vmem>>) offsets(%arg8 : memref<400xi32, #tpu.memory_space<vmem>>) semaphore(%arg15 : memref<!tpu.dma_semaphore, #tpu.memory_space<semaphore_mem>>)
      %dma_wait3A = arith.constant 0 : i32
      %dma_wait3A_67 = arith.constant 0 : i32
      %dma_wait3A_68 = tpu.memref_slice %arg5[%dma_wait3A, %dma_wait3A_67] : memref<102400x32xf32, #tpu.memory_space<hbm>> -> memref<102400x32xf32, #tpu.memory_space<hbm>>
      tpu.wait_indirect_dma semaphore(%arg15 : memref<!tpu.dma_semaphore, #tpu.memory_space<semaphore_mem>>) src(%dma_wait3A_68 : memref<102400x32xf32, #tpu.memory_space<hbm>>) dst(%arg11 : memref<400x32xf32, #tpu.memory_space<vmem>>)
      %parallel_loop3A = arith.constant 0 : i32
      %parallel_loop3A_69 = arith.constant 400 : i32
      %parallel_loop3A_70 = arith.constant 1 : i32
      scf.for %parallel_loop3A_71 = %parallel_loop3A to %parallel_loop3A_69 step %parallel_loop3A_70  : i32 {
        %parallel_loop3A_72 = vector.broadcast %parallel_loop3A_71 : i32 to vector<16xi32>
        %parallel_loop3A_73 = tpu.vector_load_idx %arg10[%parallel_loop3A_72, %broadcast_in_dim3A_39] : memref<400x4xf32, #tpu.memory_space<vmem>>[vector<16xi32>, vector<16xi32>], vector<16xf32>,
        %parallel_loop3A_74 = arith.index_cast %parallel_loop3A_71 : i32 to index
        %parallel_loop3A_75 = arith.constant 0 : index
        %parallel_loop3A_76 = tpu.vector_load %arg11[%parallel_loop3A_74, %parallel_loop3A_75] {strides = array<i32>} : memref<400x32xf32, #tpu.memory_space<vmem>>, vector<16xf32>,
        %parallel_loop3A_77 = arith.mulf %parallel_loop3A_76, %parallel_loop3A_73 : vector<16xf32>
        %parallel_loop3A_78 = arith.index_cast %parallel_loop3A_71 : i32 to index
        %parallel_loop3A_79 = arith.constant 0 : index
        %parallel_loop3A_80 = tpu.vector_load %arg11[%parallel_loop3A_78, %parallel_loop3A_79] {strides = array<i32>} : memref<400x32xf32, #tpu.memory_space<vmem>>, vector<16xf32>,
        tpu.vector_store %arg11[%parallel_loop3A_78, %parallel_loop3A_79], %parallel_loop3A_77 {strides = array<i32>} : memref<400x32xf32, #tpu.memory_space<vmem>>, vector<16xf32>,
        %parallel_loop3A_81 = tpu.vector_load_idx %arg10[%parallel_loop3A_72, %add3A_42] : memref<400x4xf32, #tpu.memory_space<vmem>>[vector<16xi32>, vector<16xi32>], vector<16xf32>,
        %parallel_loop3A_82 = arith.index_cast %parallel_loop3A_71 : i32 to index
        %parallel_loop3A_83 = arith.constant 16 : index
        %parallel_loop3A_84 = tpu.vector_load %arg11[%parallel_loop3A_82, %parallel_loop3A_83] {strides = array<i32>} : memref<400x32xf32, #tpu.memory_space<vmem>>, vector<16xf32>,
        %parallel_loop3A_85 = arith.mulf %parallel_loop3A_84, %parallel_loop3A_81 : vector<16xf32>
        %parallel_loop3A_86 = arith.index_cast %parallel_loop3A_71 : i32 to index
        %parallel_loop3A_87 = arith.constant 16 : index
        %parallel_loop3A_88 = tpu.vector_load %arg11[%parallel_loop3A_86, %parallel_loop3A_87] {strides = array<i32>} : memref<400x32xf32, #tpu.memory_space<vmem>>, vector<16xf32>,
        tpu.vector_store %arg11[%parallel_loop3A_86, %parallel_loop3A_87], %parallel_loop3A_85 {strides = array<i32>} : memref<400x32xf32, #tpu.memory_space<vmem>>, vector<16xf32>,
      } {sc.loop_unroll_factor = 8 : i64, sc.parallel_access}
      "tpu.region"() ({
        %run_scoped3A = tpu.sem_alloc : memref<!tpu.dma_semaphore, #tpu.memory_space<semaphore_mem>>
        %dma_start3A_71 = arith.constant 0 : i32
        %dma_start3A_72 = arith.constant 0 : i32
        %dma_start3A_73 = tpu.memref_slice %arg14[%dma_start3A_71, %dma_start3A_72] : memref<51200x32xf32, #tpu.memory_space<vmem_shared>> -> memref<51200x32xf32, #tpu.memory_space<vmem_shared>>
        tpu.enqueue_indirect_dma source(%arg11 : memref<400x32xf32, #tpu.memory_space<vmem>>) target(%dma_start3A_73 : memref<51200x32xf32, #tpu.memory_space<vmem_shared>>) offsets(%arg9 : memref<400xi32, #tpu.memory_space<vmem>>) semaphore(%run_scoped3A : memref<!tpu.dma_semaphore, #tpu.memory_space<semaphore_mem>>) {add = true}
        %dma_wait3A_74 = arith.constant 0 : i32
        %dma_wait3A_75 = arith.constant 0 : i32
        %dma_wait3A_76 = tpu.memref_slice %arg14[%dma_wait3A_74, %dma_wait3A_75] : memref<51200x32xf32, #tpu.memory_space<vmem_shared>> -> memref<51200x32xf32, #tpu.memory_space<vmem_shared>>
        tpu.wait_indirect_dma semaphore(%run_scoped3A : memref<!tpu.dma_semaphore, #tpu.memory_space<semaphore_mem>>) src(%arg11 : memref<400x32xf32, #tpu.memory_space<vmem>>) dst(%dma_wait3A_76 : memref<51200x32xf32, #tpu.memory_space<vmem_shared>>)
        tpu.yield
      }) : () -> ()
    }
    %scan3A_49 = arith.constant 125 : i32
    %barrier3A_50 = arith.constant 0 : index
    tpu.barrier barrier_id(%barrier3A_50)
    %scan3A_51 = arith.constant 0 : i32
    %scan3A_52 = arith.constant 16 : i32
    %scan3A_53 = arith.addi %scan3A_51, %scan3A_52 : i32
    %scan3A_54 = arith.constant 1 : i32
    scf.for %scan3A_56 = %scan3A_51 to %scan3A_53 step %scan3A_54  : i32 {
      %mul3A_57 = arith.constant 3200 : i32
      %mul3A_58 = arith.muli %arg1, %mul3A_57 : i32
      %mul3A_59 = arith.constant 200 : i32
      %mul3A_60 = arith.muli %scan3A_56, %mul3A_59 : i32
      %add3A_61 = arith.addi %mul3A_58, %mul3A_60 : i32
      "tpu.region"() ({
        %run_scoped3A = tpu.sem_alloc : memref<!tpu.dma_semaphore, #tpu.memory_space<semaphore_mem>>
        %dma_start3A = arith.constant 0 : i32
        %dma_start3A_73 = tpu.memref_slice %arg6[%add3A_61, %dma_start3A] : memref<102400x16xf32, #tpu.memory_space<hbm>> -> memref<200x16xf32, #tpu.memory_space<hbm>>
        %dma_start3A_74 = arith.constant 0 : i32
        %dma_start3A_75 = tpu.memref_slice %arg6[%add3A_61, %dma_start3A_74] : memref<102400x16xf32, #tpu.memory_space<hbm>> -> memref<200x16xf32, #tpu.memory_space<hbm>>
        tpu.enqueue_dma source(%dma_start3A_75 : memref<200x16xf32, #tpu.memory_space<hbm>>) target(%arg12 : memref<200x16xf32, #tpu.memory_space<vmem>>) target_semaphore(%run_scoped3A : memref<!tpu.dma_semaphore, #tpu.memory_space<semaphore_mem>>)
        %dma_wait3A = arith.constant 0 : i32
        %dma_wait3A_76 = tpu.memref_slice %arg6[%add3A_61, %dma_wait3A] : memref<102400x16xf32, #tpu.memory_space<hbm>> -> memref<200x16xf32, #tpu.memory_space<hbm>>
        %dma_wait3A_77 = arith.constant 0 : i32
        %dma_wait3A_78 = tpu.memref_slice %arg6[%add3A_61, %dma_wait3A_77] : memref<102400x16xf32, #tpu.memory_space<hbm>> -> memref<200x16xf32, #tpu.memory_space<hbm>>
        tpu.wait_dma2 semaphore(%run_scoped3A : memref<!tpu.dma_semaphore, #tpu.memory_space<semaphore_mem>>) src(%dma_wait3A_78 : memref<200x16xf32, #tpu.memory_space<hbm>>) dst(%arg12 : memref<200x16xf32, #tpu.memory_space<vmem>>)
        tpu.yield
      }) : () -> ()
      %add3A_62 = arith.constant 51200 : i32
      %add3A_63 = arith.addi %add3A_62, %add3A_61 : i32
      "tpu.region"() ({
        %run_scoped3A = tpu.sem_alloc : memref<!tpu.dma_semaphore, #tpu.memory_space<semaphore_mem>>
        %dma_start3A = arith.constant 0 : i32
        %dma_start3A_73 = tpu.memref_slice %arg6[%add3A_63, %dma_start3A] : memref<102400x16xf32, #tpu.memory_space<hbm>> -> memref<200x16xf32, #tpu.memory_space<hbm>>
        %dma_start3A_74 = arith.constant 0 : i32
        %dma_start3A_75 = tpu.memref_slice %arg6[%add3A_63, %dma_start3A_74] : memref<102400x16xf32, #tpu.memory_space<hbm>> -> memref<200x16xf32, #tpu.memory_space<hbm>>
        tpu.enqueue_dma source(%dma_start3A_75 : memref<200x16xf32, #tpu.memory_space<hbm>>) target(%arg13 : memref<200x16xf32, #tpu.memory_space<vmem>>) target_semaphore(%run_scoped3A : memref<!tpu.dma_semaphore, #tpu.memory_space<semaphore_mem>>)
        %dma_wait3A = arith.constant 0 : i32
        %dma_wait3A_76 = tpu.memref_slice %arg6[%add3A_63, %dma_wait3A] : memref<102400x16xf32, #tpu.memory_space<hbm>> -> memref<200x16xf32, #tpu.memory_space<hbm>>
        %dma_wait3A_77 = arith.constant 0 : i32
        %dma_wait3A_78 = tpu.memref_slice %arg6[%add3A_63, %dma_wait3A_77] : memref<102400x16xf32, #tpu.memory_space<hbm>> -> memref<200x16xf32, #tpu.memory_space<hbm>>
        tpu.wait_dma2 semaphore(%run_scoped3A : memref<!tpu.dma_semaphore, #tpu.memory_space<semaphore_mem>>) src(%dma_wait3A_78 : memref<200x16xf32, #tpu.memory_space<hbm>>) dst(%arg13 : memref<200x16xf32, #tpu.memory_space<vmem>>)
        tpu.yield
      }) : () -> ()
      "tpu.region"() ({
        %run_scoped3A = tpu.sem_alloc : memref<!tpu.dma_semaphore, #tpu.memory_space<semaphore_mem>>
        %dma_start3A = arith.constant 0 : i32
        %dma_start3A_73 = arith.constant 0 : i32
        %dma_start3A_74 = tpu.memref_slice %arg11[%dma_start3A, %dma_start3A_73] : memref<400x32xf32, #tpu.memory_space<vmem>> -> memref<200x32xf32, #tpu.memory_space<vmem>>
        %dma_start3A_75 = arith.constant 0 : i32
        %dma_start3A_76 = tpu.memref_slice %arg14[%add3A_61, %dma_start3A_75] : memref<51200x32xf32, #tpu.memory_space<vmem_shared>> -> memref<200x32xf32, #tpu.memory_space<vmem_shared>>
        %dma_start3A_77 = arith.constant 0 : i32
        %dma_start3A_78 = arith.constant 0 : i32
        %dma_start3A_79 = tpu.memref_slice %arg11[%dma_start3A_77, %dma_start3A_78] : memref<400x32xf32, #tpu.memory_space<vmem>> -> memref<200x32xf32, #tpu.memory_space<vmem>>
        %dma_start3A_80 = arith.constant 0 : i32
        %dma_start3A_81 = tpu.memref_slice %arg14[%add3A_61, %dma_start3A_80] : memref<51200x32xf32, #tpu.memory_space<vmem_shared>> -> memref<200x32xf32, #tpu.memory_space<vmem_shared>>
        tpu.enqueue_dma source(%dma_start3A_81 : memref<200x32xf32, #tpu.memory_space<vmem_shared>>) target(%dma_start3A_79 : memref<200x32xf32, #tpu.memory_space<vmem>>) target_semaphore(%run_scoped3A : memref<!tpu.dma_semaphore, #tpu.memory_space<semaphore_mem>>)
        %dma_wait3A = arith.constant 0 : i32
        %dma_wait3A_82 = arith.constant 0 : i32
        %dma_wait3A_83 = tpu.memref_slice %arg11[%dma_wait3A, %dma_wait3A_82] : memref<400x32xf32, #tpu.memory_space<vmem>> -> memref<200x32xf32, #tpu.memory_space<vmem>>
        %dma_wait3A_84 = arith.constant 0 : i32
        %dma_wait3A_85 = tpu.memref_slice %arg14[%add3A_61, %dma_wait3A_84] : memref<51200x32xf32, #tpu.memory_space<vmem_shared>> -> memref<200x32xf32, #tpu.memory_space<vmem_shared>>
        %dma_wait3A_86 = arith.constant 0 : i32
        %dma_wait3A_87 = arith.constant 0 : i32
        %dma_wait3A_88 = tpu.memref_slice %arg11[%dma_wait3A_86, %dma_wait3A_87] : memref<400x32xf32, #tpu.memory_space<vmem>> -> memref<200x32xf32, #tpu.memory_space<vmem>>
        %dma_wait3A_89 = arith.constant 0 : i32
        %dma_wait3A_90 = tpu.memref_slice %arg14[%add3A_61, %dma_wait3A_89] : memref<51200x32xf32, #tpu.memory_space<vmem_shared>> -> memref<200x32xf32, #tpu.memory_space<vmem_shared>>
        tpu.wait_dma2 semaphore(%run_scoped3A : memref<!tpu.dma_semaphore, #tpu.memory_space<semaphore_mem>>) src(%dma_wait3A_90 : memref<200x32xf32, #tpu.memory_space<vmem_shared>>) dst(%dma_wait3A_88 : memref<200x32xf32, #tpu.memory_space<vmem>>)
        tpu.yield
      }) : () -> ()
      %scan3A_64 = arith.constant 0 : i32
      %scan3A_65 = arith.constant 200 : i32
      %scan3A_66 = arith.addi %scan3A_64, %scan3A_65 : i32
      %scan3A_67 = arith.constant 1 : i32
      scf.for %scan3A_73 = %scan3A_64 to %scan3A_66 step %scan3A_67  : i32 {
        %get3A = arith.index_cast %scan3A_73 : i32 to index
        %get3A_74 = arith.constant 0 : index
        %get3A_75 = tpu.vector_load %arg12[%get3A, %get3A_74] {strides = array<i32>} : memref<200x16xf32, #tpu.memory_space<vmem>>, vector<16xf32>,
        %get3A_76 = arith.index_cast %scan3A_73 : i32 to index
        %get3A_77 = arith.constant 0 : index
        %get3A_78 = tpu.vector_load %arg13[%get3A_76, %get3A_77] {strides = array<i32>} : memref<200x16xf32, #tpu.memory_space<vmem>>, vector<16xf32>,
        %add3A_79 = arith.addf %get3A_75, %get3A_78 : vector<16xf32>
        %add3A_80 = arith.constant 1.000000e-16 : f32
        %add3A_81 = vector.broadcast %add3A_80 : f32 to vector<16xf32>
        %add3A_82 = arith.addf %add3A_79, %add3A_81 : vector<16xf32>
        %div3A = arith.constant 1.000000e+00 : f32
        %div3A_83 = vector.broadcast %div3A : f32 to vector<16xf32>
        %div3A_84 = arith.divf %div3A_83, %add3A_82 : vector<16xf32>
        %swap3A = arith.index_cast %scan3A_73 : i32 to index
        %swap3A_85 = arith.constant 0 : index
        %swap3A_86 = tpu.vector_load %arg12[%swap3A, %swap3A_85] {strides = array<i32>} : memref<200x16xf32, #tpu.memory_space<vmem>>, vector<16xf32>,
        tpu.vector_store %arg12[%swap3A, %swap3A_85], %div3A_84 {strides = array<i32>} : memref<200x16xf32, #tpu.memory_space<vmem>>, vector<16xf32>,
      }
      %scan3A_68 = arith.constant 200 : i32
      %parallel_loop3A = arith.constant 0 : i32
      %parallel_loop3A_69 = arith.constant 200 : i32
      %parallel_loop3A_70 = arith.constant 1 : i32
      scf.for %parallel_loop3A_73 = %parallel_loop3A to %parallel_loop3A_69 step %parallel_loop3A_70  : i32 {
        %parallel_loop3A_74 = vector.broadcast %parallel_loop3A_73 : i32 to vector<16xi32>
        %parallel_loop3A_75 = tpu.vector_load_idx %arg12[%parallel_loop3A_74, %broadcast_in_dim3A_39] : memref<200x16xf32, #tpu.memory_space<vmem>>[vector<16xi32>, vector<16xi32>], vector<16xf32>,
        %parallel_loop3A_76 = arith.index_cast %parallel_loop3A_73 : i32 to index
        %parallel_loop3A_77 = arith.constant 0 : index
        %parallel_loop3A_78 = tpu.vector_load %arg11[%parallel_loop3A_76, %parallel_loop3A_77] {strides = array<i32>} : memref<400x32xf32, #tpu.memory_space<vmem>>, vector<16xf32>,
        %parallel_loop3A_79 = arith.mulf %parallel_loop3A_78, %parallel_loop3A_75 : vector<16xf32>
        %parallel_loop3A_80 = arith.index_cast %parallel_loop3A_73 : i32 to index
        %parallel_loop3A_81 = arith.constant 0 : index
        %parallel_loop3A_82 = tpu.vector_load %arg11[%parallel_loop3A_80, %parallel_loop3A_81] {strides = array<i32>} : memref<400x32xf32, #tpu.memory_space<vmem>>, vector<16xf32>,
        tpu.vector_store %arg11[%parallel_loop3A_80, %parallel_loop3A_81], %parallel_loop3A_79 {strides = array<i32>} : memref<400x32xf32, #tpu.memory_space<vmem>>, vector<16xf32>,
        %parallel_loop3A_83 = tpu.vector_load_idx %arg12[%parallel_loop3A_74, %add3A_42] : memref<200x16xf32, #tpu.memory_space<vmem>>[vector<16xi32>, vector<16xi32>], vector<16xf32>,
        %parallel_loop3A_84 = arith.index_cast %parallel_loop3A_73 : i32 to index
        %parallel_loop3A_85 = arith.constant 16 : index
        %parallel_loop3A_86 = tpu.vector_load %arg11[%parallel_loop3A_84, %parallel_loop3A_85] {strides = array<i32>} : memref<400x32xf32, #tpu.memory_space<vmem>>, vector<16xf32>,
        %parallel_loop3A_87 = arith.mulf %parallel_loop3A_86, %parallel_loop3A_83 : vector<16xf32>
        %parallel_loop3A_88 = arith.index_cast %parallel_loop3A_73 : i32 to index
        %parallel_loop3A_89 = arith.constant 16 : index
        %parallel_loop3A_90 = tpu.vector_load %arg11[%parallel_loop3A_88, %parallel_loop3A_89] {strides = array<i32>} : memref<400x32xf32, #tpu.memory_space<vmem>>, vector<16xf32>,
        tpu.vector_store %arg11[%parallel_loop3A_88, %parallel_loop3A_89], %parallel_loop3A_87 {strides = array<i32>} : memref<400x32xf32, #tpu.memory_space<vmem>>, vector<16xf32>,
      } {sc.loop_unroll_factor = 8 : i64, sc.parallel_access}
      %mul3A_71 = arith.constant 32 : i32
      %mul3A_72 = arith.muli %arg0, %mul3A_71 : i32
      "tpu.region"() ({
        %run_scoped3A = tpu.sem_alloc : memref<!tpu.dma_semaphore, #tpu.memory_space<semaphore_mem>>
        %dma_start3A = arith.constant 0 : i32
        %dma_start3A_73 = arith.constant 0 : i32
        %dma_start3A_74 = tpu.memref_slice %arg11[%dma_start3A, %dma_start3A_73] : memref<400x32xf32, #tpu.memory_space<vmem>> -> memref<200x32xf32, #tpu.memory_space<vmem>>
        %dma_start3A_75 = tpu.memref_slice %arg7[%add3A_61, %mul3A_72] : memref<51200x128xf32, #tpu.memory_space<hbm>> -> memref<200x32xf32, #tpu.memory_space<hbm>>
        %dma_start3A_76 = tpu.memref_slice %arg7[%add3A_61, %mul3A_72] : memref<51200x128xf32, #tpu.memory_space<hbm>> -> memref<200x32xf32, #tpu.memory_space<hbm>>
        %dma_start3A_77 = arith.constant 0 : i32
        %dma_start3A_78 = arith.constant 0 : i32
        %dma_start3A_79 = tpu.memref_slice %arg11[%dma_start3A_77, %dma_start3A_78] : memref<400x32xf32, #tpu.memory_space<vmem>> -> memref<200x32xf32, #tpu.memory_space<vmem>>
        tpu.enqueue_dma source(%dma_start3A_79 : memref<200x32xf32, #tpu.memory_space<vmem>>) target(%dma_start3A_76 : memref<200x32xf32, #tpu.memory_space<hbm>>) target_semaphore(%run_scoped3A : memref<!tpu.dma_semaphore, #tpu.memory_space<semaphore_mem>>)
        %dma_wait3A = arith.constant 0 : i32
        %dma_wait3A_80 = arith.constant 0 : i32
        %dma_wait3A_81 = tpu.memref_slice %arg11[%dma_wait3A, %dma_wait3A_80] : memref<400x32xf32, #tpu.memory_space<vmem>> -> memref<200x32xf32, #tpu.memory_space<vmem>>
        %dma_wait3A_82 = tpu.memref_slice %arg7[%add3A_61, %mul3A_72] : memref<51200x128xf32, #tpu.memory_space<hbm>> -> memref<200x32xf32, #tpu.memory_space<hbm>>
        %dma_wait3A_83 = tpu.memref_slice %arg7[%add3A_61, %mul3A_72] : memref<51200x128xf32, #tpu.memory_space<hbm>> -> memref<200x32xf32, #tpu.memory_space<hbm>>
        %dma_wait3A_84 = arith.constant 0 : i32
        %dma_wait3A_85 = arith.constant 0 : i32
        %dma_wait3A_86 = tpu.memref_slice %arg11[%dma_wait3A_84, %dma_wait3A_85] : memref<400x32xf32, #tpu.memory_space<vmem>> -> memref<200x32xf32, #tpu.memory_space<vmem>>
        tpu.wait_dma2 semaphore(%run_scoped3A : memref<!tpu.dma_semaphore, #tpu.memory_space<semaphore_mem>>) src(%dma_wait3A_86 : memref<200x32xf32, #tpu.memory_space<vmem>>) dst(%dma_wait3A_83 : memref<200x32xf32, #tpu.memory_space<hbm>>)
        tpu.yield
      }) : () -> ()
    }
    %scan3A_55 = arith.constant 16 : i32
    return
  }
}

#map = affine_map<(d0, d1) -> (0)>
#map1 = affine_map<(d0, d1) -> (0, 0)>
module attributes {stable_mosaic.version = 14 : i64} {
  func.func @_p1(%arg0: i32, %arg1: i32, %arg2: memref<800000xi32, #tpu.memory_space<hbm>>, %arg3: memref<800000xi32, #tpu.memory_space<hbm>>, %arg4: memref<50000x16xf32, #tpu.memory_space<hbm>>, %arg5: memref<50000x16xf32, #tpu.memory_space<hbm>>, %arg6: memref<800000x4xf32, #tpu.memory_space<hbm>>, %arg7: memref<102400x16xf32, #tpu.memory_space<hbm>>, %arg8: memref<1000xi32, #tpu.memory_space<vmem>>, %arg9: memref<1000xi32, #tpu.memory_space<vmem>>, %arg10: memref<1000x16xf32, #tpu.memory_space<vmem>>, %arg11: memref<1000x16xf32, #tpu.memory_space<vmem>>, %arg12: memref<1000x16xf32, #tpu.memory_space<vmem>>, %arg13: memref<1000x4xf32, #tpu.memory_space<vmem>>, %arg14: memref<51200x16xf32, #tpu.memory_space<vmem_shared>>, %arg15: memref<!tpu.dma_semaphore, #tpu.memory_space<semaphore_mem>>, %arg16: memref<!tpu.dma_semaphore, #tpu.memory_space<semaphore_mem>>) attributes {dimension_semantics = [#tpu.dimension_semantics<core_parallel>, #tpu.dimension_semantics<subcore_parallel>], iteration_bounds = array<i64: 2, 16>, scalar_prefetch = 0 : i64, scratch_operands = 9 : i64, tpu.core_type = #tpu.core_type<sc_vector_subcore>, window_params = [{transform_indices = #map}, {transform_indices = #map}, {transform_indices = #map1}, {transform_indices = #map1}, {transform_indices = #map1}, {transform_indices = #map1}]} {
    %mul3A = arith.constant 16 : i32
    %mul3A_0 = arith.muli %arg0, %mul3A : i32
    %add3A = arith.addi %mul3A_0, %arg1 : i32
    %iota3A = tpu.iota {dimensions = array<i32: 0>} : vector<16xi32>
    %lt3A = arith.constant 4 : i32
    %lt3A_1 = vector.broadcast %lt3A : i32 to vector<16xi32>
    %lt3A_2 = arith.cmpi slt, %iota3A, %lt3A_1 : vector<16xi32>
    %and3A = arith.constant 3 : i32
    %and3A_3 = vector.broadcast %and3A : i32 to vector<16xi32>
    %and3A_4 = arith.andi %iota3A, %and3A_3 : vector<16xi32>
    %broadcast_in_dim3A = arith.constant 0.000000e+00 : f32
    %broadcast_in_dim3A_5 = vector.broadcast %broadcast_in_dim3A : f32 to vector<16xf32>
    %scan3A = arith.constant 0 : i32
    %scan3A_6 = arith.constant 1000 : i32
    %scan3A_7 = arith.addi %scan3A, %scan3A_6 : i32
    %scan3A_8 = arith.constant 1 : i32
    scf.for %scan3A_41 = %scan3A to %scan3A_7 step %scan3A_8  : i32 {
      %swap3A = arith.index_cast %scan3A_41 : i32 to index
      %swap3A_42 = arith.constant 0 : index
      %swap3A_43 = tpu.vector_load %arg12[%swap3A, %swap3A_42] {strides = array<i32>} : memref<1000x16xf32, #tpu.memory_space<vmem>>, vector<16xf32>,
      tpu.vector_store %arg12[%swap3A, %swap3A_42], %broadcast_in_dim3A_5 {strides = array<i32>} : memref<1000x16xf32, #tpu.memory_space<vmem>>, vector<16xf32>,
    }
    %scan3A_9 = arith.constant 1000 : i32
    %mul3A_10 = arith.constant 3200 : i32
    %mul3A_11 = arith.muli %arg1, %mul3A_10 : i32
    %add3A_12 = arith.constant 0 : i32
    %add3A_13 = arith.addi %mul3A_11, %add3A_12 : i32
    "tpu.region"() ({
      %run_scoped3A = tpu.sem_alloc : memref<!tpu.dma_semaphore, #tpu.memory_space<semaphore_mem>>
      %dma_start3A = arith.constant 0 : i32
      %dma_start3A_41 = arith.constant 0 : i32
      %dma_start3A_42 = tpu.memref_slice %arg12[%dma_start3A, %dma_start3A_41] : memref<1000x16xf32, #tpu.memory_space<vmem>> -> memref<800x16xf32, #tpu.memory_space<vmem>>
      %dma_start3A_43 = arith.constant 0 : i32
      %dma_start3A_44 = tpu.memref_slice %arg14[%add3A_13, %dma_start3A_43] : memref<51200x16xf32, #tpu.memory_space<vmem_shared>> -> memref<800x16xf32, #tpu.memory_space<vmem_shared>>
      %dma_start3A_45 = arith.constant 0 : i32
      %dma_start3A_46 = tpu.memref_slice %arg14[%add3A_13, %dma_start3A_45] : memref<51200x16xf32, #tpu.memory_space<vmem_shared>> -> memref<800x16xf32, #tpu.memory_space<vmem_shared>>
      %dma_start3A_47 = arith.constant 0 : i32
      %dma_start3A_48 = arith.constant 0 : i32
      %dma_start3A_49 = tpu.memref_slice %arg12[%dma_start3A_47, %dma_start3A_48] : memref<1000x16xf32, #tpu.memory_space<vmem>> -> memref<800x16xf32, #tpu.memory_space<vmem>>
      tpu.enqueue_dma source(%dma_start3A_49 : memref<800x16xf32, #tpu.memory_space<vmem>>) target(%dma_start3A_46 : memref<800x16xf32, #tpu.memory_space<vmem_shared>>) target_semaphore(%run_scoped3A : memref<!tpu.dma_semaphore, #tpu.memory_space<semaphore_mem>>)
      %dma_wait3A = arith.constant 0 : i32
      %dma_wait3A_50 = arith.constant 0 : i32
      %dma_wait3A_51 = tpu.memref_slice %arg12[%dma_wait3A, %dma_wait3A_50] : memref<1000x16xf32, #tpu.memory_space<vmem>> -> memref<800x16xf32, #tpu.memory_space<vmem>>
      %dma_wait3A_52 = arith.constant 0 : i32
      %dma_wait3A_53 = tpu.memref_slice %arg14[%add3A_13, %dma_wait3A_52] : memref<51200x16xf32, #tpu.memory_space<vmem_shared>> -> memref<800x16xf32, #tpu.memory_space<vmem_shared>>
      %dma_wait3A_54 = arith.constant 0 : i32
      %dma_wait3A_55 = tpu.memref_slice %arg14[%add3A_13, %dma_wait3A_54] : memref<51200x16xf32, #tpu.memory_space<vmem_shared>> -> memref<800x16xf32, #tpu.memory_space<vmem_shared>>
      %dma_wait3A_56 = arith.constant 0 : i32
      %dma_wait3A_57 = arith.constant 0 : i32
      %dma_wait3A_58 = tpu.memref_slice %arg12[%dma_wait3A_56, %dma_wait3A_57] : memref<1000x16xf32, #tpu.memory_space<vmem>> -> memref<800x16xf32, #tpu.memory_space<vmem>>
      tpu.wait_dma2 semaphore(%run_scoped3A : memref<!tpu.dma_semaphore, #tpu.memory_space<semaphore_mem>>) src(%dma_wait3A_58 : memref<800x16xf32, #tpu.memory_space<vmem>>) dst(%dma_wait3A_55 : memref<800x16xf32, #tpu.memory_space<vmem_shared>>)
      tpu.yield
    }) : () -> ()
    %mul3A_14 = arith.constant 3200 : i32
    %mul3A_15 = arith.muli %arg1, %mul3A_14 : i32
    %add3A_16 = arith.constant 800 : i32
    %add3A_17 = arith.addi %mul3A_15, %add3A_16 : i32
    "tpu.region"() ({
      %run_scoped3A = tpu.sem_alloc : memref<!tpu.dma_semaphore, #tpu.memory_space<semaphore_mem>>
      %dma_start3A = arith.constant 0 : i32
      %dma_start3A_41 = arith.constant 0 : i32
      %dma_start3A_42 = tpu.memref_slice %arg12[%dma_start3A, %dma_start3A_41] : memref<1000x16xf32, #tpu.memory_space<vmem>> -> memref<800x16xf32, #tpu.memory_space<vmem>>
      %dma_start3A_43 = arith.constant 0 : i32
      %dma_start3A_44 = tpu.memref_slice %arg14[%add3A_17, %dma_start3A_43] : memref<51200x16xf32, #tpu.memory_space<vmem_shared>> -> memref<800x16xf32, #tpu.memory_space<vmem_shared>>
      %dma_start3A_45 = arith.constant 0 : i32
      %dma_start3A_46 = tpu.memref_slice %arg14[%add3A_17, %dma_start3A_45] : memref<51200x16xf32, #tpu.memory_space<vmem_shared>> -> memref<800x16xf32, #tpu.memory_space<vmem_shared>>
      %dma_start3A_47 = arith.constant 0 : i32
      %dma_start3A_48 = arith.constant 0 : i32
      %dma_start3A_49 = tpu.memref_slice %arg12[%dma_start3A_47, %dma_start3A_48] : memref<1000x16xf32, #tpu.memory_space<vmem>> -> memref<800x16xf32, #tpu.memory_space<vmem>>
      tpu.enqueue_dma source(%dma_start3A_49 : memref<800x16xf32, #tpu.memory_space<vmem>>) target(%dma_start3A_46 : memref<800x16xf32, #tpu.memory_space<vmem_shared>>) target_semaphore(%run_scoped3A : memref<!tpu.dma_semaphore, #tpu.memory_space<semaphore_mem>>)
      %dma_wait3A = arith.constant 0 : i32
      %dma_wait3A_50 = arith.constant 0 : i32
      %dma_wait3A_51 = tpu.memref_slice %arg12[%dma_wait3A, %dma_wait3A_50] : memref<1000x16xf32, #tpu.memory_space<vmem>> -> memref<800x16xf32, #tpu.memory_space<vmem>>
      %dma_wait3A_52 = arith.constant 0 : i32
      %dma_wait3A_53 = tpu.memref_slice %arg14[%add3A_17, %dma_wait3A_52] : memref<51200x16xf32, #tpu.memory_space<vmem_shared>> -> memref<800x16xf32, #tpu.memory_space<vmem_shared>>
      %dma_wait3A_54 = arith.constant 0 : i32
      %dma_wait3A_55 = tpu.memref_slice %arg14[%add3A_17, %dma_wait3A_54] : memref<51200x16xf32, #tpu.memory_space<vmem_shared>> -> memref<800x16xf32, #tpu.memory_space<vmem_shared>>
      %dma_wait3A_56 = arith.constant 0 : i32
      %dma_wait3A_57 = arith.constant 0 : i32
      %dma_wait3A_58 = tpu.memref_slice %arg12[%dma_wait3A_56, %dma_wait3A_57] : memref<1000x16xf32, #tpu.memory_space<vmem>> -> memref<800x16xf32, #tpu.memory_space<vmem>>
      tpu.wait_dma2 semaphore(%run_scoped3A : memref<!tpu.dma_semaphore, #tpu.memory_space<semaphore_mem>>) src(%dma_wait3A_58 : memref<800x16xf32, #tpu.memory_space<vmem>>) dst(%dma_wait3A_55 : memref<800x16xf32, #tpu.memory_space<vmem_shared>>)
      tpu.yield
    }) : () -> ()
    %mul3A_18 = arith.constant 3200 : i32
    %mul3A_19 = arith.muli %arg1, %mul3A_18 : i32
    %add3A_20 = arith.constant 1600 : i32
    %add3A_21 = arith.addi %mul3A_19, %add3A_20 : i32
    "tpu.region"() ({
      %run_scoped3A = tpu.sem_alloc : memref<!tpu.dma_semaphore, #tpu.memory_space<semaphore_mem>>
      %dma_start3A = arith.constant 0 : i32
      %dma_start3A_41 = arith.constant 0 : i32
      %dma_start3A_42 = tpu.memref_slice %arg12[%dma_start3A, %dma_start3A_41] : memref<1000x16xf32, #tpu.memory_space<vmem>> -> memref<800x16xf32, #tpu.memory_space<vmem>>
      %dma_start3A_43 = arith.constant 0 : i32
      %dma_start3A_44 = tpu.memref_slice %arg14[%add3A_21, %dma_start3A_43] : memref<51200x16xf32, #tpu.memory_space<vmem_shared>> -> memref<800x16xf32, #tpu.memory_space<vmem_shared>>
      %dma_start3A_45 = arith.constant 0 : i32
      %dma_start3A_46 = tpu.memref_slice %arg14[%add3A_21, %dma_start3A_45] : memref<51200x16xf32, #tpu.memory_space<vmem_shared>> -> memref<800x16xf32, #tpu.memory_space<vmem_shared>>
      %dma_start3A_47 = arith.constant 0 : i32
      %dma_start3A_48 = arith.constant 0 : i32
      %dma_start3A_49 = tpu.memref_slice %arg12[%dma_start3A_47, %dma_start3A_48] : memref<1000x16xf32, #tpu.memory_space<vmem>> -> memref<800x16xf32, #tpu.memory_space<vmem>>
      tpu.enqueue_dma source(%dma_start3A_49 : memref<800x16xf32, #tpu.memory_space<vmem>>) target(%dma_start3A_46 : memref<800x16xf32, #tpu.memory_space<vmem_shared>>) target_semaphore(%run_scoped3A : memref<!tpu.dma_semaphore, #tpu.memory_space<semaphore_mem>>)
      %dma_wait3A = arith.constant 0 : i32
      %dma_wait3A_50 = arith.constant 0 : i32
      %dma_wait3A_51 = tpu.memref_slice %arg12[%dma_wait3A, %dma_wait3A_50] : memref<1000x16xf32, #tpu.memory_space<vmem>> -> memref<800x16xf32, #tpu.memory_space<vmem>>
      %dma_wait3A_52 = arith.constant 0 : i32
      %dma_wait3A_53 = tpu.memref_slice %arg14[%add3A_21, %dma_wait3A_52] : memref<51200x16xf32, #tpu.memory_space<vmem_shared>> -> memref<800x16xf32, #tpu.memory_space<vmem_shared>>
      %dma_wait3A_54 = arith.constant 0 : i32
      %dma_wait3A_55 = tpu.memref_slice %arg14[%add3A_21, %dma_wait3A_54] : memref<51200x16xf32, #tpu.memory_space<vmem_shared>> -> memref<800x16xf32, #tpu.memory_space<vmem_shared>>
      %dma_wait3A_56 = arith.constant 0 : i32
      %dma_wait3A_57 = arith.constant 0 : i32
      %dma_wait3A_58 = tpu.memref_slice %arg12[%dma_wait3A_56, %dma_wait3A_57] : memref<1000x16xf32, #tpu.memory_space<vmem>> -> memref<800x16xf32, #tpu.memory_space<vmem>>
      tpu.wait_dma2 semaphore(%run_scoped3A : memref<!tpu.dma_semaphore, #tpu.memory_space<semaphore_mem>>) src(%dma_wait3A_58 : memref<800x16xf32, #tpu.memory_space<vmem>>) dst(%dma_wait3A_55 : memref<800x16xf32, #tpu.memory_space<vmem_shared>>)
      tpu.yield
    }) : () -> ()
    %mul3A_22 = arith.constant 3200 : i32
    %mul3A_23 = arith.muli %arg1, %mul3A_22 : i32
    %add3A_24 = arith.constant 2400 : i32
    %add3A_25 = arith.addi %mul3A_23, %add3A_24 : i32
    "tpu.region"() ({
      %run_scoped3A = tpu.sem_alloc : memref<!tpu.dma_semaphore, #tpu.memory_space<semaphore_mem>>
      %dma_start3A = arith.constant 0 : i32
      %dma_start3A_41 = arith.constant 0 : i32
      %dma_start3A_42 = tpu.memref_slice %arg12[%dma_start3A, %dma_start3A_41] : memref<1000x16xf32, #tpu.memory_space<vmem>> -> memref<800x16xf32, #tpu.memory_space<vmem>>
      %dma_start3A_43 = arith.constant 0 : i32
      %dma_start3A_44 = tpu.memref_slice %arg14[%add3A_25, %dma_start3A_43] : memref<51200x16xf32, #tpu.memory_space<vmem_shared>> -> memref<800x16xf32, #tpu.memory_space<vmem_shared>>
      %dma_start3A_45 = arith.constant 0 : i32
      %dma_start3A_46 = tpu.memref_slice %arg14[%add3A_25, %dma_start3A_45] : memref<51200x16xf32, #tpu.memory_space<vmem_shared>> -> memref<800x16xf32, #tpu.memory_space<vmem_shared>>
      %dma_start3A_47 = arith.constant 0 : i32
      %dma_start3A_48 = arith.constant 0 : i32
      %dma_start3A_49 = tpu.memref_slice %arg12[%dma_start3A_47, %dma_start3A_48] : memref<1000x16xf32, #tpu.memory_space<vmem>> -> memref<800x16xf32, #tpu.memory_space<vmem>>
      tpu.enqueue_dma source(%dma_start3A_49 : memref<800x16xf32, #tpu.memory_space<vmem>>) target(%dma_start3A_46 : memref<800x16xf32, #tpu.memory_space<vmem_shared>>) target_semaphore(%run_scoped3A : memref<!tpu.dma_semaphore, #tpu.memory_space<semaphore_mem>>)
      %dma_wait3A = arith.constant 0 : i32
      %dma_wait3A_50 = arith.constant 0 : i32
      %dma_wait3A_51 = tpu.memref_slice %arg12[%dma_wait3A, %dma_wait3A_50] : memref<1000x16xf32, #tpu.memory_space<vmem>> -> memref<800x16xf32, #tpu.memory_space<vmem>>
      %dma_wait3A_52 = arith.constant 0 : i32
      %dma_wait3A_53 = tpu.memref_slice %arg14[%add3A_25, %dma_wait3A_52] : memref<51200x16xf32, #tpu.memory_space<vmem_shared>> -> memref<800x16xf32, #tpu.memory_space<vmem_shared>>
      %dma_wait3A_54 = arith.constant 0 : i32
      %dma_wait3A_55 = tpu.memref_slice %arg14[%add3A_25, %dma_wait3A_54] : memref<51200x16xf32, #tpu.memory_space<vmem_shared>> -> memref<800x16xf32, #tpu.memory_space<vmem_shared>>
      %dma_wait3A_56 = arith.constant 0 : i32
      %dma_wait3A_57 = arith.constant 0 : i32
      %dma_wait3A_58 = tpu.memref_slice %arg12[%dma_wait3A_56, %dma_wait3A_57] : memref<1000x16xf32, #tpu.memory_space<vmem>> -> memref<800x16xf32, #tpu.memory_space<vmem>>
      tpu.wait_dma2 semaphore(%run_scoped3A : memref<!tpu.dma_semaphore, #tpu.memory_space<semaphore_mem>>) src(%dma_wait3A_58 : memref<800x16xf32, #tpu.memory_space<vmem>>) dst(%dma_wait3A_55 : memref<800x16xf32, #tpu.memory_space<vmem_shared>>)
      tpu.yield
    }) : () -> ()
    %barrier3A = arith.constant 0 : index
    tpu.barrier barrier_id(%barrier3A)
    %mul3A_26 = arith.constant 25000 : i32
    %mul3A_27 = arith.muli %add3A, %mul3A_26 : i32
    %scan3A_28 = arith.constant 0 : i32
    %scan3A_29 = arith.constant 25 : i32
    %scan3A_30 = arith.addi %scan3A_28, %scan3A_29 : i32
    %scan3A_31 = arith.constant 1 : i32
    scf.for %scan3A_41 = %scan3A_28 to %scan3A_30 step %scan3A_31  : i32 {
      %mul3A_42 = arith.constant 1000 : i32
      %mul3A_43 = arith.muli %scan3A_41, %mul3A_42 : i32
      %add3A_44 = arith.addi %mul3A_27, %mul3A_43 : i32
      "tpu.region"() ({
        %run_scoped3A = tpu.sem_alloc : memref<!tpu.dma_semaphore, #tpu.memory_space<semaphore_mem>>
        %dma_start3A_57 = tpu.memref_slice %arg2[%add3A_44] : memref<800000xi32, #tpu.memory_space<hbm>> -> memref<1000xi32, #tpu.memory_space<hbm>>
        %dma_start3A_58 = tpu.memref_slice %arg2[%add3A_44] : memref<800000xi32, #tpu.memory_space<hbm>> -> memref<1000xi32, #tpu.memory_space<hbm>>
        tpu.enqueue_dma source(%dma_start3A_58 : memref<1000xi32, #tpu.memory_space<hbm>>) target(%arg8 : memref<1000xi32, #tpu.memory_space<vmem>>) target_semaphore(%run_scoped3A : memref<!tpu.dma_semaphore, #tpu.memory_space<semaphore_mem>>)
        %dma_wait3A_59 = tpu.memref_slice %arg2[%add3A_44] : memref<800000xi32, #tpu.memory_space<hbm>> -> memref<1000xi32, #tpu.memory_space<hbm>>
        %dma_wait3A_60 = tpu.memref_slice %arg2[%add3A_44] : memref<800000xi32, #tpu.memory_space<hbm>> -> memref<1000xi32, #tpu.memory_space<hbm>>
        tpu.wait_dma2 semaphore(%run_scoped3A : memref<!tpu.dma_semaphore, #tpu.memory_space<semaphore_mem>>) src(%dma_wait3A_60 : memref<1000xi32, #tpu.memory_space<hbm>>) dst(%arg8 : memref<1000xi32, #tpu.memory_space<vmem>>)
        tpu.yield
      }) : () -> ()
      "tpu.region"() ({
        %run_scoped3A = tpu.sem_alloc : memref<!tpu.dma_semaphore, #tpu.memory_space<semaphore_mem>>
        %dma_start3A_57 = tpu.memref_slice %arg3[%add3A_44] : memref<800000xi32, #tpu.memory_space<hbm>> -> memref<1000xi32, #tpu.memory_space<hbm>>
        %dma_start3A_58 = tpu.memref_slice %arg3[%add3A_44] : memref<800000xi32, #tpu.memory_space<hbm>> -> memref<1000xi32, #tpu.memory_space<hbm>>
        tpu.enqueue_dma source(%dma_start3A_58 : memref<1000xi32, #tpu.memory_space<hbm>>) target(%arg9 : memref<1000xi32, #tpu.memory_space<vmem>>) target_semaphore(%run_scoped3A : memref<!tpu.dma_semaphore, #tpu.memory_space<semaphore_mem>>)
        %dma_wait3A_59 = tpu.memref_slice %arg3[%add3A_44] : memref<800000xi32, #tpu.memory_space<hbm>> -> memref<1000xi32, #tpu.memory_space<hbm>>
        %dma_wait3A_60 = tpu.memref_slice %arg3[%add3A_44] : memref<800000xi32, #tpu.memory_space<hbm>> -> memref<1000xi32, #tpu.memory_space<hbm>>
        tpu.wait_dma2 semaphore(%run_scoped3A : memref<!tpu.dma_semaphore, #tpu.memory_space<semaphore_mem>>) src(%dma_wait3A_60 : memref<1000xi32, #tpu.memory_space<hbm>>) dst(%arg9 : memref<1000xi32, #tpu.memory_space<vmem>>)
        tpu.yield
      }) : () -> ()
      %dma_start3A = arith.constant 0 : i32
      %dma_start3A_45 = arith.constant 0 : i32
      %dma_start3A_46 = tpu.memref_slice %arg4[%dma_start3A, %dma_start3A_45] : memref<50000x16xf32, #tpu.memory_space<hbm>> -> memref<50000x16xf32, #tpu.memory_space<hbm>>
      tpu.enqueue_indirect_dma source(%dma_start3A_46 : memref<50000x16xf32, #tpu.memory_space<hbm>>) target(%arg10 : memref<1000x16xf32, #tpu.memory_space<vmem>>) offsets(%arg8 : memref<1000xi32, #tpu.memory_space<vmem>>) semaphore(%arg15 : memref<!tpu.dma_semaphore, #tpu.memory_space<semaphore_mem>>)
      %dma_start3A_47 = arith.constant 0 : i32
      %dma_start3A_48 = arith.constant 0 : i32
      %dma_start3A_49 = tpu.memref_slice %arg5[%dma_start3A_47, %dma_start3A_48] : memref<50000x16xf32, #tpu.memory_space<hbm>> -> memref<50000x16xf32, #tpu.memory_space<hbm>>
      tpu.enqueue_indirect_dma source(%dma_start3A_49 : memref<50000x16xf32, #tpu.memory_space<hbm>>) target(%arg11 : memref<1000x16xf32, #tpu.memory_space<vmem>>) offsets(%arg9 : memref<1000xi32, #tpu.memory_space<vmem>>) semaphore(%arg16 : memref<!tpu.dma_semaphore, #tpu.memory_space<semaphore_mem>>)
      %dma_wait3A = arith.constant 0 : i32
      %dma_wait3A_50 = arith.constant 0 : i32
      %dma_wait3A_51 = tpu.memref_slice %arg4[%dma_wait3A, %dma_wait3A_50] : memref<50000x16xf32, #tpu.memory_space<hbm>> -> memref<50000x16xf32, #tpu.memory_space<hbm>>
      tpu.wait_indirect_dma semaphore(%arg15 : memref<!tpu.dma_semaphore, #tpu.memory_space<semaphore_mem>>) src(%dma_wait3A_51 : memref<50000x16xf32, #tpu.memory_space<hbm>>) dst(%arg10 : memref<1000x16xf32, #tpu.memory_space<vmem>>)
      %dma_wait3A_52 = arith.constant 0 : i32
      %dma_wait3A_53 = arith.constant 0 : i32
      %dma_wait3A_54 = tpu.memref_slice %arg5[%dma_wait3A_52, %dma_wait3A_53] : memref<50000x16xf32, #tpu.memory_space<hbm>> -> memref<50000x16xf32, #tpu.memory_space<hbm>>
      tpu.wait_indirect_dma semaphore(%arg16 : memref<!tpu.dma_semaphore, #tpu.memory_space<semaphore_mem>>) src(%dma_wait3A_54 : memref<50000x16xf32, #tpu.memory_space<hbm>>) dst(%arg11 : memref<1000x16xf32, #tpu.memory_space<vmem>>)
      %parallel_loop3A = arith.constant 0 : i32
      %parallel_loop3A_55 = arith.constant 1000 : i32
      %parallel_loop3A_56 = arith.constant 1 : i32
      scf.for %parallel_loop3A_57 = %parallel_loop3A to %parallel_loop3A_55 step %parallel_loop3A_56  : i32 {
        %parallel_loop3A_58 = arith.index_cast %parallel_loop3A_57 : i32 to index
        %parallel_loop3A_59 = arith.constant 0 : index
        %parallel_loop3A_60 = tpu.vector_load %arg10[%parallel_loop3A_58, %parallel_loop3A_59] {strides = array<i32>} : memref<1000x16xf32, #tpu.memory_space<vmem>>, vector<16xf32>,
        %parallel_loop3A_61 = arith.index_cast %parallel_loop3A_57 : i32 to index
        %parallel_loop3A_62 = arith.constant 0 : index
        %parallel_loop3A_63 = tpu.vector_load %arg11[%parallel_loop3A_61, %parallel_loop3A_62] {strides = array<i32>} : memref<1000x16xf32, #tpu.memory_space<vmem>>, vector<16xf32>,
        %parallel_loop3A_64 = arith.addf %parallel_loop3A_60, %parallel_loop3A_63 : vector<16xf32>
        %parallel_loop3A_65 = arith.constant 2.000000e-01 : f32
        %parallel_loop3A_66 = vector.broadcast %parallel_loop3A_65 : f32 to vector<16xf32>
        %parallel_loop3A_67 = arith.mulf %parallel_loop3A_66, %parallel_loop3A_64 : vector<16xf32>
        %parallel_loop3A_68 = arith.maximumf %parallel_loop3A_64, %parallel_loop3A_67 : vector<16xf32>
        %parallel_loop3A_69 = math.exp %parallel_loop3A_68 : vector<16xf32>
        %parallel_loop3A_70 = arith.constant 0.000000e+00 : f32
        %parallel_loop3A_71 = vector.broadcast %parallel_loop3A_70 : f32 to vector<16xf32>
        %parallel_loop3A_72 = arith.select %lt3A_2, %parallel_loop3A_69, %parallel_loop3A_71 : vector<16xi1>, vector<16xf32>
        %parallel_loop3A_73 = arith.index_cast %parallel_loop3A_57 : i32 to index
        %parallel_loop3A_74 = arith.constant 0 : index
        %parallel_loop3A_75 = tpu.vector_load %arg12[%parallel_loop3A_73, %parallel_loop3A_74] {strides = array<i32>} : memref<1000x16xf32, #tpu.memory_space<vmem>>, vector<16xf32>,
        tpu.vector_store %arg12[%parallel_loop3A_73, %parallel_loop3A_74], %parallel_loop3A_72 {strides = array<i32>} : memref<1000x16xf32, #tpu.memory_space<vmem>>, vector<16xf32>,
        %parallel_loop3A_76 = vector.broadcast %parallel_loop3A_57 : i32 to vector<16xi32>
        tpu.vector_store_idx %arg13[%parallel_loop3A_76, %and3A_4], %parallel_loop3A_72 masked %lt3A_2 : memref<1000x4xf32, #tpu.memory_space<vmem>>[vector<16xi32>, vector<16xi32>], vector<16xf32>, vector<16xi1>
      } {sc.loop_unroll_factor = 8 : i64, sc.parallel_access}
      "tpu.region"() ({
        %run_scoped3A = tpu.sem_alloc : memref<!tpu.dma_semaphore, #tpu.memory_space<semaphore_mem>>
        %dma_start3A_57 = arith.constant 0 : i32
        %dma_start3A_58 = tpu.memref_slice %arg6[%add3A_44, %dma_start3A_57] : memref<800000x4xf32, #tpu.memory_space<hbm>> -> memref<1000x4xf32, #tpu.memory_space<hbm>>
        %dma_start3A_59 = arith.constant 0 : i32
        %dma_start3A_60 = tpu.memref_slice %arg6[%add3A_44, %dma_start3A_59] : memref<800000x4xf32, #tpu.memory_space<hbm>> -> memref<1000x4xf32, #tpu.memory_space<hbm>>
        tpu.enqueue_dma source(%arg13 : memref<1000x4xf32, #tpu.memory_space<vmem>>) target(%dma_start3A_60 : memref<1000x4xf32, #tpu.memory_space<hbm>>) target_semaphore(%run_scoped3A : memref<!tpu.dma_semaphore, #tpu.memory_space<semaphore_mem>>)
        %dma_wait3A_61 = arith.constant 0 : i32
        %dma_wait3A_62 = tpu.memref_slice %arg6[%add3A_44, %dma_wait3A_61] : memref<800000x4xf32, #tpu.memory_space<hbm>> -> memref<1000x4xf32, #tpu.memory_space<hbm>>
        %dma_wait3A_63 = arith.constant 0 : i32
        %dma_wait3A_64 = tpu.memref_slice %arg6[%add3A_44, %dma_wait3A_63] : memref<800000x4xf32, #tpu.memory_space<hbm>> -> memref<1000x4xf32, #tpu.memory_space<hbm>>
        tpu.wait_dma2 semaphore(%run_scoped3A : memref<!tpu.dma_semaphore, #tpu.memory_space<semaphore_mem>>) src(%arg13 : memref<1000x4xf32, #tpu.memory_space<vmem>>) dst(%dma_wait3A_64 : memref<1000x4xf32, #tpu.memory_space<hbm>>)
        tpu.yield
      }) : () -> ()
      "tpu.region"() ({
        %run_scoped3A = tpu.sem_alloc : memref<!tpu.dma_semaphore, #tpu.memory_space<semaphore_mem>>
        %dma_start3A_57 = arith.constant 0 : i32
        %dma_start3A_58 = arith.constant 0 : i32
        %dma_start3A_59 = tpu.memref_slice %arg14[%dma_start3A_57, %dma_start3A_58] : memref<51200x16xf32, #tpu.memory_space<vmem_shared>> -> memref<51200x16xf32, #tpu.memory_space<vmem_shared>>
        tpu.enqueue_indirect_dma source(%arg12 : memref<1000x16xf32, #tpu.memory_space<vmem>>) target(%dma_start3A_59 : memref<51200x16xf32, #tpu.memory_space<vmem_shared>>) offsets(%arg9 : memref<1000xi32, #tpu.memory_space<vmem>>) semaphore(%run_scoped3A : memref<!tpu.dma_semaphore, #tpu.memory_space<semaphore_mem>>) {add = true}
        %dma_wait3A_60 = arith.constant 0 : i32
        %dma_wait3A_61 = arith.constant 0 : i32
        %dma_wait3A_62 = tpu.memref_slice %arg14[%dma_wait3A_60, %dma_wait3A_61] : memref<51200x16xf32, #tpu.memory_space<vmem_shared>> -> memref<51200x16xf32, #tpu.memory_space<vmem_shared>>
        tpu.wait_indirect_dma semaphore(%run_scoped3A : memref<!tpu.dma_semaphore, #tpu.memory_space<semaphore_mem>>) src(%arg12 : memref<1000x16xf32, #tpu.memory_space<vmem>>) dst(%dma_wait3A_62 : memref<51200x16xf32, #tpu.memory_space<vmem_shared>>)
        tpu.yield
      }) : () -> ()
    }
    %scan3A_32 = arith.constant 25 : i32
    %barrier3A_33 = arith.constant 0 : index
    tpu.barrier barrier_id(%barrier3A_33)
    %mul3A_34 = arith.constant 3200 : i32
    %mul3A_35 = arith.muli %arg1, %mul3A_34 : i32
    %mul3A_36 = arith.constant 51200 : i32
    %mul3A_37 = arith.muli %arg0, %mul3A_36 : i32
    %mul3A_38 = arith.constant 3200 : i32
    %mul3A_39 = arith.muli %arg1, %mul3A_38 : i32
    %add3A_40 = arith.addi %mul3A_37, %mul3A_39 : i32
    "tpu.region"() ({
      %run_scoped3A = tpu.sem_alloc : memref<!tpu.dma_semaphore, #tpu.memory_space<semaphore_mem>>
      %dma_start3A = arith.constant 0 : i32
      %dma_start3A_41 = tpu.memref_slice %arg7[%add3A_40, %dma_start3A] : memref<102400x16xf32, #tpu.memory_space<hbm>> -> memref<3200x16xf32, #tpu.memory_space<hbm>>
      %dma_start3A_42 = arith.constant 0 : i32
      %dma_start3A_43 = tpu.memref_slice %arg14[%mul3A_35, %dma_start3A_42] : memref<51200x16xf32, #tpu.memory_space<vmem_shared>> -> memref<3200x16xf32, #tpu.memory_space<vmem_shared>>
      tpu.enqueue_dma source(%dma_start3A_43 : memref<3200x16xf32, #tpu.memory_space<vmem_shared>>) target(%dma_start3A_41 : memref<3200x16xf32, #tpu.memory_space<hbm>>) target_semaphore(%run_scoped3A : memref<!tpu.dma_semaphore, #tpu.memory_space<semaphore_mem>>)
      %dma_wait3A = arith.constant 0 : i32
      %dma_wait3A_44 = tpu.memref_slice %arg7[%add3A_40, %dma_wait3A] : memref<102400x16xf32, #tpu.memory_space<hbm>> -> memref<3200x16xf32, #tpu.memory_space<hbm>>
      %dma_wait3A_45 = arith.constant 0 : i32
      %dma_wait3A_46 = tpu.memref_slice %arg14[%mul3A_35, %dma_wait3A_45] : memref<51200x16xf32, #tpu.memory_space<vmem_shared>> -> memref<3200x16xf32, #tpu.memory_space<vmem_shared>>
      tpu.wait_dma2 semaphore(%run_scoped3A : memref<!tpu.dma_semaphore, #tpu.memory_space<semaphore_mem>>) src(%dma_wait3A_46 : memref<3200x16xf32, #tpu.memory_space<vmem_shared>>) dst(%dma_wait3A_44 : memref<3200x16xf32, #tpu.memory_space<hbm>>)
      tpu.yield
    }) : () -> ()
    return
  }
}

#map = affine_map<(d0, d1) -> (0)>
#map1 = affine_map<(d0, d1) -> (0, 0)>
module attributes {stable_mosaic.version = 14 : i64} {
  func.func @_p2(%arg0: i32, %arg1: i32, %arg2: memref<800000xi32, #tpu.memory_space<hbm>>, %arg3: memref<800000xi32, #tpu.memory_space<hbm>>, %arg4: memref<800000x4xf32, #tpu.memory_space<hbm>>, %arg5: memref<102400x32xf32, #tpu.memory_space<hbm>>, %arg6: memref<102400x16xf32, #tpu.memory_space<hbm>>, %arg7: memref<51200x128xf32, #tpu.memory_space<hbm>>, %arg8: memref<400xi32, #tpu.memory_space<vmem>>, %arg9: memref<400xi32, #tpu.memory_space<vmem>>, %arg10: memref<400x4xf32, #tpu.memory_space<vmem>>, %arg11: memref<400x32xf32, #tpu.memory_space<vmem>>, %arg12: memref<200x16xf32, #tpu.memory_space<vmem>>, %arg13: memref<200x16xf32, #tpu.memory_space<vmem>>, %arg14: memref<51200x32xf32, #tpu.memory_space<vmem_shared>>, %arg15: memref<!tpu.dma_semaphore, #tpu.memory_space<semaphore_mem>>) attributes {dimension_semantics = [#tpu.dimension_semantics<core_parallel>, #tpu.dimension_semantics<subcore_parallel>], iteration_bounds = array<i64: 2, 16>, scalar_prefetch = 0 : i64, scratch_operands = 8 : i64, tpu.core_type = #tpu.core_type<sc_vector_subcore>, window_params = [{transform_indices = #map}, {transform_indices = #map}, {transform_indices = #map1}, {transform_indices = #map1}, {transform_indices = #map1}, {transform_indices = #map1}]} {
    %broadcast_in_dim3A = arith.constant 0.000000e+00 : f32
    %broadcast_in_dim3A_0 = vector.broadcast %broadcast_in_dim3A : f32 to vector<16xf32>
    %scan3A = arith.constant 0 : i32
    %scan3A_1 = arith.constant 400 : i32
    %scan3A_2 = arith.addi %scan3A, %scan3A_1 : i32
    %scan3A_3 = arith.constant 1 : i32
    scf.for %scan3A_56 = %scan3A to %scan3A_2 step %scan3A_3  : i32 {
      %swap3A = arith.index_cast %scan3A_56 : i32 to index
      %swap3A_57 = arith.constant 0 : index
      %swap3A_58 = tpu.vector_load %arg11[%swap3A, %swap3A_57] {strides = array<i32>} : memref<400x32xf32, #tpu.memory_space<vmem>>, vector<16xf32>,
      tpu.vector_store %arg11[%swap3A, %swap3A_57], %broadcast_in_dim3A_0 {strides = array<i32>} : memref<400x32xf32, #tpu.memory_space<vmem>>, vector<16xf32>,
      %swap3A_59 = arith.index_cast %scan3A_56 : i32 to index
      %swap3A_60 = arith.constant 16 : index
      %swap3A_61 = tpu.vector_load %arg11[%swap3A_59, %swap3A_60] {strides = array<i32>} : memref<400x32xf32, #tpu.memory_space<vmem>>, vector<16xf32>,
      tpu.vector_store %arg11[%swap3A_59, %swap3A_60], %broadcast_in_dim3A_0 {strides = array<i32>} : memref<400x32xf32, #tpu.memory_space<vmem>>, vector<16xf32>,
    }
    %scan3A_4 = arith.constant 400 : i32
    %mul3A = arith.constant 3200 : i32
    %mul3A_5 = arith.muli %arg1, %mul3A : i32
    %add3A = arith.constant 0 : i32
    %add3A_6 = arith.addi %mul3A_5, %add3A : i32
    "tpu.region"() ({
      %run_scoped3A = tpu.sem_alloc : memref<!tpu.dma_semaphore, #tpu.memory_space<semaphore_mem>>
      %dma_start3A = arith.constant 0 : i32
      %dma_start3A_56 = tpu.memref_slice %arg14[%add3A_6, %dma_start3A] : memref<51200x32xf32, #tpu.memory_space<vmem_shared>> -> memref<400x32xf32, #tpu.memory_space<vmem_shared>>
      %dma_start3A_57 = arith.constant 0 : i32
      %dma_start3A_58 = tpu.memref_slice %arg14[%add3A_6, %dma_start3A_57] : memref<51200x32xf32, #tpu.memory_space<vmem_shared>> -> memref<400x32xf32, #tpu.memory_space<vmem_shared>>
      tpu.enqueue_dma source(%arg11 : memref<400x32xf32, #tpu.memory_space<vmem>>) target(%dma_start3A_58 : memref<400x32xf32, #tpu.memory_space<vmem_shared>>) target_semaphore(%run_scoped3A : memref<!tpu.dma_semaphore, #tpu.memory_space<semaphore_mem>>)
      %dma_wait3A = arith.constant 0 : i32
      %dma_wait3A_59 = tpu.memref_slice %arg14[%add3A_6, %dma_wait3A] : memref<51200x32xf32, #tpu.memory_space<vmem_shared>> -> memref<400x32xf32, #tpu.memory_space<vmem_shared>>
      %dma_wait3A_60 = arith.constant 0 : i32
      %dma_wait3A_61 = tpu.memref_slice %arg14[%add3A_6, %dma_wait3A_60] : memref<51200x32xf32, #tpu.memory_space<vmem_shared>> -> memref<400x32xf32, #tpu.memory_space<vmem_shared>>
      tpu.wait_dma2 semaphore(%run_scoped3A : memref<!tpu.dma_semaphore, #tpu.memory_space<semaphore_mem>>) src(%arg11 : memref<400x32xf32, #tpu.memory_space<vmem>>) dst(%dma_wait3A_61 : memref<400x32xf32, #tpu.memory_space<vmem_shared>>)
      tpu.yield
    }) : () -> ()
    %mul3A_7 = arith.constant 3200 : i32
    %mul3A_8 = arith.muli %arg1, %mul3A_7 : i32
    %add3A_9 = arith.constant 400 : i32
    %add3A_10 = arith.addi %mul3A_8, %add3A_9 : i32
    "tpu.region"() ({
      %run_scoped3A = tpu.sem_alloc : memref<!tpu.dma_semaphore, #tpu.memory_space<semaphore_mem>>
      %dma_start3A = arith.constant 0 : i32
      %dma_start3A_56 = tpu.memref_slice %arg14[%add3A_10, %dma_start3A] : memref<51200x32xf32, #tpu.memory_space<vmem_shared>> -> memref<400x32xf32, #tpu.memory_space<vmem_shared>>
      %dma_start3A_57 = arith.constant 0 : i32
      %dma_start3A_58 = tpu.memref_slice %arg14[%add3A_10, %dma_start3A_57] : memref<51200x32xf32, #tpu.memory_space<vmem_shared>> -> memref<400x32xf32, #tpu.memory_space<vmem_shared>>
      tpu.enqueue_dma source(%arg11 : memref<400x32xf32, #tpu.memory_space<vmem>>) target(%dma_start3A_58 : memref<400x32xf32, #tpu.memory_space<vmem_shared>>) target_semaphore(%run_scoped3A : memref<!tpu.dma_semaphore, #tpu.memory_space<semaphore_mem>>)
      %dma_wait3A = arith.constant 0 : i32
      %dma_wait3A_59 = tpu.memref_slice %arg14[%add3A_10, %dma_wait3A] : memref<51200x32xf32, #tpu.memory_space<vmem_shared>> -> memref<400x32xf32, #tpu.memory_space<vmem_shared>>
      %dma_wait3A_60 = arith.constant 0 : i32
      %dma_wait3A_61 = tpu.memref_slice %arg14[%add3A_10, %dma_wait3A_60] : memref<51200x32xf32, #tpu.memory_space<vmem_shared>> -> memref<400x32xf32, #tpu.memory_space<vmem_shared>>
      tpu.wait_dma2 semaphore(%run_scoped3A : memref<!tpu.dma_semaphore, #tpu.memory_space<semaphore_mem>>) src(%arg11 : memref<400x32xf32, #tpu.memory_space<vmem>>) dst(%dma_wait3A_61 : memref<400x32xf32, #tpu.memory_space<vmem_shared>>)
      tpu.yield
    }) : () -> ()
    %mul3A_11 = arith.constant 3200 : i32
    %mul3A_12 = arith.muli %arg1, %mul3A_11 : i32
    %add3A_13 = arith.constant 800 : i32
    %add3A_14 = arith.addi %mul3A_12, %add3A_13 : i32
    "tpu.region"() ({
      %run_scoped3A = tpu.sem_alloc : memref<!tpu.dma_semaphore, #tpu.memory_space<semaphore_mem>>
      %dma_start3A = arith.constant 0 : i32
      %dma_start3A_56 = tpu.memref_slice %arg14[%add3A_14, %dma_start3A] : memref<51200x32xf32, #tpu.memory_space<vmem_shared>> -> memref<400x32xf32, #tpu.memory_space<vmem_shared>>
      %dma_start3A_57 = arith.constant 0 : i32
      %dma_start3A_58 = tpu.memref_slice %arg14[%add3A_14, %dma_start3A_57] : memref<51200x32xf32, #tpu.memory_space<vmem_shared>> -> memref<400x32xf32, #tpu.memory_space<vmem_shared>>
      tpu.enqueue_dma source(%arg11 : memref<400x32xf32, #tpu.memory_space<vmem>>) target(%dma_start3A_58 : memref<400x32xf32, #tpu.memory_space<vmem_shared>>) target_semaphore(%run_scoped3A : memref<!tpu.dma_semaphore, #tpu.memory_space<semaphore_mem>>)
      %dma_wait3A = arith.constant 0 : i32
      %dma_wait3A_59 = tpu.memref_slice %arg14[%add3A_14, %dma_wait3A] : memref<51200x32xf32, #tpu.memory_space<vmem_shared>> -> memref<400x32xf32, #tpu.memory_space<vmem_shared>>
      %dma_wait3A_60 = arith.constant 0 : i32
      %dma_wait3A_61 = tpu.memref_slice %arg14[%add3A_14, %dma_wait3A_60] : memref<51200x32xf32, #tpu.memory_space<vmem_shared>> -> memref<400x32xf32, #tpu.memory_space<vmem_shared>>
      tpu.wait_dma2 semaphore(%run_scoped3A : memref<!tpu.dma_semaphore, #tpu.memory_space<semaphore_mem>>) src(%arg11 : memref<400x32xf32, #tpu.memory_space<vmem>>) dst(%dma_wait3A_61 : memref<400x32xf32, #tpu.memory_space<vmem_shared>>)
      tpu.yield
    }) : () -> ()
    %mul3A_15 = arith.constant 3200 : i32
    %mul3A_16 = arith.muli %arg1, %mul3A_15 : i32
    %add3A_17 = arith.constant 1200 : i32
    %add3A_18 = arith.addi %mul3A_16, %add3A_17 : i32
    "tpu.region"() ({
      %run_scoped3A = tpu.sem_alloc : memref<!tpu.dma_semaphore, #tpu.memory_space<semaphore_mem>>
      %dma_start3A = arith.constant 0 : i32
      %dma_start3A_56 = tpu.memref_slice %arg14[%add3A_18, %dma_start3A] : memref<51200x32xf32, #tpu.memory_space<vmem_shared>> -> memref<400x32xf32, #tpu.memory_space<vmem_shared>>
      %dma_start3A_57 = arith.constant 0 : i32
      %dma_start3A_58 = tpu.memref_slice %arg14[%add3A_18, %dma_start3A_57] : memref<51200x32xf32, #tpu.memory_space<vmem_shared>> -> memref<400x32xf32, #tpu.memory_space<vmem_shared>>
      tpu.enqueue_dma source(%arg11 : memref<400x32xf32, #tpu.memory_space<vmem>>) target(%dma_start3A_58 : memref<400x32xf32, #tpu.memory_space<vmem_shared>>) target_semaphore(%run_scoped3A : memref<!tpu.dma_semaphore, #tpu.memory_space<semaphore_mem>>)
      %dma_wait3A = arith.constant 0 : i32
      %dma_wait3A_59 = tpu.memref_slice %arg14[%add3A_18, %dma_wait3A] : memref<51200x32xf32, #tpu.memory_space<vmem_shared>> -> memref<400x32xf32, #tpu.memory_space<vmem_shared>>
      %dma_wait3A_60 = arith.constant 0 : i32
      %dma_wait3A_61 = tpu.memref_slice %arg14[%add3A_18, %dma_wait3A_60] : memref<51200x32xf32, #tpu.memory_space<vmem_shared>> -> memref<400x32xf32, #tpu.memory_space<vmem_shared>>
      tpu.wait_dma2 semaphore(%run_scoped3A : memref<!tpu.dma_semaphore, #tpu.memory_space<semaphore_mem>>) src(%arg11 : memref<400x32xf32, #tpu.memory_space<vmem>>) dst(%dma_wait3A_61 : memref<400x32xf32, #tpu.memory_space<vmem_shared>>)
      tpu.yield
    }) : () -> ()
    %mul3A_19 = arith.constant 3200 : i32
    %mul3A_20 = arith.muli %arg1, %mul3A_19 : i32
    %add3A_21 = arith.constant 1600 : i32
    %add3A_22 = arith.addi %mul3A_20, %add3A_21 : i32
    "tpu.region"() ({
      %run_scoped3A = tpu.sem_alloc : memref<!tpu.dma_semaphore, #tpu.memory_space<semaphore_mem>>
      %dma_start3A = arith.constant 0 : i32
      %dma_start3A_56 = tpu.memref_slice %arg14[%add3A_22, %dma_start3A] : memref<51200x32xf32, #tpu.memory_space<vmem_shared>> -> memref<400x32xf32, #tpu.memory_space<vmem_shared>>
      %dma_start3A_57 = arith.constant 0 : i32
      %dma_start3A_58 = tpu.memref_slice %arg14[%add3A_22, %dma_start3A_57] : memref<51200x32xf32, #tpu.memory_space<vmem_shared>> -> memref<400x32xf32, #tpu.memory_space<vmem_shared>>
      tpu.enqueue_dma source(%arg11 : memref<400x32xf32, #tpu.memory_space<vmem>>) target(%dma_start3A_58 : memref<400x32xf32, #tpu.memory_space<vmem_shared>>) target_semaphore(%run_scoped3A : memref<!tpu.dma_semaphore, #tpu.memory_space<semaphore_mem>>)
      %dma_wait3A = arith.constant 0 : i32
      %dma_wait3A_59 = tpu.memref_slice %arg14[%add3A_22, %dma_wait3A] : memref<51200x32xf32, #tpu.memory_space<vmem_shared>> -> memref<400x32xf32, #tpu.memory_space<vmem_shared>>
      %dma_wait3A_60 = arith.constant 0 : i32
      %dma_wait3A_61 = tpu.memref_slice %arg14[%add3A_22, %dma_wait3A_60] : memref<51200x32xf32, #tpu.memory_space<vmem_shared>> -> memref<400x32xf32, #tpu.memory_space<vmem_shared>>
      tpu.wait_dma2 semaphore(%run_scoped3A : memref<!tpu.dma_semaphore, #tpu.memory_space<semaphore_mem>>) src(%arg11 : memref<400x32xf32, #tpu.memory_space<vmem>>) dst(%dma_wait3A_61 : memref<400x32xf32, #tpu.memory_space<vmem_shared>>)
      tpu.yield
    }) : () -> ()
    %mul3A_23 = arith.constant 3200 : i32
    %mul3A_24 = arith.muli %arg1, %mul3A_23 : i32
    %add3A_25 = arith.constant 2000 : i32
    %add3A_26 = arith.addi %mul3A_24, %add3A_25 : i32
    "tpu.region"() ({
      %run_scoped3A = tpu.sem_alloc : memref<!tpu.dma_semaphore, #tpu.memory_space<semaphore_mem>>
      %dma_start3A = arith.constant 0 : i32
      %dma_start3A_56 = tpu.memref_slice %arg14[%add3A_26, %dma_start3A] : memref<51200x32xf32, #tpu.memory_space<vmem_shared>> -> memref<400x32xf32, #tpu.memory_space<vmem_shared>>
      %dma_start3A_57 = arith.constant 0 : i32
      %dma_start3A_58 = tpu.memref_slice %arg14[%add3A_26, %dma_start3A_57] : memref<51200x32xf32, #tpu.memory_space<vmem_shared>> -> memref<400x32xf32, #tpu.memory_space<vmem_shared>>
      tpu.enqueue_dma source(%arg11 : memref<400x32xf32, #tpu.memory_space<vmem>>) target(%dma_start3A_58 : memref<400x32xf32, #tpu.memory_space<vmem_shared>>) target_semaphore(%run_scoped3A : memref<!tpu.dma_semaphore, #tpu.memory_space<semaphore_mem>>)
      %dma_wait3A = arith.constant 0 : i32
      %dma_wait3A_59 = tpu.memref_slice %arg14[%add3A_26, %dma_wait3A] : memref<51200x32xf32, #tpu.memory_space<vmem_shared>> -> memref<400x32xf32, #tpu.memory_space<vmem_shared>>
      %dma_wait3A_60 = arith.constant 0 : i32
      %dma_wait3A_61 = tpu.memref_slice %arg14[%add3A_26, %dma_wait3A_60] : memref<51200x32xf32, #tpu.memory_space<vmem_shared>> -> memref<400x32xf32, #tpu.memory_space<vmem_shared>>
      tpu.wait_dma2 semaphore(%run_scoped3A : memref<!tpu.dma_semaphore, #tpu.memory_space<semaphore_mem>>) src(%arg11 : memref<400x32xf32, #tpu.memory_space<vmem>>) dst(%dma_wait3A_61 : memref<400x32xf32, #tpu.memory_space<vmem_shared>>)
      tpu.yield
    }) : () -> ()
    %mul3A_27 = arith.constant 3200 : i32
    %mul3A_28 = arith.muli %arg1, %mul3A_27 : i32
    %add3A_29 = arith.constant 2400 : i32
    %add3A_30 = arith.addi %mul3A_28, %add3A_29 : i32
    "tpu.region"() ({
      %run_scoped3A = tpu.sem_alloc : memref<!tpu.dma_semaphore, #tpu.memory_space<semaphore_mem>>
      %dma_start3A = arith.constant 0 : i32
      %dma_start3A_56 = tpu.memref_slice %arg14[%add3A_30, %dma_start3A] : memref<51200x32xf32, #tpu.memory_space<vmem_shared>> -> memref<400x32xf32, #tpu.memory_space<vmem_shared>>
      %dma_start3A_57 = arith.constant 0 : i32
      %dma_start3A_58 = tpu.memref_slice %arg14[%add3A_30, %dma_start3A_57] : memref<51200x32xf32, #tpu.memory_space<vmem_shared>> -> memref<400x32xf32, #tpu.memory_space<vmem_shared>>
      tpu.enqueue_dma source(%arg11 : memref<400x32xf32, #tpu.memory_space<vmem>>) target(%dma_start3A_58 : memref<400x32xf32, #tpu.memory_space<vmem_shared>>) target_semaphore(%run_scoped3A : memref<!tpu.dma_semaphore, #tpu.memory_space<semaphore_mem>>)
      %dma_wait3A = arith.constant 0 : i32
      %dma_wait3A_59 = tpu.memref_slice %arg14[%add3A_30, %dma_wait3A] : memref<51200x32xf32, #tpu.memory_space<vmem_shared>> -> memref<400x32xf32, #tpu.memory_space<vmem_shared>>
      %dma_wait3A_60 = arith.constant 0 : i32
      %dma_wait3A_61 = tpu.memref_slice %arg14[%add3A_30, %dma_wait3A_60] : memref<51200x32xf32, #tpu.memory_space<vmem_shared>> -> memref<400x32xf32, #tpu.memory_space<vmem_shared>>
      tpu.wait_dma2 semaphore(%run_scoped3A : memref<!tpu.dma_semaphore, #tpu.memory_space<semaphore_mem>>) src(%arg11 : memref<400x32xf32, #tpu.memory_space<vmem>>) dst(%dma_wait3A_61 : memref<400x32xf32, #tpu.memory_space<vmem_shared>>)
      tpu.yield
    }) : () -> ()
    %mul3A_31 = arith.constant 3200 : i32
    %mul3A_32 = arith.muli %arg1, %mul3A_31 : i32
    %add3A_33 = arith.constant 2800 : i32
    %add3A_34 = arith.addi %mul3A_32, %add3A_33 : i32
    "tpu.region"() ({
      %run_scoped3A = tpu.sem_alloc : memref<!tpu.dma_semaphore, #tpu.memory_space<semaphore_mem>>
      %dma_start3A = arith.constant 0 : i32
      %dma_start3A_56 = tpu.memref_slice %arg14[%add3A_34, %dma_start3A] : memref<51200x32xf32, #tpu.memory_space<vmem_shared>> -> memref<400x32xf32, #tpu.memory_space<vmem_shared>>
      %dma_start3A_57 = arith.constant 0 : i32
      %dma_start3A_58 = tpu.memref_slice %arg14[%add3A_34, %dma_start3A_57] : memref<51200x32xf32, #tpu.memory_space<vmem_shared>> -> memref<400x32xf32, #tpu.memory_space<vmem_shared>>
      tpu.enqueue_dma source(%arg11 : memref<400x32xf32, #tpu.memory_space<vmem>>) target(%dma_start3A_58 : memref<400x32xf32, #tpu.memory_space<vmem_shared>>) target_semaphore(%run_scoped3A : memref<!tpu.dma_semaphore, #tpu.memory_space<semaphore_mem>>)
      %dma_wait3A = arith.constant 0 : i32
      %dma_wait3A_59 = tpu.memref_slice %arg14[%add3A_34, %dma_wait3A] : memref<51200x32xf32, #tpu.memory_space<vmem_shared>> -> memref<400x32xf32, #tpu.memory_space<vmem_shared>>
      %dma_wait3A_60 = arith.constant 0 : i32
      %dma_wait3A_61 = tpu.memref_slice %arg14[%add3A_34, %dma_wait3A_60] : memref<51200x32xf32, #tpu.memory_space<vmem_shared>> -> memref<400x32xf32, #tpu.memory_space<vmem_shared>>
      tpu.wait_dma2 semaphore(%run_scoped3A : memref<!tpu.dma_semaphore, #tpu.memory_space<semaphore_mem>>) src(%arg11 : memref<400x32xf32, #tpu.memory_space<vmem>>) dst(%dma_wait3A_61 : memref<400x32xf32, #tpu.memory_space<vmem_shared>>)
      tpu.yield
    }) : () -> ()
    %barrier3A = arith.constant 0 : index
    tpu.barrier barrier_id(%barrier3A)
    %mul3A_35 = arith.constant 51200 : i32
    %mul3A_36 = arith.muli %arg0, %mul3A_35 : i32
    %mul3A_37 = arith.constant 2 : i32
    %mul3A_38 = arith.muli %mul3A_37, %arg0 : i32
    %broadcast_in_dim3A_39 = vector.broadcast %mul3A_38 : i32 to vector<16xi32>
    %add3A_40 = arith.constant 1 : i32
    %add3A_41 = vector.broadcast %add3A_40 : i32 to vector<16xi32>
    %add3A_42 = arith.addi %broadcast_in_dim3A_39, %add3A_41 : vector<16xi32>
    %mul3A_43 = arith.constant 50000 : i32
    %mul3A_44 = arith.muli %arg1, %mul3A_43 : i32
    %scan3A_45 = arith.constant 0 : i32
    %scan3A_46 = arith.constant 125 : i32
    %scan3A_47 = arith.addi %scan3A_45, %scan3A_46 : i32
    %scan3A_48 = arith.constant 1 : i32
    scf.for %scan3A_56 = %scan3A_45 to %scan3A_47 step %scan3A_48  : i32 {
      %mul3A_57 = arith.constant 400 : i32
      %mul3A_58 = arith.muli %scan3A_56, %mul3A_57 : i32
      %add3A_59 = arith.addi %mul3A_44, %mul3A_58 : i32
      "tpu.region"() ({
        %run_scoped3A = tpu.sem_alloc : memref<!tpu.dma_semaphore, #tpu.memory_space<semaphore_mem>>
        %dma_start3A_71 = tpu.memref_slice %arg2[%add3A_59] : memref<800000xi32, #tpu.memory_space<hbm>> -> memref<400xi32, #tpu.memory_space<hbm>>
        %dma_start3A_72 = tpu.memref_slice %arg2[%add3A_59] : memref<800000xi32, #tpu.memory_space<hbm>> -> memref<400xi32, #tpu.memory_space<hbm>>
        tpu.enqueue_dma source(%dma_start3A_72 : memref<400xi32, #tpu.memory_space<hbm>>) target(%arg8 : memref<400xi32, #tpu.memory_space<vmem>>) target_semaphore(%run_scoped3A : memref<!tpu.dma_semaphore, #tpu.memory_space<semaphore_mem>>)
        %dma_wait3A_73 = tpu.memref_slice %arg2[%add3A_59] : memref<800000xi32, #tpu.memory_space<hbm>> -> memref<400xi32, #tpu.memory_space<hbm>>
        %dma_wait3A_74 = tpu.memref_slice %arg2[%add3A_59] : memref<800000xi32, #tpu.memory_space<hbm>> -> memref<400xi32, #tpu.memory_space<hbm>>
        tpu.wait_dma2 semaphore(%run_scoped3A : memref<!tpu.dma_semaphore, #tpu.memory_space<semaphore_mem>>) src(%dma_wait3A_74 : memref<400xi32, #tpu.memory_space<hbm>>) dst(%arg8 : memref<400xi32, #tpu.memory_space<vmem>>)
        tpu.yield
      }) : () -> ()
      "tpu.region"() ({
        %run_scoped3A = tpu.sem_alloc : memref<!tpu.dma_semaphore, #tpu.memory_space<semaphore_mem>>
        %dma_start3A_71 = tpu.memref_slice %arg3[%add3A_59] : memref<800000xi32, #tpu.memory_space<hbm>> -> memref<400xi32, #tpu.memory_space<hbm>>
        %dma_start3A_72 = tpu.memref_slice %arg3[%add3A_59] : memref<800000xi32, #tpu.memory_space<hbm>> -> memref<400xi32, #tpu.memory_space<hbm>>
        tpu.enqueue_dma source(%dma_start3A_72 : memref<400xi32, #tpu.memory_space<hbm>>) target(%arg9 : memref<400xi32, #tpu.memory_space<vmem>>) target_semaphore(%run_scoped3A : memref<!tpu.dma_semaphore, #tpu.memory_space<semaphore_mem>>)
        %dma_wait3A_73 = tpu.memref_slice %arg3[%add3A_59] : memref<800000xi32, #tpu.memory_space<hbm>> -> memref<400xi32, #tpu.memory_space<hbm>>
        %dma_wait3A_74 = tpu.memref_slice %arg3[%add3A_59] : memref<800000xi32, #tpu.memory_space<hbm>> -> memref<400xi32, #tpu.memory_space<hbm>>
        tpu.wait_dma2 semaphore(%run_scoped3A : memref<!tpu.dma_semaphore, #tpu.memory_space<semaphore_mem>>) src(%dma_wait3A_74 : memref<400xi32, #tpu.memory_space<hbm>>) dst(%arg9 : memref<400xi32, #tpu.memory_space<vmem>>)
        tpu.yield
      }) : () -> ()
      "tpu.region"() ({
        %run_scoped3A = tpu.sem_alloc : memref<!tpu.dma_semaphore, #tpu.memory_space<semaphore_mem>>
        %dma_start3A_71 = arith.constant 0 : i32
        %dma_start3A_72 = tpu.memref_slice %arg4[%add3A_59, %dma_start3A_71] : memref<800000x4xf32, #tpu.memory_space<hbm>> -> memref<400x4xf32, #tpu.memory_space<hbm>>
        %dma_start3A_73 = arith.constant 0 : i32
        %dma_start3A_74 = tpu.memref_slice %arg4[%add3A_59, %dma_start3A_73] : memref<800000x4xf32, #tpu.memory_space<hbm>> -> memref<400x4xf32, #tpu.memory_space<hbm>>
        tpu.enqueue_dma source(%dma_start3A_74 : memref<400x4xf32, #tpu.memory_space<hbm>>) target(%arg10 : memref<400x4xf32, #tpu.memory_space<vmem>>) target_semaphore(%run_scoped3A : memref<!tpu.dma_semaphore, #tpu.memory_space<semaphore_mem>>)
        %dma_wait3A_75 = arith.constant 0 : i32
        %dma_wait3A_76 = tpu.memref_slice %arg4[%add3A_59, %dma_wait3A_75] : memref<800000x4xf32, #tpu.memory_space<hbm>> -> memref<400x4xf32, #tpu.memory_space<hbm>>
        %dma_wait3A_77 = arith.constant 0 : i32
        %dma_wait3A_78 = tpu.memref_slice %arg4[%add3A_59, %dma_wait3A_77] : memref<800000x4xf32, #tpu.memory_space<hbm>> -> memref<400x4xf32, #tpu.memory_space<hbm>>
        tpu.wait_dma2 semaphore(%run_scoped3A : memref<!tpu.dma_semaphore, #tpu.memory_space<semaphore_mem>>) src(%dma_wait3A_78 : memref<400x4xf32, #tpu.memory_space<hbm>>) dst(%arg10 : memref<400x4xf32, #tpu.memory_space<vmem>>)
        tpu.yield
      }) : () -> ()
      %scan3A_60 = arith.constant 0 : i32
      %scan3A_61 = arith.constant 25 : i32
      %scan3A_62 = arith.addi %scan3A_60, %scan3A_61 : i32
      %scan3A_63 = arith.constant 1 : i32
      scf.for %scan3A_71 = %scan3A_60 to %scan3A_62 step %scan3A_63  : i32 {
        %mul3A_72 = arith.constant 16 : i32
        %mul3A_73 = arith.muli %scan3A_71, %mul3A_72 : i32
        %get3A = arith.index_cast %mul3A_73 : i32 to index
        %get3A_74 = tpu.vector_load %arg8[%get3A] {strides = array<i32>} : memref<400xi32, #tpu.memory_space<vmem>>, vector<16xi32>,
        %add3A_75 = vector.broadcast %mul3A_36 : i32 to vector<16xi32>
        %add3A_76 = arith.addi %get3A_74, %add3A_75 : vector<16xi32>
        %swap3A = arith.index_cast %mul3A_73 : i32 to index
        %swap3A_77 = tpu.vector_load %arg8[%swap3A] {strides = array<i32>} : memref<400xi32, #tpu.memory_space<vmem>>, vector<16xi32>,
        tpu.vector_store %arg8[%swap3A], %add3A_76 {strides = array<i32>} : memref<400xi32, #tpu.memory_space<vmem>>, vector<16xi32>,
      }
      %scan3A_64 = arith.constant 25 : i32
      %dma_start3A = arith.constant 0 : i32
      %dma_start3A_65 = arith.constant 0 : i32
      %dma_start3A_66 = tpu.memref_slice %arg5[%dma_start3A, %dma_start3A_65] : memref<102400x32xf32, #tpu.memory_space<hbm>> -> memref<102400x32xf32, #tpu.memory_space<hbm>>
      tpu.enqueue_indirect_dma source(%dma_start3A_66 : memref<102400x32xf32, #tpu.memory_space<hbm>>) target(%arg11 : memref<400x32xf32, #tpu.memory_space<vmem>>) offsets(%arg8 : memref<400xi32, #tpu.memory_space<vmem>>) semaphore(%arg15 : memref<!tpu.dma_semaphore, #tpu.memory_space<semaphore_mem>>)
      %dma_wait3A = arith.constant 0 : i32
      %dma_wait3A_67 = arith.constant 0 : i32
      %dma_wait3A_68 = tpu.memref_slice %arg5[%dma_wait3A, %dma_wait3A_67] : memref<102400x32xf32, #tpu.memory_space<hbm>> -> memref<102400x32xf32, #tpu.memory_space<hbm>>
      tpu.wait_indirect_dma semaphore(%arg15 : memref<!tpu.dma_semaphore, #tpu.memory_space<semaphore_mem>>) src(%dma_wait3A_68 : memref<102400x32xf32, #tpu.memory_space<hbm>>) dst(%arg11 : memref<400x32xf32, #tpu.memory_space<vmem>>)
      %parallel_loop3A = arith.constant 0 : i32
      %parallel_loop3A_69 = arith.constant 400 : i32
      %parallel_loop3A_70 = arith.constant 1 : i32
      scf.for %parallel_loop3A_71 = %parallel_loop3A to %parallel_loop3A_69 step %parallel_loop3A_70  : i32 {
        %parallel_loop3A_72 = vector.broadcast %parallel_loop3A_71 : i32 to vector<16xi32>
        %parallel_loop3A_73 = tpu.vector_load_idx %arg10[%parallel_loop3A_72, %broadcast_in_dim3A_39] : memref<400x4xf32, #tpu.memory_space<vmem>>[vector<16xi32>, vector<16xi32>], vector<16xf32>,
        %parallel_loop3A_74 = arith.index_cast %parallel_loop3A_71 : i32 to index
        %parallel_loop3A_75 = arith.constant 0 : index
        %parallel_loop3A_76 = tpu.vector_load %arg11[%parallel_loop3A_74, %parallel_loop3A_75] {strides = array<i32>} : memref<400x32xf32, #tpu.memory_space<vmem>>, vector<16xf32>,
        %parallel_loop3A_77 = arith.mulf %parallel_loop3A_76, %parallel_loop3A_73 : vector<16xf32>
        %parallel_loop3A_78 = arith.index_cast %parallel_loop3A_71 : i32 to index
        %parallel_loop3A_79 = arith.constant 0 : index
        %parallel_loop3A_80 = tpu.vector_load %arg11[%parallel_loop3A_78, %parallel_loop3A_79] {strides = array<i32>} : memref<400x32xf32, #tpu.memory_space<vmem>>, vector<16xf32>,
        tpu.vector_store %arg11[%parallel_loop3A_78, %parallel_loop3A_79], %parallel_loop3A_77 {strides = array<i32>} : memref<400x32xf32, #tpu.memory_space<vmem>>, vector<16xf32>,
        %parallel_loop3A_81 = tpu.vector_load_idx %arg10[%parallel_loop3A_72, %add3A_42] : memref<400x4xf32, #tpu.memory_space<vmem>>[vector<16xi32>, vector<16xi32>], vector<16xf32>,
        %parallel_loop3A_82 = arith.index_cast %parallel_loop3A_71 : i32 to index
        %parallel_loop3A_83 = arith.constant 16 : index
        %parallel_loop3A_84 = tpu.vector_load %arg11[%parallel_loop3A_82, %parallel_loop3A_83] {strides = array<i32>} : memref<400x32xf32, #tpu.memory_space<vmem>>, vector<16xf32>,
        %parallel_loop3A_85 = arith.mulf %parallel_loop3A_84, %parallel_loop3A_81 : vector<16xf32>
        %parallel_loop3A_86 = arith.index_cast %parallel_loop3A_71 : i32 to index
        %parallel_loop3A_87 = arith.constant 16 : index
        %parallel_loop3A_88 = tpu.vector_load %arg11[%parallel_loop3A_86, %parallel_loop3A_87] {strides = array<i32>} : memref<400x32xf32, #tpu.memory_space<vmem>>, vector<16xf32>,
        tpu.vector_store %arg11[%parallel_loop3A_86, %parallel_loop3A_87], %parallel_loop3A_85 {strides = array<i32>} : memref<400x32xf32, #tpu.memory_space<vmem>>, vector<16xf32>,
      } {sc.loop_unroll_factor = 8 : i64, sc.parallel_access}
      "tpu.region"() ({
        %run_scoped3A = tpu.sem_alloc : memref<!tpu.dma_semaphore, #tpu.memory_space<semaphore_mem>>
        %dma_start3A_71 = arith.constant 0 : i32
        %dma_start3A_72 = arith.constant 0 : i32
        %dma_start3A_73 = tpu.memref_slice %arg14[%dma_start3A_71, %dma_start3A_72] : memref<51200x32xf32, #tpu.memory_space<vmem_shared>> -> memref<51200x32xf32, #tpu.memory_space<vmem_shared>>
        tpu.enqueue_indirect_dma source(%arg11 : memref<400x32xf32, #tpu.memory_space<vmem>>) target(%dma_start3A_73 : memref<51200x32xf32, #tpu.memory_space<vmem_shared>>) offsets(%arg9 : memref<400xi32, #tpu.memory_space<vmem>>) semaphore(%run_scoped3A : memref<!tpu.dma_semaphore, #tpu.memory_space<semaphore_mem>>) {add = true}
        %dma_wait3A_74 = arith.constant 0 : i32
        %dma_wait3A_75 = arith.constant 0 : i32
        %dma_wait3A_76 = tpu.memref_slice %arg14[%dma_wait3A_74, %dma_wait3A_75] : memref<51200x32xf32, #tpu.memory_space<vmem_shared>> -> memref<51200x32xf32, #tpu.memory_space<vmem_shared>>
        tpu.wait_indirect_dma semaphore(%run_scoped3A : memref<!tpu.dma_semaphore, #tpu.memory_space<semaphore_mem>>) src(%arg11 : memref<400x32xf32, #tpu.memory_space<vmem>>) dst(%dma_wait3A_76 : memref<51200x32xf32, #tpu.memory_space<vmem_shared>>)
        tpu.yield
      }) : () -> ()
    }
    %scan3A_49 = arith.constant 125 : i32
    %barrier3A_50 = arith.constant 0 : index
    tpu.barrier barrier_id(%barrier3A_50)
    %scan3A_51 = arith.constant 0 : i32
    %scan3A_52 = arith.constant 16 : i32
    %scan3A_53 = arith.addi %scan3A_51, %scan3A_52 : i32
    %scan3A_54 = arith.constant 1 : i32
    scf.for %scan3A_56 = %scan3A_51 to %scan3A_53 step %scan3A_54  : i32 {
      %mul3A_57 = arith.constant 3200 : i32
      %mul3A_58 = arith.muli %arg1, %mul3A_57 : i32
      %mul3A_59 = arith.constant 200 : i32
      %mul3A_60 = arith.muli %scan3A_56, %mul3A_59 : i32
      %add3A_61 = arith.addi %mul3A_58, %mul3A_60 : i32
      "tpu.region"() ({
        %run_scoped3A = tpu.sem_alloc : memref<!tpu.dma_semaphore, #tpu.memory_space<semaphore_mem>>
        %dma_start3A = arith.constant 0 : i32
        %dma_start3A_73 = tpu.memref_slice %arg6[%add3A_61, %dma_start3A] : memref<102400x16xf32, #tpu.memory_space<hbm>> -> memref<200x16xf32, #tpu.memory_space<hbm>>
        %dma_start3A_74 = arith.constant 0 : i32
        %dma_start3A_75 = tpu.memref_slice %arg6[%add3A_61, %dma_start3A_74] : memref<102400x16xf32, #tpu.memory_space<hbm>> -> memref<200x16xf32, #tpu.memory_space<hbm>>
        tpu.enqueue_dma source(%dma_start3A_75 : memref<200x16xf32, #tpu.memory_space<hbm>>) target(%arg12 : memref<200x16xf32, #tpu.memory_space<vmem>>) target_semaphore(%run_scoped3A : memref<!tpu.dma_semaphore, #tpu.memory_space<semaphore_mem>>)
        %dma_wait3A = arith.constant 0 : i32
        %dma_wait3A_76 = tpu.memref_slice %arg6[%add3A_61, %dma_wait3A] : memref<102400x16xf32, #tpu.memory_space<hbm>> -> memref<200x16xf32, #tpu.memory_space<hbm>>
        %dma_wait3A_77 = arith.constant 0 : i32
        %dma_wait3A_78 = tpu.memref_slice %arg6[%add3A_61, %dma_wait3A_77] : memref<102400x16xf32, #tpu.memory_space<hbm>> -> memref<200x16xf32, #tpu.memory_space<hbm>>
        tpu.wait_dma2 semaphore(%run_scoped3A : memref<!tpu.dma_semaphore, #tpu.memory_space<semaphore_mem>>) src(%dma_wait3A_78 : memref<200x16xf32, #tpu.memory_space<hbm>>) dst(%arg12 : memref<200x16xf32, #tpu.memory_space<vmem>>)
        tpu.yield
      }) : () -> ()
      %add3A_62 = arith.constant 51200 : i32
      %add3A_63 = arith.addi %add3A_62, %add3A_61 : i32
      "tpu.region"() ({
        %run_scoped3A = tpu.sem_alloc : memref<!tpu.dma_semaphore, #tpu.memory_space<semaphore_mem>>
        %dma_start3A = arith.constant 0 : i32
        %dma_start3A_73 = tpu.memref_slice %arg6[%add3A_63, %dma_start3A] : memref<102400x16xf32, #tpu.memory_space<hbm>> -> memref<200x16xf32, #tpu.memory_space<hbm>>
        %dma_start3A_74 = arith.constant 0 : i32
        %dma_start3A_75 = tpu.memref_slice %arg6[%add3A_63, %dma_start3A_74] : memref<102400x16xf32, #tpu.memory_space<hbm>> -> memref<200x16xf32, #tpu.memory_space<hbm>>
        tpu.enqueue_dma source(%dma_start3A_75 : memref<200x16xf32, #tpu.memory_space<hbm>>) target(%arg13 : memref<200x16xf32, #tpu.memory_space<vmem>>) target_semaphore(%run_scoped3A : memref<!tpu.dma_semaphore, #tpu.memory_space<semaphore_mem>>)
        %dma_wait3A = arith.constant 0 : i32
        %dma_wait3A_76 = tpu.memref_slice %arg6[%add3A_63, %dma_wait3A] : memref<102400x16xf32, #tpu.memory_space<hbm>> -> memref<200x16xf32, #tpu.memory_space<hbm>>
        %dma_wait3A_77 = arith.constant 0 : i32
        %dma_wait3A_78 = tpu.memref_slice %arg6[%add3A_63, %dma_wait3A_77] : memref<102400x16xf32, #tpu.memory_space<hbm>> -> memref<200x16xf32, #tpu.memory_space<hbm>>
        tpu.wait_dma2 semaphore(%run_scoped3A : memref<!tpu.dma_semaphore, #tpu.memory_space<semaphore_mem>>) src(%dma_wait3A_78 : memref<200x16xf32, #tpu.memory_space<hbm>>) dst(%arg13 : memref<200x16xf32, #tpu.memory_space<vmem>>)
        tpu.yield
      }) : () -> ()
      "tpu.region"() ({
        %run_scoped3A = tpu.sem_alloc : memref<!tpu.dma_semaphore, #tpu.memory_space<semaphore_mem>>
        %dma_start3A = arith.constant 0 : i32
        %dma_start3A_73 = arith.constant 0 : i32
        %dma_start3A_74 = tpu.memref_slice %arg11[%dma_start3A, %dma_start3A_73] : memref<400x32xf32, #tpu.memory_space<vmem>> -> memref<200x32xf32, #tpu.memory_space<vmem>>
        %dma_start3A_75 = arith.constant 0 : i32
        %dma_start3A_76 = tpu.memref_slice %arg14[%add3A_61, %dma_start3A_75] : memref<51200x32xf32, #tpu.memory_space<vmem_shared>> -> memref<200x32xf32, #tpu.memory_space<vmem_shared>>
        %dma_start3A_77 = arith.constant 0 : i32
        %dma_start3A_78 = arith.constant 0 : i32
        %dma_start3A_79 = tpu.memref_slice %arg11[%dma_start3A_77, %dma_start3A_78] : memref<400x32xf32, #tpu.memory_space<vmem>> -> memref<200x32xf32, #tpu.memory_space<vmem>>
        %dma_start3A_80 = arith.constant 0 : i32
        %dma_start3A_81 = tpu.memref_slice %arg14[%add3A_61, %dma_start3A_80] : memref<51200x32xf32, #tpu.memory_space<vmem_shared>> -> memref<200x32xf32, #tpu.memory_space<vmem_shared>>
        tpu.enqueue_dma source(%dma_start3A_81 : memref<200x32xf32, #tpu.memory_space<vmem_shared>>) target(%dma_start3A_79 : memref<200x32xf32, #tpu.memory_space<vmem>>) target_semaphore(%run_scoped3A : memref<!tpu.dma_semaphore, #tpu.memory_space<semaphore_mem>>)
        %dma_wait3A = arith.constant 0 : i32
        %dma_wait3A_82 = arith.constant 0 : i32
        %dma_wait3A_83 = tpu.memref_slice %arg11[%dma_wait3A, %dma_wait3A_82] : memref<400x32xf32, #tpu.memory_space<vmem>> -> memref<200x32xf32, #tpu.memory_space<vmem>>
        %dma_wait3A_84 = arith.constant 0 : i32
        %dma_wait3A_85 = tpu.memref_slice %arg14[%add3A_61, %dma_wait3A_84] : memref<51200x32xf32, #tpu.memory_space<vmem_shared>> -> memref<200x32xf32, #tpu.memory_space<vmem_shared>>
        %dma_wait3A_86 = arith.constant 0 : i32
        %dma_wait3A_87 = arith.constant 0 : i32
        %dma_wait3A_88 = tpu.memref_slice %arg11[%dma_wait3A_86, %dma_wait3A_87] : memref<400x32xf32, #tpu.memory_space<vmem>> -> memref<200x32xf32, #tpu.memory_space<vmem>>
        %dma_wait3A_89 = arith.constant 0 : i32
        %dma_wait3A_90 = tpu.memref_slice %arg14[%add3A_61, %dma_wait3A_89] : memref<51200x32xf32, #tpu.memory_space<vmem_shared>> -> memref<200x32xf32, #tpu.memory_space<vmem_shared>>
        tpu.wait_dma2 semaphore(%run_scoped3A : memref<!tpu.dma_semaphore, #tpu.memory_space<semaphore_mem>>) src(%dma_wait3A_90 : memref<200x32xf32, #tpu.memory_space<vmem_shared>>) dst(%dma_wait3A_88 : memref<200x32xf32, #tpu.memory_space<vmem>>)
        tpu.yield
      }) : () -> ()
      %scan3A_64 = arith.constant 0 : i32
      %scan3A_65 = arith.constant 200 : i32
      %scan3A_66 = arith.addi %scan3A_64, %scan3A_65 : i32
      %scan3A_67 = arith.constant 1 : i32
      scf.for %scan3A_73 = %scan3A_64 to %scan3A_66 step %scan3A_67  : i32 {
        %get3A = arith.index_cast %scan3A_73 : i32 to index
        %get3A_74 = arith.constant 0 : index
        %get3A_75 = tpu.vector_load %arg12[%get3A, %get3A_74] {strides = array<i32>} : memref<200x16xf32, #tpu.memory_space<vmem>>, vector<16xf32>,
        %get3A_76 = arith.index_cast %scan3A_73 : i32 to index
        %get3A_77 = arith.constant 0 : index
        %get3A_78 = tpu.vector_load %arg13[%get3A_76, %get3A_77] {strides = array<i32>} : memref<200x16xf32, #tpu.memory_space<vmem>>, vector<16xf32>,
        %add3A_79 = arith.addf %get3A_75, %get3A_78 : vector<16xf32>
        %add3A_80 = arith.constant 1.000000e-16 : f32
        %add3A_81 = vector.broadcast %add3A_80 : f32 to vector<16xf32>
        %add3A_82 = arith.addf %add3A_79, %add3A_81 : vector<16xf32>
        %div3A = arith.constant 1.000000e+00 : f32
        %div3A_83 = vector.broadcast %div3A : f32 to vector<16xf32>
        %div3A_84 = arith.divf %div3A_83, %add3A_82 : vector<16xf32>
        %swap3A = arith.index_cast %scan3A_73 : i32 to index
        %swap3A_85 = arith.constant 0 : index
        %swap3A_86 = tpu.vector_load %arg12[%swap3A, %swap3A_85] {strides = array<i32>} : memref<200x16xf32, #tpu.memory_space<vmem>>, vector<16xf32>,
        tpu.vector_store %arg12[%swap3A, %swap3A_85], %div3A_84 {strides = array<i32>} : memref<200x16xf32, #tpu.memory_space<vmem>>, vector<16xf32>,
      }
      %scan3A_68 = arith.constant 200 : i32
      %parallel_loop3A = arith.constant 0 : i32
      %parallel_loop3A_69 = arith.constant 200 : i32
      %parallel_loop3A_70 = arith.constant 1 : i32
      scf.for %parallel_loop3A_73 = %parallel_loop3A to %parallel_loop3A_69 step %parallel_loop3A_70  : i32 {
        %parallel_loop3A_74 = vector.broadcast %parallel_loop3A_73 : i32 to vector<16xi32>
        %parallel_loop3A_75 = tpu.vector_load_idx %arg12[%parallel_loop3A_74, %broadcast_in_dim3A_39] : memref<200x16xf32, #tpu.memory_space<vmem>>[vector<16xi32>, vector<16xi32>], vector<16xf32>,
        %parallel_loop3A_76 = arith.index_cast %parallel_loop3A_73 : i32 to index
        %parallel_loop3A_77 = arith.constant 0 : index
        %parallel_loop3A_78 = tpu.vector_load %arg11[%parallel_loop3A_76, %parallel_loop3A_77] {strides = array<i32>} : memref<400x32xf32, #tpu.memory_space<vmem>>, vector<16xf32>,
        %parallel_loop3A_79 = arith.mulf %parallel_loop3A_78, %parallel_loop3A_75 : vector<16xf32>
        %parallel_loop3A_80 = arith.index_cast %parallel_loop3A_73 : i32 to index
        %parallel_loop3A_81 = arith.constant 0 : index
        %parallel_loop3A_82 = tpu.vector_load %arg11[%parallel_loop3A_80, %parallel_loop3A_81] {strides = array<i32>} : memref<400x32xf32, #tpu.memory_space<vmem>>, vector<16xf32>,
        tpu.vector_store %arg11[%parallel_loop3A_80, %parallel_loop3A_81], %parallel_loop3A_79 {strides = array<i32>} : memref<400x32xf32, #tpu.memory_space<vmem>>, vector<16xf32>,
        %parallel_loop3A_83 = tpu.vector_load_idx %arg12[%parallel_loop3A_74, %add3A_42] : memref<200x16xf32, #tpu.memory_space<vmem>>[vector<16xi32>, vector<16xi32>], vector<16xf32>,
        %parallel_loop3A_84 = arith.index_cast %parallel_loop3A_73 : i32 to index
        %parallel_loop3A_85 = arith.constant 16 : index
        %parallel_loop3A_86 = tpu.vector_load %arg11[%parallel_loop3A_84, %parallel_loop3A_85] {strides = array<i32>} : memref<400x32xf32, #tpu.memory_space<vmem>>, vector<16xf32>,
        %parallel_loop3A_87 = arith.mulf %parallel_loop3A_86, %parallel_loop3A_83 : vector<16xf32>
        %parallel_loop3A_88 = arith.index_cast %parallel_loop3A_73 : i32 to index
        %parallel_loop3A_89 = arith.constant 16 : index
        %parallel_loop3A_90 = tpu.vector_load %arg11[%parallel_loop3A_88, %parallel_loop3A_89] {strides = array<i32>} : memref<400x32xf32, #tpu.memory_space<vmem>>, vector<16xf32>,
        tpu.vector_store %arg11[%parallel_loop3A_88, %parallel_loop3A_89], %parallel_loop3A_87 {strides = array<i32>} : memref<400x32xf32, #tpu.memory_space<vmem>>, vector<16xf32>,
      } {sc.loop_unroll_factor = 8 : i64, sc.parallel_access}
      %mul3A_71 = arith.constant 32 : i32
      %mul3A_72 = arith.muli %arg0, %mul3A_71 : i32
      "tpu.region"() ({
        %run_scoped3A = tpu.sem_alloc : memref<!tpu.dma_semaphore, #tpu.memory_space<semaphore_mem>>
        %dma_start3A = arith.constant 0 : i32
        %dma_start3A_73 = arith.constant 0 : i32
        %dma_start3A_74 = tpu.memref_slice %arg11[%dma_start3A, %dma_start3A_73] : memref<400x32xf32, #tpu.memory_space<vmem>> -> memref<200x32xf32, #tpu.memory_space<vmem>>
        %dma_start3A_75 = tpu.memref_slice %arg7[%add3A_61, %mul3A_72] : memref<51200x128xf32, #tpu.memory_space<hbm>> -> memref<200x32xf32, #tpu.memory_space<hbm>>
        %dma_start3A_76 = tpu.memref_slice %arg7[%add3A_61, %mul3A_72] : memref<51200x128xf32, #tpu.memory_space<hbm>> -> memref<200x32xf32, #tpu.memory_space<hbm>>
        %dma_start3A_77 = arith.constant 0 : i32
        %dma_start3A_78 = arith.constant 0 : i32
        %dma_start3A_79 = tpu.memref_slice %arg11[%dma_start3A_77, %dma_start3A_78] : memref<400x32xf32, #tpu.memory_space<vmem>> -> memref<200x32xf32, #tpu.memory_space<vmem>>
        tpu.enqueue_dma source(%dma_start3A_79 : memref<200x32xf32, #tpu.memory_space<vmem>>) target(%dma_start3A_76 : memref<200x32xf32, #tpu.memory_space<hbm>>) target_semaphore(%run_scoped3A : memref<!tpu.dma_semaphore, #tpu.memory_space<semaphore_mem>>)
        %dma_wait3A = arith.constant 0 : i32
        %dma_wait3A_80 = arith.constant 0 : i32
        %dma_wait3A_81 = tpu.memref_slice %arg11[%dma_wait3A, %dma_wait3A_80] : memref<400x32xf32, #tpu.memory_space<vmem>> -> memref<200x32xf32, #tpu.memory_space<vmem>>
        %dma_wait3A_82 = tpu.memref_slice %arg7[%add3A_61, %mul3A_72] : memref<51200x128xf32, #tpu.memory_space<hbm>> -> memref<200x32xf32, #tpu.memory_space<hbm>>
        %dma_wait3A_83 = tpu.memref_slice %arg7[%add3A_61, %mul3A_72] : memref<51200x128xf32, #tpu.memory_space<hbm>> -> memref<200x32xf32, #tpu.memory_space<hbm>>
        %dma_wait3A_84 = arith.constant 0 : i32
        %dma_wait3A_85 = arith.constant 0 : i32
        %dma_wait3A_86 = tpu.memref_slice %arg11[%dma_wait3A_84, %dma_wait3A_85] : memref<400x32xf32, #tpu.memory_space<vmem>> -> memref<200x32xf32, #tpu.memory_space<vmem>>
        tpu.wait_dma2 semaphore(%run_scoped3A : memref<!tpu.dma_semaphore, #tpu.memory_space<semaphore_mem>>) src(%dma_wait3A_86 : memref<200x32xf32, #tpu.memory_space<vmem>>) dst(%dma_wait3A_83 : memref<200x32xf32, #tpu.memory_space<hbm>>)
        tpu.yield
      }) : () -> ()
    }
    %scan3A_55 = arith.constant 16 : i32
    return
  }
}

#map = affine_map<(d0, d1) -> (0)>
#map1 = affine_map<(d0, d1) -> (0, 0)>
module attributes {stable_mosaic.version = 14 : i64} {
  func.func @_p1(%arg0: i32, %arg1: i32, %arg2: memref<800000xi32, #tpu.memory_space<hbm>>, %arg3: memref<800000xi32, #tpu.memory_space<hbm>>, %arg4: memref<50000x16xf32, #tpu.memory_space<hbm>>, %arg5: memref<50000x16xf32, #tpu.memory_space<hbm>>, %arg6: memref<800000x4xf32, #tpu.memory_space<hbm>>, %arg7: memref<102400x16xf32, #tpu.memory_space<hbm>>, %arg8: memref<1000xi32, #tpu.memory_space<vmem>>, %arg9: memref<1000xi32, #tpu.memory_space<vmem>>, %arg10: memref<1000x16xf32, #tpu.memory_space<vmem>>, %arg11: memref<1000x16xf32, #tpu.memory_space<vmem>>, %arg12: memref<1000x16xf32, #tpu.memory_space<vmem>>, %arg13: memref<1000x4xf32, #tpu.memory_space<vmem>>, %arg14: memref<51200x16xf32, #tpu.memory_space<vmem_shared>>, %arg15: memref<!tpu.dma_semaphore, #tpu.memory_space<semaphore_mem>>, %arg16: memref<!tpu.dma_semaphore, #tpu.memory_space<semaphore_mem>>) attributes {dimension_semantics = [#tpu.dimension_semantics<core_parallel>, #tpu.dimension_semantics<subcore_parallel>], iteration_bounds = array<i64: 2, 16>, scalar_prefetch = 0 : i64, scratch_operands = 9 : i64, tpu.core_type = #tpu.core_type<sc_vector_subcore>, window_params = [{transform_indices = #map}, {transform_indices = #map}, {transform_indices = #map1}, {transform_indices = #map1}, {transform_indices = #map1}, {transform_indices = #map1}]} {
    %mul3A = arith.constant 16 : i32
    %mul3A_0 = arith.muli %arg0, %mul3A : i32
    %add3A = arith.addi %mul3A_0, %arg1 : i32
    %iota3A = tpu.iota {dimensions = array<i32: 0>} : vector<16xi32>
    %lt3A = arith.constant 4 : i32
    %lt3A_1 = vector.broadcast %lt3A : i32 to vector<16xi32>
    %lt3A_2 = arith.cmpi slt, %iota3A, %lt3A_1 : vector<16xi32>
    %and3A = arith.constant 3 : i32
    %and3A_3 = vector.broadcast %and3A : i32 to vector<16xi32>
    %and3A_4 = arith.andi %iota3A, %and3A_3 : vector<16xi32>
    %broadcast_in_dim3A = arith.constant 0.000000e+00 : f32
    %broadcast_in_dim3A_5 = vector.broadcast %broadcast_in_dim3A : f32 to vector<16xf32>
    %scan3A = arith.constant 0 : i32
    %scan3A_6 = arith.constant 1000 : i32
    %scan3A_7 = arith.addi %scan3A, %scan3A_6 : i32
    %scan3A_8 = arith.constant 1 : i32
    scf.for %scan3A_41 = %scan3A to %scan3A_7 step %scan3A_8  : i32 {
      %swap3A = arith.index_cast %scan3A_41 : i32 to index
      %swap3A_42 = arith.constant 0 : index
      %swap3A_43 = tpu.vector_load %arg12[%swap3A, %swap3A_42] {strides = array<i32>} : memref<1000x16xf32, #tpu.memory_space<vmem>>, vector<16xf32>,
      tpu.vector_store %arg12[%swap3A, %swap3A_42], %broadcast_in_dim3A_5 {strides = array<i32>} : memref<1000x16xf32, #tpu.memory_space<vmem>>, vector<16xf32>,
    }
    %scan3A_9 = arith.constant 1000 : i32
    %mul3A_10 = arith.constant 3200 : i32
    %mul3A_11 = arith.muli %arg1, %mul3A_10 : i32
    %add3A_12 = arith.constant 0 : i32
    %add3A_13 = arith.addi %mul3A_11, %add3A_12 : i32
    "tpu.region"() ({
      %run_scoped3A = tpu.sem_alloc : memref<!tpu.dma_semaphore, #tpu.memory_space<semaphore_mem>>
      %dma_start3A = arith.constant 0 : i32
      %dma_start3A_41 = arith.constant 0 : i32
      %dma_start3A_42 = tpu.memref_slice %arg12[%dma_start3A, %dma_start3A_41] : memref<1000x16xf32, #tpu.memory_space<vmem>> -> memref<800x16xf32, #tpu.memory_space<vmem>>
      %dma_start3A_43 = arith.constant 0 : i32
      %dma_start3A_44 = tpu.memref_slice %arg14[%add3A_13, %dma_start3A_43] : memref<51200x16xf32, #tpu.memory_space<vmem_shared>> -> memref<800x16xf32, #tpu.memory_space<vmem_shared>>
      %dma_start3A_45 = arith.constant 0 : i32
      %dma_start3A_46 = tpu.memref_slice %arg14[%add3A_13, %dma_start3A_45] : memref<51200x16xf32, #tpu.memory_space<vmem_shared>> -> memref<800x16xf32, #tpu.memory_space<vmem_shared>>
      %dma_start3A_47 = arith.constant 0 : i32
      %dma_start3A_48 = arith.constant 0 : i32
      %dma_start3A_49 = tpu.memref_slice %arg12[%dma_start3A_47, %dma_start3A_48] : memref<1000x16xf32, #tpu.memory_space<vmem>> -> memref<800x16xf32, #tpu.memory_space<vmem>>
      tpu.enqueue_dma source(%dma_start3A_49 : memref<800x16xf32, #tpu.memory_space<vmem>>) target(%dma_start3A_46 : memref<800x16xf32, #tpu.memory_space<vmem_shared>>) target_semaphore(%run_scoped3A : memref<!tpu.dma_semaphore, #tpu.memory_space<semaphore_mem>>)
      %dma_wait3A = arith.constant 0 : i32
      %dma_wait3A_50 = arith.constant 0 : i32
      %dma_wait3A_51 = tpu.memref_slice %arg12[%dma_wait3A, %dma_wait3A_50] : memref<1000x16xf32, #tpu.memory_space<vmem>> -> memref<800x16xf32, #tpu.memory_space<vmem>>
      %dma_wait3A_52 = arith.constant 0 : i32
      %dma_wait3A_53 = tpu.memref_slice %arg14[%add3A_13, %dma_wait3A_52] : memref<51200x16xf32, #tpu.memory_space<vmem_shared>> -> memref<800x16xf32, #tpu.memory_space<vmem_shared>>
      %dma_wait3A_54 = arith.constant 0 : i32
      %dma_wait3A_55 = tpu.memref_slice %arg14[%add3A_13, %dma_wait3A_54] : memref<51200x16xf32, #tpu.memory_space<vmem_shared>> -> memref<800x16xf32, #tpu.memory_space<vmem_shared>>
      %dma_wait3A_56 = arith.constant 0 : i32
      %dma_wait3A_57 = arith.constant 0 : i32
      %dma_wait3A_58 = tpu.memref_slice %arg12[%dma_wait3A_56, %dma_wait3A_57] : memref<1000x16xf32, #tpu.memory_space<vmem>> -> memref<800x16xf32, #tpu.memory_space<vmem>>
      tpu.wait_dma2 semaphore(%run_scoped3A : memref<!tpu.dma_semaphore, #tpu.memory_space<semaphore_mem>>) src(%dma_wait3A_58 : memref<800x16xf32, #tpu.memory_space<vmem>>) dst(%dma_wait3A_55 : memref<800x16xf32, #tpu.memory_space<vmem_shared>>)
      tpu.yield
    }) : () -> ()
    %mul3A_14 = arith.constant 3200 : i32
    %mul3A_15 = arith.muli %arg1, %mul3A_14 : i32
    %add3A_16 = arith.constant 800 : i32
    %add3A_17 = arith.addi %mul3A_15, %add3A_16 : i32
    "tpu.region"() ({
      %run_scoped3A = tpu.sem_alloc : memref<!tpu.dma_semaphore, #tpu.memory_space<semaphore_mem>>
      %dma_start3A = arith.constant 0 : i32
      %dma_start3A_41 = arith.constant 0 : i32
      %dma_start3A_42 = tpu.memref_slice %arg12[%dma_start3A, %dma_start3A_41] : memref<1000x16xf32, #tpu.memory_space<vmem>> -> memref<800x16xf32, #tpu.memory_space<vmem>>
      %dma_start3A_43 = arith.constant 0 : i32
      %dma_start3A_44 = tpu.memref_slice %arg14[%add3A_17, %dma_start3A_43] : memref<51200x16xf32, #tpu.memory_space<vmem_shared>> -> memref<800x16xf32, #tpu.memory_space<vmem_shared>>
      %dma_start3A_45 = arith.constant 0 : i32
      %dma_start3A_46 = tpu.memref_slice %arg14[%add3A_17, %dma_start3A_45] : memref<51200x16xf32, #tpu.memory_space<vmem_shared>> -> memref<800x16xf32, #tpu.memory_space<vmem_shared>>
      %dma_start3A_47 = arith.constant 0 : i32
      %dma_start3A_48 = arith.constant 0 : i32
      %dma_start3A_49 = tpu.memref_slice %arg12[%dma_start3A_47, %dma_start3A_48] : memref<1000x16xf32, #tpu.memory_space<vmem>> -> memref<800x16xf32, #tpu.memory_space<vmem>>
      tpu.enqueue_dma source(%dma_start3A_49 : memref<800x16xf32, #tpu.memory_space<vmem>>) target(%dma_start3A_46 : memref<800x16xf32, #tpu.memory_space<vmem_shared>>) target_semaphore(%run_scoped3A : memref<!tpu.dma_semaphore, #tpu.memory_space<semaphore_mem>>)
      %dma_wait3A = arith.constant 0 : i32
      %dma_wait3A_50 = arith.constant 0 : i32
      %dma_wait3A_51 = tpu.memref_slice %arg12[%dma_wait3A, %dma_wait3A_50] : memref<1000x16xf32, #tpu.memory_space<vmem>> -> memref<800x16xf32, #tpu.memory_space<vmem>>
      %dma_wait3A_52 = arith.constant 0 : i32
      %dma_wait3A_53 = tpu.memref_slice %arg14[%add3A_17, %dma_wait3A_52] : memref<51200x16xf32, #tpu.memory_space<vmem_shared>> -> memref<800x16xf32, #tpu.memory_space<vmem_shared>>
      %dma_wait3A_54 = arith.constant 0 : i32
      %dma_wait3A_55 = tpu.memref_slice %arg14[%add3A_17, %dma_wait3A_54] : memref<51200x16xf32, #tpu.memory_space<vmem_shared>> -> memref<800x16xf32, #tpu.memory_space<vmem_shared>>
      %dma_wait3A_56 = arith.constant 0 : i32
      %dma_wait3A_57 = arith.constant 0 : i32
      %dma_wait3A_58 = tpu.memref_slice %arg12[%dma_wait3A_56, %dma_wait3A_57] : memref<1000x16xf32, #tpu.memory_space<vmem>> -> memref<800x16xf32, #tpu.memory_space<vmem>>
      tpu.wait_dma2 semaphore(%run_scoped3A : memref<!tpu.dma_semaphore, #tpu.memory_space<semaphore_mem>>) src(%dma_wait3A_58 : memref<800x16xf32, #tpu.memory_space<vmem>>) dst(%dma_wait3A_55 : memref<800x16xf32, #tpu.memory_space<vmem_shared>>)
      tpu.yield
    }) : () -> ()
    %mul3A_18 = arith.constant 3200 : i32
    %mul3A_19 = arith.muli %arg1, %mul3A_18 : i32
    %add3A_20 = arith.constant 1600 : i32
    %add3A_21 = arith.addi %mul3A_19, %add3A_20 : i32
    "tpu.region"() ({
      %run_scoped3A = tpu.sem_alloc : memref<!tpu.dma_semaphore, #tpu.memory_space<semaphore_mem>>
      %dma_start3A = arith.constant 0 : i32
      %dma_start3A_41 = arith.constant 0 : i32
      %dma_start3A_42 = tpu.memref_slice %arg12[%dma_start3A, %dma_start3A_41] : memref<1000x16xf32, #tpu.memory_space<vmem>> -> memref<800x16xf32, #tpu.memory_space<vmem>>
      %dma_start3A_43 = arith.constant 0 : i32
      %dma_start3A_44 = tpu.memref_slice %arg14[%add3A_21, %dma_start3A_43] : memref<51200x16xf32, #tpu.memory_space<vmem_shared>> -> memref<800x16xf32, #tpu.memory_space<vmem_shared>>
      %dma_start3A_45 = arith.constant 0 : i32
      %dma_start3A_46 = tpu.memref_slice %arg14[%add3A_21, %dma_start3A_45] : memref<51200x16xf32, #tpu.memory_space<vmem_shared>> -> memref<800x16xf32, #tpu.memory_space<vmem_shared>>
      %dma_start3A_47 = arith.constant 0 : i32
      %dma_start3A_48 = arith.constant 0 : i32
      %dma_start3A_49 = tpu.memref_slice %arg12[%dma_start3A_47, %dma_start3A_48] : memref<1000x16xf32, #tpu.memory_space<vmem>> -> memref<800x16xf32, #tpu.memory_space<vmem>>
      tpu.enqueue_dma source(%dma_start3A_49 : memref<800x16xf32, #tpu.memory_space<vmem>>) target(%dma_start3A_46 : memref<800x16xf32, #tpu.memory_space<vmem_shared>>) target_semaphore(%run_scoped3A : memref<!tpu.dma_semaphore, #tpu.memory_space<semaphore_mem>>)
      %dma_wait3A = arith.constant 0 : i32
      %dma_wait3A_50 = arith.constant 0 : i32
      %dma_wait3A_51 = tpu.memref_slice %arg12[%dma_wait3A, %dma_wait3A_50] : memref<1000x16xf32, #tpu.memory_space<vmem>> -> memref<800x16xf32, #tpu.memory_space<vmem>>
      %dma_wait3A_52 = arith.constant 0 : i32
      %dma_wait3A_53 = tpu.memref_slice %arg14[%add3A_21, %dma_wait3A_52] : memref<51200x16xf32, #tpu.memory_space<vmem_shared>> -> memref<800x16xf32, #tpu.memory_space<vmem_shared>>
      %dma_wait3A_54 = arith.constant 0 : i32
      %dma_wait3A_55 = tpu.memref_slice %arg14[%add3A_21, %dma_wait3A_54] : memref<51200x16xf32, #tpu.memory_space<vmem_shared>> -> memref<800x16xf32, #tpu.memory_space<vmem_shared>>
      %dma_wait3A_56 = arith.constant 0 : i32
      %dma_wait3A_57 = arith.constant 0 : i32
      %dma_wait3A_58 = tpu.memref_slice %arg12[%dma_wait3A_56, %dma_wait3A_57] : memref<1000x16xf32, #tpu.memory_space<vmem>> -> memref<800x16xf32, #tpu.memory_space<vmem>>
      tpu.wait_dma2 semaphore(%run_scoped3A : memref<!tpu.dma_semaphore, #tpu.memory_space<semaphore_mem>>) src(%dma_wait3A_58 : memref<800x16xf32, #tpu.memory_space<vmem>>) dst(%dma_wait3A_55 : memref<800x16xf32, #tpu.memory_space<vmem_shared>>)
      tpu.yield
    }) : () -> ()
    %mul3A_22 = arith.constant 3200 : i32
    %mul3A_23 = arith.muli %arg1, %mul3A_22 : i32
    %add3A_24 = arith.constant 2400 : i32
    %add3A_25 = arith.addi %mul3A_23, %add3A_24 : i32
    "tpu.region"() ({
      %run_scoped3A = tpu.sem_alloc : memref<!tpu.dma_semaphore, #tpu.memory_space<semaphore_mem>>
      %dma_start3A = arith.constant 0 : i32
      %dma_start3A_41 = arith.constant 0 : i32
      %dma_start3A_42 = tpu.memref_slice %arg12[%dma_start3A, %dma_start3A_41] : memref<1000x16xf32, #tpu.memory_space<vmem>> -> memref<800x16xf32, #tpu.memory_space<vmem>>
      %dma_start3A_43 = arith.constant 0 : i32
      %dma_start3A_44 = tpu.memref_slice %arg14[%add3A_25, %dma_start3A_43] : memref<51200x16xf32, #tpu.memory_space<vmem_shared>> -> memref<800x16xf32, #tpu.memory_space<vmem_shared>>
      %dma_start3A_45 = arith.constant 0 : i32
      %dma_start3A_46 = tpu.memref_slice %arg14[%add3A_25, %dma_start3A_45] : memref<51200x16xf32, #tpu.memory_space<vmem_shared>> -> memref<800x16xf32, #tpu.memory_space<vmem_shared>>
      %dma_start3A_47 = arith.constant 0 : i32
      %dma_start3A_48 = arith.constant 0 : i32
      %dma_start3A_49 = tpu.memref_slice %arg12[%dma_start3A_47, %dma_start3A_48] : memref<1000x16xf32, #tpu.memory_space<vmem>> -> memref<800x16xf32, #tpu.memory_space<vmem>>
      tpu.enqueue_dma source(%dma_start3A_49 : memref<800x16xf32, #tpu.memory_space<vmem>>) target(%dma_start3A_46 : memref<800x16xf32, #tpu.memory_space<vmem_shared>>) target_semaphore(%run_scoped3A : memref<!tpu.dma_semaphore, #tpu.memory_space<semaphore_mem>>)
      %dma_wait3A = arith.constant 0 : i32
      %dma_wait3A_50 = arith.constant 0 : i32
      %dma_wait3A_51 = tpu.memref_slice %arg12[%dma_wait3A, %dma_wait3A_50] : memref<1000x16xf32, #tpu.memory_space<vmem>> -> memref<800x16xf32, #tpu.memory_space<vmem>>
      %dma_wait3A_52 = arith.constant 0 : i32
      %dma_wait3A_53 = tpu.memref_slice %arg14[%add3A_25, %dma_wait3A_52] : memref<51200x16xf32, #tpu.memory_space<vmem_shared>> -> memref<800x16xf32, #tpu.memory_space<vmem_shared>>
      %dma_wait3A_54 = arith.constant 0 : i32
      %dma_wait3A_55 = tpu.memref_slice %arg14[%add3A_25, %dma_wait3A_54] : memref<51200x16xf32, #tpu.memory_space<vmem_shared>> -> memref<800x16xf32, #tpu.memory_space<vmem_shared>>
      %dma_wait3A_56 = arith.constant 0 : i32
      %dma_wait3A_57 = arith.constant 0 : i32
      %dma_wait3A_58 = tpu.memref_slice %arg12[%dma_wait3A_56, %dma_wait3A_57] : memref<1000x16xf32, #tpu.memory_space<vmem>> -> memref<800x16xf32, #tpu.memory_space<vmem>>
      tpu.wait_dma2 semaphore(%run_scoped3A : memref<!tpu.dma_semaphore, #tpu.memory_space<semaphore_mem>>) src(%dma_wait3A_58 : memref<800x16xf32, #tpu.memory_space<vmem>>) dst(%dma_wait3A_55 : memref<800x16xf32, #tpu.memory_space<vmem_shared>>)
      tpu.yield
    }) : () -> ()
    %barrier3A = arith.constant 0 : index
    tpu.barrier barrier_id(%barrier3A)
    %mul3A_26 = arith.constant 25000 : i32
    %mul3A_27 = arith.muli %add3A, %mul3A_26 : i32
    %scan3A_28 = arith.constant 0 : i32
    %scan3A_29 = arith.constant 25 : i32
    %scan3A_30 = arith.addi %scan3A_28, %scan3A_29 : i32
    %scan3A_31 = arith.constant 1 : i32
    scf.for %scan3A_41 = %scan3A_28 to %scan3A_30 step %scan3A_31  : i32 {
      %mul3A_42 = arith.constant 1000 : i32
      %mul3A_43 = arith.muli %scan3A_41, %mul3A_42 : i32
      %add3A_44 = arith.addi %mul3A_27, %mul3A_43 : i32
      "tpu.region"() ({
        %run_scoped3A = tpu.sem_alloc : memref<!tpu.dma_semaphore, #tpu.memory_space<semaphore_mem>>
        %dma_start3A_57 = tpu.memref_slice %arg2[%add3A_44] : memref<800000xi32, #tpu.memory_space<hbm>> -> memref<1000xi32, #tpu.memory_space<hbm>>
        %dma_start3A_58 = tpu.memref_slice %arg2[%add3A_44] : memref<800000xi32, #tpu.memory_space<hbm>> -> memref<1000xi32, #tpu.memory_space<hbm>>
        tpu.enqueue_dma source(%dma_start3A_58 : memref<1000xi32, #tpu.memory_space<hbm>>) target(%arg8 : memref<1000xi32, #tpu.memory_space<vmem>>) target_semaphore(%run_scoped3A : memref<!tpu.dma_semaphore, #tpu.memory_space<semaphore_mem>>)
        %dma_wait3A_59 = tpu.memref_slice %arg2[%add3A_44] : memref<800000xi32, #tpu.memory_space<hbm>> -> memref<1000xi32, #tpu.memory_space<hbm>>
        %dma_wait3A_60 = tpu.memref_slice %arg2[%add3A_44] : memref<800000xi32, #tpu.memory_space<hbm>> -> memref<1000xi32, #tpu.memory_space<hbm>>
        tpu.wait_dma2 semaphore(%run_scoped3A : memref<!tpu.dma_semaphore, #tpu.memory_space<semaphore_mem>>) src(%dma_wait3A_60 : memref<1000xi32, #tpu.memory_space<hbm>>) dst(%arg8 : memref<1000xi32, #tpu.memory_space<vmem>>)
        tpu.yield
      }) : () -> ()
      "tpu.region"() ({
        %run_scoped3A = tpu.sem_alloc : memref<!tpu.dma_semaphore, #tpu.memory_space<semaphore_mem>>
        %dma_start3A_57 = tpu.memref_slice %arg3[%add3A_44] : memref<800000xi32, #tpu.memory_space<hbm>> -> memref<1000xi32, #tpu.memory_space<hbm>>
        %dma_start3A_58 = tpu.memref_slice %arg3[%add3A_44] : memref<800000xi32, #tpu.memory_space<hbm>> -> memref<1000xi32, #tpu.memory_space<hbm>>
        tpu.enqueue_dma source(%dma_start3A_58 : memref<1000xi32, #tpu.memory_space<hbm>>) target(%arg9 : memref<1000xi32, #tpu.memory_space<vmem>>) target_semaphore(%run_scoped3A : memref<!tpu.dma_semaphore, #tpu.memory_space<semaphore_mem>>)
        %dma_wait3A_59 = tpu.memref_slice %arg3[%add3A_44] : memref<800000xi32, #tpu.memory_space<hbm>> -> memref<1000xi32, #tpu.memory_space<hbm>>
        %dma_wait3A_60 = tpu.memref_slice %arg3[%add3A_44] : memref<800000xi32, #tpu.memory_space<hbm>> -> memref<1000xi32, #tpu.memory_space<hbm>>
        tpu.wait_dma2 semaphore(%run_scoped3A : memref<!tpu.dma_semaphore, #tpu.memory_space<semaphore_mem>>) src(%dma_wait3A_60 : memref<1000xi32, #tpu.memory_space<hbm>>) dst(%arg9 : memref<1000xi32, #tpu.memory_space<vmem>>)
        tpu.yield
      }) : () -> ()
      %dma_start3A = arith.constant 0 : i32
      %dma_start3A_45 = arith.constant 0 : i32
      %dma_start3A_46 = tpu.memref_slice %arg4[%dma_start3A, %dma_start3A_45] : memref<50000x16xf32, #tpu.memory_space<hbm>> -> memref<50000x16xf32, #tpu.memory_space<hbm>>
      tpu.enqueue_indirect_dma source(%dma_start3A_46 : memref<50000x16xf32, #tpu.memory_space<hbm>>) target(%arg10 : memref<1000x16xf32, #tpu.memory_space<vmem>>) offsets(%arg8 : memref<1000xi32, #tpu.memory_space<vmem>>) semaphore(%arg15 : memref<!tpu.dma_semaphore, #tpu.memory_space<semaphore_mem>>)
      %dma_start3A_47 = arith.constant 0 : i32
      %dma_start3A_48 = arith.constant 0 : i32
      %dma_start3A_49 = tpu.memref_slice %arg5[%dma_start3A_47, %dma_start3A_48] : memref<50000x16xf32, #tpu.memory_space<hbm>> -> memref<50000x16xf32, #tpu.memory_space<hbm>>
      tpu.enqueue_indirect_dma source(%dma_start3A_49 : memref<50000x16xf32, #tpu.memory_space<hbm>>) target(%arg11 : memref<1000x16xf32, #tpu.memory_space<vmem>>) offsets(%arg9 : memref<1000xi32, #tpu.memory_space<vmem>>) semaphore(%arg16 : memref<!tpu.dma_semaphore, #tpu.memory_space<semaphore_mem>>)
      %dma_wait3A = arith.constant 0 : i32
      %dma_wait3A_50 = arith.constant 0 : i32
      %dma_wait3A_51 = tpu.memref_slice %arg4[%dma_wait3A, %dma_wait3A_50] : memref<50000x16xf32, #tpu.memory_space<hbm>> -> memref<50000x16xf32, #tpu.memory_space<hbm>>
      tpu.wait_indirect_dma semaphore(%arg15 : memref<!tpu.dma_semaphore, #tpu.memory_space<semaphore_mem>>) src(%dma_wait3A_51 : memref<50000x16xf32, #tpu.memory_space<hbm>>) dst(%arg10 : memref<1000x16xf32, #tpu.memory_space<vmem>>)
      %dma_wait3A_52 = arith.constant 0 : i32
      %dma_wait3A_53 = arith.constant 0 : i32
      %dma_wait3A_54 = tpu.memref_slice %arg5[%dma_wait3A_52, %dma_wait3A_53] : memref<50000x16xf32, #tpu.memory_space<hbm>> -> memref<50000x16xf32, #tpu.memory_space<hbm>>
      tpu.wait_indirect_dma semaphore(%arg16 : memref<!tpu.dma_semaphore, #tpu.memory_space<semaphore_mem>>) src(%dma_wait3A_54 : memref<50000x16xf32, #tpu.memory_space<hbm>>) dst(%arg11 : memref<1000x16xf32, #tpu.memory_space<vmem>>)
      %parallel_loop3A = arith.constant 0 : i32
      %parallel_loop3A_55 = arith.constant 1000 : i32
      %parallel_loop3A_56 = arith.constant 1 : i32
      scf.for %parallel_loop3A_57 = %parallel_loop3A to %parallel_loop3A_55 step %parallel_loop3A_56  : i32 {
        %parallel_loop3A_58 = arith.index_cast %parallel_loop3A_57 : i32 to index
        %parallel_loop3A_59 = arith.constant 0 : index
        %parallel_loop3A_60 = tpu.vector_load %arg10[%parallel_loop3A_58, %parallel_loop3A_59] {strides = array<i32>} : memref<1000x16xf32, #tpu.memory_space<vmem>>, vector<16xf32>,
        %parallel_loop3A_61 = arith.index_cast %parallel_loop3A_57 : i32 to index
        %parallel_loop3A_62 = arith.constant 0 : index
        %parallel_loop3A_63 = tpu.vector_load %arg11[%parallel_loop3A_61, %parallel_loop3A_62] {strides = array<i32>} : memref<1000x16xf32, #tpu.memory_space<vmem>>, vector<16xf32>,
        %parallel_loop3A_64 = arith.addf %parallel_loop3A_60, %parallel_loop3A_63 : vector<16xf32>
        %parallel_loop3A_65 = arith.constant 2.000000e-01 : f32
        %parallel_loop3A_66 = vector.broadcast %parallel_loop3A_65 : f32 to vector<16xf32>
        %parallel_loop3A_67 = arith.mulf %parallel_loop3A_66, %parallel_loop3A_64 : vector<16xf32>
        %parallel_loop3A_68 = arith.maximumf %parallel_loop3A_64, %parallel_loop3A_67 : vector<16xf32>
        %parallel_loop3A_69 = math.exp %parallel_loop3A_68 : vector<16xf32>
        %parallel_loop3A_70 = arith.constant 0.000000e+00 : f32
        %parallel_loop3A_71 = vector.broadcast %parallel_loop3A_70 : f32 to vector<16xf32>
        %parallel_loop3A_72 = arith.select %lt3A_2, %parallel_loop3A_69, %parallel_loop3A_71 : vector<16xi1>, vector<16xf32>
        %parallel_loop3A_73 = arith.index_cast %parallel_loop3A_57 : i32 to index
        %parallel_loop3A_74 = arith.constant 0 : index
        %parallel_loop3A_75 = tpu.vector_load %arg12[%parallel_loop3A_73, %parallel_loop3A_74] {strides = array<i32>} : memref<1000x16xf32, #tpu.memory_space<vmem>>, vector<16xf32>,
        tpu.vector_store %arg12[%parallel_loop3A_73, %parallel_loop3A_74], %parallel_loop3A_72 {strides = array<i32>} : memref<1000x16xf32, #tpu.memory_space<vmem>>, vector<16xf32>,
        %parallel_loop3A_76 = vector.broadcast %parallel_loop3A_57 : i32 to vector<16xi32>
        tpu.vector_store_idx %arg13[%parallel_loop3A_76, %and3A_4], %parallel_loop3A_72 masked %lt3A_2 : memref<1000x4xf32, #tpu.memory_space<vmem>>[vector<16xi32>, vector<16xi32>], vector<16xf32>, vector<16xi1>
      } {sc.loop_unroll_factor = 8 : i64, sc.parallel_access}
      "tpu.region"() ({
        %run_scoped3A = tpu.sem_alloc : memref<!tpu.dma_semaphore, #tpu.memory_space<semaphore_mem>>
        %dma_start3A_57 = arith.constant 0 : i32
        %dma_start3A_58 = tpu.memref_slice %arg6[%add3A_44, %dma_start3A_57] : memref<800000x4xf32, #tpu.memory_space<hbm>> -> memref<1000x4xf32, #tpu.memory_space<hbm>>
        %dma_start3A_59 = arith.constant 0 : i32
        %dma_start3A_60 = tpu.memref_slice %arg6[%add3A_44, %dma_start3A_59] : memref<800000x4xf32, #tpu.memory_space<hbm>> -> memref<1000x4xf32, #tpu.memory_space<hbm>>
        tpu.enqueue_dma source(%arg13 : memref<1000x4xf32, #tpu.memory_space<vmem>>) target(%dma_start3A_60 : memref<1000x4xf32, #tpu.memory_space<hbm>>) target_semaphore(%run_scoped3A : memref<!tpu.dma_semaphore, #tpu.memory_space<semaphore_mem>>)
        %dma_wait3A_61 = arith.constant 0 : i32
        %dma_wait3A_62 = tpu.memref_slice %arg6[%add3A_44, %dma_wait3A_61] : memref<800000x4xf32, #tpu.memory_space<hbm>> -> memref<1000x4xf32, #tpu.memory_space<hbm>>
        %dma_wait3A_63 = arith.constant 0 : i32
        %dma_wait3A_64 = tpu.memref_slice %arg6[%add3A_44, %dma_wait3A_63] : memref<800000x4xf32, #tpu.memory_space<hbm>> -> memref<1000x4xf32, #tpu.memory_space<hbm>>
        tpu.wait_dma2 semaphore(%run_scoped3A : memref<!tpu.dma_semaphore, #tpu.memory_space<semaphore_mem>>) src(%arg13 : memref<1000x4xf32, #tpu.memory_space<vmem>>) dst(%dma_wait3A_64 : memref<1000x4xf32, #tpu.memory_space<hbm>>)
        tpu.yield
      }) : () -> ()
      "tpu.region"() ({
        %run_scoped3A = tpu.sem_alloc : memref<!tpu.dma_semaphore, #tpu.memory_space<semaphore_mem>>
        %dma_start3A_57 = arith.constant 0 : i32
        %dma_start3A_58 = arith.constant 0 : i32
        %dma_start3A_59 = tpu.memref_slice %arg14[%dma_start3A_57, %dma_start3A_58] : memref<51200x16xf32, #tpu.memory_space<vmem_shared>> -> memref<51200x16xf32, #tpu.memory_space<vmem_shared>>
        tpu.enqueue_indirect_dma source(%arg12 : memref<1000x16xf32, #tpu.memory_space<vmem>>) target(%dma_start3A_59 : memref<51200x16xf32, #tpu.memory_space<vmem_shared>>) offsets(%arg9 : memref<1000xi32, #tpu.memory_space<vmem>>) semaphore(%run_scoped3A : memref<!tpu.dma_semaphore, #tpu.memory_space<semaphore_mem>>) {add = true}
        %dma_wait3A_60 = arith.constant 0 : i32
        %dma_wait3A_61 = arith.constant 0 : i32
        %dma_wait3A_62 = tpu.memref_slice %arg14[%dma_wait3A_60, %dma_wait3A_61] : memref<51200x16xf32, #tpu.memory_space<vmem_shared>> -> memref<51200x16xf32, #tpu.memory_space<vmem_shared>>
        tpu.wait_indirect_dma semaphore(%run_scoped3A : memref<!tpu.dma_semaphore, #tpu.memory_space<semaphore_mem>>) src(%arg12 : memref<1000x16xf32, #tpu.memory_space<vmem>>) dst(%dma_wait3A_62 : memref<51200x16xf32, #tpu.memory_space<vmem_shared>>)
        tpu.yield
      }) : () -> ()
    }
    %scan3A_32 = arith.constant 25 : i32
    %barrier3A_33 = arith.constant 0 : index
    tpu.barrier barrier_id(%barrier3A_33)
    %mul3A_34 = arith.constant 3200 : i32
    %mul3A_35 = arith.muli %arg1, %mul3A_34 : i32
    %mul3A_36 = arith.constant 51200 : i32
    %mul3A_37 = arith.muli %arg0, %mul3A_36 : i32
    %mul3A_38 = arith.constant 3200 : i32
    %mul3A_39 = arith.muli %arg1, %mul3A_38 : i32
    %add3A_40 = arith.addi %mul3A_37, %mul3A_39 : i32
    "tpu.region"() ({
      %run_scoped3A = tpu.sem_alloc : memref<!tpu.dma_semaphore, #tpu.memory_space<semaphore_mem>>
      %dma_start3A = arith.constant 0 : i32
      %dma_start3A_41 = tpu.memref_slice %arg7[%add3A_40, %dma_start3A] : memref<102400x16xf32, #tpu.memory_space<hbm>> -> memref<3200x16xf32, #tpu.memory_space<hbm>>
      %dma_start3A_42 = arith.constant 0 : i32
      %dma_start3A_43 = tpu.memref_slice %arg14[%mul3A_35, %dma_start3A_42] : memref<51200x16xf32, #tpu.memory_space<vmem_shared>> -> memref<3200x16xf32, #tpu.memory_space<vmem_shared>>
      tpu.enqueue_dma source(%dma_start3A_43 : memref<3200x16xf32, #tpu.memory_space<vmem_shared>>) target(%dma_start3A_41 : memref<3200x16xf32, #tpu.memory_space<hbm>>) target_semaphore(%run_scoped3A : memref<!tpu.dma_semaphore, #tpu.memory_space<semaphore_mem>>)
      %dma_wait3A = arith.constant 0 : i32
      %dma_wait3A_44 = tpu.memref_slice %arg7[%add3A_40, %dma_wait3A] : memref<102400x16xf32, #tpu.memory_space<hbm>> -> memref<3200x16xf32, #tpu.memory_space<hbm>>
      %dma_wait3A_45 = arith.constant 0 : i32
      %dma_wait3A_46 = tpu.memref_slice %arg14[%mul3A_35, %dma_wait3A_45] : memref<51200x16xf32, #tpu.memory_space<vmem_shared>> -> memref<3200x16xf32, #tpu.memory_space<vmem_shared>>
      tpu.wait_dma2 semaphore(%run_scoped3A : memref<!tpu.dma_semaphore, #tpu.memory_space<semaphore_mem>>) src(%dma_wait3A_46 : memref<3200x16xf32, #tpu.memory_space<vmem_shared>>) dst(%dma_wait3A_44 : memref<3200x16xf32, #tpu.memory_space<hbm>>)
      tpu.yield
    }) : () -> ()
    return
  }
}

module attributes {stable_mosaic.version = 14 : i64} {
  func.func @_lstm_body(%arg0: i32, %arg1: memref<10x800x2xf32, #tpu.memory_space<vmem>>, %arg2: memref<2x256xf32, #tpu.memory_space<vmem>>, %arg3: memref<64x256xf32, #tpu.memory_space<vmem>>, %arg4: memref<1x256xf32, #tpu.memory_space<vmem>>, %arg5: memref<800x64xf32, #tpu.memory_space<vmem>>) attributes {dimension_semantics = [#tpu.dimension_semantics<arbitrary>], iteration_bounds = array<i64: 50>, scalar_prefetch = 0 : i64, scratch_operands = 0 : i64, tpu.core_type = #tpu.core_type<tc>, window_params = [{transform_indices = @transform_0, window_bounds = array<i64: 10, 800, 2>}, {pipeline_mode = #tpu.pipeline_mode<synchronous>, transform_indices = @transform_1, window_bounds = array<i64: 2, 256>}, {pipeline_mode = #tpu.pipeline_mode<synchronous>, transform_indices = @transform_2, window_bounds = array<i64: 64, 256>}, {pipeline_mode = #tpu.pipeline_mode<synchronous>, transform_indices = @transform_3, window_bounds = array<i64: 1, 256>}, {transform_indices = @transform_4, window_bounds = array<i64: 800, 64>}]} {
    %get3A = arith.constant 0 : index
    %get3A_0 = arith.constant 0 : index
    %get3A_1 = vector.load %arg2[%get3A, %get3A_0] : memref<2x256xf32, #tpu.memory_space<vmem>>, vector<2x256xf32>
    %get3A_2 = arith.constant 0 : index
    %get3A_3 = arith.constant 0 : index
    %get3A_4 = vector.load %arg3[%get3A_2, %get3A_3] : memref<64x256xf32, #tpu.memory_space<vmem>>, vector<64x256xf32>
    %get3A_5 = arith.constant 0 : index
    %get3A_6 = arith.constant 0 : index
    %get3A_7 = vector.load %arg4[%get3A_5, %get3A_6] : memref<1x256xf32, #tpu.memory_space<vmem>>, vector<1x256xf32>
    %broadcast_in_dim3A = arith.constant 0.000000e+00 : f32
    %broadcast_in_dim3A_8 = vector.broadcast %broadcast_in_dim3A : f32 to vector<800x64xf32>
    %scan3A = arith.constant 0 : i32
    %scan3A_9 = arith.constant 10 : i32
    %scan3A_10 = arith.addi %scan3A, %scan3A_9 : i32
    %scan3A_11 = arith.constant 1 : i32
    %scan3A_12:3 = scf.for %scan3A_18 = %scan3A to %scan3A_10 step %scan3A_11 iter_args(%scan3A_19 = %broadcast_in_dim3A_8, %scan3A_20 = %broadcast_in_dim3A_8, %scan3A_21 = %broadcast_in_dim3A_8) -> (vector<800x64xf32>, vector<800x64xf32>, vector<800x64xf32>)  : i32 {
      %get3A_22 = arith.index_cast %scan3A_18 : i32 to index
      %get3A_23 = arith.constant 0 : index
      %get3A_24 = arith.constant 0 : index
      %get3A_25 = vector.load %arg1[%get3A_22, %get3A_23, %get3A_24] : memref<10x800x2xf32, #tpu.memory_space<vmem>>, vector<1x800x2xf32>
      %get3A_26 = vector.shape_cast %get3A_25 : vector<1x800x2xf32> to vector<800x2xf32>
      %dot_general3A = arith.constant dense<0.000000e+00> : vector<800x256xf32>
      %dot_general3A_27 = tpu.matmul %get3A_26, %get3A_1, %dot_general3A {dimension_numbers = #tpu.dot_dimension_numbers<[1], [0], [0], [1], [0, 0, 1, 1], [], []>, transpose_lhs_hint = false} : vector<800x2xf32>, vector<2x256xf32>, vector<800x256xf32> -> vector<800x256xf32>
      %dot_general3A_28 = arith.constant dense<0.000000e+00> : vector<800x256xf32>
      %dot_general3A_29 = tpu.matmul %scan3A_19, %get3A_4, %dot_general3A_28 {dimension_numbers = #tpu.dot_dimension_numbers<[1], [0], [0], [1], [0, 0, 1, 1], [], []>, transpose_lhs_hint = false} : vector<800x64xf32>, vector<64x256xf32>, vector<800x256xf32> -> vector<800x256xf32>
      %add3A = arith.addf %dot_general3A_27, %dot_general3A_29 : vector<800x256xf32>
      %add3A_30 = vector.broadcast %get3A_7 : vector<1x256xf32> to vector<800x256xf32>
      %add3A_31 = arith.addf %add3A, %add3A_30 : vector<800x256xf32>
      %slice3A = vector.extract_strided_slice %add3A_31 {offsets = [0, 0], sizes = [800, 64], strides = [1, 1]} : vector<800x256xf32> to vector<800x64xf32>
      %logistic3A = arith.negf %slice3A : vector<800x64xf32>
      %logistic3A_32 = math.exp %logistic3A : vector<800x64xf32>
      %logistic3A_33 = arith.constant 1.000000e+00 : f32
      %logistic3A_34 = vector.broadcast %logistic3A_33 : f32 to vector<800x64xf32>
      %logistic3A_35 = arith.addf %logistic3A_34, %logistic3A_32 : vector<800x64xf32>
      %logistic3A_36 = arith.divf %logistic3A_34, %logistic3A_35 : vector<800x64xf32>
      %slice3A_37 = vector.extract_strided_slice %add3A_31 {offsets = [0, 64], sizes = [800, 64], strides = [1, 1]} : vector<800x256xf32> to vector<800x64xf32>
      %logistic3A_38 = arith.negf %slice3A_37 : vector<800x64xf32>
      %logistic3A_39 = math.exp %logistic3A_38 : vector<800x64xf32>
      %logistic3A_40 = arith.constant 1.000000e+00 : f32
      %logistic3A_41 = vector.broadcast %logistic3A_40 : f32 to vector<800x64xf32>
      %logistic3A_42 = arith.addf %logistic3A_41, %logistic3A_39 : vector<800x64xf32>
      %logistic3A_43 = arith.divf %logistic3A_41, %logistic3A_42 : vector<800x64xf32>
      %slice3A_44 = vector.extract_strided_slice %add3A_31 {offsets = [0, 128], sizes = [800, 64], strides = [1, 1]} : vector<800x256xf32> to vector<800x64xf32>
      %tanh3A = math.tanh %slice3A_44 : vector<800x64xf32>
      %slice3A_45 = vector.extract_strided_slice %add3A_31 {offsets = [0, 192], sizes = [800, 64], strides = [1, 1]} : vector<800x256xf32> to vector<800x64xf32>
      %logistic3A_46 = arith.negf %slice3A_45 : vector<800x64xf32>
      %logistic3A_47 = math.exp %logistic3A_46 : vector<800x64xf32>
      %logistic3A_48 = arith.constant 1.000000e+00 : f32
      %logistic3A_49 = vector.broadcast %logistic3A_48 : f32 to vector<800x64xf32>
      %logistic3A_50 = arith.addf %logistic3A_49, %logistic3A_47 : vector<800x64xf32>
      %logistic3A_51 = arith.divf %logistic3A_49, %logistic3A_50 : vector<800x64xf32>
      %mul3A = arith.mulf %logistic3A_43, %scan3A_20 : vector<800x64xf32>
      %mul3A_52 = arith.mulf %logistic3A_36, %tanh3A : vector<800x64xf32>
      %add3A_53 = arith.addf %mul3A, %mul3A_52 : vector<800x64xf32>
      %tanh3A_54 = math.tanh %add3A_53 : vector<800x64xf32>
      %mul3A_55 = arith.mulf %logistic3A_51, %tanh3A_54 : vector<800x64xf32>
      %add3A_56 = arith.addf %scan3A_21, %mul3A_55 : vector<800x64xf32>
      scf.yield %mul3A_55, %add3A_53, %add3A_56 : vector<800x64xf32>, vector<800x64xf32>, vector<800x64xf32>
    }
    %scan3A_13 = arith.constant 10 : i32
    %div3A = arith.constant 1.000000e+01 : f32
    %div3A_14 = vector.broadcast %div3A : f32 to vector<800x64xf32>
    %div3A_15 = arith.divf %scan3A_12#2, %div3A_14 : vector<800x64xf32>
    %swap3A = arith.constant 0 : index
    %swap3A_16 = arith.constant 0 : index
    %swap3A_17 = vector.load %arg5[%swap3A, %swap3A_16] : memref<800x64xf32, #tpu.memory_space<vmem>>, vector<800x64xf32>
    tpu.vector_store %arg5[%swap3A, %swap3A_16], %div3A_15 {strides = array<i32>} : memref<800x64xf32, #tpu.memory_space<vmem>>, vector<800x64xf32>,
    return
  }
  func.func @transform_0(%arg0: i32) -> (i32, i32, i32) {
    %c0_i32 = arith.constant 0 : i32
    %c0_i32_0 = arith.constant 0 : i32
    %c0_i32_1 = arith.constant 0 : i32
    return %c0_i32, %arg0, %c0_i32_0 : i32, i32, i32
  }
  func.func @transform_1(%arg0: i32) -> (i32, i32) {
    %c0_i32 = arith.constant 0 : i32
    %c0_i32_0 = arith.constant 0 : i32
    %c0_i32_1 = arith.constant 0 : i32
    return %c0_i32, %c0_i32_0 : i32, i32
  }
  func.func @transform_2(%arg0: i32) -> (i32, i32) {
    %c0_i32 = arith.constant 0 : i32
    %c0_i32_0 = arith.constant 0 : i32
    %c0_i32_1 = arith.constant 0 : i32
    return %c0_i32, %c0_i32_0 : i32, i32
  }
  func.func @transform_3(%arg0: i32) -> (i32, i32) {
    %c0_i32 = arith.constant 0 : i32
    %c0_i32_0 = arith.constant 0 : i32
    %c0_i32_1 = arith.constant 0 : i32
    return %c0_i32, %c0_i32_0 : i32, i32
  }
  func.func @transform_4(%arg0: i32) -> (i32, i32) {
    %c0_i32 = arith.constant 0 : i32
    %c0_i32_0 = arith.constant 0 : i32
    return %arg0, %c0_i32 : i32, i32
  }
}

module attributes {stable_mosaic.version = 14 : i64} {
  func.func @_lstm_body(%arg0: i32, %arg1: memref<20x400x5xf32, #tpu.memory_space<vmem>>, %arg2: memref<5x256xf32, #tpu.memory_space<vmem>>, %arg3: memref<64x256xf32, #tpu.memory_space<vmem>>, %arg4: memref<1x256xf32, #tpu.memory_space<vmem>>, %arg5: memref<400x64xf32, #tpu.memory_space<vmem>>) attributes {dimension_semantics = [#tpu.dimension_semantics<arbitrary>], iteration_bounds = array<i64: 25>, scalar_prefetch = 0 : i64, scratch_operands = 0 : i64, tpu.core_type = #tpu.core_type<tc>, window_params = [{transform_indices = @transform_0, window_bounds = array<i64: 20, 400, 5>}, {pipeline_mode = #tpu.pipeline_mode<synchronous>, transform_indices = @transform_1, window_bounds = array<i64: 5, 256>}, {pipeline_mode = #tpu.pipeline_mode<synchronous>, transform_indices = @transform_2, window_bounds = array<i64: 64, 256>}, {pipeline_mode = #tpu.pipeline_mode<synchronous>, transform_indices = @transform_3, window_bounds = array<i64: 1, 256>}, {transform_indices = @transform_4, window_bounds = array<i64: 400, 64>}]} {
    %get3A = arith.constant 0 : index
    %get3A_0 = arith.constant 0 : index
    %get3A_1 = vector.load %arg2[%get3A, %get3A_0] : memref<5x256xf32, #tpu.memory_space<vmem>>, vector<5x256xf32>
    %get3A_2 = arith.constant 0 : index
    %get3A_3 = arith.constant 0 : index
    %get3A_4 = vector.load %arg3[%get3A_2, %get3A_3] : memref<64x256xf32, #tpu.memory_space<vmem>>, vector<64x256xf32>
    %get3A_5 = arith.constant 0 : index
    %get3A_6 = arith.constant 0 : index
    %get3A_7 = vector.load %arg4[%get3A_5, %get3A_6] : memref<1x256xf32, #tpu.memory_space<vmem>>, vector<1x256xf32>
    %broadcast_in_dim3A = arith.constant 0.000000e+00 : f32
    %broadcast_in_dim3A_8 = vector.broadcast %broadcast_in_dim3A : f32 to vector<400x64xf32>
    %scan3A = arith.constant 0 : i32
    %scan3A_9 = arith.constant 20 : i32
    %scan3A_10 = arith.addi %scan3A, %scan3A_9 : i32
    %scan3A_11 = arith.constant 1 : i32
    %scan3A_12:2 = scf.for %scan3A_16 = %scan3A to %scan3A_10 step %scan3A_11 iter_args(%scan3A_17 = %broadcast_in_dim3A_8, %scan3A_18 = %broadcast_in_dim3A_8) -> (vector<400x64xf32>, vector<400x64xf32>)  : i32 {
      %get3A_19 = arith.index_cast %scan3A_16 : i32 to index
      %get3A_20 = arith.constant 0 : index
      %get3A_21 = arith.constant 0 : index
      %get3A_22 = vector.load %arg1[%get3A_19, %get3A_20, %get3A_21] : memref<20x400x5xf32, #tpu.memory_space<vmem>>, vector<1x400x5xf32>
      %get3A_23 = vector.shape_cast %get3A_22 : vector<1x400x5xf32> to vector<400x5xf32>
      %dot_general3A = arith.constant dense<0.000000e+00> : vector<400x256xf32>
      %dot_general3A_24 = tpu.matmul %get3A_23, %get3A_1, %dot_general3A {dimension_numbers = #tpu.dot_dimension_numbers<[1], [0], [0], [1], [0, 0, 1, 1], [], []>, transpose_lhs_hint = false} : vector<400x5xf32>, vector<5x256xf32>, vector<400x256xf32> -> vector<400x256xf32>
      %dot_general3A_25 = arith.constant dense<0.000000e+00> : vector<400x256xf32>
      %dot_general3A_26 = tpu.matmul %scan3A_17, %get3A_4, %dot_general3A_25 {dimension_numbers = #tpu.dot_dimension_numbers<[1], [0], [0], [1], [0, 0, 1, 1], [], []>, transpose_lhs_hint = false} : vector<400x64xf32>, vector<64x256xf32>, vector<400x256xf32> -> vector<400x256xf32>
      %add3A = arith.addf %dot_general3A_24, %dot_general3A_26 : vector<400x256xf32>
      %add3A_27 = vector.broadcast %get3A_7 : vector<1x256xf32> to vector<400x256xf32>
      %add3A_28 = arith.addf %add3A, %add3A_27 : vector<400x256xf32>
      %slice3A = vector.extract_strided_slice %add3A_28 {offsets = [0, 0], sizes = [400, 64], strides = [1, 1]} : vector<400x256xf32> to vector<400x64xf32>
      %logistic3A = arith.negf %slice3A : vector<400x64xf32>
      %logistic3A_29 = math.exp %logistic3A : vector<400x64xf32>
      %logistic3A_30 = arith.constant 1.000000e+00 : f32
      %logistic3A_31 = vector.broadcast %logistic3A_30 : f32 to vector<400x64xf32>
      %logistic3A_32 = arith.addf %logistic3A_31, %logistic3A_29 : vector<400x64xf32>
      %logistic3A_33 = arith.divf %logistic3A_31, %logistic3A_32 : vector<400x64xf32>
      %slice3A_34 = vector.extract_strided_slice %add3A_28 {offsets = [0, 64], sizes = [400, 64], strides = [1, 1]} : vector<400x256xf32> to vector<400x64xf32>
      %logistic3A_35 = arith.negf %slice3A_34 : vector<400x64xf32>
      %logistic3A_36 = math.exp %logistic3A_35 : vector<400x64xf32>
      %logistic3A_37 = arith.constant 1.000000e+00 : f32
      %logistic3A_38 = vector.broadcast %logistic3A_37 : f32 to vector<400x64xf32>
      %logistic3A_39 = arith.addf %logistic3A_38, %logistic3A_36 : vector<400x64xf32>
      %logistic3A_40 = arith.divf %logistic3A_38, %logistic3A_39 : vector<400x64xf32>
      %slice3A_41 = vector.extract_strided_slice %add3A_28 {offsets = [0, 128], sizes = [400, 64], strides = [1, 1]} : vector<400x256xf32> to vector<400x64xf32>
      %tanh3A = math.tanh %slice3A_41 : vector<400x64xf32>
      %slice3A_42 = vector.extract_strided_slice %add3A_28 {offsets = [0, 192], sizes = [400, 64], strides = [1, 1]} : vector<400x256xf32> to vector<400x64xf32>
      %logistic3A_43 = arith.negf %slice3A_42 : vector<400x64xf32>
      %logistic3A_44 = math.exp %logistic3A_43 : vector<400x64xf32>
      %logistic3A_45 = arith.constant 1.000000e+00 : f32
      %logistic3A_46 = vector.broadcast %logistic3A_45 : f32 to vector<400x64xf32>
      %logistic3A_47 = arith.addf %logistic3A_46, %logistic3A_44 : vector<400x64xf32>
      %logistic3A_48 = arith.divf %logistic3A_46, %logistic3A_47 : vector<400x64xf32>
      %mul3A = arith.mulf %logistic3A_40, %scan3A_18 : vector<400x64xf32>
      %mul3A_49 = arith.mulf %logistic3A_33, %tanh3A : vector<400x64xf32>
      %add3A_50 = arith.addf %mul3A, %mul3A_49 : vector<400x64xf32>
      %tanh3A_51 = math.tanh %add3A_50 : vector<400x64xf32>
      %mul3A_52 = arith.mulf %logistic3A_48, %tanh3A_51 : vector<400x64xf32>
      scf.yield %mul3A_52, %add3A_50 : vector<400x64xf32>, vector<400x64xf32>
    }
    %scan3A_13 = arith.constant 20 : i32
    %swap3A = arith.constant 0 : index
    %swap3A_14 = arith.constant 0 : index
    %swap3A_15 = vector.load %arg5[%swap3A, %swap3A_14] : memref<400x64xf32, #tpu.memory_space<vmem>>, vector<400x64xf32>
    tpu.vector_store %arg5[%swap3A, %swap3A_14], %scan3A_12#0 {strides = array<i32>} : memref<400x64xf32, #tpu.memory_space<vmem>>, vector<400x64xf32>,
    return
  }
  func.func @transform_0(%arg0: i32) -> (i32, i32, i32) {
    %c0_i32 = arith.constant 0 : i32
    %c0_i32_0 = arith.constant 0 : i32
    %c0_i32_1 = arith.constant 0 : i32
    return %c0_i32, %arg0, %c0_i32_0 : i32, i32, i32
  }
  func.func @transform_1(%arg0: i32) -> (i32, i32) {
    %c0_i32 = arith.constant 0 : i32
    %c0_i32_0 = arith.constant 0 : i32
    %c0_i32_1 = arith.constant 0 : i32
    return %c0_i32, %c0_i32_0 : i32, i32
  }
  func.func @transform_2(%arg0: i32) -> (i32, i32) {
    %c0_i32 = arith.constant 0 : i32
    %c0_i32_0 = arith.constant 0 : i32
    %c0_i32_1 = arith.constant 0 : i32
    return %c0_i32, %c0_i32_0 : i32, i32
  }
  func.func @transform_3(%arg0: i32) -> (i32, i32) {
    %c0_i32 = arith.constant 0 : i32
    %c0_i32_0 = arith.constant 0 : i32
    %c0_i32_1 = arith.constant 0 : i32
    return %c0_i32, %c0_i32_0 : i32, i32
  }
  func.func @transform_4(%arg0: i32) -> (i32, i32) {
    %c0_i32 = arith.constant 0 : i32
    %c0_i32_0 = arith.constant 0 : i32
    return %arg0, %c0_i32 : i32, i32
  }
}

module attributes {stable_mosaic.version = 14 : i64} {
  func.func @_prep_body(%arg0: i32, %arg1: memref<1000x64xf32, #tpu.memory_space<vmem>>, %arg2: memref<64x64xf32, #tpu.memory_space<vmem>>, %arg3: memref<1x64xf32, #tpu.memory_space<vmem>>, %arg4: memref<1x64xf32, #tpu.memory_space<vmem>>, %arg5: memref<64x16xf32, #tpu.memory_space<vmem>>, %arg6: memref<1000x64xf32, #tpu.memory_space<vmem>>, %arg7: memref<1000x16xf32, #tpu.memory_space<vmem>>, %arg8: memref<1000x16xf32, #tpu.memory_space<vmem>>) attributes {dimension_semantics = [#tpu.dimension_semantics<arbitrary>], iteration_bounds = array<i64: 50>, scalar_prefetch = 0 : i64, scratch_operands = 0 : i64, tpu.core_type = #tpu.core_type<tc>, window_params = [{transform_indices = @transform_0, window_bounds = array<i64: 1000, 64>}, {pipeline_mode = #tpu.pipeline_mode<synchronous>, transform_indices = @transform_1, window_bounds = array<i64: 64, 64>}, {pipeline_mode = #tpu.pipeline_mode<synchronous>, transform_indices = @transform_2, window_bounds = array<i64: 1, 64>}, {pipeline_mode = #tpu.pipeline_mode<synchronous>, transform_indices = @transform_3, window_bounds = array<i64: 1, 64>}, {pipeline_mode = #tpu.pipeline_mode<synchronous>, transform_indices = @transform_4, window_bounds = array<i64: 64, 16>}, {transform_indices = @transform_5, window_bounds = array<i64: 1000, 64>}, {transform_indices = @transform_6, window_bounds = array<i64: 1000, 16>}, {transform_indices = @transform_7, window_bounds = array<i64: 1000, 16>}]} {
    %get3A = arith.constant 0 : index
    %get3A_0 = arith.constant 0 : index
    %get3A_1 = vector.load %arg1[%get3A, %get3A_0] : memref<1000x64xf32, #tpu.memory_space<vmem>>, vector<1000x64xf32>
    %get3A_2 = arith.constant 0 : index
    %get3A_3 = arith.constant 0 : index
    %get3A_4 = vector.load %arg2[%get3A_2, %get3A_3] : memref<64x64xf32, #tpu.memory_space<vmem>>, vector<64x64xf32>
    %dot_general3A = arith.constant dense<0.000000e+00> : vector<1000x64xf32>
    %dot_general3A_5 = tpu.matmul %get3A_1, %get3A_4, %dot_general3A {dimension_numbers = #tpu.dot_dimension_numbers<[1], [0], [0], [1], [0, 0, 1, 1], [], []>, transpose_lhs_hint = false} : vector<1000x64xf32>, vector<64x64xf32>, vector<1000x64xf32> -> vector<1000x64xf32>
    %get3A_6 = arith.constant 0 : index
    %get3A_7 = arith.constant 0 : index
    %get3A_8 = vector.load %arg5[%get3A_6, %get3A_7] : memref<64x16xf32, #tpu.memory_space<vmem>>, vector<64x16xf32>
    %swap3A = arith.constant 0 : index
    %swap3A_9 = arith.constant 0 : index
    %swap3A_10 = vector.load %arg6[%swap3A, %swap3A_9] : memref<1000x64xf32, #tpu.memory_space<vmem>>, vector<1000x64xf32>
    tpu.vector_store %arg6[%swap3A, %swap3A_9], %dot_general3A_5 {strides = array<i32>} : memref<1000x64xf32, #tpu.memory_space<vmem>>, vector<1000x64xf32>,
    %get3A_11 = arith.constant 0 : index
    %get3A_12 = arith.constant 0 : index
    %get3A_13 = vector.load %arg3[%get3A_11, %get3A_12] : memref<1x64xf32, #tpu.memory_space<vmem>>, vector<1x64xf32>
    %mul3A = vector.broadcast %get3A_13 : vector<1x64xf32> to vector<1000x64xf32>
    %mul3A_14 = arith.mulf %dot_general3A_5, %mul3A : vector<1000x64xf32>
    %dot_general3A_15 = arith.constant dense<0.000000e+00> : vector<1000x16xf32>
    %dot_general3A_16 = tpu.matmul %mul3A_14, %get3A_8, %dot_general3A_15 {dimension_numbers = #tpu.dot_dimension_numbers<[1], [0], [0], [1], [0, 0, 1, 1], [], []>, transpose_lhs_hint = false} : vector<1000x64xf32>, vector<64x16xf32>, vector<1000x16xf32> -> vector<1000x16xf32>
    %swap3A_17 = arith.constant 0 : index
    %swap3A_18 = arith.constant 0 : index
    %swap3A_19 = vector.load %arg7[%swap3A_17, %swap3A_18] : memref<1000x16xf32, #tpu.memory_space<vmem>>, vector<1000x16xf32>
    tpu.vector_store %arg7[%swap3A_17, %swap3A_18], %dot_general3A_16 {strides = array<i32>} : memref<1000x16xf32, #tpu.memory_space<vmem>>, vector<1000x16xf32>,
    %get3A_20 = arith.constant 0 : index
    %get3A_21 = arith.constant 0 : index
    %get3A_22 = vector.load %arg4[%get3A_20, %get3A_21] : memref<1x64xf32, #tpu.memory_space<vmem>>, vector<1x64xf32>
    %mul3A_23 = vector.broadcast %get3A_22 : vector<1x64xf32> to vector<1000x64xf32>
    %mul3A_24 = arith.mulf %dot_general3A_5, %mul3A_23 : vector<1000x64xf32>
    %dot_general3A_25 = arith.constant dense<0.000000e+00> : vector<1000x16xf32>
    %dot_general3A_26 = tpu.matmul %mul3A_24, %get3A_8, %dot_general3A_25 {dimension_numbers = #tpu.dot_dimension_numbers<[1], [0], [0], [1], [0, 0, 1, 1], [], []>, transpose_lhs_hint = false} : vector<1000x64xf32>, vector<64x16xf32>, vector<1000x16xf32> -> vector<1000x16xf32>
    %swap3A_27 = arith.constant 0 : index
    %swap3A_28 = arith.constant 0 : index
    %swap3A_29 = vector.load %arg8[%swap3A_27, %swap3A_28] : memref<1000x16xf32, #tpu.memory_space<vmem>>, vector<1000x16xf32>
    tpu.vector_store %arg8[%swap3A_27, %swap3A_28], %dot_general3A_26 {strides = array<i32>} : memref<1000x16xf32, #tpu.memory_space<vmem>>, vector<1000x16xf32>,
    return
  }
  func.func @transform_0(%arg0: i32) -> (i32, i32) {
    %c0_i32 = arith.constant 0 : i32
    %c0_i32_0 = arith.constant 0 : i32
    return %arg0, %c0_i32 : i32, i32
  }
  func.func @transform_1(%arg0: i32) -> (i32, i32) {
    %c0_i32 = arith.constant 0 : i32
    %c0_i32_0 = arith.constant 0 : i32
    %c0_i32_1 = arith.constant 0 : i32
    return %c0_i32, %c0_i32_0 : i32, i32
  }
  func.func @transform_2(%arg0: i32) -> (i32, i32) {
    %c0_i32 = arith.constant 0 : i32
    %c0_i32_0 = arith.constant 0 : i32
    %c0_i32_1 = arith.constant 0 : i32
    return %c0_i32, %c0_i32_0 : i32, i32
  }
  func.func @transform_3(%arg0: i32) -> (i32, i32) {
    %c0_i32 = arith.constant 0 : i32
    %c0_i32_0 = arith.constant 0 : i32
    %c0_i32_1 = arith.constant 0 : i32
    return %c0_i32, %c0_i32_0 : i32, i32
  }
  func.func @transform_4(%arg0: i32) -> (i32, i32) {
    %c0_i32 = arith.constant 0 : i32
    %c0_i32_0 = arith.constant 0 : i32
    %c0_i32_1 = arith.constant 0 : i32
    return %c0_i32, %c0_i32_0 : i32, i32
  }
  func.func @transform_5(%arg0: i32) -> (i32, i32) {
    %c0_i32 = arith.constant 0 : i32
    %c0_i32_0 = arith.constant 0 : i32
    return %arg0, %c0_i32 : i32, i32
  }
  func.func @transform_6(%arg0: i32) -> (i32, i32) {
    %c0_i32 = arith.constant 0 : i32
    %c0_i32_0 = arith.constant 0 : i32
    return %arg0, %c0_i32 : i32, i32
  }
  func.func @transform_7(%arg0: i32) -> (i32, i32) {
    %c0_i32 = arith.constant 0 : i32
    %c0_i32_0 = arith.constant 0 : i32
    return %arg0, %c0_i32 : i32, i32
  }
}

module attributes {stable_mosaic.version = 14 : i64} {
  func.func @_mid_body(%arg0: i32, %arg1: memref<1000x128xf32, #tpu.memory_space<vmem>>, %arg2: memref<1000x64xf32, #tpu.memory_space<vmem>>, %arg3: memref<1x64xf32, #tpu.memory_space<vmem>>, %arg4: memref<1x64xf32, #tpu.memory_space<vmem>>, %arg5: memref<64x64xf32, #tpu.memory_space<vmem>>, %arg6: memref<1x64xf32, #tpu.memory_space<vmem>>, %arg7: memref<1x64xf32, #tpu.memory_space<vmem>>, %arg8: memref<64x16xf32, #tpu.memory_space<vmem>>, %arg9: memref<1000x64xf32, #tpu.memory_space<vmem>>, %arg10: memref<1000x64xf32, #tpu.memory_space<vmem>>, %arg11: memref<1000x16xf32, #tpu.memory_space<vmem>>, %arg12: memref<1000x16xf32, #tpu.memory_space<vmem>>) attributes {dimension_semantics = [#tpu.dimension_semantics<arbitrary>], iteration_bounds = array<i64: 50>, scalar_prefetch = 0 : i64, scratch_operands = 0 : i64, tpu.core_type = #tpu.core_type<tc>, window_params = [{transform_indices = @transform_0, window_bounds = array<i64: 1000, 128>}, {transform_indices = @transform_1, window_bounds = array<i64: 1000, 64>}, {pipeline_mode = #tpu.pipeline_mode<synchronous>, transform_indices = @transform_2, window_bounds = array<i64: 1, 64>}, {pipeline_mode = #tpu.pipeline_mode<synchronous>, transform_indices = @transform_3, window_bounds = array<i64: 1, 64>}, {pipeline_mode = #tpu.pipeline_mode<synchronous>, transform_indices = @transform_4, window_bounds = array<i64: 64, 64>}, {pipeline_mode = #tpu.pipeline_mode<synchronous>, transform_indices = @transform_5, window_bounds = array<i64: 1, 64>}, {pipeline_mode = #tpu.pipeline_mode<synchronous>, transform_indices = @transform_6, window_bounds = array<i64: 1, 64>}, {pipeline_mode = #tpu.pipeline_mode<synchronous>, transform_indices = @transform_7, window_bounds = array<i64: 64, 16>}, {transform_indices = @transform_8, window_bounds = array<i64: 1000, 64>}, {transform_indices = @transform_9, window_bounds = array<i64: 1000, 64>}, {transform_indices = @transform_10, window_bounds = array<i64: 1000, 16>}, {transform_indices = @transform_11, window_bounds = array<i64: 1000, 16>}]} {
    %get3A = arith.constant 0 : index
    %get3A_0 = arith.constant 0 : index
    %get3A_1 = vector.load %arg1[%get3A, %get3A_0] : memref<1000x128xf32, #tpu.memory_space<vmem>>, vector<1000x128xf32>
    %slice3A = vector.extract_strided_slice %get3A_1 {offsets = [0, 0], sizes = [1000, 64], strides = [1, 1]} : vector<1000x128xf32> to vector<1000x64xf32>
    %get3A_2 = arith.constant 0 : index
    %get3A_3 = arith.constant 0 : index
    %get3A_4 = vector.load %arg3[%get3A_2, %get3A_3] : memref<1x64xf32, #tpu.memory_space<vmem>>, vector<1x64xf32>
    %mul3A = vector.broadcast %get3A_4 : vector<1x64xf32> to vector<1000x64xf32>
    %mul3A_5 = arith.mulf %slice3A, %mul3A : vector<1000x64xf32>
    %get3A_6 = arith.constant 0 : index
    %get3A_7 = arith.constant 0 : index
    %get3A_8 = vector.load %arg4[%get3A_6, %get3A_7] : memref<1x64xf32, #tpu.memory_space<vmem>>, vector<1x64xf32>
    %add3A = vector.broadcast %get3A_8 : vector<1x64xf32> to vector<1000x64xf32>
    %add3A_9 = arith.addf %mul3A_5, %add3A : vector<1000x64xf32>
    %gt3A = arith.constant 0.000000e+00 : f32
    %gt3A_10 = vector.broadcast %gt3A : f32 to vector<1000x64xf32>
    %gt3A_11 = arith.cmpf ogt, %add3A_9, %gt3A_10 : vector<1000x64xf32>
    %min3A = arith.constant 0.000000e+00 : f32
    %min3A_12 = vector.broadcast %min3A : f32 to vector<1000x64xf32>
    %min3A_13 = arith.minimumf %add3A_9, %min3A_12 : vector<1000x64xf32>
    %exp3A = math.exp %min3A_13 : vector<1000x64xf32>
    %sub3A = arith.constant 1.000000e+00 : f32
    %sub3A_14 = vector.broadcast %sub3A : f32 to vector<1000x64xf32>
    %sub3A_15 = arith.subf %exp3A, %sub3A_14 : vector<1000x64xf32>
    %select_n3A = arith.select %gt3A_11, %add3A_9, %sub3A_15 : vector<1000x64xi1>, vector<1000x64xf32>
    %get3A_16 = arith.constant 0 : index
    %get3A_17 = arith.constant 0 : index
    %get3A_18 = vector.load %arg2[%get3A_16, %get3A_17] : memref<1000x64xf32, #tpu.memory_space<vmem>>, vector<1000x64xf32>
    %add3A_19 = arith.addf %select_n3A, %get3A_18 : vector<1000x64xf32>
    %swap3A = arith.constant 0 : index
    %swap3A_20 = arith.constant 0 : index
    %swap3A_21 = vector.load %arg9[%swap3A, %swap3A_20] : memref<1000x64xf32, #tpu.memory_space<vmem>>, vector<1000x64xf32>
    tpu.vector_store %arg9[%swap3A, %swap3A_20], %add3A_19 {strides = array<i32>} : memref<1000x64xf32, #tpu.memory_space<vmem>>, vector<1000x64xf32>,
    %get3A_22 = arith.constant 0 : index
    %get3A_23 = arith.constant 0 : index
    %get3A_24 = vector.load %arg5[%get3A_22, %get3A_23] : memref<64x64xf32, #tpu.memory_space<vmem>>, vector<64x64xf32>
    %dot_general3A = arith.constant dense<0.000000e+00> : vector<1000x64xf32>
    %dot_general3A_25 = tpu.matmul %add3A_19, %get3A_24, %dot_general3A {dimension_numbers = #tpu.dot_dimension_numbers<[1], [0], [0], [1], [0, 0, 1, 1], [], []>, transpose_lhs_hint = false} : vector<1000x64xf32>, vector<64x64xf32>, vector<1000x64xf32> -> vector<1000x64xf32>
    %get3A_26 = arith.constant 0 : index
    %get3A_27 = arith.constant 0 : index
    %get3A_28 = vector.load %arg8[%get3A_26, %get3A_27] : memref<64x16xf32, #tpu.memory_space<vmem>>, vector<64x16xf32>
    %swap3A_29 = arith.constant 0 : index
    %swap3A_30 = arith.constant 0 : index
    %swap3A_31 = vector.load %arg10[%swap3A_29, %swap3A_30] : memref<1000x64xf32, #tpu.memory_space<vmem>>, vector<1000x64xf32>
    tpu.vector_store %arg10[%swap3A_29, %swap3A_30], %dot_general3A_25 {strides = array<i32>} : memref<1000x64xf32, #tpu.memory_space<vmem>>, vector<1000x64xf32>,
    %get3A_32 = arith.constant 0 : index
    %get3A_33 = arith.constant 0 : index
    %get3A_34 = vector.load %arg6[%get3A_32, %get3A_33] : memref<1x64xf32, #tpu.memory_space<vmem>>, vector<1x64xf32>
    %mul3A_35 = vector.broadcast %get3A_34 : vector<1x64xf32> to vector<1000x64xf32>
    %mul3A_36 = arith.mulf %dot_general3A_25, %mul3A_35 : vector<1000x64xf32>
    %dot_general3A_37 = arith.constant dense<0.000000e+00> : vector<1000x16xf32>
    %dot_general3A_38 = tpu.matmul %mul3A_36, %get3A_28, %dot_general3A_37 {dimension_numbers = #tpu.dot_dimension_numbers<[1], [0], [0], [1], [0, 0, 1, 1], [], []>, transpose_lhs_hint = false} : vector<1000x64xf32>, vector<64x16xf32>, vector<1000x16xf32> -> vector<1000x16xf32>
    %swap3A_39 = arith.constant 0 : index
    %swap3A_40 = arith.constant 0 : index
    %swap3A_41 = vector.load %arg11[%swap3A_39, %swap3A_40] : memref<1000x16xf32, #tpu.memory_space<vmem>>, vector<1000x16xf32>
    tpu.vector_store %arg11[%swap3A_39, %swap3A_40], %dot_general3A_38 {strides = array<i32>} : memref<1000x16xf32, #tpu.memory_space<vmem>>, vector<1000x16xf32>,
    %get3A_42 = arith.constant 0 : index
    %get3A_43 = arith.constant 0 : index
    %get3A_44 = vector.load %arg7[%get3A_42, %get3A_43] : memref<1x64xf32, #tpu.memory_space<vmem>>, vector<1x64xf32>
    %mul3A_45 = vector.broadcast %get3A_44 : vector<1x64xf32> to vector<1000x64xf32>
    %mul3A_46 = arith.mulf %dot_general3A_25, %mul3A_45 : vector<1000x64xf32>
    %dot_general3A_47 = arith.constant dense<0.000000e+00> : vector<1000x16xf32>
    %dot_general3A_48 = tpu.matmul %mul3A_46, %get3A_28, %dot_general3A_47 {dimension_numbers = #tpu.dot_dimension_numbers<[1], [0], [0], [1], [0, 0, 1, 1], [], []>, transpose_lhs_hint = false} : vector<1000x64xf32>, vector<64x16xf32>, vector<1000x16xf32> -> vector<1000x16xf32>
    %swap3A_49 = arith.constant 0 : index
    %swap3A_50 = arith.constant 0 : index
    %swap3A_51 = vector.load %arg12[%swap3A_49, %swap3A_50] : memref<1000x16xf32, #tpu.memory_space<vmem>>, vector<1000x16xf32>
    tpu.vector_store %arg12[%swap3A_49, %swap3A_50], %dot_general3A_48 {strides = array<i32>} : memref<1000x16xf32, #tpu.memory_space<vmem>>, vector<1000x16xf32>,
    return
  }
  func.func @transform_0(%arg0: i32) -> (i32, i32) {
    %c0_i32 = arith.constant 0 : i32
    %c0_i32_0 = arith.constant 0 : i32
    return %arg0, %c0_i32 : i32, i32
  }
  func.func @transform_1(%arg0: i32) -> (i32, i32) {
    %c0_i32 = arith.constant 0 : i32
    %c0_i32_0 = arith.constant 0 : i32
    return %arg0, %c0_i32 : i32, i32
  }
  func.func @transform_2(%arg0: i32) -> (i32, i32) {
    %c0_i32 = arith.constant 0 : i32
    %c0_i32_0 = arith.constant 0 : i32
    %c0_i32_1 = arith.constant 0 : i32
    return %c0_i32, %c0_i32_0 : i32, i32
  }
  func.func @transform_3(%arg0: i32) -> (i32, i32) {
    %c0_i32 = arith.constant 0 : i32
    %c0_i32_0 = arith.constant 0 : i32
    %c0_i32_1 = arith.constant 0 : i32
    return %c0_i32, %c0_i32_0 : i32, i32
  }
  func.func @transform_4(%arg0: i32) -> (i32, i32) {
    %c0_i32 = arith.constant 0 : i32
    %c0_i32_0 = arith.constant 0 : i32
    %c0_i32_1 = arith.constant 0 : i32
    return %c0_i32, %c0_i32_0 : i32, i32
  }
  func.func @transform_5(%arg0: i32) -> (i32, i32) {
    %c0_i32 = arith.constant 0 : i32
    %c0_i32_0 = arith.constant 0 : i32
    %c0_i32_1 = arith.constant 0 : i32
    return %c0_i32, %c0_i32_0 : i32, i32
  }
  func.func @transform_6(%arg0: i32) -> (i32, i32) {
    %c0_i32 = arith.constant 0 : i32
    %c0_i32_0 = arith.constant 0 : i32
    %c0_i32_1 = arith.constant 0 : i32
    return %c0_i32, %c0_i32_0 : i32, i32
  }
  func.func @transform_7(%arg0: i32) -> (i32, i32) {
    %c0_i32 = arith.constant 0 : i32
    %c0_i32_0 = arith.constant 0 : i32
    %c0_i32_1 = arith.constant 0 : i32
    return %c0_i32, %c0_i32_0 : i32, i32
  }
  func.func @transform_8(%arg0: i32) -> (i32, i32) {
    %c0_i32 = arith.constant 0 : i32
    %c0_i32_0 = arith.constant 0 : i32
    return %arg0, %c0_i32 : i32, i32
  }
  func.func @transform_9(%arg0: i32) -> (i32, i32) {
    %c0_i32 = arith.constant 0 : i32
    %c0_i32_0 = arith.constant 0 : i32
    return %arg0, %c0_i32 : i32, i32
  }
  func.func @transform_10(%arg0: i32) -> (i32, i32) {
    %c0_i32 = arith.constant 0 : i32
    %c0_i32_0 = arith.constant 0 : i32
    return %arg0, %c0_i32 : i32, i32
  }
  func.func @transform_11(%arg0: i32) -> (i32, i32) {
    %c0_i32 = arith.constant 0 : i32
    %c0_i32_0 = arith.constant 0 : i32
    return %arg0, %c0_i32 : i32, i32
  }
}

module attributes {stable_mosaic.version = 14 : i64} {
  func.func @_final_body(%arg0: i32, %arg1: memref<1000x128xf32, #tpu.memory_space<vmem>>, %arg2: memref<1000x64xf32, #tpu.memory_space<vmem>>, %arg3: memref<1x64xf32, #tpu.memory_space<vmem>>, %arg4: memref<1000x64xf32, #tpu.memory_space<vmem>>) attributes {dimension_semantics = [#tpu.dimension_semantics<arbitrary>], iteration_bounds = array<i64: 50>, scalar_prefetch = 0 : i64, scratch_operands = 0 : i64, tpu.core_type = #tpu.core_type<tc>, window_params = [{transform_indices = @transform_0, window_bounds = array<i64: 1000, 128>}, {transform_indices = @transform_1, window_bounds = array<i64: 1000, 64>}, {pipeline_mode = #tpu.pipeline_mode<synchronous>, transform_indices = @transform_2, window_bounds = array<i64: 1, 64>}, {transform_indices = @transform_3, window_bounds = array<i64: 1000, 64>}]} {
    %get3A = arith.constant 0 : index
    %get3A_0 = arith.constant 0 : index
    %get3A_1 = vector.load %arg1[%get3A, %get3A_0] : memref<1000x128xf32, #tpu.memory_space<vmem>>, vector<1000x128xf32>
    %slice3A = vector.extract_strided_slice %get3A_1 {offsets = [0, 0], sizes = [1000, 64], strides = [1, 1]} : vector<1000x128xf32> to vector<1000x64xf32>
    %get3A_2 = arith.constant 0 : index
    %get3A_3 = arith.constant 0 : index
    %get3A_4 = vector.load %arg3[%get3A_2, %get3A_3] : memref<1x64xf32, #tpu.memory_space<vmem>>, vector<1x64xf32>
    %add3A = vector.broadcast %get3A_4 : vector<1x64xf32> to vector<1000x64xf32>
    %add3A_5 = arith.addf %slice3A, %add3A : vector<1000x64xf32>
    %get3A_6 = arith.constant 0 : index
    %get3A_7 = arith.constant 0 : index
    %get3A_8 = vector.load %arg2[%get3A_6, %get3A_7] : memref<1000x64xf32, #tpu.memory_space<vmem>>, vector<1000x64xf32>
    %add3A_9 = arith.addf %add3A_5, %get3A_8 : vector<1000x64xf32>
    %swap3A = arith.constant 0 : index
    %swap3A_10 = arith.constant 0 : index
    %swap3A_11 = vector.load %arg4[%swap3A, %swap3A_10] : memref<1000x64xf32, #tpu.memory_space<vmem>>, vector<1000x64xf32>
    tpu.vector_store %arg4[%swap3A, %swap3A_10], %add3A_9 {strides = array<i32>} : memref<1000x64xf32, #tpu.memory_space<vmem>>, vector<1000x64xf32>,
    return
  }
  func.func @transform_0(%arg0: i32) -> (i32, i32) {
    %c0_i32 = arith.constant 0 : i32
    %c0_i32_0 = arith.constant 0 : i32
    return %arg0, %c0_i32 : i32, i32
  }
  func.func @transform_1(%arg0: i32) -> (i32, i32) {
    %c0_i32 = arith.constant 0 : i32
    %c0_i32_0 = arith.constant 0 : i32
    return %arg0, %c0_i32 : i32, i32
  }
  func.func @transform_2(%arg0: i32) -> (i32, i32) {
    %c0_i32 = arith.constant 0 : i32
    %c0_i32_0 = arith.constant 0 : i32
    %c0_i32_1 = arith.constant 0 : i32
    return %c0_i32, %c0_i32_0 : i32, i32
  }
  func.func @transform_3(%arg0: i32) -> (i32, i32) {
    %c0_i32 = arith.constant 0 : i32
    %c0_i32_0 = arith.constant 0 : i32
    return %arg0, %c0_i32 : i32, i32
  }
}

</mosaic_0001>

<sc_bundles>
// kernel: kernel.11.cloned.1.call-start
scs
__scs_entry_jumppad:
0x0: {  	(pc) =	sbr.rel $0x88, $3  }
0x1: {  	(tag) =	ssettag $0x0;
	lr =	simm.s32 $0x1  }
0x2: {  	[smem:$0x3F89] =	sst lr;
	_ =	strace $0xD0000000  }
0x3: {  	_ = 	snop  }
0x4: {  	_ = 	snop  }
0x5: {  	_ = 	snop  }
0x6: {  	_ = 	snop  }
0x7: {  	_ = 	snop  }
__scs_overlays_trampoline_lowered:
0x8: {  	[smem:$0x3F98] =	sst s0  }
0x9: {  	[smem:$0x3F99] =	sst s1  }
0xa: {  	[smem:$0x3F9A] =	sst s2  }
0xb: {  	[smem:$0x3F9B] =	sst s3  }
0xc: {  	[smem:$0x3F9C] =	sst s4  }
0xd: {  	[smem:$0x3F9D] =	sst s5  }
0xe: {  	[smem:$0x3F9E] =	sst s6  }
0xf: {  	[smem:$0x3F9F] =	sst s7  }
0x10: {  	[smem:$0x3FA0] =	sst s8  }
0x11: {  	[smem:$0x3FA1] =	sst s9;
	s0 =	simm.s32 @!p0 $0x0  }
0x12: {  	s1 =	sld [smem:$0x3F87];
	s0 =	simm.s32 @p0 $0x1  }
0x13: {  	[smem:$0x3FA2] =	sst s0;
	s0 =	simm.s32 @!p1 $0x0  }
0x14: {  	s2 =	sld [smem:$0x3F86];
	s0 =	simm.s32 @p1 $0x1  }
0x15: {  	[smem:$0x3FA3] =	sst s0;
	s0 =	simm.s32 @!p2 $0x0  }
0x16: {  	s3 =	sld [smem:$0x3FDB];
	s0 =	simm.s32 @p2 $0x1  }
0x17: {  	s4 =	simm.s32 $0x1BF5;
	[smem:$0x3FA5] =	sst s0  }
0x18: {  	s0 =	sld [smem:$0x3F88];
	_ =	swait.ge [sflag:s4], $0x0  }
0x19: {  	s7 =	sld [smem:$0x3F89]  }
0x1a: {  	s8 =	sadd.s32 $0xFFFFE003, lr  }
0x1b: {  	s9 =	sadd.s32 $0xFFFFFEF7, lr;
	s5 =	simm.s32 $0xFFFFFFFF;
	p2 =	slt.u32 s8, $0xFFFFF086  }
0x1c: {  	p1 =	slt.u32 s9, $0xF7A;
	s5 =	simm.s32 @!p2 $0x0  }
0x1d: {  	s5 =	simm.s32 @p1 $0x1;
	p0 =	seq.s32 s7, s2  }
0x1e: {  	s7 =	smul.u32 @!p0 $0xF7A, s2;
	p2 =	seq.s32 @!p0 s5, $0x0  }
0x1f: {  	s9 =	smul.u32 $0xF7A, s1;
	s8 =	simm.s32 @!p0 $0x1BF5;
	p2 =	por !p2, p0  }
0x20: {  	[sflag:s8] =	ssyncset.s32 @!p0 $0xFFFFF086;
	s6 =	sadd.s32 @!p0 s3, s7;
	s7 =	simm.s32 @!p0 $0x108  }
0x21: {  	s3 =	sadd.s32 s3, s9;
	s6 =	sadd.s32 @!p0 $0x88, s6;
	s7 =	simm.s32 @p2 $0x1082  }
0x22: {  	[simem:s7], [sflag:s8] =	dma.local @!p0 [hbm:s6], $0xF7A  }
0x23: {  	s9 =	sor.u32 $0xD0000000, s2;
	s6 =	simm.s32 $0x108;
	_ =	swait.ge @!p0 [sflag:s8], $0x0  }
0x24: {  	s3 =	sadd.s32 $0x88, s3;
	s6 =	simm.s32 @!p1 $0x1082;
	[sflag:s4] =	ssyncset.s32 $0xFFFFF086  }
0x25: {  	[simem:s6], [sflag:s4] =	dma.local [hbm:s3], $0xF7A  }
0x26: {  	[smem:$0x3F89] =	sst s1;
	(tag) =	ssettag s2;
	_ =	strace s9  }
0x27: {  	s1 =	sld [smem:$0x3F99]  }
0x28: {  	s2 =	sld [smem:$0x3F9A]  }
0x29: {  	s4 =	sld [smem:$0x3F9C]  }
0x2a: {  	p0 =	seq.s32 s5, $0x0;
	s5 =	sld [smem:$0x3F9D]  }
0x2b: {  	s6 =	sld [smem:$0x3F9E]  }
0x2c: {  	s7 =	sld [smem:$0x3F9F]  }
0x2d: {  	s3 =	simm.s32 $0x108;
	s8 =	sld [smem:$0x3FA0]  }
0x2e: {  	s3 =	simm.s32 @!p0 $0x1082;
	s9 =	sld [smem:$0x3FA1]  }
0x2f: {  	lr =	sadd.s32 s0, s3;
	s0 =	sld [smem:$0x3F98]  }
0x30: {  	s3 =	sld [smem:$0x3F9B]  }
0x31: {  	[smem:$0x3FA4] =	sst s10  }
0x32: {  	s10 =	sld [smem:$0x3FA2];
	_ =	sdelay $0x3  }
0x33: {  	p0 =	seq.s32 s10, $0x1;
	s10 =	sld [smem:$0x3FA4];
	_ =	sdelay $0x3  }
0x34: {  	[smem:$0x3FA4] =	sst s10  }
0x35: {  	s10 =	sld [smem:$0x3FA3];
	_ =	sdelay $0x3  }
0x36: {  	p1 =	seq.s32 s10, $0x1;
	s10 =	sld [smem:$0x3FA4];
	_ =	sdelay $0x3  }
0x37: {  	[smem:$0x3FA4] =	sst s10  }
0x38: {  	s10 =	sld [smem:$0x3FA5]  }
0x39: {  	_ = 	snop;
	(pc) =	sbr.ind lr, $3  }
0x3a: {  	_ = 	snop  }
0x3b: {  	_ = 	snop  }
0x3c: {  	p2 =	seq.s32 s10, $0x1;
	s10 =	sld [smem:$0x3FA4]  }
0x3d: {  	_ =	shalt  }
0x3e: {  	_ =	shalt  }
0x3f: {  	_ =	shalt  }
0x40: {  	_ =	shalt  }
0x41: {  	_ =	shalt  }
0x42: {  	_ =	shalt  }
0x43: {  	_ =	shalt  }
0x44: {  	_ =	shalt  }
0x45: {  	_ =	shalt  }
0x46: {  	_ =	shalt  }
0x47: {  	_ =	shalt  }
0x48: {  	_ =	shalt  }
0x49: {  	_ =	shalt  }
0x4a: {  	_ =	shalt  }
0x4b: {  	_ =	shalt  }
0x4c: {  	_ =	shalt  }
0x4d: {  	_ =	shalt  }
0x4e: {  	_ =	shalt  }
0x4f: {  	_ =	shalt  }
0x50: {  	_ =	shalt  }
0x51: {  	_ =	shalt  }
0x52: {  	_ =	shalt  }
0x53: {  	_ =	shalt  }
0x54: {  	_ =	shalt  }
0x55: {  	_ =	shalt  }
0x56: {  	_ =	shalt  }
0x57: {  	_ =	shalt  }
0x58: {  	_ =	shalt  }
0x59: {  	_ =	shalt  }
0x5a: {  	_ =	shalt  }
0x5b: {  	_ =	shalt  }
0x5c: {  	_ =	shalt  }
0x5d: {  	_ =	shalt  }
0x5e: {  	_ =	shalt  }
0x5f: {  	_ =	shalt  }
0x60: {  	_ =	shalt  }
0x61: {  	_ =	shalt  }
0x62: {  	_ =	shalt  }
0x63: {  	_ =	shalt  }
0x64: {  	_ =	shalt  }
0x65: {  	_ =	shalt  }
0x66: {  	_ =	shalt  }
0x67: {  	_ =	shalt  }
0x68: {  	_ =	shalt  }
0x69: {  	_ =	shalt  }
0x6a: {  	_ =	shalt  }
0x6b: {  	_ =	shalt  }
0x6c: {  	_ =	shalt  }
0x6d: {  	_ =	shalt  }
0x6e: {  	_ =	shalt  }
0x6f: {  	_ =	shalt  }
0x70: {  	_ =	shalt  }
0x71: {  	_ =	shalt  }
0x72: {  	_ =	shalt  }
0x73: {  	_ =	shalt  }
0x74: {  	_ =	shalt  }
0x75: {  	_ =	shalt  }
0x76: {  	_ =	shalt  }
0x77: {  	_ =	shalt  }
0x78: {  	_ =	shalt  }
0x79: {  	_ =	shalt  }
0x7a: {  	_ =	shalt  }
0x7b: {  	_ =	shalt  }
0x7c: {  	_ =	shalt  }
0x7d: {  	_ =	shalt  }
0x7e: {  	_ =	shalt  }
0x7f: {  	_ =	shalt  }
0x80: {  	_ =	shalt  }
0x81: {  	_ =	shalt  }
0x82: {  	_ =	shalt  }
0x83: {  	_ =	shalt  }
0x84: {  	_ =	shalt  }
0x85: {  	_ =	shalt  }
0x86: {  	_ =	shalt  }
0x87: {  	_ =	shalt  }
.Lfunc_end0:
.L_simem_size_0:
called_computation_lowered:
.L_overlay_start_0:
0x88: {  	s2 =	sld [smem:$0x3FD9]  }
0x89: {  	s3 =	sld [smem:$0x3FFE];
	_ =	sdelay $0x1  }
0x8a: {  	s1 =	srdreg.scid  }
0x8b: {  	s0 =	sand.u32 $0x1, s1  }
0x8c: {  	s14 =	sshll.u32 s0, $0xA;
	s2 =	sadd.s32 s3, s2  }
0x8d: {  	s2 =	sadd.s32 s2, s14  }
0x8e: {  	[smem:$0x3FB0] =	sst s2  }
0x8f: {  	_ = 	snop  }
0x90: {  	s2 =	sld [smem:$0x3FD0];
	_ =	sdelay $0x2  }
0x91: {  	s15 =	simm.s32 $0xA;
	s4 =	simm.s32 $0x10  }
0x92: {  	[smem:s4], [sflag:s15] =	dma.local [hbm:s2], $0x1  }
0x93: {  	_ =	swait.eq [sflag:s15], $0x1  }
0x94: {  	[sflag:s15] =	ssyncset.done $0x0  }
0x95: {  	s16 =	sld [smem:$0x12];
	[sflag:s15] =	ssyncadd.s32 $0xFFFFFFFF  }
0x96: {  	s17 =	sld [smem:$0x13];
	(tm) =	ssettm $0x1  }
0x97: {  	s18 =	sld [smem:$0x3FFB];
	_ =	sdelay $0x3  }
0x98: {  	_ =	strace s18  }
0x99: {  	s4 =	sld [smem:$0x3FFC];
	_ =	sdelay $0x3  }
0x9a: {  	_ =	strace s4  }
0x9b: {  	s4 =	sld [smem:$0x3FFD];
	_ =	sdelay $0x3  }
0x9c: {  	_ =	strace s4  }
0x9d: {  	_ =	strace $0x8FFFFFFF  }
0x9e: {  	s19 =	sld [smem:$0x3FDB];
	_ =	sdelay $0x1  }
0x9f: {  	s5 =	simm.s32 $_scs_section_size  }
0xa0: {  	s6 =	simm.s32 $_size__tile_overlayer_lowered;
	s7 =	simm.s32 $_tile_overlayer_lowered  }
0xa1: {  	s22 =	simm.s32 $0x1BFF;
	s21 =	sshll.u32 s7, $0x1;
	s4 =	sadd.s32 s5, s19  }
0xa2: {  	s8 =	simm.s32 $0x0;
	s20 =	sshll.u32 s6, $0x1;
	s6 =	sadd.s32 s21, s4  }
0xa3: {  	[timem:s8], [sflag:s22] =	dma.local [hbm:s6], s20  }
0xa4: {  	_ =	swait.ge [sflag:s22], s20  }
0xa5: {  	s5 =	ssub.s32 $0x0, s20;
	[sflag:s22] =	ssyncset.done $0x0  }
0xa6: {  	[sflag:s22] =	ssyncadd.s32 s5;
	_ =	sdelay $0x1  }
0xa7: {  	s23 =	simm.s32 $0x1B8B  }
0xa8: {  	_ =	swait.ge [sflag:s23], $0x1  }
0xa9: {  	[sflag:s23] =	ssyncset.done $0x0  }
0xaa: {  	s25 =	simm.s32 $0x1B8E;
	s24 =	sld [smem:$0x3FFE];
	[sflag:s23] =	ssyncadd.s32 $0xFFFFFFFF  }
0xab: {  	s26 =	simm.s32 $execute0_lowered;
	[smem:$0x3FD2] =	sst s25  }
0xac: {  	s6 =	sshll.u32 s26, $0x1;
	_ =	strace $0x80000046;
	[dreg:$0x1] =	wrdreg $0xFFFFFFFF  }
0xad: {  	s28 =	simm.s32 $_size_execute0_lowered;
	s4 =	sadd.s32 s4, s6;
	[dreg:$0x0] =	wrdreg $0x0  }
0xae: {  	s6 =	sshll.u32 s28, $0x1;
	[dreg:$0x2] =	wrdreg s4  }
0xaf: {  	[dreg:$0x3] =	wrdreg s6  }
0xb0: {  	[dreg:$0x4] =	wrdreg $0xC0  }
0xb1: {  	_ =	task [dreg:s8], $0x5FFFF  }
0xb2: {  	[dreg:$0x1] =	wrdreg $0xFFFFFFFF  }
0xb3: {  	[dreg:$0x0] =	wrdreg $0x60  }
0xb4: {  	[dreg:$0x2] =	wrdreg s24  }
0xb5: {  	[dreg:$0x3] =	wrdreg s16  }
0xb6: {  	[dreg:$0x4] =	wrdreg s17  }
0xb7: {  	[dreg:$0x5] =	wrdreg $0xE2900  }
0xb8: {  	[dreg:$0x6] =	wrdreg $0x9  }
0xb9: {  	_ =	task.clear_ibuf [dreg:s8], $0x7FFFF;
	_ =	strace $0x90000046  }
0xba: {  	s29 =	simm.s32 $0x9;
	_ =	strace $0x80000048  }
0xbb: {  	_ =	swait.ge [sflag:s29], $0x1  }
0xbc: {  	[sflag:s29] =	ssyncadd.s32 $0xFFFFFFFF  }
0xbd: {  	_ =	strace $0x90000048  }
0xbe: {  	_ =	sfence  }
0xbf: {  	s30 =	sld [smem:$0x0];
	_ =	sdelay $0x2  }
0xc0: {  	s31 =	sshll.u32 s1, $0xD;
	s1 =	sshrl.u32 s1, $0x2  }
0xc1: {  	s3 =	sand.u32 $0x4000, s31;
	s1 =	sadd.s32 s1, s30  }
0xc2: {  	s0 =	sor.u32 s3, s0;
	s1 =	sshll.u32 s1, $0x11  }
0xc3: {  	s0 =	sor.u32 s1, s0  }
0xc4: {  	s0 =	sadd.s32 $0x8F2B, s0  }
0xc5: {  	[sflag:s0] =	ssyncadd.remote.s32 $0x1  }
0xc6: {  	_ =	sfence.sel $0xFFFF  }
0xc7: {  	[dreg:$0x0] =	wrdreg $0xFFFFFFFF;
	(pc) =	sbr.abs _section_cstart, $3  }
0xc8: {  	[dreg:$0x1] =	wrdreg $0xFFFFFFFF  }
0xc9: {  	_ =	task.clear_ibuf [dreg:s8], $0x2FFFF;
	_ =	strace $0x9FFFFFFF  }
0xca: {  	(tm) =	ssettm $0x7FFFFFFF  }
0xcb: {  	_ =	shalt  }
tec
execute0_lowered:
.L_overlay_start_1:
0x0: {  	(tag) =	ssettag $0x1  }
0x1: {  	s0 =	rddreg [dreg:$0x0]  }
0x2: {  	s1 =	rddreg [dreg:$0x2]  }
0x3: {  	s2 =	rddreg [dreg:$0x3];
	s3 =	simm.s32 $0x0  }
0x4: {  	s4 =	srdreg.scid;
	s13 =	stileid.u32;
	s16 =	simm.s32 $0x84D0  }
0x5: {  	s17 =	simm.s32 $0x3;
	s18 =	simm.s32 $0x3E8;
	s19 =	simm.s32 $0x7D0  }
0x6: {  	s20 =	simm.s32 $0x4650;
	s21 =	simm.s32 $0x1;
	s22 =	simm.s32 $0x2  }
0x7: {  	s23 =	simm.s32 $0xC350;
	s25 =	simm.s32 $0x0;
	[smem:$0x7FF] =	sst s3  }
0x8: {  	s5 =	sadd.s32 $0x1F600, s0;
	s6 =	sadd.s32 $0x6E00, s0;
	s9 =	smul.u32 $0x32000, s13  }
0x9: {  	s4 =	sand.u32 $0x1, s4;
	s7 =	sadd.s32 $0x408C00, s0;
	s8 =	sadd.s32 $0x1BEA00, s0  }
0xa: {  	s11 =	smul.u32 $0x1900, s13;
	_ =	strace $0x80000047;
	s9 =	sshrl.u32 s9, $0x2  }
0xb: {  	s26 =	ssub.s32 $0x2, s4;
	s12 =	sshll.u32 s4, $0x4;
	s14 =	sadd.s32 s9, s2  }
0xc: {  	s4 =	smul.u32 $0x19000, s4;
	s29 =	sadd.s32 $0x3200, s14;
	[dreg:$0x5] =	wrdreg s14  }
0xd: {  	s10 =	sshrl.u32 s26, $0x1;
	s30 =	sadd.s32 $0x6400, s14;
	[dreg:$0x6] =	wrdreg s29  }
0xe: {  	s4 =	sadd.s32 s11, s4;
	s31 =	sadd.s32 $0x9600, s14;
	[dreg:$0x7] =	wrdreg s30  }
0xf: {  	s0 =	ssub.s32 s26, s10;
	s1 =	sadd.s32 s1, s4;
	[dreg:$0x8] =	wrdreg s31  }
0x10: {  	v1 =	vlaneseq.u32;
	s28 =	sor.u32 s13, s12;
	s0 =	smax.u32 s0, $0x1;
	[dreg:$0x9] =	wrdreg s1  }
0x11: {  	v0 =	vimm.f32 $0.0e+00;
	vm0 =	vmmov $0xf;
	v1 =	vand.u32 $0x3, v1;
	s13 =	smul.u32 $0x61A8, s28;
	[dreg:$0xa] =	wrdreg s0;
	s1 =	simm.s32 $0x0  }
.LBB2_1:
0x12: {  	[dreg:$0xb] =	wrdreg s1;
	s0 =	simm.s32 $0x40;
	s1 =	simm.s32 $0x0  }
.LBB2_2:
0x13: {  	p0 =	sne.s32 s0, $0xF9C0;
	[tilespmem:s1+$0x84D0] =	vst v0;
	s1 =	smov.u32 s0;
	s0 =	sadd.s32 $0x40, s0  }
.Ltmp0:
0x14: {  	(pc) =	sbr.rel @p0 .LBB2_2-.Ltmp0, $2  }
0x15: {  	_ =	sdelay $0x2  }
0x16: {  	s1 =	sshra.s32 s1, $0x2  }
0x17: {  	[tilespmem:s1+$0x84D0] =	vst v0  }
0x18: {  	[spmem:s14] =	stream.linear.scatter [tilespmem:s16], [sflag:$0x3], $0x3200, $0x38;
	[tilespmem:$0x1AA90] =	vst v63  }
0x19: {  	_ =	swait.ge [sflag:s17], $0x3200  }
0x1a: {  	[sflag:s17] =	ssyncset.done $0x0  }
0x1b: {  	s0 =	rddreg [dreg:$0x6];
	[sflag:s17] =	ssyncadd.s32 $0xFFFFCE00  }
0x1c: {  	[spmem:s0] =	stream.linear.scatter [tilespmem:s16], [sflag:$0x3], $0x3200, $0x38;
	[tilespmem:$0x1AA90] =	vst v63  }
0x1d: {  	_ =	swait.ge [sflag:s17], $0x3200  }
0x1e: {  	[sflag:s17] =	ssyncset.done $0x0  }
0x1f: {  	s30 =	rddreg [dreg:$0x7];
	[sflag:s17] =	ssyncadd.s32 $0xFFFFCE00  }
0x20: {  	[spmem:s30] =	stream.linear.scatter [tilespmem:s16], [sflag:$0x3], $0x3200, $0x38;
	[tilespmem:$0x1AA90] =	vst v63  }
0x21: {  	_ =	swait.ge [sflag:s17], $0x3200  }
0x22: {  	[sflag:s17] =	ssyncset.done $0x0  }
0x23: {  	s31 =	rddreg [dreg:$0x8];
	[sflag:s17] =	ssyncadd.s32 $0xFFFFCE00  }
0x24: {  	[spmem:s31] =	stream.linear.scatter [tilespmem:s16], [sflag:$0x3], $0x3200, $0x38;
	[tilespmem:$0x1AA90] =	vst v63  }
0x25: {  	_ =	swait.ge [sflag:s17], $0x3200  }
0x26: {  	[sflag:s17] =	ssyncset.done $0x0  }
0x27: {  	[sflag:s17] =	ssyncadd.s32 $0xFFFFCE00  }
0x28: {  	s26 =	simm.s32 $0x0;
	[bflag:$0x0] =	sbarrier.arrive $0xFFFF  }
.LBB2_4:
0x29: {  	s0 =	smul.u32 $0x3E8, s26;
	_ =	sdelay $0x1  }
0x2a: {  	s28 =	sadd.s32 s13, s0  }
0x2b: {  	s0 =	sshrl.u32 s28, $0x3  }
0x2c: {  	s1 =	sadd.s32 s5, s0  }
0x2d: {  	[tilespmem:s25], [sflag:$0x3] =	stream.linear.gather [hbm4b:s1+s25], $0x3E8, $0x38;
	[tilespmem:$0x1AA90] =	vst v63  }
0x2e: {  	_ =	swait.ge [sflag:s17], $0x3E8  }
0x2f: {  	[sflag:s17] =	ssyncset.done $0x0  }
0x30: {  	s0 =	sadd.s32 s6, s0;
	[sflag:s17] =	ssyncadd.s32 $0xFFFFFC18  }
0x31: {  	[tilespmem:s18], [sflag:$0x3] =	stream.linear.gather [hbm4b:s0+s25], $0x3E8, $0x38;
	[tilespmem:$0x1AA90] =	vst v63  }
0x32: {  	_ =	swait.ge [sflag:s17], $0x3E8  }
0x33: {  	[sflag:s17] =	ssyncset.done $0x0  }
0x34: {  	[sflag:s17] =	ssyncadd.s32 $0xFFFFFC18  }
0x35: {  	s9 =	rddreg [dreg:$0x1]  }
0x36: {  	[tilespmem:s19], [sflag:$0x1] =	stream.indirect.gather [hbm4b:s9+s18], $0x10, s25, s18, $0xb8;
	[tilespmem:$0x1AA90] =	vst v63  }
0x37: {  	_ = 	snop  }
0x38: {  	[tilespmem:s20], [sflag:$0x2] =	stream.indirect.gather [hbm4b:s7+s18], $0x10, s18, s18, $0xb8;
	[tilespmem:$0x1AA90] =	vst v63  }
0x39: {  	_ =	swait.ge [sflag:s21], $0x3E80  }
0x3a: {  	[sflag:s21] =	ssyncset.done $0x0  }
0x3b: {  	[sflag:s21] =	ssyncadd.s32 $0xFFFFC180  }
0x3c: {  	_ =	swait.ge [sflag:s22], $0x3E80  }
0x3d: {  	[sflag:s22] =	ssyncset.done $0x0  }
0x3e: {  	s10 =	simm.s32 $0x810;
	[sflag:s22] =	ssyncadd.s32 $0xFFFFC180  }
0x3f: {  	s11 =	simm.s32 $0x4690;
	v2 =	vld [tilespmem:s10+$0x30]  }
0x40: {  	v3 =	vld [tilespmem:s11+$0x30]  }
0x41: {  	v5 =	vld [tilespmem:s10+$0xFFFFFFD0]  }
0x42: {  	v6 =	vld [tilespmem:s11+$0xFFFFFFD0]  }
0x43: {  	v7 =	vld [tilespmem:s10+$0xFFFFFFE0]  }
0x44: {  	v8 =	vld [tilespmem:s11+$0xFFFFFFE0]  }
0x45: {  	v9 =	vld [tilespmem:s10+$0xFFFFFFF0]  }
0x46: {  	v10 =	vld [tilespmem:s10+$0x0]  }
0x47: {  	v12 =	vld [tilespmem:s11+$0x0]  }
0x48: {  	v2 =	vadd.f32 v3, v2;
	v3 =	vld [tilespmem:s11+$0xFFFFFFF0]  }
0x49: {  	v5 =	vadd.f32 v6, v5;
	v6 =	vld [tilespmem:s10+$0x10]  }
0x4a: {  	v7 =	vadd.f32 v8, v7;
	v8 =	vld [tilespmem:s11+$0x10];
	v11 =	vmul.f32 $2.000000030e-01, v2;
	_ =	sdelay $0x1  }
0x4b: {  	v13 =	vld [tilespmem:s10+$0x20];
	v10 =	vadd.f32 v12, v10;
	v2 =	vmax.f32 v2, v11  }
0x4c: {  	v11 =	vmul.f32 $2.000000030e-01, v5;
	v2 =	vmul.f32 $1.442695020e+00, v2;
	v3 =	vadd.f32 v3, v9;
	v9 =	vld [tilespmem:s11+$0x20]  }
0x4d: {  	v4 =	vld [tilespmem:s11+$0xFFFFFFC0];
	v14 =	vmul.f32 $2.000000030e-01, v7;
	v12 =	vmul.f32 $2.000000030e-01, v10  }
0x4e: {  	v6 =	vadd.f32 v8, v6;
	(erf) = vpow2.f32 v2;
	v2 =	vmax.f32 v5, v11;
	v5 =	vld [tilespmem:s10+$0xFFFFFFC0]  }
0x4f: {  	s0 =	simm.s32 $0x890;
	v7 =	vmax.f32 v7, v14;
	v11 =	vmul.f32 $2.000000030e-01, v3  }
0x50: {  	s12 =	simm.s32 $0x4710;
	v16 =	vld [tilespmem:s0+$0x0];
	v8 =	vmax.f32 v10, v12;
	v10 =	vmul.f32 $2.000000030e-01, v6;
	v2 =	vmul.f32 $1.442695020e+00, v2  }
0x51: {  	v7 =	vmul.f32 $1.442695020e+00, v7;
	v3 =	vmax.f32 v3, v11;
	v11 =	vld [tilespmem:s12+$0x30];
	v9 =	vadd.f32 v9, v13  }
0x52: {  	v6 =	vmax.f32 v6, v10;
	(erf) = vpow2.f32 v2;
	v2 =	vmul.f32 $1.442695020e+00, v3;
	v3 =	vld [tilespmem:s0+$0x30]  }
0x53: {  	v17 =	vld [tilespmem:s12+$0x0];
	v6 =	vmul.f32 $1.442695020e+00, v6;
	v4 =	vadd.f32 v4, v5;
	v12 =	vmul.f32 $2.000000030e-01, v9  }
0x54: {  	v10 =	vld [tilespmem:s0+$0xFFFFFFD0];
	(erf) = vpow2.f32 v7;
	v5 =	vmul.f32 $1.442695020e+00, v8  }
0x55: {  	s4 =	simm.s32 $0x38;
	(erf) = vpow2.f32 v2;
	v2 =	vld [tilespmem:s12+$0xFFFFFFD0];
	v13 =	vmul.f32 $2.000000030e-01, v4;
	v9 =	vmax.f32 v9, v12  }
0x56: {  	v7 =	vor.u32 s4, v1;
	v12 =	vld [tilespmem:s0+$0xFFFFFFE0];
	(erf) = vpow2.f32 v5;
	v9 =	vmul.f32 $1.442695020e+00, v9  }
0x57: {  	v3 =	vadd.f32 v11, v3;
	(erf) = vpow2.f32 v6;
	v6 =	vld [tilespmem:s0+$0xFFFFFFF0];
	v4 =	vmax.f32 v4, v13  }
0x58: {  	v5 =	vpop (erf);
	v13 =	vld [tilespmem:s12+$0xFFFFFFE0];
	v4 =	vmul.f32 $1.442695020e+00, v4  }
0x59: {  	s14 =	simm.s32 $0x8;
	v11 =	vld [tilespmem:s12+$0xFFFFFFF0];
	v5 =	vnsel vm0, $0x0, v5;
	(erf) = vpow2.f32 v9;
	v14 =	vmul.f32 $2.000000030e-01, v3  }
0x5a: {  	s29 =	simm.s32 $0x8510;
	s9 =	simm.s32 $0x10;
	v9 =	vor.u32 s14, v1;
	v10 =	vadd.f32 v2, v10;
	(erf) = vpow2.f32 v4  }
0x5b: {  	v15 =	vor.u32 s9, v1;
	[tilespmem:s29+$0x30] =	vst v5;
	v14 =	vmax.f32 v3, v14  }
0x5c: {  	v19 =	vld [tilespmem:s12+$0x10];
	v16 =	vadd.f32 v17, v16;
	s10 =	simm.s32 $0x20;
	[tilespmem:v7+s23+$0x0] =	vst.idx.msk $0xf, v5;
	v5 =	vmul.f32 $2.000000030e-01, v10;
	v14 =	vmul.f32 $1.442695020e+00, v14;
	v4 =	vpop (erf)  }
0x5d: {  	s15 =	simm.s32 $0x18;
	v22 =	vld [tilespmem:s0+$0x20];
	v18 =	vor.u32 s10, v1;
	v7 =	vadd.f32 v13, v12;
	v2 =	vnsel vm0, $0x0, v4  }
0x5e: {  	v11 =	vadd.f32 v11, v6;
	v12 =	vld [tilespmem:s0+$0x10];
	v5 =	vmax.f32 v10, v5;
	v4 =	vor.u32 s15, v1;
	v13 =	vpop (erf);
	[tilespmem:s29+$0xFFFFFFD0] =	vst v2  }
0x5f: {  	s24 =	simm.s32 $0x28;
	s10 =	simm.s32 $0x0;
	v8 =	vld [tilespmem:s12+$0xFFFFFFC0];
	v13 =	vnsel vm0, $0x0, v13;
	v21 =	vmul.f32 $2.000000030e-01, v7;
	[tilespmem:v9+s23+$0x0] =	vst.idx.msk $0xf, v2;
	v9 =	vpop (erf);
	(erf) = vpow2.f32 v14  }
0x60: {  	v20 =	vor.u32 s10, v1;
	v3 =	vor.u32 s24, v1;
	v10 =	vld [tilespmem:s12+$0x20];
	v17 =	vmul.f32 $1.442695020e+00, v5;
	[tilespmem:s29+$0xFFFFFFE0] =	vst v13;
	v14 =	vpop (erf)  }
0x61: {  	s11 =	simm.s32 $0x30;
	v9 =	vnsel vm0, $0x0, v9;
	[tilespmem:v15+s23+$0x0] =	vst.idx.msk $0xf, v13;
	v13 =	vld [tilespmem:s0+$0xFFFFFFC0];
	v7 =	vmax.f32 v7, v21;
	v15 =	vmul.f32 $2.000000030e-01, v11;
	v6 =	vpop (erf)  }
0x62: {  	v2 =	vor.u32 s11, v1;
	[tilespmem:s29+$0xFFFFFFF0] =	vst v9;
	v21 =	vmul.f32 $1.442695020e+00, v7;
	v7 =	vnsel vm0, $0x0, v14;
	v5 =	vpop (erf)  }
0x63: {  	s30 =	simm.s32 $0x10;
	v14 =	vadd.f32 v19, v12;
	[tilespmem:v4+s23+$0x0] =	vst.idx.msk $0xf, v9;
	v4 =	vmax.f32 v11, v15;
	v11 =	vmul.f32 $2.000000030e-01, v16;
	v12 =	vpop (erf)  }
0x64: {  	s31 =	simm.s32 $0x910;
	s1 =	simm.s32 $0x50;
	s9 =	simm.s32 $0x68;
	[tilespmem:s29+$0x0] =	vst v7;
	v9 =	vmul.f32 $1.442695020e+00, v4;
	(erf) = vpow2.f32 v17;
	v4 =	vnsel vm0, $0x0, v12  }
0x65: {  	s10 =	simm.s32 $0x8510;
	s12 =	simm.s32 $0x78;
	s0 =	simm.s32 $0x4790;
	[tilespmem:v18+s23+$0x0] =	vst.idx.msk $0xf, v7;
	v7 =	vld [tilespmem:s31+$0x30];
	v15 =	vmax.f32 v16, v11;
	v16 =	vmul.f32 $2.000000030e-01, v14;
	v11 =	vadd.f32 v10, v22  }
0x66: {  	s4 =	simm.s32 $0x40;
	s24 =	simm.s32 $0x48;
	s15 =	simm.s32 $0x58;
	v10 =	vld [tilespmem:s0+$0x30];
	(erf) = vpow2.f32 v21;
	[tilespmem:s29+$0xFFFFFFC0] =	vst v4;
	v12 =	vadd.f32 v8, v13;
	v8 =	vor.u32 s12, v1  }
0x67: {  	s14 =	simm.s32 $0x60;
	s11 =	simm.s32 $0x18;
	v13 =	vmul.f32 $1.442695020e+00, v15;
	s12 =	simm.s32 $0x70;
	[tilespmem:v20+s23+$0x0] =	vst.idx.msk $0xf, v4;
	v4 =	vld [tilespmem:s0+$0xFFFFFFC0];
	v14 =	vmax.f32 v14, v16;
	v15 =	vmul.f32 $2.000000030e-01, v11  }
.LBB2_5:
0x68: {  	p0 =	slt.u32 s11, $0x3E0;
	v16 =	vld [tilespmem:s31+$0xFFFFFFD0];
	v17 =	vmul.f32 $2.000000030e-01, v12;
	(erf) = vpow2.f32 v9;
	v9 =	vpop (erf);
	v6 =	vnsel vm0, $0x0, v6  }
0x69: {  	v14 =	vmul.f32 $1.442695020e+00, v14;
	s10 =	sadd.s32 $0x80, s10;
	v18 =	vld [tilespmem:s0+$0xFFFFFFD0];
	v11 =	vmax.f32 v11, v15;
	v9 =	vnsel vm0, $0x0, v9;
	[tilespmem:s29+$0x10] =	vst v6  }
0x6a: {  	v15 =	vld [tilespmem:s31+$0xFFFFFFE0];
	v12 =	vmax.f32 v12, v17;
	v11 =	vmul.f32 $1.442695020e+00, v11;
	[tilespmem:s10+$0x30] =	vst v9;
	(erf) = vpow2.f32 v13  }
0x6b: {  	v13 =	vld [tilespmem:s0+$0xFFFFFFE0];
	v7 =	vadd.f32 v10, v7;
	v12 =	vmul.f32 $1.442695020e+00, v12;
	[tilespmem:v8+s23+$0x0] =	vst.idx.msk $0xf, v9;
	(erf) = vpow2.f32 v14  }
0x6c: {  	v9 =	vor.u32 s24, v1;
	v8 =	vld [tilespmem:s31+$0xFFFFFFF0];
	(erf) = vpow2.f32 v11;
	[tilespmem:v3+s23+$0x0] =	vst.idx.msk $0xf, v6;
	v3 =	vnsel vm0, $0x0, v5  }
0x6d: {  	v11 =	vor.u32 s1, v1;
	v5 =	vld [tilespmem:s0+$0xFFFFFFF0];
	v6 =	vmul.f32 $2.000000030e-01, v7;
	(erf) = vpow2.f32 v12;
	v10 =	vpop (erf);
	[tilespmem:s29+$0x20] =	vst v3;
	s29 =	smov.u32 s10  }
0x6e: {  	v12 =	vadd.f32 v18, v16;
	v14 =	vld [tilespmem:s31+$0x0];
	v10 =	vnsel vm0, $0x0, v10;
	v16 =	vor.u32 s15, v1;
	[tilespmem:v2+s23+$0x0] =	vst.idx.msk $0xf, v3  }
0x6f: {  	v3 =	vor.u32 s9, v1;
	v17 =	vld [tilespmem:s0+$0x0];
	v19 =	vmax.f32 v7, v6;
	[tilespmem:s10+$0xFFFFFFD0] =	vst v10;
	v7 =	vor.u32 s14, v1  }
0x70: {  	v6 =	vmul.f32 $2.000000030e-01, v12;
	v13 =	vadd.f32 v13, v15;
	v15 =	vld [tilespmem:s31+$0x10];
	v18 =	vmul.f32 $1.442695020e+00, v19;
	v2 =	vpop (erf)  }
0x71: {  	v20 =	vor.u32 s4, v1;
	v19 =	vld [tilespmem:s0+$0x10];
	[tilespmem:v9+s23+$0x0] =	vst.idx.msk $0xf, v10;
	v9 =	vnsel vm0, $0x0, v2;
	v2 =	vor.u32 s12, v1;
	v10 =	vpop (erf)  }
0x72: {  	v21 =	vmul.f32 $2.000000030e-01, v13;
	v8 =	vadd.f32 v5, v8;
	v22 =	vld [tilespmem:s31+$0x20];
	(erf) = vpow2.f32 v18;
	[tilespmem:s10+$0xFFFFFFE0] =	vst v9  }
0x73: {  	v23 =	vmax.f32 v12, v6;
	v12 =	vld [tilespmem:s0+$0x20];
	[tilespmem:v11+s23+$0x0] =	vst.idx.msk $0xf, v9;
	v9 =	vnsel vm0, $0x0, v10;
	v10 =	vpop (erf)  }
0x74: {  	v18 =	vld [tilespmem:s31+$0xFFFFFFC0];
	v11 =	vmax.f32 v13, v21;
	v24 =	vmul.f32 $2.000000030e-01, v8;
	v14 =	vadd.f32 v17, v14;
	[tilespmem:s10+$0xFFFFFFF0] =	vst v9;
	v6 =	vpop (erf)  }
0x75: {  	v17 =	vmul.f32 $1.442695020e+00, v23;
	v10 =	vnsel vm0, $0x0, v10;
	v21 =	vmul.f32 $1.442695020e+00, v11;
	[tilespmem:v16+s23+$0x0] =	vst.idx.msk $0xf, v9;
	v5 =	vpop (erf)  }
.Ltmp1:
0x76: {  	v8 =	vmax.f32 v8, v24;
	v11 =	vmul.f32 $2.000000030e-01, v14;
	v15 =	vadd.f32 v19, v15;
	[tilespmem:s10+$0x0] =	vst v10;
	v13 =	vpop (erf);
	(pc) =	sbr.rel @p0 .LBB2_5-.Ltmp1, $4  }
0x77: {  	s4 =	sshll.u32 s30, $0x3;
	s30 =	smov.u32 s11;
	s31 =	sadd.s32 $0x80, s31;
	v9 =	vmul.f32 $1.442695020e+00, v8;
	(erf) = vpow2.f32 v17;
	v16 =	vnsel vm0, $0x0, v13;
	[tilespmem:v7+s23+$0x0] =	vst.idx.msk $0xf, v10  }
0x78: {  	s24 =	sadd.s32 $0x8, s4;
	s9 =	sadd.s32 $0x38, s4;
	s0 =	sadd.s32 $0x80, s0;
	v7 =	vld [tilespmem:s31+$0x30];
	v8 =	vmax.f32 v14, v11;
	v14 =	vmul.f32 $2.000000030e-01, v15;
	v11 =	vadd.f32 v12, v22;
	[tilespmem:s10+$0xFFFFFFC0] =	vst v16  }
0x79: {  	s1 =	sadd.s32 $0x10, s4;
	s15 =	sadd.s32 $0x18, s4;
	s14 =	sadd.s32 $0x20, s4;
	v10 =	vld [tilespmem:s0+$0x30];
	v12 =	vadd.f32 v4, v18;
	v13 =	vmul.f32 $1.442695020e+00, v8;
	v8 =	vor.u32 s9, v1;
	[tilespmem:v20+s23+$0x0] =	vst.idx.msk $0xf, v16  }
0x7a: {  	s11 =	sadd.s32 $0x8, s11;
	s12 =	sadd.s32 $0x30, s4;
	s9 =	sadd.s32 $0x28, s4;
	v4 =	vld [tilespmem:s0+$0xFFFFFFC0];
	v14 =	vmax.f32 v15, v14;
	v15 =	vmul.f32 $2.000000030e-01, v11;
	(erf) = vpow2.f32 v21  }
0x7b: {  	v16 =	vld [tilespmem:s31+$0xFFFFFFD0]  }
0x7c: {  	v55 =	vld [tilespmem:s0+$0xFFFFFFD0]  }
0x7d: {  	v56 =	vld [tilespmem:s31+$0xFFFFFFE0]  }
0x7e: {  	v58 =	vld [tilespmem:s0+$0xFFFFFFE0]  }
0x7f: {  	v61 =	vld [tilespmem:s31+$0xFFFFFFF0]  }
0x80: {  	v17 =	vmul.f32 $2.000000030e-01, v12;
	(erf) = vpow2.f32 v9;
	v63 =	vld [tilespmem:s0+$0xFFFFFFF0]  }
0x81: {  	v6 =	vnsel vm0, $0x0, v6;
	v14 =	vmul.f32 $1.442695020e+00, v14;
	v62 =	vor.u32 s24, v1;
	v24 =	vld [tilespmem:s31+$0x0]  }
0x82: {  	v5 =	vnsel vm0, $0x0, v5;
	v19 =	vor.u32 s1, v1;
	v25 =	vor.u32 s15, v1;
	v26 =	vld [tilespmem:s0+$0x0]  }
0x83: {  	v27 =	vor.u32 s14, v1;
	v29 =	vld [tilespmem:s31+$0x10];
	v22 =	vor.u32 s4, v1;
	v11 =	vmax.f32 v11, v15  }
0x84: {  	v21 =	vld [tilespmem:s0+$0x10];
	(erf) = vpow2.f32 v13;
	[tilespmem:s29+$0x10] =	vst v6;
	v12 =	vmax.f32 v12, v17;
	v11 =	vmul.f32 $1.442695020e+00, v11  }
0x85: {  	v57 =	vpop (erf);
	v32 =	vld [tilespmem:s31+$0x20];
	(erf) = vpow2.f32 v14;
	[tilespmem:v3+s23+$0x0] =	vst.idx.msk $0xf, v6;
	v3 =	vor.u32 s9, v1;
	s9 =	sshll.u32 s30, $0x3;
	v7 =	vadd.f32 v10, v7  }
0x86: {  	s10 =	sadd.s32 $0x80, s10;
	v34 =	vld [tilespmem:s0+$0x20];
	v60 =	vnsel vm0, $0x0, v57;
	[tilespmem:s29+$0x20] =	vst v5;
	v59 =	vmul.f32 $1.442695020e+00, v12;
	s11 =	sadd.s32 $0x38, s9;
	(erf) = vpow2.f32 v11  }
0x87: {  	v33 =	vor.u32 s12, v1;
	[tilespmem:s10+$0x30] =	vst v60;
	v45 =	vor.u32 s11, v1;
	v18 =	vmul.f32 $2.000000030e-01, v7  }
0x88: {  	v35 =	vld [tilespmem:s31+$0xFFFFFFC0];
	[tilespmem:v2+s23+$0x0] =	vst.idx.msk $0xf, v5;
	(erf) = vpow2.f32 v59;
	v23 =	vpop (erf);
	v9 =	vadd.f32 v55, v16;
	v28 =	vadd.f32 v58, v56  }
0x89: {  	[tilespmem:v8+s23+$0x0] =	vst.idx.msk $0xf, v60;
	v11 =	vadd.f32 v63, v61;
	v10 =	vnsel vm0, $0x0, v23;
	v7 =	vmax.f32 v7, v18  }
0x8a: {  	v12 =	vadd.f32 v26, v24;
	v20 =	vmul.f32 $2.000000030e-01, v9;
	[tilespmem:s10+$0xFFFFFFD0] =	vst v10;
	v7 =	vmul.f32 $1.442695020e+00, v7;
	v30 =	vpop (erf)  }
0x8b: {  	v15 =	vadd.f32 v21, v29;
	v44 =	vadd.f32 v34, v32;
	[tilespmem:v62+s23+$0x0] =	vst.idx.msk $0xf, v10;
	v17 =	vnsel vm0, $0x0, v30  }
0x8c: {  	v31 =	vmul.f32 $2.000000030e-01, v28;
	v2 =	vpop (erf);
	v9 =	vmax.f32 v9, v20;
	(erf) = vpow2.f32 v7;
	[tilespmem:s10+$0xFFFFFFE0] =	vst v17  }
0x8d: {  	v4 =	vadd.f32 v4, v35;
	v2 =	vnsel vm0, $0x0, v2;
	v23 =	vpop (erf);
	v9 =	vmul.f32 $1.442695020e+00, v9;
	[tilespmem:v19+s23+$0x0] =	vst.idx.msk $0xf, v17  }
0x8e: {  	v36 =	vmul.f32 $2.000000030e-01, v11;
	v40 =	vmul.f32 $2.000000030e-01, v12;
	v5 =	vmax.f32 v28, v31;
	v37 =	vpop (erf);
	[tilespmem:s10+$0xFFFFFFF0] =	vst v2  }
0x8f: {  	v5 =	vmul.f32 $1.442695020e+00, v5;
	v38 =	vnsel vm0, $0x0, v23;
	[tilespmem:v25+s23+$0x0] =	vst.idx.msk $0xf, v2;
	v39 =	vpop (erf);
	(erf) = vpow2.f32 v9  }
0x90: {  	v43 =	vmul.f32 $2.000000030e-01, v15;
	v46 =	vmul.f32 $2.000000030e-01, v44;
	v6 =	vmax.f32 v11, v36;
	[tilespmem:s10+$0x0] =	vst v38  }
0x91: {  	v6 =	vmul.f32 $1.442695020e+00, v6;
	v49 =	vnsel vm0, $0x0, v37;
	[tilespmem:v27+s23+$0x0] =	vst.idx.msk $0xf, v38;
	(erf) = vpow2.f32 v5  }
0x92: {  	v47 =	vmul.f32 $2.000000030e-01, v4;
	v8 =	vmax.f32 v15, v43;
	v2 =	vmax.f32 v12, v40;
	[tilespmem:s10+$0x10] =	vst v49  }
0x93: {  	v2 =	vmul.f32 $1.442695020e+00, v2;
	v41 =	vpop (erf);
	[tilespmem:v3+s23+$0x0] =	vst.idx.msk $0xf, v49;
	v3 =	vnsel vm0, $0x0, v39;
	(erf) = vpow2.f32 v6  }
0x94: {  	v50 =	vmax.f32 v44, v46;
	v8 =	vmul.f32 $1.442695020e+00, v8;
	v42 =	vnsel vm0, $0x0, v41;
	[tilespmem:s10+$0x20] =	vst v3  }
0x95: {  	s14 =	sadd.s32 $0x8, s9;
	v4 =	vmax.f32 v4, v47;
	v51 =	vmul.f32 $1.442695020e+00, v50;
	[tilespmem:s10+$0xFFFFFFC0] =	vst v42;
	v48 =	vpop (erf);
	(erf) = vpow2.f32 v2  }
0x96: {  	v52 =	vor.u32 s14, v1;
	[tilespmem:v33+s23+$0x0] =	vst.idx.msk $0xf, v3;
	v2 =	vmul.f32 $1.442695020e+00, v4;
	(erf) = vpow2.f32 v8  }
0x97: {  	s12 =	sadd.s32 $0x80, s10;
	s15 =	sadd.s32 $0x10, s9;
	[tilespmem:v22+s23+$0x0] =	vst.idx.msk $0xf, v42;
	v6 =	vnsel vm0, $0x0, v48;
	(erf) = vpow2.f32 v51  }
0x98: {  	[tilespmem:s12+$0x30] =	vst v6;
	(erf) = vpow2.f32 v2;
	v2 =	vor.u32 s15, v1;
	v53 =	vpop (erf)  }
0x99: {  	s24 =	sadd.s32 $0x18, s9;
	[tilespmem:v45+s23+$0x0] =	vst.idx.msk $0xf, v6;
	v5 =	vnsel vm0, $0x0, v53  }
0x9a: {  	v3 =	vor.u32 s24, v1;
	v54 =	vpop (erf);
	[tilespmem:s12+$0xFFFFFFD0] =	vst v5  }
0x9b: {  	s29 =	sadd.s32 $0x20, s9;
	v55 =	vnsel vm0, $0x0, v54;
	[tilespmem:v52+s23+$0x0] =	vst.idx.msk $0xf, v5  }
0x9c: {  	v56 =	vor.u32 s29, v1;
	v57 =	vpop (erf);
	[tilespmem:s12+$0xFFFFFFE0] =	vst v55  }
0x9d: {  	s30 =	sadd.s32 $0x28, s9;
	[tilespmem:v2+s23+$0x0] =	vst.idx.msk $0xf, v55;
	v2 =	vnsel vm0, $0x0, v57  }
0x9e: {  	v61 =	vor.u32 s30, v1;
	v58 =	vpop (erf);
	[tilespmem:s12+$0xFFFFFFF0] =	vst v2  }
0x9f: {  	[tilespmem:v3+s23+$0x0] =	vst.idx.msk $0xf, v2;
	v2 =	vnsel vm0, $0x0, v58  }
0xa0: {  	v60 =	vpop (erf);
	[tilespmem:s12+$0x0] =	vst v2  }
0xa1: {  	s0 =	sadd.s32 $0x30, s9;
	v59 =	vor.u32 s9, v1;
	v63 =	vnsel vm0, $0x0, v60;
	[tilespmem:v56+s23+$0x0] =	vst.idx.msk $0xf, v2  }
0xa2: {  	v3 =	vpop (erf);
	v2 =	vor.u32 s0, v1;
	[tilespmem:s12+$0x10] =	vst v63  }
0xa3: {  	v62 =	vpop (erf);
	v3 =	vnsel vm0, $0x0, v3;
	[tilespmem:v61+s23+$0x0] =	vst.idx.msk $0xf, v63  }
0xa4: {  	v8 =	vnsel vm0, $0x0, v62;
	[tilespmem:s12+$0x20] =	vst v3  }
0xa5: {  	[tilespmem:s12+$0xFFFFFFC0] =	vst v8  }
0xa6: {  	[tilespmem:v59+s23+$0x0] =	vst.idx.msk $0xf, v8  }
0xa7: {  	s31 =	sadd.s32 s8, s28;
	[tilespmem:v2+s23+$0x0] =	vst.idx.msk $0xf, v3  }
0xa8: {  	[hbm4b:s31+s3] =	stream.linear.scatter [tilespmem:s23], [sflag:$0x3], $0x1F40, $0x38;
	[tilespmem:$0x1AA90] =	vst v63  }
0xa9: {  	s26 =	sadd.s32 $0x1, s26;
	_ =	swait.ge [sflag:s17], $0x1F40  }
0xaa: {  	p0 =	sne.s32 s26, $0x19;
	[sflag:s17] =	ssyncset.done $0x0  }
.Ltmp2:
0xab: {  	[sflag:s17] =	ssyncadd.s32 $0xFFFFE0C0;
	(pc) =	sbr.rel @p0 .LBB2_4-.Ltmp2, $4  }
0xac: {  	[spmem:s2] =	stream.indirect.scatter.add.f32 [tilespmem:s16], [sflag:$0x3], $0x10, s18, s18, $0xb8;
	[tilespmem:$0x1AA90] =	vst v63  }
0xad: {  	_ =	swait.ge [sflag:s17], $0x3E80  }
0xae: {  	[sflag:s17] =	ssyncset.done $0x0  }
0xaf: {  	[sflag:s17] =	ssyncadd.s32 $0xFFFFC180  }
0xb0: {  	s0 =	stileid.u32;
	[bflag:$0x0] =	sbarrier.arrive $0xFFFF  }
0xb1: {  	s0 =	sshll.u32 s0, $0x6;
	s14 =	rddreg [dreg:$0x5]  }
0xb2: {  	s4 =	rddreg [dreg:$0x9];
	s0 =	sor.u32 $0x1C03, s0;
	s1 =	sshrl.u32 s14, $0x3  }
0xb3: {  	[hbm:s4], [sflag:s0] =	dma.local [spmem:s1], $0x1900  }
0xb4: {  	_ =	swait.ge [sflag:s17], $0x1900  }
0xb5: {  	s30 =	rddreg [dreg:$0xb]  }
0xb6: {  	s31 =	rddreg [dreg:$0xa];
	s1 =	sadd.s32 $0x1, s30  }
0xb7: {  	p0 =	sne.s32 s1, s31  }
.Ltmp3:
0xb8: {  	_ = 	snop;
	(pc) =	sbr.rel @p0 .LBB2_1-.Ltmp3, $3  }
0xb9: {  	_ =	sdelay $0x1  }
0xba: {  	[sflag:s17] =	ssyncset.done $0x0  }
0xbb: {  	[sflag:s17] =	ssyncadd.s32 $0xFFFFE700  }
0xbc: {  	_ =	sfence.sel $0x180000  }
0xbd: {  	[bflag:$0x0] =	sbarrier.arrive $0xFFFF  }
0xbe: {  	_ =	strace $0x90000047  }
0xbf: {  	s0 =	stileid.u32;
	[bflag:$0x2] =	sbarrier.arrive $0xFFFF  }
0xc0: {  	p0 =	sne.s32 s0, $0x0;
	s0 =	rddreg [dreg:$0x4]  }
0xc1: {  	s0 =	sadd.s32 @!p0 $0x100000, s0  }
0xc2: {  	[sflag:s0] =	ssyncadd.tile.s32 @!p0 $0x1;
	_ =	shalt  }
.Lfunc_end2:
_tile_overlayer_lowered:
.L_overlay_start_2:
0xc3: {  	(tag) =	ssettag $0x2  }
0xc4: {  	s0 =	rddreg [dreg:$0x0];
	s2 =	stileid.u32  }
0xc5: {  	s1 =	rddreg [dreg:$0x1];
	p0 =	sne.s32 s2, $0x0  }
0xc6: {  	s3 =	rddreg [dreg:$0x2];
	[bflag:$0x3] =	sbarrier.arrive $0xFFFF;
	s2 =	simm.s32 @!p0 $0x1C03  }
0xc7: {  	[timem:s3], [sflag:s2] =	dma.local @!p0 [hbm:s0], s1  }
0xc8: {  	s0 =	simm.s32 @!p0 $0x3  }
0xc9: {  	_ =	swait.ge @!p0 [sflag:s0], s1  }
0xca: {  	s1 =	ssub.s32 @!p0 $0x0, s1;
	[sflag:s0] =	ssyncset.done @!p0 $0x0  }
0xcb: {  	[sflag:s0] =	ssyncadd.s32 @!p0 s1  }
0xcc: {  	[bflag:$0x3] =	sbarrier.arrive $0xFFFF  }
0xcd: {  	_ =	shalt  }

// kernel: kernel.14.cloned.1.call-start
scs
__scs_entry_jumppad:
0x0: {  	(pc) =	sbr.rel $0x88, $3  }
0x1: {  	(tag) =	ssettag $0x0;
	lr =	simm.s32 $0x1  }
0x2: {  	[smem:$0x3F89] =	sst lr;
	_ =	strace $0xD0000000  }
0x3: {  	_ = 	snop  }
0x4: {  	_ = 	snop  }
0x5: {  	_ = 	snop  }
0x6: {  	_ = 	snop  }
0x7: {  	_ = 	snop  }
__scs_overlays_trampoline_lowered:
0x8: {  	[smem:$0x3F98] =	sst s0  }
0x9: {  	[smem:$0x3F99] =	sst s1  }
0xa: {  	[smem:$0x3F9A] =	sst s2  }
0xb: {  	[smem:$0x3F9B] =	sst s3  }
0xc: {  	[smem:$0x3F9C] =	sst s4  }
0xd: {  	[smem:$0x3F9D] =	sst s5  }
0xe: {  	[smem:$0x3F9E] =	sst s6  }
0xf: {  	[smem:$0x3F9F] =	sst s7  }
0x10: {  	[smem:$0x3FA0] =	sst s8  }
0x11: {  	[smem:$0x3FA1] =	sst s9;
	s0 =	simm.s32 @!p0 $0x0  }
0x12: {  	s1 =	sld [smem:$0x3F87];
	s0 =	simm.s32 @p0 $0x1  }
0x13: {  	[smem:$0x3FA2] =	sst s0;
	s0 =	simm.s32 @!p1 $0x0  }
0x14: {  	s2 =	sld [smem:$0x3F86];
	s0 =	simm.s32 @p1 $0x1  }
0x15: {  	[smem:$0x3FA3] =	sst s0;
	s0 =	simm.s32 @!p2 $0x0  }
0x16: {  	s3 =	sld [smem:$0x3FDB];
	s0 =	simm.s32 @p2 $0x1  }
0x17: {  	s4 =	simm.s32 $0x1BF5;
	[smem:$0x3FA5] =	sst s0  }
0x18: {  	s0 =	sld [smem:$0x3F88];
	_ =	swait.ge [sflag:s4], $0x0  }
0x19: {  	s7 =	sld [smem:$0x3F89]  }
0x1a: {  	s8 =	sadd.s32 $0xFFFFE003, lr  }
0x1b: {  	s9 =	sadd.s32 $0xFFFFFEF7, lr;
	s5 =	simm.s32 $0xFFFFFFFF;
	p2 =	slt.u32 s8, $0xFFFFF086  }
0x1c: {  	p1 =	slt.u32 s9, $0xF7A;
	s5 =	simm.s32 @!p2 $0x0  }
0x1d: {  	s5 =	simm.s32 @p1 $0x1;
	p0 =	seq.s32 s7, s2  }
0x1e: {  	s7 =	smul.u32 @!p0 $0xF7A, s2;
	p2 =	seq.s32 @!p0 s5, $0x0  }
0x1f: {  	s9 =	smul.u32 $0xF7A, s1;
	s8 =	simm.s32 @!p0 $0x1BF5;
	p2 =	por !p2, p0  }
0x20: {  	[sflag:s8] =	ssyncset.s32 @!p0 $0xFFFFF086;
	s6 =	sadd.s32 @!p0 s3, s7;
	s7 =	simm.s32 @!p0 $0x108  }
0x21: {  	s3 =	sadd.s32 s3, s9;
	s6 =	sadd.s32 @!p0 $0x88, s6;
	s7 =	simm.s32 @p2 $0x1082  }
0x22: {  	[simem:s7], [sflag:s8] =	dma.local @!p0 [hbm:s6], $0xF7A  }
0x23: {  	s9 =	sor.u32 $0xD0000000, s2;
	s6 =	simm.s32 $0x108;
	_ =	swait.ge @!p0 [sflag:s8], $0x0  }
0x24: {  	s3 =	sadd.s32 $0x88, s3;
	s6 =	simm.s32 @!p1 $0x1082;
	[sflag:s4] =	ssyncset.s32 $0xFFFFF086  }
0x25: {  	[simem:s6], [sflag:s4] =	dma.local [hbm:s3], $0xF7A  }
0x26: {  	[smem:$0x3F89] =	sst s1;
	(tag) =	ssettag s2;
	_ =	strace s9  }
0x27: {  	s1 =	sld [smem:$0x3F99]  }
0x28: {  	s2 =	sld [smem:$0x3F9A]  }
0x29: {  	s4 =	sld [smem:$0x3F9C]  }
0x2a: {  	p0 =	seq.s32 s5, $0x0;
	s5 =	sld [smem:$0x3F9D]  }
0x2b: {  	s6 =	sld [smem:$0x3F9E]  }
0x2c: {  	s7 =	sld [smem:$0x3F9F]  }
0x2d: {  	s3 =	simm.s32 $0x108;
	s8 =	sld [smem:$0x3FA0]  }
0x2e: {  	s3 =	simm.s32 @!p0 $0x1082;
	s9 =	sld [smem:$0x3FA1]  }
0x2f: {  	lr =	sadd.s32 s0, s3;
	s0 =	sld [smem:$0x3F98]  }
0x30: {  	s3 =	sld [smem:$0x3F9B]  }
0x31: {  	[smem:$0x3FA4] =	sst s10  }
0x32: {  	s10 =	sld [smem:$0x3FA2];
	_ =	sdelay $0x3  }
0x33: {  	p0 =	seq.s32 s10, $0x1;
	s10 =	sld [smem:$0x3FA4];
	_ =	sdelay $0x3  }
0x34: {  	[smem:$0x3FA4] =	sst s10  }
0x35: {  	s10 =	sld [smem:$0x3FA3];
	_ =	sdelay $0x3  }
0x36: {  	p1 =	seq.s32 s10, $0x1;
	s10 =	sld [smem:$0x3FA4];
	_ =	sdelay $0x3  }
0x37: {  	[smem:$0x3FA4] =	sst s10  }
0x38: {  	s10 =	sld [smem:$0x3FA5]  }
0x39: {  	_ = 	snop;
	(pc) =	sbr.ind lr, $3  }
0x3a: {  	_ = 	snop  }
0x3b: {  	_ = 	snop  }
0x3c: {  	p2 =	seq.s32 s10, $0x1;
	s10 =	sld [smem:$0x3FA4]  }
0x3d: {  	_ =	shalt  }
0x3e: {  	_ =	shalt  }
0x3f: {  	_ =	shalt  }
0x40: {  	_ =	shalt  }
0x41: {  	_ =	shalt  }
0x42: {  	_ =	shalt  }
0x43: {  	_ =	shalt  }
0x44: {  	_ =	shalt  }
0x45: {  	_ =	shalt  }
0x46: {  	_ =	shalt  }
0x47: {  	_ =	shalt  }
0x48: {  	_ =	shalt  }
0x49: {  	_ =	shalt  }
0x4a: {  	_ =	shalt  }
0x4b: {  	_ =	shalt  }
0x4c: {  	_ =	shalt  }
0x4d: {  	_ =	shalt  }
0x4e: {  	_ =	shalt  }
0x4f: {  	_ =	shalt  }
0x50: {  	_ =	shalt  }
0x51: {  	_ =	shalt  }
0x52: {  	_ =	shalt  }
0x53: {  	_ =	shalt  }
0x54: {  	_ =	shalt  }
0x55: {  	_ =	shalt  }
0x56: {  	_ =	shalt  }
0x57: {  	_ =	shalt  }
0x58: {  	_ =	shalt  }
0x59: {  	_ =	shalt  }
0x5a: {  	_ =	shalt  }
0x5b: {  	_ =	shalt  }
0x5c: {  	_ =	shalt  }
0x5d: {  	_ =	shalt  }
0x5e: {  	_ =	shalt  }
0x5f: {  	_ =	shalt  }
0x60: {  	_ =	shalt  }
0x61: {  	_ =	shalt  }
0x62: {  	_ =	shalt  }
0x63: {  	_ =	shalt  }
0x64: {  	_ =	shalt  }
0x65: {  	_ =	shalt  }
0x66: {  	_ =	shalt  }
0x67: {  	_ =	shalt  }
0x68: {  	_ =	shalt  }
0x69: {  	_ =	shalt  }
0x6a: {  	_ =	shalt  }
0x6b: {  	_ =	shalt  }
0x6c: {  	_ =	shalt  }
0x6d: {  	_ =	shalt  }
0x6e: {  	_ =	shalt  }
0x6f: {  	_ =	shalt  }
0x70: {  	_ =	shalt  }
0x71: {  	_ =	shalt  }
0x72: {  	_ =	shalt  }
0x73: {  	_ =	shalt  }
0x74: {  	_ =	shalt  }
0x75: {  	_ =	shalt  }
0x76: {  	_ =	shalt  }
0x77: {  	_ =	shalt  }
0x78: {  	_ =	shalt  }
0x79: {  	_ =	shalt  }
0x7a: {  	_ =	shalt  }
0x7b: {  	_ =	shalt  }
0x7c: {  	_ =	shalt  }
0x7d: {  	_ =	shalt  }
0x7e: {  	_ =	shalt  }
0x7f: {  	_ =	shalt  }
0x80: {  	_ =	shalt  }
0x81: {  	_ =	shalt  }
0x82: {  	_ =	shalt  }
0x83: {  	_ =	shalt  }
0x84: {  	_ =	shalt  }
0x85: {  	_ =	shalt  }
0x86: {  	_ =	shalt  }
0x87: {  	_ =	shalt  }
.Lfunc_end0:
.L_simem_size_0:
called_computation.1_lowered:
.L_overlay_start_0:
0x88: {  	s2 =	sld [smem:$0x3FD9]  }
0x89: {  	s3 =	sld [smem:$0x3FFE];
	_ =	sdelay $0x1  }
0x8a: {  	s1 =	srdreg.scid  }
0x8b: {  	s0 =	sand.u32 $0x1, s1  }
0x8c: {  	s14 =	sshll.u32 s0, $0xA;
	s2 =	sadd.s32 s3, s2  }
0x8d: {  	s2 =	sadd.s32 s2, s14  }
0x8e: {  	[smem:$0x3FB0] =	sst s2  }
0x8f: {  	_ = 	snop  }
0x90: {  	s2 =	sld [smem:$0x3FD0];
	_ =	sdelay $0x2  }
0x91: {  	s15 =	simm.s32 $0xA;
	s4 =	simm.s32 $0x10  }
0x92: {  	[smem:s4], [sflag:s15] =	dma.local [hbm:s2], $0x1  }
0x93: {  	_ =	swait.eq [sflag:s15], $0x1  }
0x94: {  	[sflag:s15] =	ssyncset.done $0x0  }
0x95: {  	[sflag:s15] =	ssyncadd.s32 $0xFFFFFFFF  }
0x96: {  	s16 =	sld [smem:$0x13];
	(tm) =	ssettm $0x1  }
0x97: {  	s17 =	sld [smem:$0x3FFB];
	_ =	sdelay $0x3  }
0x98: {  	_ =	strace s17  }
0x99: {  	s3 =	sld [smem:$0x3FFC];
	_ =	sdelay $0x3  }
0x9a: {  	_ =	strace s3  }
0x9b: {  	s3 =	sld [smem:$0x3FFD];
	_ =	sdelay $0x3  }
0x9c: {  	_ =	strace s3  }
0x9d: {  	_ =	strace $0x8FFFFFFF  }
0x9e: {  	s18 =	sld [smem:$0x3FDB];
	_ =	sdelay $0x1  }
0x9f: {  	s19 =	simm.s32 $_scs_section_size  }
0xa0: {  	s5 =	simm.s32 $_size__tile_overlayer_lowered;
	s6 =	simm.s32 $_tile_overlayer_lowered  }
0xa1: {  	s22 =	simm.s32 $0x1BFF;
	s21 =	sshll.u32 s6, $0x1;
	s3 =	sadd.s32 s19, s18  }
0xa2: {  	s7 =	simm.s32 $0x0;
	s20 =	sshll.u32 s5, $0x1;
	s5 =	sadd.s32 s21, s3  }
0xa3: {  	[timem:s7], [sflag:s22] =	dma.local [hbm:s5], s20  }
0xa4: {  	_ =	swait.ge [sflag:s22], s20  }
0xa5: {  	s4 =	ssub.s32 $0x0, s20;
	[sflag:s22] =	ssyncset.done $0x0  }
0xa6: {  	[sflag:s22] =	ssyncadd.s32 s4;
	_ =	sdelay $0x1  }
0xa7: {  	s23 =	simm.s32 $0x1B8B  }
0xa8: {  	_ =	swait.ge [sflag:s23], $0x1  }
0xa9: {  	[sflag:s23] =	ssyncset.done $0x0  }
0xaa: {  	s25 =	simm.s32 $0x1B8E;
	s24 =	sld [smem:$0x3FFE];
	[sflag:s23] =	ssyncadd.s32 $0xFFFFFFFF  }
0xab: {  	s26 =	simm.s32 $execute0_lowered;
	[smem:$0x3FD2] =	sst s25  }
0xac: {  	s5 =	sshll.u32 s26, $0x1;
	_ =	strace $0x80000049;
	[dreg:$0x1] =	wrdreg $0xFFFFFFFF  }
0xad: {  	s28 =	simm.s32 $_size_execute0_lowered;
	s3 =	sadd.s32 s3, s5;
	[dreg:$0x0] =	wrdreg $0x0  }
0xae: {  	s5 =	sshll.u32 s28, $0x1;
	[dreg:$0x2] =	wrdreg s3  }
0xaf: {  	[dreg:$0x3] =	wrdreg s5  }
0xb0: {  	[dreg:$0x4] =	wrdreg $0xC0  }
0xb1: {  	_ =	task [dreg:s7], $0x5FFFF  }
0xb2: {  	[dreg:$0x1] =	wrdreg $0xFFFFFFFF  }
0xb3: {  	[dreg:$0x0] =	wrdreg $0x60  }
0xb4: {  	[dreg:$0x2] =	wrdreg s24  }
0xb5: {  	[dreg:$0x3] =	wrdreg s16  }
0xb6: {  	[dreg:$0x4] =	wrdreg $0x5AA00  }
0xb7: {  	[dreg:$0x5] =	wrdreg $0x9  }
0xb8: {  	_ =	task.clear_ibuf [dreg:s7], $0x6FFFF;
	_ =	strace $0x90000049  }
0xb9: {  	s29 =	simm.s32 $0x9;
	_ =	strace $0x8000004B  }
0xba: {  	_ =	swait.ge [sflag:s29], $0x1  }
0xbb: {  	[sflag:s29] =	ssyncadd.s32 $0xFFFFFFFF  }
0xbc: {  	_ =	strace $0x9000004B  }
0xbd: {  	_ =	sfence  }
0xbe: {  	s30 =	sld [smem:$0x0];
	_ =	sdelay $0x2  }
0xbf: {  	s31 =	sshll.u32 s1, $0xD;
	s1 =	sshrl.u32 s1, $0x2  }
0xc0: {  	s3 =	sand.u32 $0x4000, s31;
	s1 =	sadd.s32 s1, s30  }
0xc1: {  	s0 =	sor.u32 s3, s0;
	s1 =	sshll.u32 s1, $0x11  }
0xc2: {  	s0 =	sor.u32 s1, s0  }
0xc3: {  	s0 =	sadd.s32 $0x8F2B, s0  }
0xc4: {  	[sflag:s0] =	ssyncadd.remote.s32 $0x1  }
0xc5: {  	_ =	sfence.sel $0xFFFF  }
0xc6: {  	[dreg:$0x0] =	wrdreg $0xFFFFFFFF;
	(pc) =	sbr.abs _section_cstart, $3  }
0xc7: {  	[dreg:$0x1] =	wrdreg $0xFFFFFFFF  }
0xc8: {  	_ =	task.clear_ibuf [dreg:s7], $0x2FFFF;
	_ =	strace $0x9FFFFFFF  }
0xc9: {  	(tm) =	ssettm $0x7FFFFFFF  }
tec
execute0_lowered:
.L_overlay_start_1:
0x0: {  	(tag) =	ssettag $0x1  }
0x1: {  	s0 =	rddreg [dreg:$0x0]  }
0x2: {  	s1 =	rddreg [dreg:$0x1]  }
0x3: {  	s2 =	rddreg [dreg:$0x2];
	s13 =	simm.s32 $0x0;
	s4 =	stileid.u32  }
0x4: {  	s3 =	srdreg.scid;
	s22 =	simm.s32 $0xFA0;
	s23 =	simm.s32 $0x2  }
0x5: {  	s24 =	simm.s32 $0x190;
	s25 =	simm.s32 $0x320;
	s28 =	simm.s32 $0x41A0  }
0x6: {  	s29 =	simm.s32 $0x4E20;
	s30 =	simm.s32 $0x20;
	s31 =	simm.s32 $0x80  }
0x7: {  	[smem:$0x7FF] =	sst s13;
	s5 =	sadd.s32 $0x1F600, s0;
	s9 =	smul.u32 $0x64000, s4  }
0x8: {  	s6 =	sadd.s32 $0x6E00, s0;
	s7 =	sadd.s32 $0x1BEA00, s0;
	s8 =	sadd.s32 $0x282000, s0  }
0x9: {  	s3 =	sand.u32 $0x1, s3;
	_ =	strace $0x8000004A;
	s9 =	sshrl.u32 s9, $0x2  }
0xa: {  	s10 =	sshll.u32 s3, $0x2;
	s11 =	ssub.s32 $0x2, s3;
	s9 =	sadd.s32 s9, s2  }
0xb: {  	s21 =	smul.u32 $0xC800, s3;
	s12 =	sadd.s32 $0x3200, s9;
	[dreg:$0x5] =	wrdreg s9  }
0xc: {  	s3 =	sshll.u32 s3, $0x1;
	s16 =	sadd.s32 $0x6400, s9;
	[dreg:$0x6] =	wrdreg s12  }
0xd: {  	s0 =	sadd.s32 s10, s0;
	s17 =	sadd.s32 $0x9600, s9;
	[dreg:$0x7] =	wrdreg s16  }
0xe: {  	s15 =	sshrl.u32 s11, $0x1;
	s18 =	sadd.s32 $0xC800, s9;
	[dreg:$0x8] =	wrdreg s17  }
0xf: {  	s10 =	smul.u32 $0xC80, s4;
	s19 =	sadd.s32 $0xFA00, s9;
	[dreg:$0x9] =	wrdreg s18  }
0x10: {  	s11 =	ssub.s32 s11, s15;
	s20 =	sadd.s32 $0x12C00, s9;
	[dreg:$0xa] =	wrdreg s19  }
0x11: {  	s9 =	sadd.s32 $0x15E00, s9;
	s26 =	smax.u32 s11, $0x1;
	[dreg:$0xb] =	wrdreg s20  }
0x12: {  	v0 =	vmov s3;
	[dreg:$0xc] =	wrdreg s9;
	s18 =	smul.u32 $0xC350, s4;
	s19 =	sadd.s32 $0x19000, s1  }
0x13: {  	v3 =	vimm.f32 $0.0e+00;
	v1 =	vmov s21;
	v2 =	vor.u32 $0x1, v0;
	s20 =	sadd.s32 $0x2E6000, s0;
	[dreg:$0xd] =	wrdreg s26;
	s26 =	simm.s32 $0x1  }
.LBB2_1:
0x14: {  	[dreg:$0x4] =	wrdreg s13;
	s0 =	simm.s32 $0x80;
	s3 =	simm.s32 $0x0  }
.LBB2_2:
0x15: {  	p0 =	sne.s32 s0, $0xC780;
	[tilespmem:s3+$0xFA0] =	vst v3;
	s11 =	smov.u32 s0;
	s0 =	sadd.s32 $0x80, s0  }
.Ltmp0:
0x16: {  	[tilespmem:s3+$0xFB0] =	vst v3;
	(pc) =	sbr.rel @p0 .LBB2_2-.Ltmp0, $2  }
0x17: {  	_ =	sdelay $0x2  }
0x18: {  	s3 =	sshra.s32 s11, $0x2  }
0x19: {  	[tilespmem:s3+$0xFA0] =	vst v3  }
0x1a: {  	[tilespmem:s3+$0xFB0] =	vst v3;
	s0 =	rddreg [dreg:$0x5]  }
0x1b: {  	[spmem:s0] =	stream.linear.scatter [tilespmem:s22], [sflag:$0x2], $0x3200, $0x38;
	[tilespmem:$0x1EAA0] =	vst v63  }
0x1c: {  	_ =	swait.ge [sflag:s23], $0x3200  }
0x1d: {  	[sflag:s23] =	ssyncset.done $0x0  }
0x1e: {  	s12 =	rddreg [dreg:$0x6];
	[sflag:s23] =	ssyncadd.s32 $0xFFFFCE00  }
0x1f: {  	[spmem:s12] =	stream.linear.scatter [tilespmem:s22], [sflag:$0x2], $0x3200, $0x38;
	[tilespmem:$0x1EAA0] =	vst v63  }
0x20: {  	_ =	swait.ge [sflag:s23], $0x3200  }
0x21: {  	[sflag:s23] =	ssyncset.done $0x0  }
0x22: {  	s13 =	rddreg [dreg:$0x7];
	[sflag:s23] =	ssyncadd.s32 $0xFFFFCE00  }
0x23: {  	[spmem:s13] =	stream.linear.scatter [tilespmem:s22], [sflag:$0x2], $0x3200, $0x38;
	[tilespmem:$0x1EAA0] =	vst v63  }
0x24: {  	_ =	swait.ge [sflag:s23], $0x3200  }
0x25: {  	[sflag:s23] =	ssyncset.done $0x0  }
0x26: {  	s14 =	rddreg [dreg:$0x8];
	[sflag:s23] =	ssyncadd.s32 $0xFFFFCE00  }
0x27: {  	[spmem:s14] =	stream.linear.scatter [tilespmem:s22], [sflag:$0x2], $0x3200, $0x38;
	[tilespmem:$0x1EAA0] =	vst v63  }
0x28: {  	_ =	swait.ge [sflag:s23], $0x3200  }
0x29: {  	[sflag:s23] =	ssyncset.done $0x0  }
0x2a: {  	s15 =	rddreg [dreg:$0x9];
	[sflag:s23] =	ssyncadd.s32 $0xFFFFCE00  }
0x2b: {  	[spmem:s15] =	stream.linear.scatter [tilespmem:s22], [sflag:$0x2], $0x3200, $0x38;
	[tilespmem:$0x1EAA0] =	vst v63  }
0x2c: {  	_ =	swait.ge [sflag:s23], $0x3200  }
0x2d: {  	[sflag:s23] =	ssyncset.done $0x0  }
0x2e: {  	s16 =	rddreg [dreg:$0xa];
	[sflag:s23] =	ssyncadd.s32 $0xFFFFCE00  }
0x2f: {  	[spmem:s16] =	stream.linear.scatter [tilespmem:s22], [sflag:$0x2], $0x3200, $0x38;
	[tilespmem:$0x1EAA0] =	vst v63  }
0x30: {  	_ =	swait.ge [sflag:s23], $0x3200  }
0x31: {  	[sflag:s23] =	ssyncset.done $0x0  }
0x32: {  	s17 =	rddreg [dreg:$0xb];
	[sflag:s23] =	ssyncadd.s32 $0xFFFFCE00  }
0x33: {  	[spmem:s17] =	stream.linear.scatter [tilespmem:s22], [sflag:$0x2], $0x3200, $0x38;
	[tilespmem:$0x1EAA0] =	vst v63  }
0x34: {  	_ =	swait.ge [sflag:s23], $0x3200  }
0x35: {  	[sflag:s23] =	ssyncset.done $0x0  }
0x36: {  	s21 =	rddreg [dreg:$0xc];
	[sflag:s23] =	ssyncadd.s32 $0xFFFFCE00  }
0x37: {  	[spmem:s21] =	stream.linear.scatter [tilespmem:s22], [sflag:$0x2], $0x3200, $0x38;
	[tilespmem:$0x1EAA0] =	vst v63  }
0x38: {  	_ =	swait.ge [sflag:s23], $0x3200  }
0x39: {  	[sflag:s23] =	ssyncset.done $0x0  }
0x3a: {  	[sflag:s23] =	ssyncadd.s32 $0xFFFFCE00  }
0x3b: {  	s3 =	simm.s32 $0x0;
	s0 =	simm.s32 $0x0;
	[bflag:$0x0] =	sbarrier.arrive $0xFFFF  }
.LBB2_4:
0x3c: {  	s11 =	smul.u32 $0x190, s3;
	_ =	sdelay $0x1  }
0x3d: {  	s11 =	sadd.s32 s18, s11  }
0x3e: {  	s12 =	sshrl.u32 s11, $0x3  }
0x3f: {  	s13 =	sadd.s32 s5, s12  }
0x40: {  	[tilespmem:s0], [sflag:$0x2] =	stream.linear.gather [hbm4b:s13+s0], $0x190, $0x38;
	[tilespmem:$0x1EAA0] =	vst v63  }
0x41: {  	_ =	swait.ge [sflag:s23], $0x190  }
0x42: {  	[sflag:s23] =	ssyncset.done $0x0  }
0x43: {  	s12 =	sadd.s32 s6, s12;
	[sflag:s23] =	ssyncadd.s32 $0xFFFFFE70  }
0x44: {  	[tilespmem:s24], [sflag:$0x2] =	stream.linear.gather [hbm4b:s12+s0], $0x190, $0x38;
	[tilespmem:$0x1EAA0] =	vst v63  }
0x45: {  	_ =	swait.ge [sflag:s23], $0x190  }
0x46: {  	[sflag:s23] =	ssyncset.done $0x0  }
0x47: {  	s11 =	sadd.s32 s7, s11;
	[sflag:s23] =	ssyncadd.s32 $0xFFFFFE70  }
0x48: {  	[tilespmem:s25], [sflag:$0x2] =	stream.linear.gather [hbm4b:s11+s0], $0xC80, $0x38;
	[tilespmem:$0x1EAA0] =	vst v63  }
0x49: {  	_ =	swait.ge [sflag:s23], $0xC80  }
0x4a: {  	[sflag:s23] =	ssyncset.done $0x0  }
0x4b: {  	[sflag:s23] =	ssyncadd.s32 $0xFFFFF380  }
0x4c: {  	v4 =	vld [tilespmem:$0x0]  }
0x4d: {  	v5 =	vld [tilespmem:$0x10]  }
0x4e: {  	v6 =	vld [tilespmem:$0x20]  }
0x4f: {  	v7 =	vld [tilespmem:$0x30]  }
0x50: {  	v8 =	vld [tilespmem:$0x40]  }
0x51: {  	v9 =	vld [tilespmem:$0x50];
	v4 =	vadd.s32 v1, v4  }
0x52: {  	[tilespmem:$0x0] =	vst v4;
	v4 =	vadd.s32 v1, v5;
	v5 =	vld [tilespmem:$0x60]  }
0x53: {  	[tilespmem:$0x10] =	vst v4;
	v4 =	vadd.s32 v1, v6;
	v6 =	vld [tilespmem:$0x70]  }
0x54: {  	[tilespmem:$0x20] =	vst v4;
	v4 =	vadd.s32 v1, v7;
	v7 =	vld [tilespmem:$0x80]  }
0x55: {  	[tilespmem:$0x30] =	vst v4;
	v4 =	vadd.s32 v1, v8;
	v8 =	vld [tilespmem:$0x90]  }
0x56: {  	[tilespmem:$0x40] =	vst v4;
	v4 =	vadd.s32 v1, v9;
	v9 =	vld [tilespmem:$0xA0]  }
0x57: {  	[tilespmem:$0x50] =	vst v4;
	v4 =	vadd.s32 v1, v5;
	v5 =	vld [tilespmem:$0xB0]  }
0x58: {  	[tilespmem:$0x60] =	vst v4;
	v4 =	vadd.s32 v1, v6;
	v6 =	vld [tilespmem:$0xC0]  }
0x59: {  	[tilespmem:$0x70] =	vst v4;
	v4 =	vadd.s32 v1, v7;
	v7 =	vld [tilespmem:$0xD0]  }
0x5a: {  	[tilespmem:$0x80] =	vst v4;
	v4 =	vadd.s32 v1, v8;
	v8 =	vld [tilespmem:$0xE0]  }
0x5b: {  	[tilespmem:$0x90] =	vst v4;
	v4 =	vadd.s32 v1, v9;
	v9 =	vld [tilespmem:$0xF0]  }
0x5c: {  	[tilespmem:$0xA0] =	vst v4;
	v4 =	vadd.s32 v1, v5;
	v5 =	vld [tilespmem:$0x100]  }
0x5d: {  	[tilespmem:$0xB0] =	vst v4;
	v4 =	vadd.s32 v1, v6;
	v6 =	vld [tilespmem:$0x110]  }
0x5e: {  	[tilespmem:$0xC0] =	vst v4;
	v4 =	vadd.s32 v1, v7;
	v7 =	vld [tilespmem:$0x120]  }
0x5f: {  	[tilespmem:$0xD0] =	vst v4;
	v4 =	vadd.s32 v1, v8;
	v8 =	vld [tilespmem:$0x130]  }
0x60: {  	[tilespmem:$0xE0] =	vst v4;
	v4 =	vadd.s32 v1, v9;
	v9 =	vld [tilespmem:$0x140]  }
0x61: {  	[tilespmem:$0xF0] =	vst v4;
	v4 =	vadd.s32 v1, v5;
	v5 =	vld [tilespmem:$0x150]  }
0x62: {  	[tilespmem:$0x100] =	vst v4;
	v4 =	vadd.s32 v1, v6;
	v6 =	vld [tilespmem:$0x160]  }
0x63: {  	[tilespmem:$0x110] =	vst v4;
	v4 =	vadd.s32 v1, v7;
	v7 =	vld [tilespmem:$0x170]  }
0x64: {  	[tilespmem:$0x120] =	vst v4;
	v4 =	vadd.s32 v1, v8;
	v8 =	vld [tilespmem:$0x180]  }
0x65: {  	[tilespmem:$0x130] =	vst v4;
	v4 =	vadd.s32 v1, v9  }
0x66: {  	[tilespmem:$0x140] =	vst v4;
	v4 =	vadd.s32 v1, v5  }
0x67: {  	[tilespmem:$0x150] =	vst v4;
	v4 =	vadd.s32 v1, v6  }
0x68: {  	[tilespmem:$0x160] =	vst v4;
	v4 =	vadd.s32 v1, v7  }
0x69: {  	s1 =	simm.s32 $0x0;
	[tilespmem:$0x170] =	vst v4;
	v4 =	vadd.s32 v1, v8  }
0x6a: {  	s4 =	simm.s32 $0x38;
	[tilespmem:$0x180] =	vst v4;
	v4 =	vor.u32 s1, v0  }
0x6b: {  	v5 =	vor.u32 s4, v0;
	[tilespmem:s22], [sflag:$0x1] =	stream.indirect.gather [hbm4b:s8+s24], $0x20, s0, s24, $0xb8;
	[tilespmem:$0x1EAA0] =	vst v63  }
0x6c: {  	s14 =	simm.s32 $0x8;
	_ =	swait.ge [sflag:s26], $0x3200  }
0x6d: {  	s15 =	simm.s32 $0x10;
	v6 =	vor.u32 s14, v0;
	[sflag:s26] =	ssyncset.done $0x0  }
0x6e: {  	s16 =	simm.s32 $0x18;
	v7 =	vor.u32 s15, v0;
	[sflag:s26] =	ssyncadd.s32 $0xFFFFCE00  }
0x6f: {  	s17 =	simm.s32 $0x20;
	v8 =	vor.u32 s16, v0;
	v4 =	vld.idx.msk [tilespmem:v4+s25+$0x0], $0xffff  }
0x70: {  	s21 =	simm.s32 $0x28;
	s12 =	simm.s32 $0x1020;
	v9 =	vor.u32 s17, v0;
	v5 =	vld.idx.msk [tilespmem:v5+s25+$0x0], $0xffff  }
0x71: {  	v10 =	vor.u32 s21, v0;
	v11 =	vld [tilespmem:s12+$0x60]  }
0x72: {  	v6 =	vld.idx.msk [tilespmem:v6+s25+$0x0], $0xffff  }
0x73: {  	v7 =	vld.idx.msk [tilespmem:v7+s25+$0x0], $0xffff  }
0x74: {  	v8 =	vld.idx.msk [tilespmem:v8+s25+$0x0], $0xffff  }
0x75: {  	v9 =	vld.idx.msk [tilespmem:v9+s25+$0x0], $0xffff  }
0x76: {  	v10 =	vld.idx.msk [tilespmem:v10+s25+$0x0], $0xffff  }
0x77: {  	v60 =	vld [tilespmem:s12+$0xFFFFFF80]  }
0x78: {  	v14 =	vld [tilespmem:s12+$0x70]  }
0x79: {  	s9 =	simm.s32 $0x30;
	v16 =	vld [tilespmem:s12+$0xFFFFFFC0];
	v5 =	vmul.f32 v11, v5  }
0x7a: {  	v12 =	vor.u32 s9, v0;
	v17 =	vld [tilespmem:s12+$0xFFFFFFE0]  }
0x7b: {  	v13 =	vor.u32 s4, v2;
	[tilespmem:s12+$0x60] =	vst v5;
	v5 =	vld [tilespmem:s12+$0xFFFFFFA0]  }
0x7c: {  	v61 =	vld [tilespmem:s12+$0x0]  }
0x7d: {  	v15 =	vor.u32 s1, v2;
	v20 =	vld [tilespmem:s12+$0x20]  }
0x7e: {  	v18 =	vor.u32 s14, v2;
	v23 =	vld [tilespmem:s12+$0xFFFFFF90];
	v4 =	vmul.f32 v60, v4  }
0x7f: {  	v19 =	vor.u32 s15, v2;
	v11 =	vld.idx.msk [tilespmem:v12+s25+$0x0], $0xffff  }
0x80: {  	v21 =	vor.u32 s16, v2;
	[tilespmem:s12+$0xFFFFFF80] =	vst v4;
	v13 =	vld.idx.msk [tilespmem:v13+s25+$0x0], $0xffff;
	v4 =	vmul.f32 v5, v6  }
0x81: {  	v22 =	vor.u32 s17, v2;
	v6 =	vld [tilespmem:s12+$0x40];
	v5 =	vmul.f32 v16, v7  }
0x82: {  	v62 =	vor.u32 s21, v2;
	v15 =	vld.idx.msk [tilespmem:v15+s25+$0x0], $0xffff;
	v7 =	vmul.f32 v17, v8;
	[tilespmem:s12+$0xFFFFFFA0] =	vst v4  }
0x83: {  	v8 =	vmul.f32 v61, v9;
	[tilespmem:s12+$0xFFFFFFC0] =	vst v5;
	v4 =	vld.idx.msk [tilespmem:v18+s25+$0x0], $0xffff  }
0x84: {  	v63 =	vor.u32 s9, v2;
	v9 =	vmul.f32 v20, v10;
	[tilespmem:s12+$0xFFFFFFE0] =	vst v7;
	v5 =	vld.idx.msk [tilespmem:v19+s25+$0x0], $0xffff  }
0x85: {  	v10 =	vmul.f32 v14, v13;
	[tilespmem:s12+$0x0] =	vst v8;
	v7 =	vld.idx.msk [tilespmem:v21+s25+$0x0], $0xffff  }
0x86: {  	[tilespmem:s12+$0x20] =	vst v9;
	v8 =	vld.idx.msk [tilespmem:v22+s25+$0x0], $0xffff;
	v6 =	vmul.f32 v6, v11  }
0x87: {  	v9 =	vld.idx.msk [tilespmem:v62+s25+$0x0], $0xffff;
	[tilespmem:s12+$0x70] =	vst v10;
	v11 =	vmul.f32 v23, v15  }
0x88: {  	v10 =	vld [tilespmem:s12+$0xFFFFFFB0];
	[tilespmem:s12+$0x40] =	vst v6  }
0x89: {  	s13 =	simm.s32 $0x10;
	s11 =	simm.s32 $0x1020;
	s14 =	simm.s32 $0x40;
	[tilespmem:s12+$0xFFFFFF90] =	vst v11;
	v6 =	vld.idx.msk [tilespmem:v63+s25+$0x0], $0xffff  }
.LBB2_5:
0x8a: {  	p0 =	slt.u32 s13, $0x188;
	v11 =	vor.u32 s14, v0;
	v12 =	vor.u32 s14, v2;
	s9 =	sadd.s32 $0x8, s14;
	s15 =	sadd.s32 $0x38, s14;
	v13 =	vld [tilespmem:s12+$0xFFFFFFD0]  }
0x8b: {  	s16 =	sadd.s32 $0x18, s14;
	s17 =	sadd.s32 $0x20, s14;
	v14 =	vor.u32 s9, v0;
	v15 =	vor.u32 s9, v2;
	s9 =	sadd.s32 $0x10, s14;
	v16 =	vor.u32 s15, v0;
	v17 =	vld [tilespmem:s12+$0xFFFFFFF0]  }
0x8c: {  	s21 =	sadd.s32 $0x28, s14;
	v19 =	vor.u32 s16, v0;
	v20 =	vor.u32 s17, v0;
	s14 =	sadd.s32 $0x30, s14;
	v18 =	vor.u32 s9, v0;
	v21 =	vld [tilespmem:s12+$0x10]  }
0x8d: {  	v23 =	vor.u32 s21, v0;
	v22 =	vor.u32 s9, v2;
	v24 =	vor.u32 s14, v0;
	v25 =	vld [tilespmem:s12+$0x30]  }
0x8e: {  	v26 =	vor.u32 s16, v2;
	v27 =	vor.u32 s17, v2;
	v28 =	vor.u32 s21, v2;
	v29 =	vld [tilespmem:s12+$0x50]  }
0x8f: {  	v30 =	vor.u32 s14, v2;
	v4 =	vmul.f32 v10, v4;
	v11 =	vld.idx.msk [tilespmem:v11+s25+$0x0], $0xffff;
	v5 =	vmul.f32 v13, v5  }
0x90: {  	s12 =	sadd.s32 $0x100, s12;
	v10 =	vld.idx.msk [tilespmem:v16+s25+$0x0], $0xffff;
	v7 =	vmul.f32 v17, v7  }
0x91: {  	v13 =	vld [tilespmem:s12+$0x60];
	[tilespmem:s11+$0xFFFFFFB0] =	vst v4;
	v4 =	vmul.f32 v21, v8  }
0x92: {  	v8 =	vld.idx.msk [tilespmem:v14+s25+$0x0], $0xffff;
	[tilespmem:s11+$0xFFFFFFD0] =	vst v5;
	v5 =	vmul.f32 v25, v9  }
0x93: {  	v9 =	vld.idx.msk [tilespmem:v18+s25+$0x0], $0xffff;
	[tilespmem:s11+$0xFFFFFFF0] =	vst v7;
	v6 =	vmul.f32 v29, v6  }
0x94: {  	v14 =	vor.u32 s15, v2;
	v7 =	vld.idx.msk [tilespmem:v19+s25+$0x0], $0xffff;
	[tilespmem:s11+$0x10] =	vst v4  }
0x95: {  	v16 =	vld.idx.msk [tilespmem:v20+s25+$0x0], $0xffff;
	[tilespmem:s11+$0x30] =	vst v5  }
0x96: {  	v17 =	vld.idx.msk [tilespmem:v23+s25+$0x0], $0xffff;
	v4 =	vmul.f32 v13, v10;
	[tilespmem:s11+$0x50] =	vst v6;
	s11 =	smov.u32 s12  }
0x97: {  	v6 =	vld.idx.msk [tilespmem:v24+s25+$0x0], $0xffff  }
0x98: {  	v5 =	vld [tilespmem:s12+$0xFFFFFF80];
	[tilespmem:s12+$0x60] =	vst v4  }
0x99: {  	v4 =	vld.idx.msk [tilespmem:v14+s25+$0x0], $0xffff  }
0x9a: {  	v10 =	vld [tilespmem:s12+$0x70]  }
0x9b: {  	v13 =	vld [tilespmem:s12+$0xFFFFFFA0]  }
0x9c: {  	v14 =	vld [tilespmem:s12+$0xFFFFFFC0]  }
0x9d: {  	v5 =	vmul.f32 v5, v11;
	v11 =	vld [tilespmem:s12+$0xFFFFFFE0]  }
0x9e: {  	v18 =	vld [tilespmem:s12+$0x0]  }
0x9f: {  	[tilespmem:s12+$0xFFFFFF80] =	vst v5;
	v19 =	vld [tilespmem:s12+$0x20];
	v4 =	vmul.f32 v10, v4  }
0xa0: {  	v5 =	vmul.f32 v13, v8;
	v8 =	vld [tilespmem:s12+$0x40]  }
0xa1: {  	v10 =	vld.idx.msk [tilespmem:v12+s25+$0x0], $0xffff;
	v9 =	vmul.f32 v14, v9;
	[tilespmem:s12+$0x70] =	vst v4  }
0xa2: {  	v12 =	vld [tilespmem:s12+$0xFFFFFF90];
	[tilespmem:s12+$0xFFFFFFA0] =	vst v5;
	v7 =	vmul.f32 v11, v7  }
0xa3: {  	v4 =	vld.idx.msk [tilespmem:v15+s25+$0x0], $0xffff;
	[tilespmem:s12+$0xFFFFFFC0] =	vst v9;
	v9 =	vmul.f32 v18, v16  }
0xa4: {  	v5 =	vld.idx.msk [tilespmem:v22+s25+$0x0], $0xffff;
	[tilespmem:s12+$0xFFFFFFE0] =	vst v7;
	v11 =	vmul.f32 v19, v17  }
.Ltmp1:
0xa5: {  	v7 =	vld.idx.msk [tilespmem:v26+s25+$0x0], $0xffff;
	[tilespmem:s12+$0x0] =	vst v9;
	v6 =	vmul.f32 v8, v6;
	(pc) =	sbr.rel @p0 .LBB2_5-.Ltmp1, $4  }
0xa6: {  	v8 =	vld.idx.msk [tilespmem:v27+s25+$0x0], $0xffff;
	[tilespmem:s12+$0x20] =	vst v11  }
0xa7: {  	v10 =	vmul.f32 v12, v10;
	v9 =	vld.idx.msk [tilespmem:v28+s25+$0x0], $0xffff;
	[tilespmem:s12+$0x40] =	vst v6  }
0xa8: {  	v6 =	vld.idx.msk [tilespmem:v30+s25+$0x0], $0xffff  }
0xa9: {  	s14 =	sshll.u32 s13, $0x3;
	s13 =	sadd.s32 $0x8, s13;
	[tilespmem:s12+$0xFFFFFF90] =	vst v10;
	v10 =	vld [tilespmem:s12+$0xFFFFFFB0]  }
0xaa: {  	v12 =	vld [tilespmem:s12+$0xFFFFFFD0]  }
0xab: {  	v14 =	vld [tilespmem:s12+$0xFFFFFFF0]  }
0xac: {  	v15 =	vld [tilespmem:s12+$0x10]  }
0xad: {  	v17 =	vld [tilespmem:s12+$0x30]  }
0xae: {  	v19 =	vld [tilespmem:s12+$0x50];
	s1 =	sadd.s32 $0x100, s12  }
0xaf: {  	v23 =	vld [tilespmem:s1+$0x60]  }
0xb0: {  	v39 =	vld [tilespmem:s1+$0xFFFFFF80]  }
0xb1: {  	v40 =	vld [tilespmem:s1+$0x70]  }
0xb2: {  	v26 =	vld [tilespmem:s1+$0xFFFFFFA0]  }
0xb3: {  	v28 =	vld [tilespmem:s1+$0xFFFFFFC0]  }
0xb4: {  	v29 =	vld [tilespmem:s1+$0xFFFFFFE0]  }
0xb5: {  	v41 =	vld [tilespmem:s1+$0x0]  }
0xb6: {  	v32 =	vld [tilespmem:s1+$0x20]  }
0xb7: {  	v43 =	vld [tilespmem:s1+$0x40]  }
0xb8: {  	v46 =	vld [tilespmem:s1+$0xFFFFFF90]  }
0xb9: {  	v11 =	vor.u32 s14, v0;
	s9 =	sadd.s32 $0x38, s14;
	v54 =	vld [tilespmem:s1+$0xFFFFFFD0]  }
0xba: {  	s13 =	sadd.s32 $0x8, s14;
	v13 =	vor.u32 s9, v0;
	v55 =	vld [tilespmem:s1+$0xFFFFFFF0]  }
0xbb: {  	s15 =	sadd.s32 $0x10, s14;
	v16 =	vor.u32 s13, v0;
	v57 =	vld [tilespmem:s1+$0x10]  }
0xbc: {  	s16 =	sadd.s32 $0x18, s14;
	v18 =	vor.u32 s15, v0;
	v59 =	vld [tilespmem:s1+$0x30]  }
0xbd: {  	s17 =	sadd.s32 $0x20, s14;
	v20 =	vor.u32 s16, v0;
	v60 =	vld [tilespmem:s1+$0x50]  }
0xbe: {  	s21 =	sadd.s32 $0x28, s14;
	v21 =	vor.u32 s17, v0;
	v4 =	vmul.f32 v10, v4;
	v11 =	vld.idx.msk [tilespmem:v11+s25+$0x0], $0xffff  }
0xbf: {  	s4 =	sadd.s32 $0x30, s14;
	v22 =	vor.u32 s21, v0;
	v5 =	vmul.f32 v12, v5;
	v13 =	vld.idx.msk [tilespmem:v13+s25+$0x0], $0xffff  }
0xc0: {  	v24 =	vor.u32 s4, v0;
	v7 =	vmul.f32 v14, v7;
	v16 =	vld.idx.msk [tilespmem:v16+s25+$0x0], $0xffff;
	[tilespmem:s11+$0xFFFFFFB0] =	vst v4  }
0xc1: {  	v8 =	vmul.f32 v15, v8;
	v18 =	vld.idx.msk [tilespmem:v18+s25+$0x0], $0xffff;
	[tilespmem:s11+$0xFFFFFFD0] =	vst v5  }
0xc2: {  	v27 =	vor.u32 s14, v2;
	v9 =	vmul.f32 v17, v9;
	v20 =	vld.idx.msk [tilespmem:v20+s25+$0x0], $0xffff;
	[tilespmem:s11+$0xFFFFFFF0] =	vst v7  }
0xc3: {  	v25 =	vor.u32 s9, v2;
	v6 =	vmul.f32 v19, v6;
	v21 =	vld.idx.msk [tilespmem:v21+s25+$0x0], $0xffff;
	[tilespmem:s11+$0x10] =	vst v8  }
0xc4: {  	v30 =	vor.u32 s13, v2;
	v22 =	vld.idx.msk [tilespmem:v22+s25+$0x0], $0xffff;
	[tilespmem:s11+$0x30] =	vst v9;
	v11 =	vmul.f32 v39, v11  }
0xc5: {  	v31 =	vor.u32 s15, v2;
	v38 =	vld.idx.msk [tilespmem:v24+s25+$0x0], $0xffff;
	[tilespmem:s11+$0x50] =	vst v6;
	v13 =	vmul.f32 v23, v13  }
0xc6: {  	v42 =	vor.u32 s16, v2;
	v5 =	vld [tilespmem:s1+$0xFFFFFFB0];
	v16 =	vmul.f32 v26, v16;
	[tilespmem:s1+$0xFFFFFF80] =	vst v11  }
0xc7: {  	v45 =	vor.u32 s21, v2;
	v18 =	vmul.f32 v28, v18;
	[tilespmem:s1+$0x60] =	vst v13;
	v27 =	vld.idx.msk [tilespmem:v27+s25+$0x0], $0xffff  }
0xc8: {  	v48 =	vor.u32 s4, v2;
	v20 =	vmul.f32 v29, v20;
	[tilespmem:s1+$0xFFFFFFA0] =	vst v16;
	v13 =	vld.idx.msk [tilespmem:v25+s25+$0x0], $0xffff  }
0xc9: {  	v44 =	vor.u32 s17, v2;
	v22 =	vmul.f32 v32, v22;
	[tilespmem:s1+$0xFFFFFFC0] =	vst v18;
	v49 =	vld.idx.msk [tilespmem:v30+s25+$0x0], $0xffff  }
0xca: {  	v51 =	vmul.f32 v43, v38;
	[tilespmem:s1+$0xFFFFFFE0] =	vst v20;
	v50 =	vld.idx.msk [tilespmem:v31+s25+$0x0], $0xffff  }
0xcb: {  	v47 =	vmul.f32 v41, v21;
	[tilespmem:s1+$0x20] =	vst v22;
	v11 =	vld.idx.msk [tilespmem:v42+s25+$0x0], $0xffff  }
0xcc: {  	[tilespmem:s1+$0x40] =	vst v51;
	v53 =	vld.idx.msk [tilespmem:v45+s25+$0x0], $0xffff;
	v58 =	vmul.f32 v46, v27  }
0xcd: {  	[tilespmem:s1+$0x0] =	vst v47;
	v4 =	vld.idx.msk [tilespmem:v48+s25+$0x0], $0xffff;
	v56 =	vmul.f32 v40, v13  }
0xce: {  	v52 =	vld.idx.msk [tilespmem:v44+s25+$0x0], $0xffff;
	v5 =	vmul.f32 v5, v49;
	[tilespmem:s1+$0xFFFFFF90] =	vst v58  }
0xcf: {  	v61 =	vmul.f32 v54, v50;
	[tilespmem:s1+$0x70] =	vst v56  }
0xd0: {  	v62 =	vmul.f32 v55, v11;
	[tilespmem:s1+$0xFFFFFFB0] =	vst v5  }
0xd1: {  	v63 =	vmul.f32 v59, v53;
	[tilespmem:s1+$0xFFFFFFD0] =	vst v61  }
0xd2: {  	v4 =	vmul.f32 v60, v4;
	[tilespmem:s1+$0xFFFFFFF0] =	vst v62  }
0xd3: {  	s3 =	sadd.s32 $0x1, s3;
	v5 =	vmul.f32 v57, v52;
	[tilespmem:s1+$0x30] =	vst v63  }
0xd4: {  	p0 =	sne.s32 s3, $0x7D;
	[tilespmem:s1+$0x50] =	vst v4  }
.Ltmp2:
0xd5: {  	[tilespmem:s1+$0x10] =	vst v5;
	(pc) =	sbr.rel @p0 .LBB2_4-.Ltmp2, $4  }
0xd6: {  	[spmem:s2] =	stream.indirect.scatter.add.f32 [tilespmem:s22], [sflag:$0x2], $0x20, s24, s24, $0xb8;
	[tilespmem:$0x1EAA0] =	vst v63  }
0xd7: {  	_ =	swait.ge [sflag:s23], $0x3200  }
0xd8: {  	[sflag:s23] =	ssyncset.done $0x0  }
0xd9: {  	[sflag:s23] =	ssyncadd.s32 $0xFFFFCE00  }
0xda: {  	[bflag:$0x0] =	sbarrier.arrive $0xFFFF;
	s0 =	simm.s32 $0x0;
	s3 =	simm.s32 $0x0  }
.LBB2_8:
0xdb: {  	s4 =	smul.u32 $0xC8, s3;
	_ =	sdelay $0x1  }
0xdc: {  	s11 =	sadd.s32 s10, s4  }
0xdd: {  	s1 =	rddreg [dreg:$0x1];
	s4 =	sshll.u32 s11, $0x1  }
0xde: {  	s9 =	sadd.s32 s1, s4  }
0xdf: {  	[tilespmem:s28], [sflag:$0x2] =	stream.linear.gather [hbm4b:s9+s0], $0xC80, $0x38;
	[tilespmem:$0x1EAA0] =	vst v63  }
0xe0: {  	_ =	swait.ge [sflag:s23], $0xC80  }
0xe1: {  	[sflag:s23] =	ssyncset.done $0x0  }
0xe2: {  	s4 =	sadd.s32 s4, s19;
	[sflag:s23] =	ssyncadd.s32 $0xFFFFF380  }
0xe3: {  	[tilespmem:s29], [sflag:$0x2] =	stream.linear.gather [hbm4b:s4+s0], $0xC80, $0x38;
	[tilespmem:$0x1EAA0] =	vst v63  }
0xe4: {  	s21 =	sshll.u32 s11, $0x5;
	_ =	swait.ge [sflag:s23], $0xC80  }
0xe5: {  	s4 =	sand.u32 $0x3FFFFFE0, s21;
	[sflag:s23] =	ssyncset.done $0x0  }
0xe6: {  	s4 =	sadd.s32 s4, s2;
	[sflag:s23] =	ssyncadd.s32 $0xFFFFF380  }
0xe7: {  	[tilespmem:s22], [sflag:$0x2] =	stream.linear.gather [spmem:s4], $0x1900, $0x38;
	[tilespmem:$0x1EAA0] =	vst v63  }
0xe8: {  	_ =	swait.ge [sflag:s23], $0x1900  }
0xe9: {  	[sflag:s23] =	ssyncset.done $0x0  }
0xea: {  	s12 =	simm.s32 $0x0;
	[sflag:s23] =	ssyncadd.s32 $0xFFFFE700  }
0xeb: {  	s13 =	simm.s32 $0x40;
	v4 =	vld [tilespmem:s12+$0x4E20]  }
.LBB2_9:
0xec: {  	p0 =	sne.s32 s13, $0x31C0;
	v5 =	vld [tilespmem:s12+$0x41A0];
	_ =	sdelay $0x4  }
0xed: {  	v4 =	vadd.f32 v4, v5;
	_ =	sdelay $0x1  }
0xee: {  	v4 =	vadd.f32 $1.000000020e-16, v4;
	_ =	sdelay $0x1  }
0xef: {  	(erf) = vrcp.f32 v4;
	_ =	sdelay $0x5  }
.Ltmp3:
0xf0: {  	(pc) =	sbr.rel @p0 .LBB2_9-.Ltmp3, $3  }
0xf1: {  	_ =	sdelay $0x1  }
0xf2: {  	s4 =	sshra.s32 s13, $0x2;
	v5 =	vpop (erf)  }
0xf3: {  	s13 =	sadd.s32 $0x40, s13;
	v4 =	vld [tilespmem:s4+$0x4E20];
	[tilespmem:s12+$0x41A0] =	vst v5;
	s12 =	smov.u32 s4  }
0xf4: {  	v5 =	vld [tilespmem:s12+$0x41A0];
	_ =	sdelay $0x4  }
0xf5: {  	v4 =	vadd.f32 v4, v5;
	_ =	sdelay $0x1  }
0xf6: {  	v4 =	vadd.f32 $1.000000020e-16, v4;
	_ =	sdelay $0x1  }
0xf7: {  	(erf) = vrcp.f32 v4;
	_ =	sdelay $0x4  }
0xf8: {  	s4 =	simm.s32 $0x0  }
0xf9: {  	s9 =	simm.s32 $0x70;
	v4 =	vor.u32 s4, v0  }
0xfa: {  	v5 =	vor.u32 s9, v0  }
0xfb: {  	s14 =	simm.s32 $0x10  }
0xfc: {  	s1 =	simm.s32 $0x30;
	v7 =	vor.u32 s14, v0;
	v6 =	vpop (erf)  }
0xfd: {  	s16 =	simm.s32 $0x40;
	v8 =	vor.u32 s1, v0;
	[tilespmem:s12+$0x41A0] =	vst v6  }
0xfe: {  	s17 =	simm.s32 $0x50;
	v9 =	vor.u32 s16, v0;
	v4 =	vld.idx.msk [tilespmem:v4+s28+$0x0], $0xffff  }
0xff: {  	s13 =	simm.s32 $0x1020;
	v10 =	vor.u32 s17, v0;
	v5 =	vld.idx.msk [tilespmem:v5+s28+$0x0], $0xffff  }
0x100: {  	v11 =	vld [tilespmem:s13+$0x60]  }
0x101: {  	v7 =	vld.idx.msk [tilespmem:v7+s28+$0x0], $0xffff  }
0x102: {  	v8 =	vld.idx.msk [tilespmem:v8+s28+$0x0], $0xffff  }
0x103: {  	v9 =	vld.idx.msk [tilespmem:v9+s28+$0x0], $0xffff  }
0x104: {  	v10 =	vld.idx.msk [tilespmem:v10+s28+$0x0], $0xffff  }
0x105: {  	v59 =	vld [tilespmem:s13+$0xFFFFFF80]  }
0x106: {  	s21 =	simm.s32 $0x60;
	v16 =	vld [tilespmem:s13+$0xFFFFFFC0]  }
0x107: {  	s15 =	simm.s32 $0x20;
	v12 =	vor.u32 s21, v0;
	v17 =	vld [tilespmem:s13+$0xFFFFFFE0]  }
0x108: {  	v6 =	vor.u32 s15, v0;
	v60 =	vld [tilespmem:s13+$0x0];
	v5 =	vmul.f32 v11, v5  }
0x109: {  	v20 =	vld [tilespmem:s13+$0x20]  }
0x10a: {  	[tilespmem:s13+$0x60] =	vst v5;
	v5 =	vld [tilespmem:s13+$0xFFFFFFA0]  }
0x10b: {  	v22 =	vld [tilespmem:s13+$0x40]  }
0x10c: {  	v13 =	vor.u32 s9, v2;
	v11 =	vld.idx.msk [tilespmem:v12+s28+$0x0], $0xffff  }
0x10d: {  	v15 =	vor.u32 s4, v2;
	v6 =	vld.idx.msk [tilespmem:v6+s28+$0x0], $0xffff;
	v4 =	vmul.f32 v59, v4;
	_ =	sdelay $0x1  }
0x10e: {  	v18 =	vor.u32 s14, v2;
	v14 =	vld [tilespmem:s13+$0x70];
	[tilespmem:s13+$0xFFFFFF80] =	vst v4;
	v4 =	vmul.f32 v5, v7  }
0x10f: {  	v19 =	vor.u32 s15, v2;
	v61 =	vld [tilespmem:s13+$0xFFFFFF90];
	v7 =	vmul.f32 v17, v8;
	v8 =	vmul.f32 v60, v9  }
0x110: {  	v21 =	vor.u32 s1, v2;
	v13 =	vld.idx.msk [tilespmem:v13+s28+$0x0], $0xffff;
	v9 =	vmul.f32 v20, v10;
	v10 =	vmul.f32 v22, v11  }
0x111: {  	v23 =	vor.u32 s16, v2;
	v15 =	vld.idx.msk [tilespmem:v15+s28+$0x0], $0xffff;
	v5 =	vmul.f32 v16, v6;
	[tilespmem:s13+$0xFFFFFFA0] =	vst v4  }
0x112: {  	v6 =	vor.u32 s17, v2;
	[tilespmem:s13+$0x40] =	vst v10;
	v10 =	vld [tilespmem:s13+$0xFFFFFFB0]  }
0x113: {  	v62 =	vor.u32 s21, v2;
	[tilespmem:s13+$0xFFFFFFC0] =	vst v5;
	v4 =	vld.idx.msk [tilespmem:v18+s28+$0x0], $0xffff  }
0x114: {  	[tilespmem:s13+$0xFFFFFFE0] =	vst v7;
	v5 =	vld.idx.msk [tilespmem:v19+s28+$0x0], $0xffff  }
0x115: {  	v11 =	vmul.f32 v14, v13;
	[tilespmem:s13+$0x0] =	vst v8;
	v7 =	vld.idx.msk [tilespmem:v21+s28+$0x0], $0xffff  }
0x116: {  	v63 =	vmul.f32 v61, v15;
	[tilespmem:s13+$0x20] =	vst v9;
	v8 =	vld.idx.msk [tilespmem:v23+s28+$0x0], $0xffff  }
0x117: {  	[tilespmem:s13+$0x70] =	vst v11;
	v9 =	vld.idx.msk [tilespmem:v6+s28+$0x0], $0xffff  }
0x118: {  	s14 =	simm.s32 $0x10;
	s15 =	simm.s32 $0x80;
	s12 =	simm.s32 $0x1020;
	[tilespmem:s13+$0xFFFFFF90] =	vst v63;
	v6 =	vld.idx.msk [tilespmem:v62+s28+$0x0], $0xffff  }
.LBB2_11:
0x119: {  	p0 =	slt.u32 s14, $0xC0;
	v11 =	vor.u32 s15, v0;
	v12 =	vor.u32 s15, v2;
	s4 =	sadd.s32 $0x10, s15;
	s9 =	sadd.s32 $0x70, s15;
	v13 =	vld [tilespmem:s13+$0xFFFFFFD0]  }
0x11a: {  	s16 =	sadd.s32 $0x30, s15;
	s17 =	sadd.s32 $0x40, s15;
	v14 =	vor.u32 s4, v0;
	v15 =	vor.u32 s4, v2;
	s4 =	sadd.s32 $0x20, s15;
	v16 =	vor.u32 s9, v0;
	v17 =	vld [tilespmem:s13+$0xFFFFFFF0]  }
0x11b: {  	s21 =	sadd.s32 $0x50, s15;
	v19 =	vor.u32 s16, v0;
	v20 =	vor.u32 s17, v0;
	s15 =	sadd.s32 $0x60, s15;
	v18 =	vor.u32 s4, v0;
	v21 =	vld [tilespmem:s13+$0x10]  }
0x11c: {  	v23 =	vor.u32 s21, v0;
	v22 =	vor.u32 s4, v2;
	v24 =	vor.u32 s15, v0;
	v25 =	vld [tilespmem:s13+$0x30]  }
0x11d: {  	v26 =	vor.u32 s16, v2;
	v27 =	vor.u32 s17, v2;
	v28 =	vor.u32 s21, v2;
	v29 =	vld [tilespmem:s13+$0x50]  }
0x11e: {  	v30 =	vor.u32 s15, v2;
	v4 =	vmul.f32 v10, v4;
	v11 =	vld.idx.msk [tilespmem:v11+s28+$0x0], $0xffff;
	v5 =	vmul.f32 v13, v5  }
0x11f: {  	s13 =	sadd.s32 $0x100, s13;
	v10 =	vld.idx.msk [tilespmem:v16+s28+$0x0], $0xffff;
	v7 =	vmul.f32 v17, v7  }
0x120: {  	v13 =	vld [tilespmem:s13+$0x60];
	[tilespmem:s12+$0xFFFFFFB0] =	vst v4;
	v4 =	vmul.f32 v21, v8  }
0x121: {  	v8 =	vld.idx.msk [tilespmem:v14+s28+$0x0], $0xffff;
	[tilespmem:s12+$0xFFFFFFD0] =	vst v5;
	v5 =	vmul.f32 v25, v9  }
0x122: {  	v9 =	vld.idx.msk [tilespmem:v18+s28+$0x0], $0xffff;
	[tilespmem:s12+$0xFFFFFFF0] =	vst v7;
	v6 =	vmul.f32 v29, v6  }
0x123: {  	v14 =	vor.u32 s9, v2;
	v7 =	vld.idx.msk [tilespmem:v19+s28+$0x0], $0xffff;
	[tilespmem:s12+$0x10] =	vst v4  }
0x124: {  	v16 =	vld.idx.msk [tilespmem:v20+s28+$0x0], $0xffff;
	[tilespmem:s12+$0x30] =	vst v5  }
0x125: {  	v17 =	vld.idx.msk [tilespmem:v23+s28+$0x0], $0xffff;
	v4 =	vmul.f32 v13, v10;
	[tilespmem:s12+$0x50] =	vst v6;
	s12 =	smov.u32 s13  }
0x126: {  	v6 =	vld.idx.msk [tilespmem:v24+s28+$0x0], $0xffff  }
0x127: {  	v5 =	vld [tilespmem:s13+$0xFFFFFF80];
	[tilespmem:s13+$0x60] =	vst v4  }
0x128: {  	v4 =	vld.idx.msk [tilespmem:v14+s28+$0x0], $0xffff  }
0x129: {  	v10 =	vld [tilespmem:s13+$0x70]  }
0x12a: {  	v13 =	vld [tilespmem:s13+$0xFFFFFFA0]  }
0x12b: {  	v14 =	vld [tilespmem:s13+$0xFFFFFFC0]  }
0x12c: {  	v5 =	vmul.f32 v5, v11;
	v11 =	vld [tilespmem:s13+$0xFFFFFFE0]  }
0x12d: {  	v18 =	vld [tilespmem:s13+$0x0]  }
0x12e: {  	[tilespmem:s13+$0xFFFFFF80] =	vst v5;
	v19 =	vld [tilespmem:s13+$0x20];
	v4 =	vmul.f32 v10, v4  }
0x12f: {  	v5 =	vmul.f32 v13, v8;
	v8 =	vld [tilespmem:s13+$0x40]  }
0x130: {  	v10 =	vld.idx.msk [tilespmem:v12+s28+$0x0], $0xffff;
	v9 =	vmul.f32 v14, v9;
	[tilespmem:s13+$0x70] =	vst v4  }
0x131: {  	v12 =	vld [tilespmem:s13+$0xFFFFFF90];
	[tilespmem:s13+$0xFFFFFFA0] =	vst v5;
	v7 =	vmul.f32 v11, v7  }
0x132: {  	v4 =	vld.idx.msk [tilespmem:v15+s28+$0x0], $0xffff;
	[tilespmem:s13+$0xFFFFFFC0] =	vst v9;
	v9 =	vmul.f32 v18, v16  }
0x133: {  	v5 =	vld.idx.msk [tilespmem:v22+s28+$0x0], $0xffff;
	[tilespmem:s13+$0xFFFFFFE0] =	vst v7;
	v11 =	vmul.f32 v19, v17  }
.Ltmp4:
0x134: {  	v7 =	vld.idx.msk [tilespmem:v26+s28+$0x0], $0xffff;
	[tilespmem:s13+$0x0] =	vst v9;
	v6 =	vmul.f32 v8, v6;
	(pc) =	sbr.rel @p0 .LBB2_11-.Ltmp4, $4  }
0x135: {  	v8 =	vld.idx.msk [tilespmem:v27+s28+$0x0], $0xffff;
	[tilespmem:s13+$0x20] =	vst v11  }
0x136: {  	v10 =	vmul.f32 v12, v10;
	v9 =	vld.idx.msk [tilespmem:v28+s28+$0x0], $0xffff;
	[tilespmem:s13+$0x40] =	vst v6  }
0x137: {  	v6 =	vld.idx.msk [tilespmem:v30+s28+$0x0], $0xffff  }
0x138: {  	s15 =	sshll.u32 s14, $0x4;
	s14 =	sadd.s32 $0x8, s14;
	[tilespmem:s13+$0xFFFFFF90] =	vst v10;
	v10 =	vld [tilespmem:s13+$0xFFFFFFB0]  }
0x139: {  	v12 =	vld [tilespmem:s13+$0xFFFFFFD0]  }
0x13a: {  	v14 =	vld [tilespmem:s13+$0xFFFFFFF0]  }
0x13b: {  	v15 =	vld [tilespmem:s13+$0x10]  }
0x13c: {  	v17 =	vld [tilespmem:s13+$0x30]  }
0x13d: {  	v19 =	vld [tilespmem:s13+$0x50];
	s13 =	sadd.s32 $0x100, s13  }
0x13e: {  	v23 =	vld [tilespmem:s13+$0x60]  }
0x13f: {  	v39 =	vld [tilespmem:s13+$0xFFFFFF80]  }
0x140: {  	v40 =	vld [tilespmem:s13+$0x70]  }
0x141: {  	v26 =	vld [tilespmem:s13+$0xFFFFFFA0]  }
0x142: {  	v28 =	vld [tilespmem:s13+$0xFFFFFFC0]  }
0x143: {  	v29 =	vld [tilespmem:s13+$0xFFFFFFE0]  }
0x144: {  	v41 =	vld [tilespmem:s13+$0x0]  }
0x145: {  	v32 =	vld [tilespmem:s13+$0x20]  }
0x146: {  	v43 =	vld [tilespmem:s13+$0x40]  }
0x147: {  	v46 =	vld [tilespmem:s13+$0xFFFFFF90]  }
0x148: {  	v11 =	vor.u32 s15, v0;
	s4 =	sadd.s32 $0x70, s15;
	v54 =	vld [tilespmem:s13+$0xFFFFFFD0]  }
0x149: {  	s9 =	sadd.s32 $0x10, s15;
	v13 =	vor.u32 s4, v0;
	v55 =	vld [tilespmem:s13+$0xFFFFFFF0]  }
0x14a: {  	s14 =	sadd.s32 $0x20, s15;
	v16 =	vor.u32 s9, v0;
	v57 =	vld [tilespmem:s13+$0x10]  }
0x14b: {  	s16 =	sadd.s32 $0x30, s15;
	v18 =	vor.u32 s14, v0;
	v59 =	vld [tilespmem:s13+$0x30]  }
0x14c: {  	s17 =	sadd.s32 $0x40, s15;
	v20 =	vor.u32 s16, v0;
	v60 =	vld [tilespmem:s13+$0x50]  }
0x14d: {  	s21 =	sadd.s32 $0x50, s15;
	v21 =	vor.u32 s17, v0;
	v4 =	vmul.f32 v10, v4;
	v11 =	vld.idx.msk [tilespmem:v11+s28+$0x0], $0xffff  }
0x14e: {  	s1 =	sadd.s32 $0x60, s15;
	v22 =	vor.u32 s21, v0;
	v5 =	vmul.f32 v12, v5;
	v13 =	vld.idx.msk [tilespmem:v13+s28+$0x0], $0xffff  }
0x14f: {  	v24 =	vor.u32 s1, v0;
	v7 =	vmul.f32 v14, v7;
	v16 =	vld.idx.msk [tilespmem:v16+s28+$0x0], $0xffff;
	[tilespmem:s12+$0xFFFFFFB0] =	vst v4  }
0x150: {  	v8 =	vmul.f32 v15, v8;
	v18 =	vld.idx.msk [tilespmem:v18+s28+$0x0], $0xffff;
	[tilespmem:s12+$0xFFFFFFD0] =	vst v5  }
0x151: {  	v27 =	vor.u32 s15, v2;
	v9 =	vmul.f32 v17, v9;
	v20 =	vld.idx.msk [tilespmem:v20+s28+$0x0], $0xffff;
	[tilespmem:s12+$0xFFFFFFF0] =	vst v7  }
0x152: {  	v25 =	vor.u32 s4, v2;
	v6 =	vmul.f32 v19, v6;
	v21 =	vld.idx.msk [tilespmem:v21+s28+$0x0], $0xffff;
	[tilespmem:s12+$0x10] =	vst v8  }
0x153: {  	v30 =	vor.u32 s9, v2;
	v22 =	vld.idx.msk [tilespmem:v22+s28+$0x0], $0xffff;
	[tilespmem:s12+$0x30] =	vst v9;
	v11 =	vmul.f32 v39, v11  }
0x154: {  	v31 =	vor.u32 s14, v2;
	v38 =	vld.idx.msk [tilespmem:v24+s28+$0x0], $0xffff;
	[tilespmem:s12+$0x50] =	vst v6;
	v13 =	vmul.f32 v23, v13  }
0x155: {  	v42 =	vor.u32 s16, v2;
	v5 =	vld [tilespmem:s13+$0xFFFFFFB0];
	v16 =	vmul.f32 v26, v16;
	[tilespmem:s13+$0xFFFFFF80] =	vst v11  }
0x156: {  	v45 =	vor.u32 s21, v2;
	v18 =	vmul.f32 v28, v18;
	[tilespmem:s13+$0x60] =	vst v13;
	v27 =	vld.idx.msk [tilespmem:v27+s28+$0x0], $0xffff  }
0x157: {  	v48 =	vor.u32 s1, v2;
	v20 =	vmul.f32 v29, v20;
	[tilespmem:s13+$0xFFFFFFA0] =	vst v16;
	v13 =	vld.idx.msk [tilespmem:v25+s28+$0x0], $0xffff  }
0x158: {  	v44 =	vor.u32 s17, v2;
	v22 =	vmul.f32 v32, v22;
	[tilespmem:s13+$0xFFFFFFC0] =	vst v18;
	v49 =	vld.idx.msk [tilespmem:v30+s28+$0x0], $0xffff  }
0x159: {  	v51 =	vmul.f32 v43, v38;
	[tilespmem:s13+$0xFFFFFFE0] =	vst v20;
	v50 =	vld.idx.msk [tilespmem:v31+s28+$0x0], $0xffff  }
0x15a: {  	v47 =	vmul.f32 v41, v21;
	[tilespmem:s13+$0x20] =	vst v22;
	v11 =	vld.idx.msk [tilespmem:v42+s28+$0x0], $0xffff  }
0x15b: {  	[tilespmem:s13+$0x40] =	vst v51;
	v53 =	vld.idx.msk [tilespmem:v45+s28+$0x0], $0xffff;
	v58 =	vmul.f32 v46, v27  }
0x15c: {  	[tilespmem:s13+$0x0] =	vst v47;
	v4 =	vld.idx.msk [tilespmem:v48+s28+$0x0], $0xffff;
	v56 =	vmul.f32 v40, v13  }
0x15d: {  	v52 =	vld.idx.msk [tilespmem:v44+s28+$0x0], $0xffff;
	v5 =	vmul.f32 v5, v49;
	[tilespmem:s13+$0xFFFFFF90] =	vst v58  }
0x15e: {  	v61 =	vmul.f32 v54, v50;
	[tilespmem:s13+$0x70] =	vst v56  }
0x15f: {  	v62 =	vmul.f32 v55, v11;
	[tilespmem:s13+$0xFFFFFFB0] =	vst v5  }
0x160: {  	v63 =	vmul.f32 v59, v53;
	[tilespmem:s13+$0xFFFFFFD0] =	vst v61  }
0x161: {  	v4 =	vmul.f32 v60, v4;
	[tilespmem:s13+$0xFFFFFFF0] =	vst v62  }
0x162: {  	s3 =	sadd.s32 $0x1, s3;
	v5 =	vmul.f32 v57, v52;
	[tilespmem:s13+$0x30] =	vst v63  }
0x163: {  	s21 =	sshll.u32 s11, $0x4;
	p0 =	sne.s32 s3, $0x10;
	[tilespmem:s13+$0x50] =	vst v4  }
.Ltmp5:
0x164: {  	s1 =	sadd.s32 s21, s20;
	[tilespmem:s13+$0x10] =	vst v5;
	(pc) =	sbr.rel @p0 .LBB2_8-.Ltmp5, $4  }
0x165: {  	[hbm4b:s1+s30] =	stream.strided.scatter [tilespmem:s22], [sflag:$0x2], $0x1900, s31, s30, $0x38;
	[tilespmem:$0x1EAA0] =	vst v63  }
0x166: {  	_ =	swait.ge [sflag:s23], $0x1900  }
0x167: {  	[sflag:s23] =	ssyncset.done $0x0  }
0x168: {  	[sflag:s23] =	ssyncadd.s32 $0xFFFFE700  }
0x169: {  	s13 =	rddreg [dreg:$0x4]  }
0x16a: {  	s0 =	rddreg [dreg:$0xd];
	s13 =	sadd.s32 $0x1, s13  }
0x16b: {  	p0 =	sne.s32 s13, s0  }
.Ltmp6:
0x16c: {  	_ = 	snop;
	(pc) =	sbr.rel @p0 .LBB2_1-.Ltmp6, $1  }
0x16d: {  	_ =	sdelay $0x3  }
0x16e: {  	_ =	sfence.sel $0x180000  }
0x16f: {  	[bflag:$0x0] =	sbarrier.arrive $0xFFFF  }
0x170: {  	_ =	strace $0x9000004A  }
0x171: {  	s0 =	stileid.u32;
	[bflag:$0x2] =	sbarrier.arrive $0xFFFF  }
0x172: {  	p0 =	sne.s32 s0, $0x0;
	s0 =	rddreg [dreg:$0x3]  }
0x173: {  	s0 =	sadd.s32 @!p0 $0x100000, s0  }
0x174: {  	[sflag:s0] =	ssyncadd.tile.s32 @!p0 $0x1;
	_ =	shalt  }
.Lfunc_end2:
_tile_overlayer_lowered:
.L_overlay_start_2:
0x175: {  	(tag) =	ssettag $0x2  }
0x176: {  	s0 =	rddreg [dreg:$0x0];
	s2 =	stileid.u32  }
0x177: {  	s1 =	rddreg [dreg:$0x1];
	p0 =	sne.s32 s2, $0x0  }
0x178: {  	s3 =	rddreg [dreg:$0x2];
	[bflag:$0x3] =	sbarrier.arrive $0xFFFF;
	s2 =	simm.s32 @!p0 $0x1C02  }
0x179: {  	[timem:s3], [sflag:s2] =	dma.local @!p0 [hbm:s0], s1  }
0x17a: {  	s0 =	simm.s32 @!p0 $0x2  }
0x17b: {  	_ =	swait.ge @!p0 [sflag:s0], s1  }
0x17c: {  	s1 =	ssub.s32 @!p0 $0x0, s1;
	[sflag:s0] =	ssyncset.done @!p0 $0x0  }
0x17d: {  	[sflag:s0] =	ssyncadd.s32 @!p0 s1  }
0x17e: {  	[bflag:$0x3] =	sbarrier.arrive $0xFFFF  }
0x17f: {  	_ =	shalt  }

// kernel: kernel.17.cloned.1.call-start
scs
__scs_entry_jumppad:
0x0: {  	(pc) =	sbr.rel $0x88, $3  }
0x1: {  	(tag) =	ssettag $0x0;
	lr =	simm.s32 $0x1  }
0x2: {  	[smem:$0x3F89] =	sst lr;
	_ =	strace $0xD0000000  }
0x3: {  	_ = 	snop  }
0x4: {  	_ = 	snop  }
0x5: {  	_ = 	snop  }
0x6: {  	_ = 	snop  }
0x7: {  	_ = 	snop  }
__scs_overlays_trampoline_lowered:
0x8: {  	[smem:$0x3F98] =	sst s0  }
0x9: {  	[smem:$0x3F99] =	sst s1  }
0xa: {  	[smem:$0x3F9A] =	sst s2  }
0xb: {  	[smem:$0x3F9B] =	sst s3  }
0xc: {  	[smem:$0x3F9C] =	sst s4  }
0xd: {  	[smem:$0x3F9D] =	sst s5  }
0xe: {  	[smem:$0x3F9E] =	sst s6  }
0xf: {  	[smem:$0x3F9F] =	sst s7  }
0x10: {  	[smem:$0x3FA0] =	sst s8  }
0x11: {  	[smem:$0x3FA1] =	sst s9;
	s0 =	simm.s32 @!p0 $0x0  }
0x12: {  	s1 =	sld [smem:$0x3F87];
	s0 =	simm.s32 @p0 $0x1  }
0x13: {  	[smem:$0x3FA2] =	sst s0;
	s0 =	simm.s32 @!p1 $0x0  }
0x14: {  	s2 =	sld [smem:$0x3F86];
	s0 =	simm.s32 @p1 $0x1  }
0x15: {  	[smem:$0x3FA3] =	sst s0;
	s0 =	simm.s32 @!p2 $0x0  }
0x16: {  	s3 =	sld [smem:$0x3FDB];
	s0 =	simm.s32 @p2 $0x1  }
0x17: {  	s4 =	simm.s32 $0x1BF5;
	[smem:$0x3FA5] =	sst s0  }
0x18: {  	s0 =	sld [smem:$0x3F88];
	_ =	swait.ge [sflag:s4], $0x0  }
0x19: {  	s7 =	sld [smem:$0x3F89]  }
0x1a: {  	s8 =	sadd.s32 $0xFFFFE003, lr  }
0x1b: {  	s9 =	sadd.s32 $0xFFFFFEF7, lr;
	s5 =	simm.s32 $0xFFFFFFFF;
	p2 =	slt.u32 s8, $0xFFFFF086  }
0x1c: {  	p1 =	slt.u32 s9, $0xF7A;
	s5 =	simm.s32 @!p2 $0x0  }
0x1d: {  	s5 =	simm.s32 @p1 $0x1;
	p0 =	seq.s32 s7, s2  }
0x1e: {  	s7 =	smul.u32 @!p0 $0xF7A, s2;
	p2 =	seq.s32 @!p0 s5, $0x0  }
0x1f: {  	s9 =	smul.u32 $0xF7A, s1;
	s8 =	simm.s32 @!p0 $0x1BF5;
	p2 =	por !p2, p0  }
0x20: {  	[sflag:s8] =	ssyncset.s32 @!p0 $0xFFFFF086;
	s6 =	sadd.s32 @!p0 s3, s7;
	s7 =	simm.s32 @!p0 $0x108  }
0x21: {  	s3 =	sadd.s32 s3, s9;
	s6 =	sadd.s32 @!p0 $0x88, s6;
	s7 =	simm.s32 @p2 $0x1082  }
0x22: {  	[simem:s7], [sflag:s8] =	dma.local @!p0 [hbm:s6], $0xF7A  }
0x23: {  	s9 =	sor.u32 $0xD0000000, s2;
	s6 =	simm.s32 $0x108;
	_ =	swait.ge @!p0 [sflag:s8], $0x0  }
0x24: {  	s3 =	sadd.s32 $0x88, s3;
	s6 =	simm.s32 @!p1 $0x1082;
	[sflag:s4] =	ssyncset.s32 $0xFFFFF086  }
0x25: {  	[simem:s6], [sflag:s4] =	dma.local [hbm:s3], $0xF7A  }
0x26: {  	[smem:$0x3F89] =	sst s1;
	(tag) =	ssettag s2;
	_ =	strace s9  }
0x27: {  	s1 =	sld [smem:$0x3F99]  }
0x28: {  	s2 =	sld [smem:$0x3F9A]  }
0x29: {  	s4 =	sld [smem:$0x3F9C]  }
0x2a: {  	p0 =	seq.s32 s5, $0x0;
	s5 =	sld [smem:$0x3F9D]  }
0x2b: {  	s6 =	sld [smem:$0x3F9E]  }
0x2c: {  	s7 =	sld [smem:$0x3F9F]  }
0x2d: {  	s3 =	simm.s32 $0x108;
	s8 =	sld [smem:$0x3FA0]  }
0x2e: {  	s3 =	simm.s32 @!p0 $0x1082;
	s9 =	sld [smem:$0x3FA1]  }
0x2f: {  	lr =	sadd.s32 s0, s3;
	s0 =	sld [smem:$0x3F98]  }
0x30: {  	s3 =	sld [smem:$0x3F9B]  }
0x31: {  	[smem:$0x3FA4] =	sst s10  }
0x32: {  	s10 =	sld [smem:$0x3FA2];
	_ =	sdelay $0x3  }
0x33: {  	p0 =	seq.s32 s10, $0x1;
	s10 =	sld [smem:$0x3FA4];
	_ =	sdelay $0x3  }
0x34: {  	[smem:$0x3FA4] =	sst s10  }
0x35: {  	s10 =	sld [smem:$0x3FA3];
	_ =	sdelay $0x3  }
0x36: {  	p1 =	seq.s32 s10, $0x1;
	s10 =	sld [smem:$0x3FA4];
	_ =	sdelay $0x3  }
0x37: {  	[smem:$0x3FA4] =	sst s10  }
0x38: {  	s10 =	sld [smem:$0x3FA5]  }
0x39: {  	_ = 	snop;
	(pc) =	sbr.ind lr, $3  }
0x3a: {  	_ = 	snop  }
0x3b: {  	_ = 	snop  }
0x3c: {  	p2 =	seq.s32 s10, $0x1;
	s10 =	sld [smem:$0x3FA4]  }
0x3d: {  	_ =	shalt  }
0x3e: {  	_ =	shalt  }
0x3f: {  	_ =	shalt  }
0x40: {  	_ =	shalt  }
0x41: {  	_ =	shalt  }
0x42: {  	_ =	shalt  }
0x43: {  	_ =	shalt  }
0x44: {  	_ =	shalt  }
0x45: {  	_ =	shalt  }
0x46: {  	_ =	shalt  }
0x47: {  	_ =	shalt  }
0x48: {  	_ =	shalt  }
0x49: {  	_ =	shalt  }
0x4a: {  	_ =	shalt  }
0x4b: {  	_ =	shalt  }
0x4c: {  	_ =	shalt  }
0x4d: {  	_ =	shalt  }
0x4e: {  	_ =	shalt  }
0x4f: {  	_ =	shalt  }
0x50: {  	_ =	shalt  }
0x51: {  	_ =	shalt  }
0x52: {  	_ =	shalt  }
0x53: {  	_ =	shalt  }
0x54: {  	_ =	shalt  }
0x55: {  	_ =	shalt  }
0x56: {  	_ =	shalt  }
0x57: {  	_ =	shalt  }
0x58: {  	_ =	shalt  }
0x59: {  	_ =	shalt  }
0x5a: {  	_ =	shalt  }
0x5b: {  	_ =	shalt  }
0x5c: {  	_ =	shalt  }
0x5d: {  	_ =	shalt  }
0x5e: {  	_ =	shalt  }
0x5f: {  	_ =	shalt  }
0x60: {  	_ =	shalt  }
0x61: {  	_ =	shalt  }
0x62: {  	_ =	shalt  }
0x63: {  	_ =	shalt  }
0x64: {  	_ =	shalt  }
0x65: {  	_ =	shalt  }
0x66: {  	_ =	shalt  }
0x67: {  	_ =	shalt  }
0x68: {  	_ =	shalt  }
0x69: {  	_ =	shalt  }
0x6a: {  	_ =	shalt  }
0x6b: {  	_ =	shalt  }
0x6c: {  	_ =	shalt  }
0x6d: {  	_ =	shalt  }
0x6e: {  	_ =	shalt  }
0x6f: {  	_ =	shalt  }
0x70: {  	_ =	shalt  }
0x71: {  	_ =	shalt  }
0x72: {  	_ =	shalt  }
0x73: {  	_ =	shalt  }
0x74: {  	_ =	shalt  }
0x75: {  	_ =	shalt  }
0x76: {  	_ =	shalt  }
0x77: {  	_ =	shalt  }
0x78: {  	_ =	shalt  }
0x79: {  	_ =	shalt  }
0x7a: {  	_ =	shalt  }
0x7b: {  	_ =	shalt  }
0x7c: {  	_ =	shalt  }
0x7d: {  	_ =	shalt  }
0x7e: {  	_ =	shalt  }
0x7f: {  	_ =	shalt  }
0x80: {  	_ =	shalt  }
0x81: {  	_ =	shalt  }
0x82: {  	_ =	shalt  }
0x83: {  	_ =	shalt  }
0x84: {  	_ =	shalt  }
0x85: {  	_ =	shalt  }
0x86: {  	_ =	shalt  }
0x87: {  	_ =	shalt  }
.Lfunc_end0:
.L_simem_size_0:
called_computation.2_lowered:
.L_overlay_start_0:
0x88: {  	s2 =	sld [smem:$0x3FD9]  }
0x89: {  	s3 =	sld [smem:$0x3FFE];
	_ =	sdelay $0x1  }
0x8a: {  	s1 =	srdreg.scid  }
0x8b: {  	s0 =	sand.u32 $0x1, s1  }
0x8c: {  	s14 =	sshll.u32 s0, $0xA;
	s2 =	sadd.s32 s3, s2  }
0x8d: {  	s2 =	sadd.s32 s2, s14  }
0x8e: {  	[smem:$0x3FB0] =	sst s2  }
0x8f: {  	_ = 	snop  }
0x90: {  	s2 =	sld [smem:$0x3FD0];
	_ =	sdelay $0x2  }
0x91: {  	s15 =	simm.s32 $0xA;
	s4 =	simm.s32 $0x10  }
0x92: {  	[smem:s4], [sflag:s15] =	dma.local [hbm:s2], $0x1  }
0x93: {  	_ =	swait.eq [sflag:s15], $0x1  }
0x94: {  	[sflag:s15] =	ssyncset.done $0x0  }
0x95: {  	s16 =	sld [smem:$0x12];
	[sflag:s15] =	ssyncadd.s32 $0xFFFFFFFF  }
0x96: {  	s17 =	sld [smem:$0x13];
	(tm) =	ssettm $0x1  }
0x97: {  	s18 =	sld [smem:$0x3FFB];
	_ =	sdelay $0x3  }
0x98: {  	_ =	strace s18  }
0x99: {  	s4 =	sld [smem:$0x3FFC];
	_ =	sdelay $0x3  }
0x9a: {  	_ =	strace s4  }
0x9b: {  	s4 =	sld [smem:$0x3FFD];
	_ =	sdelay $0x3  }
0x9c: {  	_ =	strace s4  }
0x9d: {  	_ =	strace $0x8FFFFFFF  }
0x9e: {  	s19 =	sld [smem:$0x3FDB];
	_ =	sdelay $0x1  }
0x9f: {  	s5 =	simm.s32 $_scs_section_size  }
0xa0: {  	s6 =	simm.s32 $_size__tile_overlayer_lowered;
	s7 =	simm.s32 $_tile_overlayer_lowered  }
0xa1: {  	s22 =	simm.s32 $0x1BFF;
	s21 =	sshll.u32 s7, $0x1;
	s4 =	sadd.s32 s5, s19  }
0xa2: {  	s8 =	simm.s32 $0x0;
	s20 =	sshll.u32 s6, $0x1;
	s6 =	sadd.s32 s21, s4  }
0xa3: {  	[timem:s8], [sflag:s22] =	dma.local [hbm:s6], s20  }
0xa4: {  	_ =	swait.ge [sflag:s22], s20  }
0xa5: {  	s5 =	ssub.s32 $0x0, s20;
	[sflag:s22] =	ssyncset.done $0x0  }
0xa6: {  	[sflag:s22] =	ssyncadd.s32 s5;
	_ =	sdelay $0x1  }
0xa7: {  	s23 =	simm.s32 $0x1B8B  }
0xa8: {  	_ =	swait.ge [sflag:s23], $0x1  }
0xa9: {  	[sflag:s23] =	ssyncset.done $0x0  }
0xaa: {  	s25 =	simm.s32 $0x1B8E;
	s24 =	sld [smem:$0x3FFE];
	[sflag:s23] =	ssyncadd.s32 $0xFFFFFFFF  }
0xab: {  	s26 =	simm.s32 $execute0_lowered;
	[smem:$0x3FD2] =	sst s25  }
0xac: {  	s6 =	sshll.u32 s26, $0x1;
	_ =	strace $0x8000004C;
	[dreg:$0x1] =	wrdreg $0xFFFFFFFF  }
0xad: {  	s28 =	simm.s32 $_size_execute0_lowered;
	s4 =	sadd.s32 s4, s6;
	[dreg:$0x0] =	wrdreg $0x0  }
0xae: {  	s6 =	sshll.u32 s28, $0x1;
	[dreg:$0x2] =	wrdreg s4  }
0xaf: {  	[dreg:$0x3] =	wrdreg s6  }
0xb0: {  	[dreg:$0x4] =	wrdreg $0xC0  }
0xb1: {  	_ =	task [dreg:s8], $0x5FFFF  }
0xb2: {  	[dreg:$0x1] =	wrdreg $0xFFFFFFFF  }
0xb3: {  	[dreg:$0x0] =	wrdreg $0x60  }
0xb4: {  	[dreg:$0x2] =	wrdreg s24  }
0xb5: {  	[dreg:$0x3] =	wrdreg s16  }
0xb6: {  	[dreg:$0x4] =	wrdreg s17  }
0xb7: {  	[dreg:$0x5] =	wrdreg $0xE2900  }
0xb8: {  	[dreg:$0x6] =	wrdreg $0x9  }
0xb9: {  	_ =	task.clear_ibuf [dreg:s8], $0x7FFFF;
	_ =	strace $0x9000004C  }
0xba: {  	s29 =	simm.s32 $0x9;
	_ =	strace $0x8000004E  }
0xbb: {  	_ =	swait.ge [sflag:s29], $0x1  }
0xbc: {  	[sflag:s29] =	ssyncadd.s32 $0xFFFFFFFF  }
0xbd: {  	_ =	strace $0x9000004E  }
0xbe: {  	_ =	sfence  }
0xbf: {  	s30 =	sld [smem:$0x0];
	_ =	sdelay $0x2  }
0xc0: {  	s31 =	sshll.u32 s1, $0xD;
	s1 =	sshrl.u32 s1, $0x2  }
0xc1: {  	s3 =	sand.u32 $0x4000, s31;
	s1 =	sadd.s32 s1, s30  }
0xc2: {  	s0 =	sor.u32 s3, s0;
	s1 =	sshll.u32 s1, $0x11  }
0xc3: {  	s0 =	sor.u32 s1, s0  }
0xc4: {  	s0 =	sadd.s32 $0x8F2B, s0  }
0xc5: {  	[sflag:s0] =	ssyncadd.remote.s32 $0x1  }
0xc6: {  	_ =	sfence.sel $0xFFFF  }
0xc7: {  	[dreg:$0x0] =	wrdreg $0xFFFFFFFF;
	(pc) =	sbr.abs _section_cstart, $3  }
0xc8: {  	[dreg:$0x1] =	wrdreg $0xFFFFFFFF  }
0xc9: {  	_ =	task.clear_ibuf [dreg:s8], $0x2FFFF;
	_ =	strace $0x9FFFFFFF  }
0xca: {  	(tm) =	ssettm $0x7FFFFFFF  }
0xcb: {  	_ =	shalt  }
tec
execute0_lowered:
.L_overlay_start_1:
0x0: {  	(tag) =	ssettag $0x1  }
0x1: {  	s0 =	rddreg [dreg:$0x0]  }
0x2: {  	s1 =	rddreg [dreg:$0x2]  }
0x3: {  	s2 =	rddreg [dreg:$0x3];
	s3 =	simm.s32 $0x0  }
0x4: {  	s4 =	srdreg.scid;
	s13 =	stileid.u32;
	s16 =	simm.s32 $0x84D0  }
0x5: {  	s17 =	simm.s32 $0x3;
	s18 =	simm.s32 $0x3E8;
	s19 =	simm.s32 $0x7D0  }
0x6: {  	s20 =	simm.s32 $0x4650;
	s21 =	simm.s32 $0x1;
	s22 =	simm.s32 $0x2  }
0x7: {  	s23 =	simm.s32 $0xC350;
	s25 =	simm.s32 $0x0;
	[smem:$0x7FF] =	sst s3  }
0x8: {  	s5 =	sadd.s32 $0x1F600, s0;
	s6 =	sadd.s32 $0x6E00, s0;
	s9 =	smul.u32 $0x32000, s13  }
0x9: {  	s4 =	sand.u32 $0x1, s4;
	s7 =	sadd.s32 $0xFB400, s0;
	s8 =	sadd.s32 $0x113C00, s0  }
0xa: {  	s11 =	smul.u32 $0x1900, s13;
	_ =	strace $0x8000004D;
	s9 =	sshrl.u32 s9, $0x2  }
0xb: {  	s26 =	ssub.s32 $0x2, s4;
	s12 =	sshll.u32 s4, $0x4;
	s14 =	sadd.s32 s9, s2  }
0xc: {  	s4 =	smul.u32 $0x19000, s4;
	s29 =	sadd.s32 $0x3200, s14;
	[dreg:$0x5] =	wrdreg s14  }
0xd: {  	s10 =	sshrl.u32 s26, $0x1;
	s30 =	sadd.s32 $0x6400, s14;
	[dreg:$0x6] =	wrdreg s29  }
0xe: {  	s4 =	sadd.s32 s11, s4;
	s31 =	sadd.s32 $0x9600, s14;
	[dreg:$0x7] =	wrdreg s30  }
0xf: {  	s0 =	ssub.s32 s26, s10;
	s1 =	sadd.s32 s1, s4;
	[dreg:$0x8] =	wrdreg s31  }
0x10: {  	v1 =	vlaneseq.u32;
	s28 =	sor.u32 s13, s12;
	s0 =	smax.u32 s0, $0x1;
	[dreg:$0x9] =	wrdreg s1  }
0x11: {  	v0 =	vimm.f32 $0.0e+00;
	vm0 =	vmmov $0xf;
	v1 =	vand.u32 $0x3, v1;
	s13 =	smul.u32 $0x61A8, s28;
	[dreg:$0xa] =	wrdreg s0;
	s1 =	simm.s32 $0x0  }
.LBB2_1:
0x12: {  	[dreg:$0xb] =	wrdreg s1;
	s0 =	simm.s32 $0x40;
	s1 =	simm.s32 $0x0  }
.LBB2_2:
0x13: {  	p0 =	sne.s32 s0, $0xF9C0;
	[tilespmem:s1+$0x84D0] =	vst v0;
	s1 =	smov.u32 s0;
	s0 =	sadd.s32 $0x40, s0  }
.Ltmp0:
0x14: {  	(pc) =	sbr.rel @p0 .LBB2_2-.Ltmp0, $2  }
0x15: {  	_ =	sdelay $0x2  }
0x16: {  	s1 =	sshra.s32 s1, $0x2  }
0x17: {  	[tilespmem:s1+$0x84D0] =	vst v0  }
0x18: {  	[spmem:s14] =	stream.linear.scatter [tilespmem:s16], [sflag:$0x3], $0x3200, $0x38;
	[tilespmem:$0x1AA90] =	vst v63  }
0x19: {  	_ =	swait.ge [sflag:s17], $0x3200  }
0x1a: {  	[sflag:s17] =	ssyncset.done $0x0  }
0x1b: {  	s0 =	rddreg [dreg:$0x6];
	[sflag:s17] =	ssyncadd.s32 $0xFFFFCE00  }
0x1c: {  	[spmem:s0] =	stream.linear.scatter [tilespmem:s16], [sflag:$0x3], $0x3200, $0x38;
	[tilespmem:$0x1AA90] =	vst v63  }
0x1d: {  	_ =	swait.ge [sflag:s17], $0x3200  }
0x1e: {  	[sflag:s17] =	ssyncset.done $0x0  }
0x1f: {  	s30 =	rddreg [dreg:$0x7];
	[sflag:s17] =	ssyncadd.s32 $0xFFFFCE00  }
0x20: {  	[spmem:s30] =	stream.linear.scatter [tilespmem:s16], [sflag:$0x3], $0x3200, $0x38;
	[tilespmem:$0x1AA90] =	vst v63  }
0x21: {  	_ =	swait.ge [sflag:s17], $0x3200  }
0x22: {  	[sflag:s17] =	ssyncset.done $0x0  }
0x23: {  	s31 =	rddreg [dreg:$0x8];
	[sflag:s17] =	ssyncadd.s32 $0xFFFFCE00  }
0x24: {  	[spmem:s31] =	stream.linear.scatter [tilespmem:s16], [sflag:$0x3], $0x3200, $0x38;
	[tilespmem:$0x1AA90] =	vst v63  }
0x25: {  	_ =	swait.ge [sflag:s17], $0x3200  }
0x26: {  	[sflag:s17] =	ssyncset.done $0x0  }
0x27: {  	[sflag:s17] =	ssyncadd.s32 $0xFFFFCE00  }
0x28: {  	s26 =	simm.s32 $0x0;
	[bflag:$0x0] =	sbarrier.arrive $0xFFFF  }
.LBB2_4:
0x29: {  	s0 =	smul.u32 $0x3E8, s26;
	_ =	sdelay $0x1  }
0x2a: {  	s28 =	sadd.s32 s13, s0  }
0x2b: {  	s0 =	sshrl.u32 s28, $0x3  }
0x2c: {  	s1 =	sadd.s32 s5, s0  }
0x2d: {  	[tilespmem:s25], [sflag:$0x3] =	stream.linear.gather [hbm4b:s1+s25], $0x3E8, $0x38;
	[tilespmem:$0x1AA90] =	vst v63  }
0x2e: {  	_ =	swait.ge [sflag:s17], $0x3E8  }
0x2f: {  	[sflag:s17] =	ssyncset.done $0x0  }
0x30: {  	s0 =	sadd.s32 s6, s0;
	[sflag:s17] =	ssyncadd.s32 $0xFFFFFC18  }
0x31: {  	[tilespmem:s18], [sflag:$0x3] =	stream.linear.gather [hbm4b:s0+s25], $0x3E8, $0x38;
	[tilespmem:$0x1AA90] =	vst v63  }
0x32: {  	_ =	swait.ge [sflag:s17], $0x3E8  }
0x33: {  	[sflag:s17] =	ssyncset.done $0x0  }
0x34: {  	[sflag:s17] =	ssyncadd.s32 $0xFFFFFC18  }
0x35: {  	s9 =	rddreg [dreg:$0x1]  }
0x36: {  	[tilespmem:s19], [sflag:$0x1] =	stream.indirect.gather [hbm4b:s9+s18], $0x10, s25, s18, $0xb8;
	[tilespmem:$0x1AA90] =	vst v63  }
0x37: {  	_ = 	snop  }
0x38: {  	[tilespmem:s20], [sflag:$0x2] =	stream.indirect.gather [hbm4b:s7+s18], $0x10, s18, s18, $0xb8;
	[tilespmem:$0x1AA90] =	vst v63  }
0x39: {  	_ =	swait.ge [sflag:s21], $0x3E80  }
0x3a: {  	[sflag:s21] =	ssyncset.done $0x0  }
0x3b: {  	[sflag:s21] =	ssyncadd.s32 $0xFFFFC180  }
0x3c: {  	_ =	swait.ge [sflag:s22], $0x3E80  }
0x3d: {  	[sflag:s22] =	ssyncset.done $0x0  }
0x3e: {  	s10 =	simm.s32 $0x810;
	[sflag:s22] =	ssyncadd.s32 $0xFFFFC180  }
0x3f: {  	s11 =	simm.s32 $0x4690;
	v2 =	vld [tilespmem:s10+$0x30]  }
0x40: {  	v3 =	vld [tilespmem:s11+$0x30]  }
0x41: {  	v5 =	vld [tilespmem:s10+$0xFFFFFFD0]  }
0x42: {  	v6 =	vld [tilespmem:s11+$0xFFFFFFD0]  }
0x43: {  	v7 =	vld [tilespmem:s10+$0xFFFFFFE0]  }
0x44: {  	v8 =	vld [tilespmem:s11+$0xFFFFFFE0]  }
0x45: {  	v9 =	vld [tilespmem:s10+$0xFFFFFFF0]  }
0x46: {  	v10 =	vld [tilespmem:s10+$0x0]  }
0x47: {  	v12 =	vld [tilespmem:s11+$0x0]  }
0x48: {  	v2 =	vadd.f32 v3, v2;
	v3 =	vld [tilespmem:s11+$0xFFFFFFF0]  }
0x49: {  	v5 =	vadd.f32 v6, v5;
	v6 =	vld [tilespmem:s10+$0x10]  }
0x4a: {  	v7 =	vadd.f32 v8, v7;
	v8 =	vld [tilespmem:s11+$0x10];
	v11 =	vmul.f32 $2.000000030e-01, v2;
	_ =	sdelay $0x1  }
0x4b: {  	v13 =	vld [tilespmem:s10+$0x20];
	v10 =	vadd.f32 v12, v10;
	v2 =	vmax.f32 v2, v11  }
0x4c: {  	v11 =	vmul.f32 $2.000000030e-01, v5;
	v2 =	vmul.f32 $1.442695020e+00, v2;
	v3 =	vadd.f32 v3, v9;
	v9 =	vld [tilespmem:s11+$0x20]  }
0x4d: {  	v4 =	vld [tilespmem:s11+$0xFFFFFFC0];
	v14 =	vmul.f32 $2.000000030e-01, v7;
	v12 =	vmul.f32 $2.000000030e-01, v10  }
0x4e: {  	v6 =	vadd.f32 v8, v6;
	(erf) = vpow2.f32 v2;
	v2 =	vmax.f32 v5, v11;
	v5 =	vld [tilespmem:s10+$0xFFFFFFC0]  }
0x4f: {  	s0 =	simm.s32 $0x890;
	v7 =	vmax.f32 v7, v14;
	v11 =	vmul.f32 $2.000000030e-01, v3  }
0x50: {  	s12 =	simm.s32 $0x4710;
	v16 =	vld [tilespmem:s0+$0x0];
	v8 =	vmax.f32 v10, v12;
	v10 =	vmul.f32 $2.000000030e-01, v6;
	v2 =	vmul.f32 $1.442695020e+00, v2  }
0x51: {  	v7 =	vmul.f32 $1.442695020e+00, v7;
	v3 =	vmax.f32 v3, v11;
	v11 =	vld [tilespmem:s12+$0x30];
	v9 =	vadd.f32 v9, v13  }
0x52: {  	v6 =	vmax.f32 v6, v10;
	(erf) = vpow2.f32 v2;
	v2 =	vmul.f32 $1.442695020e+00, v3;
	v3 =	vld [tilespmem:s0+$0x30]  }
0x53: {  	v17 =	vld [tilespmem:s12+$0x0];
	v6 =	vmul.f32 $1.442695020e+00, v6;
	v4 =	vadd.f32 v4, v5;
	v12 =	vmul.f32 $2.000000030e-01, v9  }
0x54: {  	v10 =	vld [tilespmem:s0+$0xFFFFFFD0];
	(erf) = vpow2.f32 v7;
	v5 =	vmul.f32 $1.442695020e+00, v8  }
0x55: {  	s4 =	simm.s32 $0x38;
	(erf) = vpow2.f32 v2;
	v2 =	vld [tilespmem:s12+$0xFFFFFFD0];
	v13 =	vmul.f32 $2.000000030e-01, v4;
	v9 =	vmax.f32 v9, v12  }
0x56: {  	v7 =	vor.u32 s4, v1;
	v12 =	vld [tilespmem:s0+$0xFFFFFFE0];
	(erf) = vpow2.f32 v5;
	v9 =	vmul.f32 $1.442695020e+00, v9  }
0x57: {  	v3 =	vadd.f32 v11, v3;
	(erf) = vpow2.f32 v6;
	v6 =	vld [tilespmem:s0+$0xFFFFFFF0];
	v4 =	vmax.f32 v4, v13  }
0x58: {  	v5 =	vpop (erf);
	v13 =	vld [tilespmem:s12+$0xFFFFFFE0];
	v4 =	vmul.f32 $1.442695020e+00, v4  }
0x59: {  	s14 =	simm.s32 $0x8;
	v11 =	vld [tilespmem:s12+$0xFFFFFFF0];
	v5 =	vnsel vm0, $0x0, v5;
	(erf) = vpow2.f32 v9;
	v14 =	vmul.f32 $2.000000030e-01, v3  }
0x5a: {  	s29 =	simm.s32 $0x8510;
	s9 =	simm.s32 $0x10;
	v9 =	vor.u32 s14, v1;
	v10 =	vadd.f32 v2, v10;
	(erf) = vpow2.f32 v4  }
0x5b: {  	v15 =	vor.u32 s9, v1;
	[tilespmem:s29+$0x30] =	vst v5;
	v14 =	vmax.f32 v3, v14  }
0x5c: {  	v19 =	vld [tilespmem:s12+$0x10];
	v16 =	vadd.f32 v17, v16;
	s10 =	simm.s32 $0x20;
	[tilespmem:v7+s23+$0x0] =	vst.idx.msk $0xf, v5;
	v5 =	vmul.f32 $2.000000030e-01, v10;
	v14 =	vmul.f32 $1.442695020e+00, v14;
	v4 =	vpop (erf)  }
0x5d: {  	s15 =	simm.s32 $0x18;
	v22 =	vld [tilespmem:s0+$0x20];
	v18 =	vor.u32 s10, v1;
	v7 =	vadd.f32 v13, v12;
	v2 =	vnsel vm0, $0x0, v4  }
0x5e: {  	v11 =	vadd.f32 v11, v6;
	v12 =	vld [tilespmem:s0+$0x10];
	v5 =	vmax.f32 v10, v5;
	v4 =	vor.u32 s15, v1;
	v13 =	vpop (erf);
	[tilespmem:s29+$0xFFFFFFD0] =	vst v2  }
0x5f: {  	s24 =	simm.s32 $0x28;
	s10 =	simm.s32 $0x0;
	v8 =	vld [tilespmem:s12+$0xFFFFFFC0];
	v13 =	vnsel vm0, $0x0, v13;
	v21 =	vmul.f32 $2.000000030e-01, v7;
	[tilespmem:v9+s23+$0x0] =	vst.idx.msk $0xf, v2;
	v9 =	vpop (erf);
	(erf) = vpow2.f32 v14  }
0x60: {  	v20 =	vor.u32 s10, v1;
	v3 =	vor.u32 s24, v1;
	v10 =	vld [tilespmem:s12+$0x20];
	v17 =	vmul.f32 $1.442695020e+00, v5;
	[tilespmem:s29+$0xFFFFFFE0] =	vst v13;
	v14 =	vpop (erf)  }
0x61: {  	s11 =	simm.s32 $0x30;
	v9 =	vnsel vm0, $0x0, v9;
	[tilespmem:v15+s23+$0x0] =	vst.idx.msk $0xf, v13;
	v13 =	vld [tilespmem:s0+$0xFFFFFFC0];
	v7 =	vmax.f32 v7, v21;
	v15 =	vmul.f32 $2.000000030e-01, v11;
	v6 =	vpop (erf)  }
0x62: {  	v2 =	vor.u32 s11, v1;
	[tilespmem:s29+$0xFFFFFFF0] =	vst v9;
	v21 =	vmul.f32 $1.442695020e+00, v7;
	v7 =	vnsel vm0, $0x0, v14;
	v5 =	vpop (erf)  }
0x63: {  	s30 =	simm.s32 $0x10;
	v14 =	vadd.f32 v19, v12;
	[tilespmem:v4+s23+$0x0] =	vst.idx.msk $0xf, v9;
	v4 =	vmax.f32 v11, v15;
	v11 =	vmul.f32 $2.000000030e-01, v16;
	v12 =	vpop (erf)  }
0x64: {  	s31 =	simm.s32 $0x910;
	s1 =	simm.s32 $0x50;
	s9 =	simm.s32 $0x68;
	[tilespmem:s29+$0x0] =	vst v7;
	v9 =	vmul.f32 $1.442695020e+00, v4;
	(erf) = vpow2.f32 v17;
	v4 =	vnsel vm0, $0x0, v12  }
0x65: {  	s10 =	simm.s32 $0x8510;
	s12 =	simm.s32 $0x78;
	s0 =	simm.s32 $0x4790;
	[tilespmem:v18+s23+$0x0] =	vst.idx.msk $0xf, v7;
	v7 =	vld [tilespmem:s31+$0x30];
	v15 =	vmax.f32 v16, v11;
	v16 =	vmul.f32 $2.000000030e-01, v14;
	v11 =	vadd.f32 v10, v22  }
0x66: {  	s4 =	simm.s32 $0x40;
	s24 =	simm.s32 $0x48;
	s15 =	simm.s32 $0x58;
	v10 =	vld [tilespmem:s0+$0x30];
	(erf) = vpow2.f32 v21;
	[tilespmem:s29+$0xFFFFFFC0] =	vst v4;
	v12 =	vadd.f32 v8, v13;
	v8 =	vor.u32 s12, v1  }
0x67: {  	s14 =	simm.s32 $0x60;
	s11 =	simm.s32 $0x18;
	v13 =	vmul.f32 $1.442695020e+00, v15;
	s12 =	simm.s32 $0x70;
	[tilespmem:v20+s23+$0x0] =	vst.idx.msk $0xf, v4;
	v4 =	vld [tilespmem:s0+$0xFFFFFFC0];
	v14 =	vmax.f32 v14, v16;
	v15 =	vmul.f32 $2.000000030e-01, v11  }
.LBB2_5:
0x68: {  	p0 =	slt.u32 s11, $0x3E0;
	v16 =	vld [tilespmem:s31+$0xFFFFFFD0];
	v17 =	vmul.f32 $2.000000030e-01, v12;
	(erf) = vpow2.f32 v9;
	v9 =	vpop (erf);
	v6 =	vnsel vm0, $0x0, v6  }
0x69: {  	v14 =	vmul.f32 $1.442695020e+00, v14;
	s10 =	sadd.s32 $0x80, s10;
	v18 =	vld [tilespmem:s0+$0xFFFFFFD0];
	v11 =	vmax.f32 v11, v15;
	v9 =	vnsel vm0, $0x0, v9;
	[tilespmem:s29+$0x10] =	vst v6  }
0x6a: {  	v15 =	vld [tilespmem:s31+$0xFFFFFFE0];
	v12 =	vmax.f32 v12, v17;
	v11 =	vmul.f32 $1.442695020e+00, v11;
	[tilespmem:s10+$0x30] =	vst v9;
	(erf) = vpow2.f32 v13  }
0x6b: {  	v13 =	vld [tilespmem:s0+$0xFFFFFFE0];
	v7 =	vadd.f32 v10, v7;
	v12 =	vmul.f32 $1.442695020e+00, v12;
	[tilespmem:v8+s23+$0x0] =	vst.idx.msk $0xf, v9;
	(erf) = vpow2.f32 v14  }
0x6c: {  	v9 =	vor.u32 s24, v1;
	v8 =	vld [tilespmem:s31+$0xFFFFFFF0];
	(erf) = vpow2.f32 v11;
	[tilespmem:v3+s23+$0x0] =	vst.idx.msk $0xf, v6;
	v3 =	vnsel vm0, $0x0, v5  }
0x6d: {  	v11 =	vor.u32 s1, v1;
	v5 =	vld [tilespmem:s0+$0xFFFFFFF0];
	v6 =	vmul.f32 $2.000000030e-01, v7;
	(erf) = vpow2.f32 v12;
	v10 =	vpop (erf);
	[tilespmem:s29+$0x20] =	vst v3;
	s29 =	smov.u32 s10  }
0x6e: {  	v12 =	vadd.f32 v18, v16;
	v14 =	vld [tilespmem:s31+$0x0];
	v10 =	vnsel vm0, $0x0, v10;
	v16 =	vor.u32 s15, v1;
	[tilespmem:v2+s23+$0x0] =	vst.idx.msk $0xf, v3  }
0x6f: {  	v3 =	vor.u32 s9, v1;
	v17 =	vld [tilespmem:s0+$0x0];
	v19 =	vmax.f32 v7, v6;
	[tilespmem:s10+$0xFFFFFFD0] =	vst v10;
	v7 =	vor.u32 s14, v1  }
0x70: {  	v6 =	vmul.f32 $2.000000030e-01, v12;
	v13 =	vadd.f32 v13, v15;
	v15 =	vld [tilespmem:s31+$0x10];
	v18 =	vmul.f32 $1.442695020e+00, v19;
	v2 =	vpop (erf)  }
0x71: {  	v20 =	vor.u32 s4, v1;
	v19 =	vld [tilespmem:s0+$0x10];
	[tilespmem:v9+s23+$0x0] =	vst.idx.msk $0xf, v10;
	v9 =	vnsel vm0, $0x0, v2;
	v2 =	vor.u32 s12, v1;
	v10 =	vpop (erf)  }
0x72: {  	v21 =	vmul.f32 $2.000000030e-01, v13;
	v8 =	vadd.f32 v5, v8;
	v22 =	vld [tilespmem:s31+$0x20];
	(erf) = vpow2.f32 v18;
	[tilespmem:s10+$0xFFFFFFE0] =	vst v9  }
0x73: {  	v23 =	vmax.f32 v12, v6;
	v12 =	vld [tilespmem:s0+$0x20];
	[tilespmem:v11+s23+$0x0] =	vst.idx.msk $0xf, v9;
	v9 =	vnsel vm0, $0x0, v10;
	v10 =	vpop (erf)  }
0x74: {  	v18 =	vld [tilespmem:s31+$0xFFFFFFC0];
	v11 =	vmax.f32 v13, v21;
	v24 =	vmul.f32 $2.000000030e-01, v8;
	v14 =	vadd.f32 v17, v14;
	[tilespmem:s10+$0xFFFFFFF0] =	vst v9;
	v6 =	vpop (erf)  }
0x75: {  	v17 =	vmul.f32 $1.442695020e+00, v23;
	v10 =	vnsel vm0, $0x0, v10;
	v21 =	vmul.f32 $1.442695020e+00, v11;
	[tilespmem:v16+s23+$0x0] =	vst.idx.msk $0xf, v9;
	v5 =	vpop (erf)  }
.Ltmp1:
0x76: {  	v8 =	vmax.f32 v8, v24;
	v11 =	vmul.f32 $2.000000030e-01, v14;
	v15 =	vadd.f32 v19, v15;
	[tilespmem:s10+$0x0] =	vst v10;
	v13 =	vpop (erf);
	(pc) =	sbr.rel @p0 .LBB2_5-.Ltmp1, $4  }
0x77: {  	s4 =	sshll.u32 s30, $0x3;
	s30 =	smov.u32 s11;
	s31 =	sadd.s32 $0x80, s31;
	v9 =	vmul.f32 $1.442695020e+00, v8;
	(erf) = vpow2.f32 v17;
	v16 =	vnsel vm0, $0x0, v13;
	[tilespmem:v7+s23+$0x0] =	vst.idx.msk $0xf, v10  }
0x78: {  	s24 =	sadd.s32 $0x8, s4;
	s9 =	sadd.s32 $0x38, s4;
	s0 =	sadd.s32 $0x80, s0;
	v7 =	vld [tilespmem:s31+$0x30];
	v8 =	vmax.f32 v14, v11;
	v14 =	vmul.f32 $2.000000030e-01, v15;
	v11 =	vadd.f32 v12, v22;
	[tilespmem:s10+$0xFFFFFFC0] =	vst v16  }
0x79: {  	s1 =	sadd.s32 $0x10, s4;
	s15 =	sadd.s32 $0x18, s4;
	s14 =	sadd.s32 $0x20, s4;
	v10 =	vld [tilespmem:s0+$0x30];
	v12 =	vadd.f32 v4, v18;
	v13 =	vmul.f32 $1.442695020e+00, v8;
	v8 =	vor.u32 s9, v1;
	[tilespmem:v20+s23+$0x0] =	vst.idx.msk $0xf, v16  }
0x7a: {  	s11 =	sadd.s32 $0x8, s11;
	s12 =	sadd.s32 $0x30, s4;
	s9 =	sadd.s32 $0x28, s4;
	v4 =	vld [tilespmem:s0+$0xFFFFFFC0];
	v14 =	vmax.f32 v15, v14;
	v15 =	vmul.f32 $2.000000030e-01, v11;
	(erf) = vpow2.f32 v21  }
0x7b: {  	v16 =	vld [tilespmem:s31+$0xFFFFFFD0]  }
0x7c: {  	v55 =	vld [tilespmem:s0+$0xFFFFFFD0]  }
0x7d: {  	v56 =	vld [tilespmem:s31+$0xFFFFFFE0]  }
0x7e: {  	v58 =	vld [tilespmem:s0+$0xFFFFFFE0]  }
0x7f: {  	v61 =	vld [tilespmem:s31+$0xFFFFFFF0]  }
0x80: {  	v17 =	vmul.f32 $2.000000030e-01, v12;
	(erf) = vpow2.f32 v9;
	v63 =	vld [tilespmem:s0+$0xFFFFFFF0]  }
0x81: {  	v6 =	vnsel vm0, $0x0, v6;
	v14 =	vmul.f32 $1.442695020e+00, v14;
	v62 =	vor.u32 s24, v1;
	v24 =	vld [tilespmem:s31+$0x0]  }
0x82: {  	v5 =	vnsel vm0, $0x0, v5;
	v19 =	vor.u32 s1, v1;
	v25 =	vor.u32 s15, v1;
	v26 =	vld [tilespmem:s0+$0x0]  }
0x83: {  	v27 =	vor.u32 s14, v1;
	v29 =	vld [tilespmem:s31+$0x10];
	v22 =	vor.u32 s4, v1;
	v11 =	vmax.f32 v11, v15  }
0x84: {  	v21 =	vld [tilespmem:s0+$0x10];
	(erf) = vpow2.f32 v13;
	[tilespmem:s29+$0x10] =	vst v6;
	v12 =	vmax.f32 v12, v17;
	v11 =	vmul.f32 $1.442695020e+00, v11  }
0x85: {  	v57 =	vpop (erf);
	v32 =	vld [tilespmem:s31+$0x20];
	(erf) = vpow2.f32 v14;
	[tilespmem:v3+s23+$0x0] =	vst.idx.msk $0xf, v6;
	v3 =	vor.u32 s9, v1;
	s9 =	sshll.u32 s30, $0x3;
	v7 =	vadd.f32 v10, v7  }
0x86: {  	s10 =	sadd.s32 $0x80, s10;
	v34 =	vld [tilespmem:s0+$0x20];
	v60 =	vnsel vm0, $0x0, v57;
	[tilespmem:s29+$0x20] =	vst v5;
	v59 =	vmul.f32 $1.442695020e+00, v12;
	s11 =	sadd.s32 $0x38, s9;
	(erf) = vpow2.f32 v11  }
0x87: {  	v33 =	vor.u32 s12, v1;
	[tilespmem:s10+$0x30] =	vst v60;
	v45 =	vor.u32 s11, v1;
	v18 =	vmul.f32 $2.000000030e-01, v7  }
0x88: {  	v35 =	vld [tilespmem:s31+$0xFFFFFFC0];
	[tilespmem:v2+s23+$0x0] =	vst.idx.msk $0xf, v5;
	(erf) = vpow2.f32 v59;
	v23 =	vpop (erf);
	v9 =	vadd.f32 v55, v16;
	v28 =	vadd.f32 v58, v56  }
0x89: {  	[tilespmem:v8+s23+$0x0] =	vst.idx.msk $0xf, v60;
	v11 =	vadd.f32 v63, v61;
	v10 =	vnsel vm0, $0x0, v23;
	v7 =	vmax.f32 v7, v18  }
0x8a: {  	v12 =	vadd.f32 v26, v24;
	v20 =	vmul.f32 $2.000000030e-01, v9;
	[tilespmem:s10+$0xFFFFFFD0] =	vst v10;
	v7 =	vmul.f32 $1.442695020e+00, v7;
	v30 =	vpop (erf)  }
0x8b: {  	v15 =	vadd.f32 v21, v29;
	v44 =	vadd.f32 v34, v32;
	[tilespmem:v62+s23+$0x0] =	vst.idx.msk $0xf, v10;
	v17 =	vnsel vm0, $0x0, v30  }
0x8c: {  	v31 =	vmul.f32 $2.000000030e-01, v28;
	v2 =	vpop (erf);
	v9 =	vmax.f32 v9, v20;
	(erf) = vpow2.f32 v7;
	[tilespmem:s10+$0xFFFFFFE0] =	vst v17  }
0x8d: {  	v4 =	vadd.f32 v4, v35;
	v2 =	vnsel vm0, $0x0, v2;
	v23 =	vpop (erf);
	v9 =	vmul.f32 $1.442695020e+00, v9;
	[tilespmem:v19+s23+$0x0] =	vst.idx.msk $0xf, v17  }
0x8e: {  	v36 =	vmul.f32 $2.000000030e-01, v11;
	v40 =	vmul.f32 $2.000000030e-01, v12;
	v5 =	vmax.f32 v28, v31;
	v37 =	vpop (erf);
	[tilespmem:s10+$0xFFFFFFF0] =	vst v2  }
0x8f: {  	v5 =	vmul.f32 $1.442695020e+00, v5;
	v38 =	vnsel vm0, $0x0, v23;
	[tilespmem:v25+s23+$0x0] =	vst.idx.msk $0xf, v2;
	v39 =	vpop (erf);
	(erf) = vpow2.f32 v9  }
0x90: {  	v43 =	vmul.f32 $2.000000030e-01, v15;
	v46 =	vmul.f32 $2.000000030e-01, v44;
	v6 =	vmax.f32 v11, v36;
	[tilespmem:s10+$0x0] =	vst v38  }
0x91: {  	v6 =	vmul.f32 $1.442695020e+00, v6;
	v49 =	vnsel vm0, $0x0, v37;
	[tilespmem:v27+s23+$0x0] =	vst.idx.msk $0xf, v38;
	(erf) = vpow2.f32 v5  }
0x92: {  	v47 =	vmul.f32 $2.000000030e-01, v4;
	v8 =	vmax.f32 v15, v43;
	v2 =	vmax.f32 v12, v40;
	[tilespmem:s10+$0x10] =	vst v49  }
0x93: {  	v2 =	vmul.f32 $1.442695020e+00, v2;
	v41 =	vpop (erf);
	[tilespmem:v3+s23+$0x0] =	vst.idx.msk $0xf, v49;
	v3 =	vnsel vm0, $0x0, v39;
	(erf) = vpow2.f32 v6  }
0x94: {  	v50 =	vmax.f32 v44, v46;
	v8 =	vmul.f32 $1.442695020e+00, v8;
	v42 =	vnsel vm0, $0x0, v41;
	[tilespmem:s10+$0x20] =	vst v3  }
0x95: {  	s14 =	sadd.s32 $0x8, s9;
	v4 =	vmax.f32 v4, v47;
	v51 =	vmul.f32 $1.442695020e+00, v50;
	[tilespmem:s10+$0xFFFFFFC0] =	vst v42;
	v48 =	vpop (erf);
	(erf) = vpow2.f32 v2  }
0x96: {  	v52 =	vor.u32 s14, v1;
	[tilespmem:v33+s23+$0x0] =	vst.idx.msk $0xf, v3;
	v2 =	vmul.f32 $1.442695020e+00, v4;
	(erf) = vpow2.f32 v8  }
0x97: {  	s12 =	sadd.s32 $0x80, s10;
	s15 =	sadd.s32 $0x10, s9;
	[tilespmem:v22+s23+$0x0] =	vst.idx.msk $0xf, v42;
	v6 =	vnsel vm0, $0x0, v48;
	(erf) = vpow2.f32 v51  }
0x98: {  	[tilespmem:s12+$0x30] =	vst v6;
	(erf) = vpow2.f32 v2;
	v2 =	vor.u32 s15, v1;
	v53 =	vpop (erf)  }
0x99: {  	s24 =	sadd.s32 $0x18, s9;
	[tilespmem:v45+s23+$0x0] =	vst.idx.msk $0xf, v6;
	v5 =	vnsel vm0, $0x0, v53  }
0x9a: {  	v3 =	vor.u32 s24, v1;
	v54 =	vpop (erf);
	[tilespmem:s12+$0xFFFFFFD0] =	vst v5  }
0x9b: {  	s29 =	sadd.s32 $0x20, s9;
	v55 =	vnsel vm0, $0x0, v54;
	[tilespmem:v52+s23+$0x0] =	vst.idx.msk $0xf, v5  }
0x9c: {  	v56 =	vor.u32 s29, v1;
	v57 =	vpop (erf);
	[tilespmem:s12+$0xFFFFFFE0] =	vst v55  }
0x9d: {  	s30 =	sadd.s32 $0x28, s9;
	[tilespmem:v2+s23+$0x0] =	vst.idx.msk $0xf, v55;
	v2 =	vnsel vm0, $0x0, v57  }
0x9e: {  	v61 =	vor.u32 s30, v1;
	v58 =	vpop (erf);
	[tilespmem:s12+$0xFFFFFFF0] =	vst v2  }
0x9f: {  	[tilespmem:v3+s23+$0x0] =	vst.idx.msk $0xf, v2;
	v2 =	vnsel vm0, $0x0, v58  }
0xa0: {  	v60 =	vpop (erf);
	[tilespmem:s12+$0x0] =	vst v2  }
0xa1: {  	s0 =	sadd.s32 $0x30, s9;
	v59 =	vor.u32 s9, v1;
	v63 =	vnsel vm0, $0x0, v60;
	[tilespmem:v56+s23+$0x0] =	vst.idx.msk $0xf, v2  }
0xa2: {  	v3 =	vpop (erf);
	v2 =	vor.u32 s0, v1;
	[tilespmem:s12+$0x10] =	vst v63  }
0xa3: {  	v62 =	vpop (erf);
	v3 =	vnsel vm0, $0x0, v3;
	[tilespmem:v61+s23+$0x0] =	vst.idx.msk $0xf, v63  }
0xa4: {  	v8 =	vnsel vm0, $0x0, v62;
	[tilespmem:s12+$0x20] =	vst v3  }
0xa5: {  	[tilespmem:s12+$0xFFFFFFC0] =	vst v8  }
0xa6: {  	[tilespmem:v59+s23+$0x0] =	vst.idx.msk $0xf, v8  }
0xa7: {  	s31 =	sadd.s32 s8, s28;
	[tilespmem:v2+s23+$0x0] =	vst.idx.msk $0xf, v3  }
0xa8: {  	[hbm4b:s31+s3] =	stream.linear.scatter [tilespmem:s23], [sflag:$0x3], $0x1F40, $0x38;
	[tilespmem:$0x1AA90] =	vst v63  }
0xa9: {  	s26 =	sadd.s32 $0x1, s26;
	_ =	swait.ge [sflag:s17], $0x1F40  }
0xaa: {  	p0 =	sne.s32 s26, $0x19;
	[sflag:s17] =	ssyncset.done $0x0  }
.Ltmp2:
0xab: {  	[sflag:s17] =	ssyncadd.s32 $0xFFFFE0C0;
	(pc) =	sbr.rel @p0 .LBB2_4-.Ltmp2, $4  }
0xac: {  	[spmem:s2] =	stream.indirect.scatter.add.f32 [tilespmem:s16], [sflag:$0x3], $0x10, s18, s18, $0xb8;
	[tilespmem:$0x1AA90] =	vst v63  }
0xad: {  	_ =	swait.ge [sflag:s17], $0x3E80  }
0xae: {  	[sflag:s17] =	ssyncset.done $0x0  }
0xaf: {  	[sflag:s17] =	ssyncadd.s32 $0xFFFFC180  }
0xb0: {  	s0 =	stileid.u32;
	[bflag:$0x0] =	sbarrier.arrive $0xFFFF  }
0xb1: {  	s0 =	sshll.u32 s0, $0x6;
	s14 =	rddreg [dreg:$0x5]  }
0xb2: {  	s4 =	rddreg [dreg:$0x9];
	s0 =	sor.u32 $0x1C03, s0;
	s1 =	sshrl.u32 s14, $0x3  }
0xb3: {  	[hbm:s4], [sflag:s0] =	dma.local [spmem:s1], $0x1900  }
0xb4: {  	_ =	swait.ge [sflag:s17], $0x1900  }
0xb5: {  	s30 =	rddreg [dreg:$0xb]  }
0xb6: {  	s31 =	rddreg [dreg:$0xa];
	s1 =	sadd.s32 $0x1, s30  }
0xb7: {  	p0 =	sne.s32 s1, s31  }
.Ltmp3:
0xb8: {  	_ = 	snop;
	(pc) =	sbr.rel @p0 .LBB2_1-.Ltmp3, $3  }
0xb9: {  	_ =	sdelay $0x1  }
0xba: {  	[sflag:s17] =	ssyncset.done $0x0  }
0xbb: {  	[sflag:s17] =	ssyncadd.s32 $0xFFFFE700  }
0xbc: {  	_ =	sfence.sel $0x180000  }
0xbd: {  	[bflag:$0x0] =	sbarrier.arrive $0xFFFF  }
0xbe: {  	_ =	strace $0x9000004D  }
0xbf: {  	s0 =	stileid.u32;
	[bflag:$0x2] =	sbarrier.arrive $0xFFFF  }
0xc0: {  	p0 =	sne.s32 s0, $0x0;
	s0 =	rddreg [dreg:$0x4]  }
0xc1: {  	s0 =	sadd.s32 @!p0 $0x100000, s0  }
0xc2: {  	[sflag:s0] =	ssyncadd.tile.s32 @!p0 $0x1;
	_ =	shalt  }
.Lfunc_end2:
_tile_overlayer_lowered:
.L_overlay_start_2:
0xc3: {  	(tag) =	ssettag $0x2  }
0xc4: {  	s0 =	rddreg [dreg:$0x0];
	s2 =	stileid.u32  }
0xc5: {  	s1 =	rddreg [dreg:$0x1];
	p0 =	sne.s32 s2, $0x0  }
0xc6: {  	s3 =	rddreg [dreg:$0x2];
	[bflag:$0x3] =	sbarrier.arrive $0xFFFF;
	s2 =	simm.s32 @!p0 $0x1C03  }
0xc7: {  	[timem:s3], [sflag:s2] =	dma.local @!p0 [hbm:s0], s1  }
0xc8: {  	s0 =	simm.s32 @!p0 $0x3  }
0xc9: {  	_ =	swait.ge @!p0 [sflag:s0], s1  }
0xca: {  	s1 =	ssub.s32 @!p0 $0x0, s1;
	[sflag:s0] =	ssyncset.done @!p0 $0x0  }
0xcb: {  	[sflag:s0] =	ssyncadd.s32 @!p0 s1  }
0xcc: {  	[bflag:$0x3] =	sbarrier.arrive $0xFFFF  }
0xcd: {  	_ =	shalt  }

// kernel: kernel.20.cloned.1.call-start
scs
__scs_entry_jumppad:
0x0: {  	(pc) =	sbr.rel $0x88, $3  }
0x1: {  	(tag) =	ssettag $0x0;
	lr =	simm.s32 $0x1  }
0x2: {  	[smem:$0x3F89] =	sst lr;
	_ =	strace $0xD0000000  }
0x3: {  	_ = 	snop  }
0x4: {  	_ = 	snop  }
0x5: {  	_ = 	snop  }
0x6: {  	_ = 	snop  }
0x7: {  	_ = 	snop  }
__scs_overlays_trampoline_lowered:
0x8: {  	[smem:$0x3F98] =	sst s0  }
0x9: {  	[smem:$0x3F99] =	sst s1  }
0xa: {  	[smem:$0x3F9A] =	sst s2  }
0xb: {  	[smem:$0x3F9B] =	sst s3  }
0xc: {  	[smem:$0x3F9C] =	sst s4  }
0xd: {  	[smem:$0x3F9D] =	sst s5  }
0xe: {  	[smem:$0x3F9E] =	sst s6  }
0xf: {  	[smem:$0x3F9F] =	sst s7  }
0x10: {  	[smem:$0x3FA0] =	sst s8  }
0x11: {  	[smem:$0x3FA1] =	sst s9;
	s0 =	simm.s32 @!p0 $0x0  }
0x12: {  	s1 =	sld [smem:$0x3F87];
	s0 =	simm.s32 @p0 $0x1  }
0x13: {  	[smem:$0x3FA2] =	sst s0;
	s0 =	simm.s32 @!p1 $0x0  }
0x14: {  	s2 =	sld [smem:$0x3F86];
	s0 =	simm.s32 @p1 $0x1  }
0x15: {  	[smem:$0x3FA3] =	sst s0;
	s0 =	simm.s32 @!p2 $0x0  }
0x16: {  	s3 =	sld [smem:$0x3FDB];
	s0 =	simm.s32 @p2 $0x1  }
0x17: {  	s4 =	simm.s32 $0x1BF5;
	[smem:$0x3FA5] =	sst s0  }
0x18: {  	s0 =	sld [smem:$0x3F88];
	_ =	swait.ge [sflag:s4], $0x0  }
0x19: {  	s7 =	sld [smem:$0x3F89]  }
0x1a: {  	s8 =	sadd.s32 $0xFFFFE003, lr  }
0x1b: {  	s9 =	sadd.s32 $0xFFFFFEF7, lr;
	s5 =	simm.s32 $0xFFFFFFFF;
	p2 =	slt.u32 s8, $0xFFFFF086  }
0x1c: {  	p1 =	slt.u32 s9, $0xF7A;
	s5 =	simm.s32 @!p2 $0x0  }
0x1d: {  	s5 =	simm.s32 @p1 $0x1;
	p0 =	seq.s32 s7, s2  }
0x1e: {  	s7 =	smul.u32 @!p0 $0xF7A, s2;
	p2 =	seq.s32 @!p0 s5, $0x0  }
0x1f: {  	s9 =	smul.u32 $0xF7A, s1;
	s8 =	simm.s32 @!p0 $0x1BF5;
	p2 =	por !p2, p0  }
0x20: {  	[sflag:s8] =	ssyncset.s32 @!p0 $0xFFFFF086;
	s6 =	sadd.s32 @!p0 s3, s7;
	s7 =	simm.s32 @!p0 $0x108  }
0x21: {  	s3 =	sadd.s32 s3, s9;
	s6 =	sadd.s32 @!p0 $0x88, s6;
	s7 =	simm.s32 @p2 $0x1082  }
0x22: {  	[simem:s7], [sflag:s8] =	dma.local @!p0 [hbm:s6], $0xF7A  }
0x23: {  	s9 =	sor.u32 $0xD0000000, s2;
	s6 =	simm.s32 $0x108;
	_ =	swait.ge @!p0 [sflag:s8], $0x0  }
0x24: {  	s3 =	sadd.s32 $0x88, s3;
	s6 =	simm.s32 @!p1 $0x1082;
	[sflag:s4] =	ssyncset.s32 $0xFFFFF086  }
0x25: {  	[simem:s6], [sflag:s4] =	dma.local [hbm:s3], $0xF7A  }
0x26: {  	[smem:$0x3F89] =	sst s1;
	(tag) =	ssettag s2;
	_ =	strace s9  }
0x27: {  	s1 =	sld [smem:$0x3F99]  }
0x28: {  	s2 =	sld [smem:$0x3F9A]  }
0x29: {  	s4 =	sld [smem:$0x3F9C]  }
0x2a: {  	p0 =	seq.s32 s5, $0x0;
	s5 =	sld [smem:$0x3F9D]  }
0x2b: {  	s6 =	sld [smem:$0x3F9E]  }
0x2c: {  	s7 =	sld [smem:$0x3F9F]  }
0x2d: {  	s3 =	simm.s32 $0x108;
	s8 =	sld [smem:$0x3FA0]  }
0x2e: {  	s3 =	simm.s32 @!p0 $0x1082;
	s9 =	sld [smem:$0x3FA1]  }
0x2f: {  	lr =	sadd.s32 s0, s3;
	s0 =	sld [smem:$0x3F98]  }
0x30: {  	s3 =	sld [smem:$0x3F9B]  }
0x31: {  	[smem:$0x3FA4] =	sst s10  }
0x32: {  	s10 =	sld [smem:$0x3FA2];
	_ =	sdelay $0x3  }
0x33: {  	p0 =	seq.s32 s10, $0x1;
	s10 =	sld [smem:$0x3FA4];
	_ =	sdelay $0x3  }
0x34: {  	[smem:$0x3FA4] =	sst s10  }
0x35: {  	s10 =	sld [smem:$0x3FA3];
	_ =	sdelay $0x3  }
0x36: {  	p1 =	seq.s32 s10, $0x1;
	s10 =	sld [smem:$0x3FA4];
	_ =	sdelay $0x3  }
0x37: {  	[smem:$0x3FA4] =	sst s10  }
0x38: {  	s10 =	sld [smem:$0x3FA5]  }
0x39: {  	_ = 	snop;
	(pc) =	sbr.ind lr, $3  }
0x3a: {  	_ = 	snop  }
0x3b: {  	_ = 	snop  }
0x3c: {  	p2 =	seq.s32 s10, $0x1;
	s10 =	sld [smem:$0x3FA4]  }
0x3d: {  	_ =	shalt  }
0x3e: {  	_ =	shalt  }
0x3f: {  	_ =	shalt  }
0x40: {  	_ =	shalt  }
0x41: {  	_ =	shalt  }
0x42: {  	_ =	shalt  }
0x43: {  	_ =	shalt  }
0x44: {  	_ =	shalt  }
0x45: {  	_ =	shalt  }
0x46: {  	_ =	shalt  }
0x47: {  	_ =	shalt  }
0x48: {  	_ =	shalt  }
0x49: {  	_ =	shalt  }
0x4a: {  	_ =	shalt  }
0x4b: {  	_ =	shalt  }
0x4c: {  	_ =	shalt  }
0x4d: {  	_ =	shalt  }
0x4e: {  	_ =	shalt  }
0x4f: {  	_ =	shalt  }
0x50: {  	_ =	shalt  }
0x51: {  	_ =	shalt  }
0x52: {  	_ =	shalt  }
0x53: {  	_ =	shalt  }
0x54: {  	_ =	shalt  }
0x55: {  	_ =	shalt  }
0x56: {  	_ =	shalt  }
0x57: {  	_ =	shalt  }
0x58: {  	_ =	shalt  }
0x59: {  	_ =	shalt  }
0x5a: {  	_ =	shalt  }
0x5b: {  	_ =	shalt  }
0x5c: {  	_ =	shalt  }
0x5d: {  	_ =	shalt  }
0x5e: {  	_ =	shalt  }
0x5f: {  	_ =	shalt  }
0x60: {  	_ =	shalt  }
0x61: {  	_ =	shalt  }
0x62: {  	_ =	shalt  }
0x63: {  	_ =	shalt  }
0x64: {  	_ =	shalt  }
0x65: {  	_ =	shalt  }
0x66: {  	_ =	shalt  }
0x67: {  	_ =	shalt  }
0x68: {  	_ =	shalt  }
0x69: {  	_ =	shalt  }
0x6a: {  	_ =	shalt  }
0x6b: {  	_ =	shalt  }
0x6c: {  	_ =	shalt  }
0x6d: {  	_ =	shalt  }
0x6e: {  	_ =	shalt  }
0x6f: {  	_ =	shalt  }
0x70: {  	_ =	shalt  }
0x71: {  	_ =	shalt  }
0x72: {  	_ =	shalt  }
0x73: {  	_ =	shalt  }
0x74: {  	_ =	shalt  }
0x75: {  	_ =	shalt  }
0x76: {  	_ =	shalt  }
0x77: {  	_ =	shalt  }
0x78: {  	_ =	shalt  }
0x79: {  	_ =	shalt  }
0x7a: {  	_ =	shalt  }
0x7b: {  	_ =	shalt  }
0x7c: {  	_ =	shalt  }
0x7d: {  	_ =	shalt  }
0x7e: {  	_ =	shalt  }
0x7f: {  	_ =	shalt  }
0x80: {  	_ =	shalt  }
0x81: {  	_ =	shalt  }
0x82: {  	_ =	shalt  }
0x83: {  	_ =	shalt  }
0x84: {  	_ =	shalt  }
0x85: {  	_ =	shalt  }
0x86: {  	_ =	shalt  }
0x87: {  	_ =	shalt  }
.Lfunc_end0:
.L_simem_size_0:
called_computation.3_lowered:
.L_overlay_start_0:
0x88: {  	s2 =	sld [smem:$0x3FD9]  }
0x89: {  	s3 =	sld [smem:$0x3FFE];
	_ =	sdelay $0x1  }
0x8a: {  	s1 =	srdreg.scid  }
0x8b: {  	s0 =	sand.u32 $0x1, s1  }
0x8c: {  	s14 =	sshll.u32 s0, $0xA;
	s2 =	sadd.s32 s3, s2  }
0x8d: {  	s2 =	sadd.s32 s2, s14  }
0x8e: {  	[smem:$0x3FB0] =	sst s2  }
0x8f: {  	_ = 	snop  }
0x90: {  	s2 =	sld [smem:$0x3FD0];
	_ =	sdelay $0x2  }
0x91: {  	s15 =	simm.s32 $0xA;
	s4 =	simm.s32 $0x10  }
0x92: {  	[smem:s4], [sflag:s15] =	dma.local [hbm:s2], $0x1  }
0x93: {  	_ =	swait.eq [sflag:s15], $0x1  }
0x94: {  	[sflag:s15] =	ssyncset.done $0x0  }
0x95: {  	[sflag:s15] =	ssyncadd.s32 $0xFFFFFFFF  }
0x96: {  	s16 =	sld [smem:$0x13];
	(tm) =	ssettm $0x1  }
0x97: {  	s17 =	sld [smem:$0x3FFB];
	_ =	sdelay $0x3  }
0x98: {  	_ =	strace s17  }
0x99: {  	s3 =	sld [smem:$0x3FFC];
	_ =	sdelay $0x3  }
0x9a: {  	_ =	strace s3  }
0x9b: {  	s3 =	sld [smem:$0x3FFD];
	_ =	sdelay $0x3  }
0x9c: {  	_ =	strace s3  }
0x9d: {  	_ =	strace $0x8FFFFFFF  }
0x9e: {  	s18 =	sld [smem:$0x3FDB];
	_ =	sdelay $0x1  }
0x9f: {  	s19 =	simm.s32 $_scs_section_size  }
0xa0: {  	s5 =	simm.s32 $_size__tile_overlayer_lowered;
	s6 =	simm.s32 $_tile_overlayer_lowered  }
0xa1: {  	s22 =	simm.s32 $0x1BFF;
	s21 =	sshll.u32 s6, $0x1;
	s3 =	sadd.s32 s19, s18  }
0xa2: {  	s7 =	simm.s32 $0x0;
	s20 =	sshll.u32 s5, $0x1;
	s5 =	sadd.s32 s21, s3  }
0xa3: {  	[timem:s7], [sflag:s22] =	dma.local [hbm:s5], s20  }
0xa4: {  	_ =	swait.ge [sflag:s22], s20  }
0xa5: {  	s4 =	ssub.s32 $0x0, s20;
	[sflag:s22] =	ssyncset.done $0x0  }
0xa6: {  	[sflag:s22] =	ssyncadd.s32 s4;
	_ =	sdelay $0x1  }
0xa7: {  	s23 =	simm.s32 $0x1B8B  }
0xa8: {  	_ =	swait.ge [sflag:s23], $0x1  }
0xa9: {  	[sflag:s23] =	ssyncset.done $0x0  }
0xaa: {  	s25 =	simm.s32 $0x1B8E;
	s24 =	sld [smem:$0x3FFE];
	[sflag:s23] =	ssyncadd.s32 $0xFFFFFFFF  }
0xab: {  	s26 =	simm.s32 $execute0_lowered;
	[smem:$0x3FD2] =	sst s25  }
0xac: {  	s5 =	sshll.u32 s26, $0x1;
	_ =	strace $0x8000004F;
	[dreg:$0x1] =	wrdreg $0xFFFFFFFF  }
0xad: {  	s28 =	simm.s32 $_size_execute0_lowered;
	s3 =	sadd.s32 s3, s5;
	[dreg:$0x0] =	wrdreg $0x0  }
0xae: {  	s5 =	sshll.u32 s28, $0x1;
	[dreg:$0x2] =	wrdreg s3  }
0xaf: {  	[dreg:$0x3] =	wrdreg s5  }
0xb0: {  	[dreg:$0x4] =	wrdreg $0xC0  }
0xb1: {  	_ =	task [dreg:s7], $0x5FFFF  }
0xb2: {  	[dreg:$0x1] =	wrdreg $0xFFFFFFFF  }
0xb3: {  	[dreg:$0x0] =	wrdreg $0x60  }
0xb4: {  	[dreg:$0x2] =	wrdreg s24  }
0xb5: {  	[dreg:$0x3] =	wrdreg s16  }
0xb6: {  	[dreg:$0x4] =	wrdreg $0x5AA00  }
0xb7: {  	[dreg:$0x5] =	wrdreg $0x9  }
0xb8: {  	_ =	task.clear_ibuf [dreg:s7], $0x6FFFF;
	_ =	strace $0x9000004F  }
0xb9: {  	s29 =	simm.s32 $0x9;
	_ =	strace $0x80000051  }
0xba: {  	_ =	swait.ge [sflag:s29], $0x1  }
0xbb: {  	[sflag:s29] =	ssyncadd.s32 $0xFFFFFFFF  }
0xbc: {  	_ =	strace $0x90000051  }
0xbd: {  	_ =	sfence  }
0xbe: {  	s30 =	sld [smem:$0x0];
	_ =	sdelay $0x2  }
0xbf: {  	s31 =	sshll.u32 s1, $0xD;
	s1 =	sshrl.u32 s1, $0x2  }
0xc0: {  	s3 =	sand.u32 $0x4000, s31;
	s1 =	sadd.s32 s1, s30  }
0xc1: {  	s0 =	sor.u32 s3, s0;
	s1 =	sshll.u32 s1, $0x11  }
0xc2: {  	s0 =	sor.u32 s1, s0  }
0xc3: {  	s0 =	sadd.s32 $0x8F2B, s0  }
0xc4: {  	[sflag:s0] =	ssyncadd.remote.s32 $0x1  }
0xc5: {  	_ =	sfence.sel $0xFFFF  }
0xc6: {  	[dreg:$0x0] =	wrdreg $0xFFFFFFFF;
	(pc) =	sbr.abs _section_cstart, $3  }
0xc7: {  	[dreg:$0x1] =	wrdreg $0xFFFFFFFF  }
0xc8: {  	_ =	task.clear_ibuf [dreg:s7], $0x2FFFF;
	_ =	strace $0x9FFFFFFF  }
0xc9: {  	(tm) =	ssettm $0x7FFFFFFF  }
tec
execute0_lowered:
.L_overlay_start_1:
0x0: {  	(tag) =	ssettag $0x1  }
0x1: {  	s0 =	rddreg [dreg:$0x0]  }
0x2: {  	s1 =	rddreg [dreg:$0x1]  }
0x3: {  	s2 =	rddreg [dreg:$0x2];
	s13 =	simm.s32 $0x0;
	s4 =	stileid.u32  }
0x4: {  	s3 =	srdreg.scid;
	s22 =	simm.s32 $0xFA0;
	s23 =	simm.s32 $0x2  }
0x5: {  	s24 =	simm.s32 $0x190;
	s25 =	simm.s32 $0x320;
	s28 =	simm.s32 $0x41A0  }
0x6: {  	s29 =	simm.s32 $0x4E20;
	s30 =	simm.s32 $0x20;
	[smem:$0x7FF] =	sst s13  }
0x7: {  	s5 =	sadd.s32 $0x1F600, s0;
	s6 =	sadd.s32 $0x6E00, s0;
	s9 =	smul.u32 $0x64000, s4  }
0x8: {  	s31 =	simm.s32 $0x80;
	s7 =	sadd.s32 $0x113C00, s0;
	s8 =	sadd.s32 $0x367200, s0  }
0x9: {  	s3 =	sand.u32 $0x1, s3;
	_ =	strace $0x80000050;
	s9 =	sshrl.u32 s9, $0x2  }
0xa: {  	s10 =	sshll.u32 s3, $0x2;
	s11 =	ssub.s32 $0x2, s3;
	s9 =	sadd.s32 s9, s2  }
0xb: {  	s21 =	smul.u32 $0xC800, s3;
	s12 =	sadd.s32 $0x3200, s9;
	[dreg:$0x5] =	wrdreg s9  }
0xc: {  	s3 =	sshll.u32 s3, $0x1;
	s16 =	sadd.s32 $0x6400, s9;
	[dreg:$0x6] =	wrdreg s12  }
0xd: {  	s0 =	sadd.s32 s10, s0;
	s17 =	sadd.s32 $0x9600, s9;
	[dreg:$0x7] =	wrdreg s16  }
0xe: {  	s15 =	sshrl.u32 s11, $0x1;
	s18 =	sadd.s32 $0xC800, s9;
	[dreg:$0x8] =	wrdreg s17  }
0xf: {  	s10 =	smul.u32 $0xC80, s4;
	s19 =	sadd.s32 $0xFA00, s9;
	[dreg:$0x9] =	wrdreg s18  }
0x10: {  	s11 =	ssub.s32 s11, s15;
	s20 =	sadd.s32 $0x12C00, s9;
	[dreg:$0xa] =	wrdreg s19  }
0x11: {  	s9 =	sadd.s32 $0x15E00, s9;
	s26 =	smax.u32 s11, $0x1;
	[dreg:$0xb] =	wrdreg s20  }
0x12: {  	v0 =	vmov s3;
	[dreg:$0xc] =	wrdreg s9;
	s18 =	smul.u32 $0xC350, s4;
	s19 =	sadd.s32 $0x19000, s1  }
0x13: {  	v3 =	vimm.f32 $0.0e+00;
	v1 =	vmov s21;
	v2 =	vor.u32 $0x1, v0;
	s20 =	sadd.s32 $0x3CB200, s0;
	[dreg:$0xd] =	wrdreg s26;
	s26 =	simm.s32 $0x1  }
.LBB2_1:
0x14: {  	[dreg:$0x4] =	wrdreg s13;
	s0 =	simm.s32 $0x80;
	s3 =	simm.s32 $0x0  }
.LBB2_2:
0x15: {  	p0 =	sne.s32 s0, $0xC780;
	[tilespmem:s3+$0xFA0] =	vst v3;
	s11 =	smov.u32 s0;
	s0 =	sadd.s32 $0x80, s0  }
.Ltmp0:
0x16: {  	[tilespmem:s3+$0xFB0] =	vst v3;
	(pc) =	sbr.rel @p0 .LBB2_2-.Ltmp0, $2  }
0x17: {  	_ =	sdelay $0x2  }
0x18: {  	s3 =	sshra.s32 s11, $0x2  }
0x19: {  	[tilespmem:s3+$0xFA0] =	vst v3  }
0x1a: {  	[tilespmem:s3+$0xFB0] =	vst v3;
	s0 =	rddreg [dreg:$0x5]  }
0x1b: {  	[spmem:s0] =	stream.linear.scatter [tilespmem:s22], [sflag:$0x2], $0x3200, $0x38;
	[tilespmem:$0x1EAA0] =	vst v63  }
0x1c: {  	_ =	swait.ge [sflag:s23], $0x3200  }
0x1d: {  	[sflag:s23] =	ssyncset.done $0x0  }
0x1e: {  	s12 =	rddreg [dreg:$0x6];
	[sflag:s23] =	ssyncadd.s32 $0xFFFFCE00  }
0x1f: {  	[spmem:s12] =	stream.linear.scatter [tilespmem:s22], [sflag:$0x2], $0x3200, $0x38;
	[tilespmem:$0x1EAA0] =	vst v63  }
0x20: {  	_ =	swait.ge [sflag:s23], $0x3200  }
0x21: {  	[sflag:s23] =	ssyncset.done $0x0  }
0x22: {  	s13 =	rddreg [dreg:$0x7];
	[sflag:s23] =	ssyncadd.s32 $0xFFFFCE00  }
0x23: {  	[spmem:s13] =	stream.linear.scatter [tilespmem:s22], [sflag:$0x2], $0x3200, $0x38;
	[tilespmem:$0x1EAA0] =	vst v63  }
0x24: {  	_ =	swait.ge [sflag:s23], $0x3200  }
0x25: {  	[sflag:s23] =	ssyncset.done $0x0  }
0x26: {  	s14 =	rddreg [dreg:$0x8];
	[sflag:s23] =	ssyncadd.s32 $0xFFFFCE00  }
0x27: {  	[spmem:s14] =	stream.linear.scatter [tilespmem:s22], [sflag:$0x2], $0x3200, $0x38;
	[tilespmem:$0x1EAA0] =	vst v63  }
0x28: {  	_ =	swait.ge [sflag:s23], $0x3200  }
0x29: {  	[sflag:s23] =	ssyncset.done $0x0  }
0x2a: {  	s15 =	rddreg [dreg:$0x9];
	[sflag:s23] =	ssyncadd.s32 $0xFFFFCE00  }
0x2b: {  	[spmem:s15] =	stream.linear.scatter [tilespmem:s22], [sflag:$0x2], $0x3200, $0x38;
	[tilespmem:$0x1EAA0] =	vst v63  }
0x2c: {  	_ =	swait.ge [sflag:s23], $0x3200  }
0x2d: {  	[sflag:s23] =	ssyncset.done $0x0  }
0x2e: {  	s16 =	rddreg [dreg:$0xa];
	[sflag:s23] =	ssyncadd.s32 $0xFFFFCE00  }
0x2f: {  	[spmem:s16] =	stream.linear.scatter [tilespmem:s22], [sflag:$0x2], $0x3200, $0x38;
	[tilespmem:$0x1EAA0] =	vst v63  }
0x30: {  	_ =	swait.ge [sflag:s23], $0x3200  }
0x31: {  	[sflag:s23] =	ssyncset.done $0x0  }
0x32: {  	s17 =	rddreg [dreg:$0xb];
	[sflag:s23] =	ssyncadd.s32 $0xFFFFCE00  }
0x33: {  	[spmem:s17] =	stream.linear.scatter [tilespmem:s22], [sflag:$0x2], $0x3200, $0x38;
	[tilespmem:$0x1EAA0] =	vst v63  }
0x34: {  	_ =	swait.ge [sflag:s23], $0x3200  }
0x35: {  	[sflag:s23] =	ssyncset.done $0x0  }
0x36: {  	s21 =	rddreg [dreg:$0xc];
	[sflag:s23] =	ssyncadd.s32 $0xFFFFCE00  }
0x37: {  	[spmem:s21] =	stream.linear.scatter [tilespmem:s22], [sflag:$0x2], $0x3200, $0x38;
	[tilespmem:$0x1EAA0] =	vst v63  }
0x38: {  	_ =	swait.ge [sflag:s23], $0x3200  }
0x39: {  	[sflag:s23] =	ssyncset.done $0x0  }
0x3a: {  	[sflag:s23] =	ssyncadd.s32 $0xFFFFCE00  }
0x3b: {  	s3 =	simm.s32 $0x0;
	s0 =	simm.s32 $0x0;
	[bflag:$0x0] =	sbarrier.arrive $0xFFFF  }
.LBB2_4:
0x3c: {  	s11 =	smul.u32 $0x190, s3;
	_ =	sdelay $0x1  }
0x3d: {  	s11 =	sadd.s32 s18, s11  }
0x3e: {  	s12 =	sshrl.u32 s11, $0x3  }
0x3f: {  	s13 =	sadd.s32 s5, s12  }
0x40: {  	[tilespmem:s0], [sflag:$0x2] =	stream.linear.gather [hbm4b:s13+s0], $0x190, $0x38;
	[tilespmem:$0x1EAA0] =	vst v63  }
0x41: {  	_ =	swait.ge [sflag:s23], $0x190  }
0x42: {  	[sflag:s23] =	ssyncset.done $0x0  }
0x43: {  	s12 =	sadd.s32 s6, s12;
	[sflag:s23] =	ssyncadd.s32 $0xFFFFFE70  }
0x44: {  	[tilespmem:s24], [sflag:$0x2] =	stream.linear.gather [hbm4b:s12+s0], $0x190, $0x38;
	[tilespmem:$0x1EAA0] =	vst v63  }
0x45: {  	_ =	swait.ge [sflag:s23], $0x190  }
0x46: {  	[sflag:s23] =	ssyncset.done $0x0  }
0x47: {  	s11 =	sadd.s32 s7, s11;
	[sflag:s23] =	ssyncadd.s32 $0xFFFFFE70  }
0x48: {  	[tilespmem:s25], [sflag:$0x2] =	stream.linear.gather [hbm4b:s11+s0], $0xC80, $0x38;
	[tilespmem:$0x1EAA0] =	vst v63  }
0x49: {  	_ =	swait.ge [sflag:s23], $0xC80  }
0x4a: {  	[sflag:s23] =	ssyncset.done $0x0  }
0x4b: {  	[sflag:s23] =	ssyncadd.s32 $0xFFFFF380  }
0x4c: {  	v4 =	vld [tilespmem:$0x0]  }
0x4d: {  	v5 =	vld [tilespmem:$0x10]  }
0x4e: {  	v6 =	vld [tilespmem:$0x20]  }
0x4f: {  	v7 =	vld [tilespmem:$0x30]  }
0x50: {  	v8 =	vld [tilespmem:$0x40]  }
0x51: {  	v9 =	vld [tilespmem:$0x50];
	v4 =	vadd.s32 v1, v4  }
0x52: {  	[tilespmem:$0x0] =	vst v4;
	v4 =	vadd.s32 v1, v5;
	v5 =	vld [tilespmem:$0x60]  }
0x53: {  	[tilespmem:$0x10] =	vst v4;
	v4 =	vadd.s32 v1, v6;
	v6 =	vld [tilespmem:$0x70]  }
0x54: {  	[tilespmem:$0x20] =	vst v4;
	v4 =	vadd.s32 v1, v7;
	v7 =	vld [tilespmem:$0x80]  }
0x55: {  	[tilespmem:$0x30] =	vst v4;
	v4 =	vadd.s32 v1, v8;
	v8 =	vld [tilespmem:$0x90]  }
0x56: {  	[tilespmem:$0x40] =	vst v4;
	v4 =	vadd.s32 v1, v9;
	v9 =	vld [tilespmem:$0xA0]  }
0x57: {  	[tilespmem:$0x50] =	vst v4;
	v4 =	vadd.s32 v1, v5;
	v5 =	vld [tilespmem:$0xB0]  }
0x58: {  	[tilespmem:$0x60] =	vst v4;
	v4 =	vadd.s32 v1, v6;
	v6 =	vld [tilespmem:$0xC0]  }
0x59: {  	[tilespmem:$0x70] =	vst v4;
	v4 =	vadd.s32 v1, v7;
	v7 =	vld [tilespmem:$0xD0]  }
0x5a: {  	[tilespmem:$0x80] =	vst v4;
	v4 =	vadd.s32 v1, v8;
	v8 =	vld [tilespmem:$0xE0]  }
0x5b: {  	[tilespmem:$0x90] =	vst v4;
	v4 =	vadd.s32 v1, v9;
	v9 =	vld [tilespmem:$0xF0]  }
0x5c: {  	[tilespmem:$0xA0] =	vst v4;
	v4 =	vadd.s32 v1, v5;
	v5 =	vld [tilespmem:$0x100]  }
0x5d: {  	[tilespmem:$0xB0] =	vst v4;
	v4 =	vadd.s32 v1, v6;
	v6 =	vld [tilespmem:$0x110]  }
0x5e: {  	[tilespmem:$0xC0] =	vst v4;
	v4 =	vadd.s32 v1, v7;
	v7 =	vld [tilespmem:$0x120]  }
0x5f: {  	[tilespmem:$0xD0] =	vst v4;
	v4 =	vadd.s32 v1, v8;
	v8 =	vld [tilespmem:$0x130]  }
0x60: {  	[tilespmem:$0xE0] =	vst v4;
	v4 =	vadd.s32 v1, v9;
	v9 =	vld [tilespmem:$0x140]  }
0x61: {  	[tilespmem:$0xF0] =	vst v4;
	v4 =	vadd.s32 v1, v5;
	v5 =	vld [tilespmem:$0x150]  }
0x62: {  	[tilespmem:$0x100] =	vst v4;
	v4 =	vadd.s32 v1, v6;
	v6 =	vld [tilespmem:$0x160]  }
0x63: {  	[tilespmem:$0x110] =	vst v4;
	v4 =	vadd.s32 v1, v7;
	v7 =	vld [tilespmem:$0x170]  }
0x64: {  	[tilespmem:$0x120] =	vst v4;
	v4 =	vadd.s32 v1, v8;
	v8 =	vld [tilespmem:$0x180]  }
0x65: {  	[tilespmem:$0x130] =	vst v4;
	v4 =	vadd.s32 v1, v9  }
0x66: {  	[tilespmem:$0x140] =	vst v4;
	v4 =	vadd.s32 v1, v5  }
0x67: {  	[tilespmem:$0x150] =	vst v4;
	v4 =	vadd.s32 v1, v6  }
0x68: {  	[tilespmem:$0x160] =	vst v4;
	v4 =	vadd.s32 v1, v7  }
0x69: {  	s1 =	simm.s32 $0x0;
	[tilespmem:$0x170] =	vst v4;
	v4 =	vadd.s32 v1, v8  }
0x6a: {  	s4 =	simm.s32 $0x38;
	[tilespmem:$0x180] =	vst v4;
	v4 =	vor.u32 s1, v0  }
0x6b: {  	v5 =	vor.u32 s4, v0;
	[tilespmem:s22], [sflag:$0x1] =	stream.indirect.gather [hbm4b:s8+s24], $0x20, s0, s24, $0xb8;
	[tilespmem:$0x1EAA0] =	vst v63  }
0x6c: {  	s14 =	simm.s32 $0x8;
	_ =	swait.ge [sflag:s26], $0x3200  }
0x6d: {  	s15 =	simm.s32 $0x10;
	v6 =	vor.u32 s14, v0;
	[sflag:s26] =	ssyncset.done $0x0  }
0x6e: {  	s16 =	simm.s32 $0x18;
	v7 =	vor.u32 s15, v0;
	[sflag:s26] =	ssyncadd.s32 $0xFFFFCE00  }
0x6f: {  	s17 =	simm.s32 $0x20;
	v8 =	vor.u32 s16, v0;
	v4 =	vld.idx.msk [tilespmem:v4+s25+$0x0], $0xffff  }
0x70: {  	s21 =	simm.s32 $0x28;
	s12 =	simm.s32 $0x1020;
	v9 =	vor.u32 s17, v0;
	v5 =	vld.idx.msk [tilespmem:v5+s25+$0x0], $0xffff  }
0x71: {  	v10 =	vor.u32 s21, v0;
	v11 =	vld [tilespmem:s12+$0x60]  }
0x72: {  	v6 =	vld.idx.msk [tilespmem:v6+s25+$0x0], $0xffff  }
0x73: {  	v7 =	vld.idx.msk [tilespmem:v7+s25+$0x0], $0xffff  }
0x74: {  	v8 =	vld.idx.msk [tilespmem:v8+s25+$0x0], $0xffff  }
0x75: {  	v9 =	vld.idx.msk [tilespmem:v9+s25+$0x0], $0xffff  }
0x76: {  	v10 =	vld.idx.msk [tilespmem:v10+s25+$0x0], $0xffff  }
0x77: {  	v60 =	vld [tilespmem:s12+$0xFFFFFF80]  }
0x78: {  	v14 =	vld [tilespmem:s12+$0x70]  }
0x79: {  	s9 =	simm.s32 $0x30;
	v16 =	vld [tilespmem:s12+$0xFFFFFFC0];
	v5 =	vmul.f32 v11, v5  }
0x7a: {  	v12 =	vor.u32 s9, v0;
	v17 =	vld [tilespmem:s12+$0xFFFFFFE0]  }
0x7b: {  	v13 =	vor.u32 s4, v2;
	[tilespmem:s12+$0x60] =	vst v5;
	v5 =	vld [tilespmem:s12+$0xFFFFFFA0]  }
0x7c: {  	v61 =	vld [tilespmem:s12+$0x0]  }
0x7d: {  	v15 =	vor.u32 s1, v2;
	v20 =	vld [tilespmem:s12+$0x20]  }
0x7e: {  	v18 =	vor.u32 s14, v2;
	v23 =	vld [tilespmem:s12+$0xFFFFFF90];
	v4 =	vmul.f32 v60, v4  }
0x7f: {  	v19 =	vor.u32 s15, v2;
	v11 =	vld.idx.msk [tilespmem:v12+s25+$0x0], $0xffff  }
0x80: {  	v21 =	vor.u32 s16, v2;
	[tilespmem:s12+$0xFFFFFF80] =	vst v4;
	v13 =	vld.idx.msk [tilespmem:v13+s25+$0x0], $0xffff;
	v4 =	vmul.f32 v5, v6  }
0x81: {  	v22 =	vor.u32 s17, v2;
	v6 =	vld [tilespmem:s12+$0x40];
	v5 =	vmul.f32 v16, v7  }
0x82: {  	v62 =	vor.u32 s21, v2;
	v15 =	vld.idx.msk [tilespmem:v15+s25+$0x0], $0xffff;
	v7 =	vmul.f32 v17, v8;
	[tilespmem:s12+$0xFFFFFFA0] =	vst v4  }
0x83: {  	v8 =	vmul.f32 v61, v9;
	[tilespmem:s12+$0xFFFFFFC0] =	vst v5;
	v4 =	vld.idx.msk [tilespmem:v18+s25+$0x0], $0xffff  }
0x84: {  	v63 =	vor.u32 s9, v2;
	v9 =	vmul.f32 v20, v10;
	[tilespmem:s12+$0xFFFFFFE0] =	vst v7;
	v5 =	vld.idx.msk [tilespmem:v19+s25+$0x0], $0xffff  }
0x85: {  	v10 =	vmul.f32 v14, v13;
	[tilespmem:s12+$0x0] =	vst v8;
	v7 =	vld.idx.msk [tilespmem:v21+s25+$0x0], $0xffff  }
0x86: {  	[tilespmem:s12+$0x20] =	vst v9;
	v8 =	vld.idx.msk [tilespmem:v22+s25+$0x0], $0xffff;
	v6 =	vmul.f32 v6, v11  }
0x87: {  	v9 =	vld.idx.msk [tilespmem:v62+s25+$0x0], $0xffff;
	[tilespmem:s12+$0x70] =	vst v10;
	v11 =	vmul.f32 v23, v15  }
0x88: {  	v10 =	vld [tilespmem:s12+$0xFFFFFFB0];
	[tilespmem:s12+$0x40] =	vst v6  }
0x89: {  	s13 =	simm.s32 $0x10;
	s11 =	simm.s32 $0x1020;
	s14 =	simm.s32 $0x40;
	[tilespmem:s12+$0xFFFFFF90] =	vst v11;
	v6 =	vld.idx.msk [tilespmem:v63+s25+$0x0], $0xffff  }
.LBB2_5:
0x8a: {  	p0 =	slt.u32 s13, $0x188;
	v11 =	vor.u32 s14, v0;
	v12 =	vor.u32 s14, v2;
	s9 =	sadd.s32 $0x8, s14;
	s15 =	sadd.s32 $0x38, s14;
	v13 =	vld [tilespmem:s12+$0xFFFFFFD0]  }
0x8b: {  	s16 =	sadd.s32 $0x18, s14;
	s17 =	sadd.s32 $0x20, s14;
	v14 =	vor.u32 s9, v0;
	v15 =	vor.u32 s9, v2;
	s9 =	sadd.s32 $0x10, s14;
	v16 =	vor.u32 s15, v0;
	v17 =	vld [tilespmem:s12+$0xFFFFFFF0]  }
0x8c: {  	s21 =	sadd.s32 $0x28, s14;
	v19 =	vor.u32 s16, v0;
	v20 =	vor.u32 s17, v0;
	s14 =	sadd.s32 $0x30, s14;
	v18 =	vor.u32 s9, v0;
	v21 =	vld [tilespmem:s12+$0x10]  }
0x8d: {  	v23 =	vor.u32 s21, v0;
	v22 =	vor.u32 s9, v2;
	v24 =	vor.u32 s14, v0;
	v25 =	vld [tilespmem:s12+$0x30]  }
0x8e: {  	v26 =	vor.u32 s16, v2;
	v27 =	vor.u32 s17, v2;
	v28 =	vor.u32 s21, v2;
	v29 =	vld [tilespmem:s12+$0x50]  }
0x8f: {  	v30 =	vor.u32 s14, v2;
	v4 =	vmul.f32 v10, v4;
	v11 =	vld.idx.msk [tilespmem:v11+s25+$0x0], $0xffff;
	v5 =	vmul.f32 v13, v5  }
0x90: {  	s12 =	sadd.s32 $0x100, s12;
	v10 =	vld.idx.msk [tilespmem:v16+s25+$0x0], $0xffff;
	v7 =	vmul.f32 v17, v7  }
0x91: {  	v13 =	vld [tilespmem:s12+$0x60];
	[tilespmem:s11+$0xFFFFFFB0] =	vst v4;
	v4 =	vmul.f32 v21, v8  }
0x92: {  	v8 =	vld.idx.msk [tilespmem:v14+s25+$0x0], $0xffff;
	[tilespmem:s11+$0xFFFFFFD0] =	vst v5;
	v5 =	vmul.f32 v25, v9  }
0x93: {  	v9 =	vld.idx.msk [tilespmem:v18+s25+$0x0], $0xffff;
	[tilespmem:s11+$0xFFFFFFF0] =	vst v7;
	v6 =	vmul.f32 v29, v6  }
0x94: {  	v14 =	vor.u32 s15, v2;
	v7 =	vld.idx.msk [tilespmem:v19+s25+$0x0], $0xffff;
	[tilespmem:s11+$0x10] =	vst v4  }
0x95: {  	v16 =	vld.idx.msk [tilespmem:v20+s25+$0x0], $0xffff;
	[tilespmem:s11+$0x30] =	vst v5  }
0x96: {  	v17 =	vld.idx.msk [tilespmem:v23+s25+$0x0], $0xffff;
	v4 =	vmul.f32 v13, v10;
	[tilespmem:s11+$0x50] =	vst v6;
	s11 =	smov.u32 s12  }
0x97: {  	v6 =	vld.idx.msk [tilespmem:v24+s25+$0x0], $0xffff  }
0x98: {  	v5 =	vld [tilespmem:s12+$0xFFFFFF80];
	[tilespmem:s12+$0x60] =	vst v4  }
0x99: {  	v4 =	vld.idx.msk [tilespmem:v14+s25+$0x0], $0xffff  }
0x9a: {  	v10 =	vld [tilespmem:s12+$0x70]  }
0x9b: {  	v13 =	vld [tilespmem:s12+$0xFFFFFFA0]  }
0x9c: {  	v14 =	vld [tilespmem:s12+$0xFFFFFFC0]  }
0x9d: {  	v5 =	vmul.f32 v5, v11;
	v11 =	vld [tilespmem:s12+$0xFFFFFFE0]  }
0x9e: {  	v18 =	vld [tilespmem:s12+$0x0]  }
0x9f: {  	[tilespmem:s12+$0xFFFFFF80] =	vst v5;
	v19 =	vld [tilespmem:s12+$0x20];
	v4 =	vmul.f32 v10, v4  }
0xa0: {  	v5 =	vmul.f32 v13, v8;
	v8 =	vld [tilespmem:s12+$0x40]  }
0xa1: {  	v10 =	vld.idx.msk [tilespmem:v12+s25+$0x0], $0xffff;
	v9 =	vmul.f32 v14, v9;
	[tilespmem:s12+$0x70] =	vst v4  }
0xa2: {  	v12 =	vld [tilespmem:s12+$0xFFFFFF90];
	[tilespmem:s12+$0xFFFFFFA0] =	vst v5;
	v7 =	vmul.f32 v11, v7  }
0xa3: {  	v4 =	vld.idx.msk [tilespmem:v15+s25+$0x0], $0xffff;
	[tilespmem:s12+$0xFFFFFFC0] =	vst v9;
	v9 =	vmul.f32 v18, v16  }
0xa4: {  	v5 =	vld.idx.msk [tilespmem:v22+s25+$0x0], $0xffff;
	[tilespmem:s12+$0xFFFFFFE0] =	vst v7;
	v11 =	vmul.f32 v19, v17  }
.Ltmp1:
0xa5: {  	v7 =	vld.idx.msk [tilespmem:v26+s25+$0x0], $0xffff;
	[tilespmem:s12+$0x0] =	vst v9;
	v6 =	vmul.f32 v8, v6;
	(pc) =	sbr.rel @p0 .LBB2_5-.Ltmp1, $4  }
0xa6: {  	v8 =	vld.idx.msk [tilespmem:v27+s25+$0x0], $0xffff;
	[tilespmem:s12+$0x20] =	vst v11  }
0xa7: {  	v10 =	vmul.f32 v12, v10;
	v9 =	vld.idx.msk [tilespmem:v28+s25+$0x0], $0xffff;
	[tilespmem:s12+$0x40] =	vst v6  }
0xa8: {  	v6 =	vld.idx.msk [tilespmem:v30+s25+$0x0], $0xffff  }
0xa9: {  	s14 =	sshll.u32 s13, $0x3;
	s13 =	sadd.s32 $0x8, s13;
	[tilespmem:s12+$0xFFFFFF90] =	vst v10;
	v10 =	vld [tilespmem:s12+$0xFFFFFFB0]  }
0xaa: {  	v12 =	vld [tilespmem:s12+$0xFFFFFFD0]  }
0xab: {  	v14 =	vld [tilespmem:s12+$0xFFFFFFF0]  }
0xac: {  	v15 =	vld [tilespmem:s12+$0x10]  }
0xad: {  	v17 =	vld [tilespmem:s12+$0x30]  }
0xae: {  	v19 =	vld [tilespmem:s12+$0x50];
	s1 =	sadd.s32 $0x100, s12  }
0xaf: {  	v23 =	vld [tilespmem:s1+$0x60]  }
0xb0: {  	v39 =	vld [tilespmem:s1+$0xFFFFFF80]  }
0xb1: {  	v40 =	vld [tilespmem:s1+$0x70]  }
0xb2: {  	v26 =	vld [tilespmem:s1+$0xFFFFFFA0]  }
0xb3: {  	v28 =	vld [tilespmem:s1+$0xFFFFFFC0]  }
0xb4: {  	v29 =	vld [tilespmem:s1+$0xFFFFFFE0]  }
0xb5: {  	v41 =	vld [tilespmem:s1+$0x0]  }
0xb6: {  	v32 =	vld [tilespmem:s1+$0x20]  }
0xb7: {  	v43 =	vld [tilespmem:s1+$0x40]  }
0xb8: {  	v46 =	vld [tilespmem:s1+$0xFFFFFF90]  }
0xb9: {  	v11 =	vor.u32 s14, v0;
	s9 =	sadd.s32 $0x38, s14;
	v54 =	vld [tilespmem:s1+$0xFFFFFFD0]  }
0xba: {  	s13 =	sadd.s32 $0x8, s14;
	v13 =	vor.u32 s9, v0;
	v55 =	vld [tilespmem:s1+$0xFFFFFFF0]  }
0xbb: {  	s15 =	sadd.s32 $0x10, s14;
	v16 =	vor.u32 s13, v0;
	v57 =	vld [tilespmem:s1+$0x10]  }
0xbc: {  	s16 =	sadd.s32 $0x18, s14;
	v18 =	vor.u32 s15, v0;
	v59 =	vld [tilespmem:s1+$0x30]  }
0xbd: {  	s17 =	sadd.s32 $0x20, s14;
	v20 =	vor.u32 s16, v0;
	v60 =	vld [tilespmem:s1+$0x50]  }
0xbe: {  	s21 =	sadd.s32 $0x28, s14;
	v21 =	vor.u32 s17, v0;
	v4 =	vmul.f32 v10, v4;
	v11 =	vld.idx.msk [tilespmem:v11+s25+$0x0], $0xffff  }
0xbf: {  	s4 =	sadd.s32 $0x30, s14;
	v22 =	vor.u32 s21, v0;
	v5 =	vmul.f32 v12, v5;
	v13 =	vld.idx.msk [tilespmem:v13+s25+$0x0], $0xffff  }
0xc0: {  	v24 =	vor.u32 s4, v0;
	v7 =	vmul.f32 v14, v7;
	v16 =	vld.idx.msk [tilespmem:v16+s25+$0x0], $0xffff;
	[tilespmem:s11+$0xFFFFFFB0] =	vst v4  }
0xc1: {  	v8 =	vmul.f32 v15, v8;
	v18 =	vld.idx.msk [tilespmem:v18+s25+$0x0], $0xffff;
	[tilespmem:s11+$0xFFFFFFD0] =	vst v5  }
0xc2: {  	v27 =	vor.u32 s14, v2;
	v9 =	vmul.f32 v17, v9;
	v20 =	vld.idx.msk [tilespmem:v20+s25+$0x0], $0xffff;
	[tilespmem:s11+$0xFFFFFFF0] =	vst v7  }
0xc3: {  	v25 =	vor.u32 s9, v2;
	v6 =	vmul.f32 v19, v6;
	v21 =	vld.idx.msk [tilespmem:v21+s25+$0x0], $0xffff;
	[tilespmem:s11+$0x10] =	vst v8  }
0xc4: {  	v30 =	vor.u32 s13, v2;
	v22 =	vld.idx.msk [tilespmem:v22+s25+$0x0], $0xffff;
	[tilespmem:s11+$0x30] =	vst v9;
	v11 =	vmul.f32 v39, v11  }
0xc5: {  	v31 =	vor.u32 s15, v2;
	v38 =	vld.idx.msk [tilespmem:v24+s25+$0x0], $0xffff;
	[tilespmem:s11+$0x50] =	vst v6;
	v13 =	vmul.f32 v23, v13  }
0xc6: {  	v42 =	vor.u32 s16, v2;
	v5 =	vld [tilespmem:s1+$0xFFFFFFB0];
	v16 =	vmul.f32 v26, v16;
	[tilespmem:s1+$0xFFFFFF80] =	vst v11  }
0xc7: {  	v45 =	vor.u32 s21, v2;
	v18 =	vmul.f32 v28, v18;
	[tilespmem:s1+$0x60] =	vst v13;
	v27 =	vld.idx.msk [tilespmem:v27+s25+$0x0], $0xffff  }
0xc8: {  	v48 =	vor.u32 s4, v2;
	v20 =	vmul.f32 v29, v20;
	[tilespmem:s1+$0xFFFFFFA0] =	vst v16;
	v13 =	vld.idx.msk [tilespmem:v25+s25+$0x0], $0xffff  }
0xc9: {  	v44 =	vor.u32 s17, v2;
	v22 =	vmul.f32 v32, v22;
	[tilespmem:s1+$0xFFFFFFC0] =	vst v18;
	v49 =	vld.idx.msk [tilespmem:v30+s25+$0x0], $0xffff  }
0xca: {  	v51 =	vmul.f32 v43, v38;
	[tilespmem:s1+$0xFFFFFFE0] =	vst v20;
	v50 =	vld.idx.msk [tilespmem:v31+s25+$0x0], $0xffff  }
0xcb: {  	v47 =	vmul.f32 v41, v21;
	[tilespmem:s1+$0x20] =	vst v22;
	v11 =	vld.idx.msk [tilespmem:v42+s25+$0x0], $0xffff  }
0xcc: {  	[tilespmem:s1+$0x40] =	vst v51;
	v53 =	vld.idx.msk [tilespmem:v45+s25+$0x0], $0xffff;
	v58 =	vmul.f32 v46, v27  }
0xcd: {  	[tilespmem:s1+$0x0] =	vst v47;
	v4 =	vld.idx.msk [tilespmem:v48+s25+$0x0], $0xffff;
	v56 =	vmul.f32 v40, v13  }
0xce: {  	v52 =	vld.idx.msk [tilespmem:v44+s25+$0x0], $0xffff;
	v5 =	vmul.f32 v5, v49;
	[tilespmem:s1+$0xFFFFFF90] =	vst v58  }
0xcf: {  	v61 =	vmul.f32 v54, v50;
	[tilespmem:s1+$0x70] =	vst v56  }
0xd0: {  	v62 =	vmul.f32 v55, v11;
	[tilespmem:s1+$0xFFFFFFB0] =	vst v5  }
0xd1: {  	v63 =	vmul.f32 v59, v53;
	[tilespmem:s1+$0xFFFFFFD0] =	vst v61  }
0xd2: {  	v4 =	vmul.f32 v60, v4;
	[tilespmem:s1+$0xFFFFFFF0] =	vst v62  }
0xd3: {  	s3 =	sadd.s32 $0x1, s3;
	v5 =	vmul.f32 v57, v52;
	[tilespmem:s1+$0x30] =	vst v63  }
0xd4: {  	p0 =	sne.s32 s3, $0x7D;
	[tilespmem:s1+$0x50] =	vst v4  }
.Ltmp2:
0xd5: {  	[tilespmem:s1+$0x10] =	vst v5;
	(pc) =	sbr.rel @p0 .LBB2_4-.Ltmp2, $4  }
0xd6: {  	[spmem:s2] =	stream.indirect.scatter.add.f32 [tilespmem:s22], [sflag:$0x2], $0x20, s24, s24, $0xb8;
	[tilespmem:$0x1EAA0] =	vst v63  }
0xd7: {  	_ =	swait.ge [sflag:s23], $0x3200  }
0xd8: {  	[sflag:s23] =	ssyncset.done $0x0  }
0xd9: {  	[sflag:s23] =	ssyncadd.s32 $0xFFFFCE00  }
0xda: {  	[bflag:$0x0] =	sbarrier.arrive $0xFFFF;
	s0 =	simm.s32 $0x0;
	s3 =	simm.s32 $0x0  }
.LBB2_8:
0xdb: {  	s4 =	smul.u32 $0xC8, s3;
	_ =	sdelay $0x1  }
0xdc: {  	s11 =	sadd.s32 s10, s4  }
0xdd: {  	s1 =	rddreg [dreg:$0x1];
	s4 =	sshll.u32 s11, $0x1  }
0xde: {  	s9 =	sadd.s32 s1, s4  }
0xdf: {  	[tilespmem:s28], [sflag:$0x2] =	stream.linear.gather [hbm4b:s9+s0], $0xC80, $0x38;
	[tilespmem:$0x1EAA0] =	vst v63  }
0xe0: {  	_ =	swait.ge [sflag:s23], $0xC80  }
0xe1: {  	[sflag:s23] =	ssyncset.done $0x0  }
0xe2: {  	s4 =	sadd.s32 s4, s19;
	[sflag:s23] =	ssyncadd.s32 $0xFFFFF380  }
0xe3: {  	[tilespmem:s29], [sflag:$0x2] =	stream.linear.gather [hbm4b:s4+s0], $0xC80, $0x38;
	[tilespmem:$0x1EAA0] =	vst v63  }
0xe4: {  	s21 =	sshll.u32 s11, $0x5;
	_ =	swait.ge [sflag:s23], $0xC80  }
0xe5: {  	s4 =	sand.u32 $0x3FFFFFE0, s21;
	[sflag:s23] =	ssyncset.done $0x0  }
0xe6: {  	s4 =	sadd.s32 s4, s2;
	[sflag:s23] =	ssyncadd.s32 $0xFFFFF380  }
0xe7: {  	[tilespmem:s22], [sflag:$0x2] =	stream.linear.gather [spmem:s4], $0x1900, $0x38;
	[tilespmem:$0x1EAA0] =	vst v63  }
0xe8: {  	_ =	swait.ge [sflag:s23], $0x1900  }
0xe9: {  	[sflag:s23] =	ssyncset.done $0x0  }
0xea: {  	s12 =	simm.s32 $0x0;
	[sflag:s23] =	ssyncadd.s32 $0xFFFFE700  }
0xeb: {  	s13 =	simm.s32 $0x40;
	v4 =	vld [tilespmem:s12+$0x4E20]  }
.LBB2_9:
0xec: {  	p0 =	sne.s32 s13, $0x31C0;
	v5 =	vld [tilespmem:s12+$0x41A0];
	_ =	sdelay $0x4  }
0xed: {  	v4 =	vadd.f32 v4, v5;
	_ =	sdelay $0x1  }
0xee: {  	v4 =	vadd.f32 $1.000000020e-16, v4;
	_ =	sdelay $0x1  }
0xef: {  	(erf) = vrcp.f32 v4;
	_ =	sdelay $0x5  }
.Ltmp3:
0xf0: {  	(pc) =	sbr.rel @p0 .LBB2_9-.Ltmp3, $3  }
0xf1: {  	_ =	sdelay $0x1  }
0xf2: {  	s4 =	sshra.s32 s13, $0x2;
	v5 =	vpop (erf)  }
0xf3: {  	s13 =	sadd.s32 $0x40, s13;
	v4 =	vld [tilespmem:s4+$0x4E20];
	[tilespmem:s12+$0x41A0] =	vst v5;
	s12 =	smov.u32 s4  }
0xf4: {  	v5 =	vld [tilespmem:s12+$0x41A0];
	_ =	sdelay $0x4  }
0xf5: {  	v4 =	vadd.f32 v4, v5;
	_ =	sdelay $0x1  }
0xf6: {  	v4 =	vadd.f32 $1.000000020e-16, v4;
	_ =	sdelay $0x1  }
0xf7: {  	(erf) = vrcp.f32 v4;
	_ =	sdelay $0x4  }
0xf8: {  	s4 =	simm.s32 $0x0  }
0xf9: {  	s9 =	simm.s32 $0x70;
	v4 =	vor.u32 s4, v0  }
0xfa: {  	v5 =	vor.u32 s9, v0  }
0xfb: {  	s14 =	simm.s32 $0x10  }
0xfc: {  	s1 =	simm.s32 $0x30;
	v7 =	vor.u32 s14, v0;
	v6 =	vpop (erf)  }
0xfd: {  	s16 =	simm.s32 $0x40;
	v8 =	vor.u32 s1, v0;
	[tilespmem:s12+$0x41A0] =	vst v6  }
0xfe: {  	s17 =	simm.s32 $0x50;
	v9 =	vor.u32 s16, v0;
	v4 =	vld.idx.msk [tilespmem:v4+s28+$0x0], $0xffff  }
0xff: {  	s13 =	simm.s32 $0x1020;
	v10 =	vor.u32 s17, v0;
	v5 =	vld.idx.msk [tilespmem:v5+s28+$0x0], $0xffff  }
0x100: {  	v11 =	vld [tilespmem:s13+$0x60]  }
0x101: {  	v7 =	vld.idx.msk [tilespmem:v7+s28+$0x0], $0xffff  }
0x102: {  	v8 =	vld.idx.msk [tilespmem:v8+s28+$0x0], $0xffff  }
0x103: {  	v9 =	vld.idx.msk [tilespmem:v9+s28+$0x0], $0xffff  }
0x104: {  	v10 =	vld.idx.msk [tilespmem:v10+s28+$0x0], $0xffff  }
0x105: {  	v59 =	vld [tilespmem:s13+$0xFFFFFF80]  }
0x106: {  	s21 =	simm.s32 $0x60;
	v16 =	vld [tilespmem:s13+$0xFFFFFFC0]  }
0x107: {  	s15 =	simm.s32 $0x20;
	v12 =	vor.u32 s21, v0;
	v17 =	vld [tilespmem:s13+$0xFFFFFFE0]  }
0x108: {  	v6 =	vor.u32 s15, v0;
	v60 =	vld [tilespmem:s13+$0x0];
	v5 =	vmul.f32 v11, v5  }
0x109: {  	v20 =	vld [tilespmem:s13+$0x20]  }
0x10a: {  	[tilespmem:s13+$0x60] =	vst v5;
	v5 =	vld [tilespmem:s13+$0xFFFFFFA0]  }
0x10b: {  	v22 =	vld [tilespmem:s13+$0x40]  }
0x10c: {  	v13 =	vor.u32 s9, v2;
	v11 =	vld.idx.msk [tilespmem:v12+s28+$0x0], $0xffff  }
0x10d: {  	v15 =	vor.u32 s4, v2;
	v6 =	vld.idx.msk [tilespmem:v6+s28+$0x0], $0xffff;
	v4 =	vmul.f32 v59, v4;
	_ =	sdelay $0x1  }
0x10e: {  	v18 =	vor.u32 s14, v2;
	v14 =	vld [tilespmem:s13+$0x70];
	[tilespmem:s13+$0xFFFFFF80] =	vst v4;
	v4 =	vmul.f32 v5, v7  }
0x10f: {  	v19 =	vor.u32 s15, v2;
	v61 =	vld [tilespmem:s13+$0xFFFFFF90];
	v7 =	vmul.f32 v17, v8;
	v8 =	vmul.f32 v60, v9  }
0x110: {  	v21 =	vor.u32 s1, v2;
	v13 =	vld.idx.msk [tilespmem:v13+s28+$0x0], $0xffff;
	v9 =	vmul.f32 v20, v10;
	v10 =	vmul.f32 v22, v11  }
0x111: {  	v23 =	vor.u32 s16, v2;
	v15 =	vld.idx.msk [tilespmem:v15+s28+$0x0], $0xffff;
	v5 =	vmul.f32 v16, v6;
	[tilespmem:s13+$0xFFFFFFA0] =	vst v4  }
0x112: {  	v6 =	vor.u32 s17, v2;
	[tilespmem:s13+$0x40] =	vst v10;
	v10 =	vld [tilespmem:s13+$0xFFFFFFB0]  }
0x113: {  	v62 =	vor.u32 s21, v2;
	[tilespmem:s13+$0xFFFFFFC0] =	vst v5;
	v4 =	vld.idx.msk [tilespmem:v18+s28+$0x0], $0xffff  }
0x114: {  	[tilespmem:s13+$0xFFFFFFE0] =	vst v7;
	v5 =	vld.idx.msk [tilespmem:v19+s28+$0x0], $0xffff  }
0x115: {  	v11 =	vmul.f32 v14, v13;
	[tilespmem:s13+$0x0] =	vst v8;
	v7 =	vld.idx.msk [tilespmem:v21+s28+$0x0], $0xffff  }
0x116: {  	v63 =	vmul.f32 v61, v15;
	[tilespmem:s13+$0x20] =	vst v9;
	v8 =	vld.idx.msk [tilespmem:v23+s28+$0x0], $0xffff  }
0x117: {  	[tilespmem:s13+$0x70] =	vst v11;
	v9 =	vld.idx.msk [tilespmem:v6+s28+$0x0], $0xffff  }
0x118: {  	s14 =	simm.s32 $0x10;
	s15 =	simm.s32 $0x80;
	s12 =	simm.s32 $0x1020;
	[tilespmem:s13+$0xFFFFFF90] =	vst v63;
	v6 =	vld.idx.msk [tilespmem:v62+s28+$0x0], $0xffff  }
.LBB2_11:
0x119: {  	p0 =	slt.u32 s14, $0xC0;
	v11 =	vor.u32 s15, v0;
	v12 =	vor.u32 s15, v2;
	s4 =	sadd.s32 $0x10, s15;
	s9 =	sadd.s32 $0x70, s15;
	v13 =	vld [tilespmem:s13+$0xFFFFFFD0]  }
0x11a: {  	s16 =	sadd.s32 $0x30, s15;
	s17 =	sadd.s32 $0x40, s15;
	v14 =	vor.u32 s4, v0;
	v15 =	vor.u32 s4, v2;
	s4 =	sadd.s32 $0x20, s15;
	v16 =	vor.u32 s9, v0;
	v17 =	vld [tilespmem:s13+$0xFFFFFFF0]  }
0x11b: {  	s21 =	sadd.s32 $0x50, s15;
	v19 =	vor.u32 s16, v0;
	v20 =	vor.u32 s17, v0;
	s15 =	sadd.s32 $0x60, s15;
	v18 =	vor.u32 s4, v0;
	v21 =	vld [tilespmem:s13+$0x10]  }
0x11c: {  	v23 =	vor.u32 s21, v0;
	v22 =	vor.u32 s4, v2;
	v24 =	vor.u32 s15, v0;
	v25 =	vld [tilespmem:s13+$0x30]  }
0x11d: {  	v26 =	vor.u32 s16, v2;
	v27 =	vor.u32 s17, v2;
	v28 =	vor.u32 s21, v2;
	v29 =	vld [tilespmem:s13+$0x50]  }
0x11e: {  	v30 =	vor.u32 s15, v2;
	v4 =	vmul.f32 v10, v4;
	v11 =	vld.idx.msk [tilespmem:v11+s28+$0x0], $0xffff;
	v5 =	vmul.f32 v13, v5  }
0x11f: {  	s13 =	sadd.s32 $0x100, s13;
	v10 =	vld.idx.msk [tilespmem:v16+s28+$0x0], $0xffff;
	v7 =	vmul.f32 v17, v7  }
0x120: {  	v13 =	vld [tilespmem:s13+$0x60];
	[tilespmem:s12+$0xFFFFFFB0] =	vst v4;
	v4 =	vmul.f32 v21, v8  }
0x121: {  	v8 =	vld.idx.msk [tilespmem:v14+s28+$0x0], $0xffff;
	[tilespmem:s12+$0xFFFFFFD0] =	vst v5;
	v5 =	vmul.f32 v25, v9  }
0x122: {  	v9 =	vld.idx.msk [tilespmem:v18+s28+$0x0], $0xffff;
	[tilespmem:s12+$0xFFFFFFF0] =	vst v7;
	v6 =	vmul.f32 v29, v6  }
0x123: {  	v14 =	vor.u32 s9, v2;
	v7 =	vld.idx.msk [tilespmem:v19+s28+$0x0], $0xffff;
	[tilespmem:s12+$0x10] =	vst v4  }
0x124: {  	v16 =	vld.idx.msk [tilespmem:v20+s28+$0x0], $0xffff;
	[tilespmem:s12+$0x30] =	vst v5  }
0x125: {  	v17 =	vld.idx.msk [tilespmem:v23+s28+$0x0], $0xffff;
	v4 =	vmul.f32 v13, v10;
	[tilespmem:s12+$0x50] =	vst v6;
	s12 =	smov.u32 s13  }
0x126: {  	v6 =	vld.idx.msk [tilespmem:v24+s28+$0x0], $0xffff  }
0x127: {  	v5 =	vld [tilespmem:s13+$0xFFFFFF80];
	[tilespmem:s13+$0x60] =	vst v4  }
0x128: {  	v4 =	vld.idx.msk [tilespmem:v14+s28+$0x0], $0xffff  }
0x129: {  	v10 =	vld [tilespmem:s13+$0x70]  }
0x12a: {  	v13 =	vld [tilespmem:s13+$0xFFFFFFA0]  }
0x12b: {  	v14 =	vld [tilespmem:s13+$0xFFFFFFC0]  }
0x12c: {  	v5 =	vmul.f32 v5, v11;
	v11 =	vld [tilespmem:s13+$0xFFFFFFE0]  }
0x12d: {  	v18 =	vld [tilespmem:s13+$0x0]  }
0x12e: {  	[tilespmem:s13+$0xFFFFFF80] =	vst v5;
	v19 =	vld [tilespmem:s13+$0x20];
	v4 =	vmul.f32 v10, v4  }
0x12f: {  	v5 =	vmul.f32 v13, v8;
	v8 =	vld [tilespmem:s13+$0x40]  }
0x130: {  	v10 =	vld.idx.msk [tilespmem:v12+s28+$0x0], $0xffff;
	v9 =	vmul.f32 v14, v9;
	[tilespmem:s13+$0x70] =	vst v4  }
0x131: {  	v12 =	vld [tilespmem:s13+$0xFFFFFF90];
	[tilespmem:s13+$0xFFFFFFA0] =	vst v5;
	v7 =	vmul.f32 v11, v7  }
0x132: {  	v4 =	vld.idx.msk [tilespmem:v15+s28+$0x0], $0xffff;
	[tilespmem:s13+$0xFFFFFFC0] =	vst v9;
	v9 =	vmul.f32 v18, v16  }
0x133: {  	v5 =	vld.idx.msk [tilespmem:v22+s28+$0x0], $0xffff;
	[tilespmem:s13+$0xFFFFFFE0] =	vst v7;
	v11 =	vmul.f32 v19, v17  }
.Ltmp4:
0x134: {  	v7 =	vld.idx.msk [tilespmem:v26+s28+$0x0], $0xffff;
	[tilespmem:s13+$0x0] =	vst v9;
	v6 =	vmul.f32 v8, v6;
	(pc) =	sbr.rel @p0 .LBB2_11-.Ltmp4, $4  }
0x135: {  	v8 =	vld.idx.msk [tilespmem:v27+s28+$0x0], $0xffff;
	[tilespmem:s13+$0x20] =	vst v11  }
0x136: {  	v10 =	vmul.f32 v12, v10;
	v9 =	vld.idx.msk [tilespmem:v28+s28+$0x0], $0xffff;
	[tilespmem:s13+$0x40] =	vst v6  }
0x137: {  	v6 =	vld.idx.msk [tilespmem:v30+s28+$0x0], $0xffff  }
0x138: {  	s15 =	sshll.u32 s14, $0x4;
	s14 =	sadd.s32 $0x8, s14;
	[tilespmem:s13+$0xFFFFFF90] =	vst v10;
	v10 =	vld [tilespmem:s13+$0xFFFFFFB0]  }
0x139: {  	v12 =	vld [tilespmem:s13+$0xFFFFFFD0]  }
0x13a: {  	v14 =	vld [tilespmem:s13+$0xFFFFFFF0]  }
0x13b: {  	v15 =	vld [tilespmem:s13+$0x10]  }
0x13c: {  	v17 =	vld [tilespmem:s13+$0x30]  }
0x13d: {  	v19 =	vld [tilespmem:s13+$0x50];
	s13 =	sadd.s32 $0x100, s13  }
0x13e: {  	v23 =	vld [tilespmem:s13+$0x60]  }
0x13f: {  	v39 =	vld [tilespmem:s13+$0xFFFFFF80]  }
0x140: {  	v40 =	vld [tilespmem:s13+$0x70]  }
0x141: {  	v26 =	vld [tilespmem:s13+$0xFFFFFFA0]  }
0x142: {  	v28 =	vld [tilespmem:s13+$0xFFFFFFC0]  }
0x143: {  	v29 =	vld [tilespmem:s13+$0xFFFFFFE0]  }
0x144: {  	v41 =	vld [tilespmem:s13+$0x0]  }
0x145: {  	v32 =	vld [tilespmem:s13+$0x20]  }
0x146: {  	v43 =	vld [tilespmem:s13+$0x40]  }
0x147: {  	v46 =	vld [tilespmem:s13+$0xFFFFFF90]  }
0x148: {  	v11 =	vor.u32 s15, v0;
	s4 =	sadd.s32 $0x70, s15;
	v54 =	vld [tilespmem:s13+$0xFFFFFFD0]  }
0x149: {  	s9 =	sadd.s32 $0x10, s15;
	v13 =	vor.u32 s4, v0;
	v55 =	vld [tilespmem:s13+$0xFFFFFFF0]  }
0x14a: {  	s14 =	sadd.s32 $0x20, s15;
	v16 =	vor.u32 s9, v0;
	v57 =	vld [tilespmem:s13+$0x10]  }
0x14b: {  	s16 =	sadd.s32 $0x30, s15;
	v18 =	vor.u32 s14, v0;
	v59 =	vld [tilespmem:s13+$0x30]  }
0x14c: {  	s17 =	sadd.s32 $0x40, s15;
	v20 =	vor.u32 s16, v0;
	v60 =	vld [tilespmem:s13+$0x50]  }
0x14d: {  	s21 =	sadd.s32 $0x50, s15;
	v21 =	vor.u32 s17, v0;
	v4 =	vmul.f32 v10, v4;
	v11 =	vld.idx.msk [tilespmem:v11+s28+$0x0], $0xffff  }
0x14e: {  	s1 =	sadd.s32 $0x60, s15;
	v22 =	vor.u32 s21, v0;
	v5 =	vmul.f32 v12, v5;
	v13 =	vld.idx.msk [tilespmem:v13+s28+$0x0], $0xffff  }
0x14f: {  	v24 =	vor.u32 s1, v0;
	v7 =	vmul.f32 v14, v7;
	v16 =	vld.idx.msk [tilespmem:v16+s28+$0x0], $0xffff;
	[tilespmem:s12+$0xFFFFFFB0] =	vst v4  }
0x150: {  	v8 =	vmul.f32 v15, v8;
	v18 =	vld.idx.msk [tilespmem:v18+s28+$0x0], $0xffff;
	[tilespmem:s12+$0xFFFFFFD0] =	vst v5  }
0x151: {  	v27 =	vor.u32 s15, v2;
	v9 =	vmul.f32 v17, v9;
	v20 =	vld.idx.msk [tilespmem:v20+s28+$0x0], $0xffff;
	[tilespmem:s12+$0xFFFFFFF0] =	vst v7  }
0x152: {  	v25 =	vor.u32 s4, v2;
	v6 =	vmul.f32 v19, v6;
	v21 =	vld.idx.msk [tilespmem:v21+s28+$0x0], $0xffff;
	[tilespmem:s12+$0x10] =	vst v8  }
0x153: {  	v30 =	vor.u32 s9, v2;
	v22 =	vld.idx.msk [tilespmem:v22+s28+$0x0], $0xffff;
	[tilespmem:s12+$0x30] =	vst v9;
	v11 =	vmul.f32 v39, v11  }
0x154: {  	v31 =	vor.u32 s14, v2;
	v38 =	vld.idx.msk [tilespmem:v24+s28+$0x0], $0xffff;
	[tilespmem:s12+$0x50] =	vst v6;
	v13 =	vmul.f32 v23, v13  }
0x155: {  	v42 =	vor.u32 s16, v2;
	v5 =	vld [tilespmem:s13+$0xFFFFFFB0];
	v16 =	vmul.f32 v26, v16;
	[tilespmem:s13+$0xFFFFFF80] =	vst v11  }
0x156: {  	v45 =	vor.u32 s21, v2;
	v18 =	vmul.f32 v28, v18;
	[tilespmem:s13+$0x60] =	vst v13;
	v27 =	vld.idx.msk [tilespmem:v27+s28+$0x0], $0xffff  }
0x157: {  	v48 =	vor.u32 s1, v2;
	v20 =	vmul.f32 v29, v20;
	[tilespmem:s13+$0xFFFFFFA0] =	vst v16;
	v13 =	vld.idx.msk [tilespmem:v25+s28+$0x0], $0xffff  }
0x158: {  	v44 =	vor.u32 s17, v2;
	v22 =	vmul.f32 v32, v22;
	[tilespmem:s13+$0xFFFFFFC0] =	vst v18;
	v49 =	vld.idx.msk [tilespmem:v30+s28+$0x0], $0xffff  }
0x159: {  	v51 =	vmul.f32 v43, v38;
	[tilespmem:s13+$0xFFFFFFE0] =	vst v20;
	v50 =	vld.idx.msk [tilespmem:v31+s28+$0x0], $0xffff  }
0x15a: {  	v47 =	vmul.f32 v41, v21;
	[tilespmem:s13+$0x20] =	vst v22;
	v11 =	vld.idx.msk [tilespmem:v42+s28+$0x0], $0xffff  }
0x15b: {  	[tilespmem:s13+$0x40] =	vst v51;
	v53 =	vld.idx.msk [tilespmem:v45+s28+$0x0], $0xffff;
	v58 =	vmul.f32 v46, v27  }
0x15c: {  	[tilespmem:s13+$0x0] =	vst v47;
	v4 =	vld.idx.msk [tilespmem:v48+s28+$0x0], $0xffff;
	v56 =	vmul.f32 v40, v13  }
0x15d: {  	v52 =	vld.idx.msk [tilespmem:v44+s28+$0x0], $0xffff;
	v5 =	vmul.f32 v5, v49;
	[tilespmem:s13+$0xFFFFFF90] =	vst v58  }
0x15e: {  	v61 =	vmul.f32 v54, v50;
	[tilespmem:s13+$0x70] =	vst v56  }
0x15f: {  	v62 =	vmul.f32 v55, v11;
	[tilespmem:s13+$0xFFFFFFB0] =	vst v5  }
0x160: {  	v63 =	vmul.f32 v59, v53;
	[tilespmem:s13+$0xFFFFFFD0] =	vst v61  }
0x161: {  	v4 =	vmul.f32 v60, v4;
	[tilespmem:s13+$0xFFFFFFF0] =	vst v62  }
0x162: {  	s3 =	sadd.s32 $0x1, s3;
	v5 =	vmul.f32 v57, v52;
	[tilespmem:s13+$0x30] =	vst v63  }
0x163: {  	s21 =	sshll.u32 s11, $0x4;
	p0 =	sne.s32 s3, $0x10;
	[tilespmem:s13+$0x50] =	vst v4  }
.Ltmp5:
0x164: {  	s1 =	sadd.s32 s21, s20;
	[tilespmem:s13+$0x10] =	vst v5;
	(pc) =	sbr.rel @p0 .LBB2_8-.Ltmp5, $4  }
0x165: {  	[hbm4b:s1+s30] =	stream.strided.scatter [tilespmem:s22], [sflag:$0x2], $0x1900, s31, s30, $0x38;
	[tilespmem:$0x1EAA0] =	vst v63  }
0x166: {  	_ =	swait.ge [sflag:s23], $0x1900  }
0x167: {  	[sflag:s23] =	ssyncset.done $0x0  }
0x168: {  	[sflag:s23] =	ssyncadd.s32 $0xFFFFE700  }
0x169: {  	s13 =	rddreg [dreg:$0x4]  }
0x16a: {  	s0 =	rddreg [dreg:$0xd];
	s13 =	sadd.s32 $0x1, s13  }
0x16b: {  	p0 =	sne.s32 s13, s0  }
.Ltmp6:
0x16c: {  	_ = 	snop;
	(pc) =	sbr.rel @p0 .LBB2_1-.Ltmp6, $1  }
0x16d: {  	_ =	sdelay $0x3  }
0x16e: {  	_ =	sfence.sel $0x180000  }
0x16f: {  	[bflag:$0x0] =	sbarrier.arrive $0xFFFF  }
0x170: {  	_ =	strace $0x90000050  }
0x171: {  	s0 =	stileid.u32;
	[bflag:$0x2] =	sbarrier.arrive $0xFFFF  }
0x172: {  	p0 =	sne.s32 s0, $0x0;
	s0 =	rddreg [dreg:$0x3]  }
0x173: {  	s0 =	sadd.s32 @!p0 $0x100000, s0  }
0x174: {  	[sflag:s0] =	ssyncadd.tile.s32 @!p0 $0x1;
	_ =	shalt  }
.Lfunc_end2:
_tile_overlayer_lowered:
.L_overlay_start_2:
0x175: {  	(tag) =	ssettag $0x2  }
0x176: {  	s0 =	rddreg [dreg:$0x0];
	s2 =	stileid.u32  }
0x177: {  	s1 =	rddreg [dreg:$0x1];
	p0 =	sne.s32 s2, $0x0  }
0x178: {  	s3 =	rddreg [dreg:$0x2];
	[bflag:$0x3] =	sbarrier.arrive $0xFFFF;
	s2 =	simm.s32 @!p0 $0x1C02  }
0x179: {  	[timem:s3], [sflag:s2] =	dma.local @!p0 [hbm:s0], s1  }
0x17a: {  	s0 =	simm.s32 @!p0 $0x2  }
0x17b: {  	_ =	swait.ge @!p0 [sflag:s0], s1  }
0x17c: {  	s1 =	ssub.s32 @!p0 $0x0, s1;
	[sflag:s0] =	ssyncset.done @!p0 $0x0  }
0x17d: {  	[sflag:s0] =	ssyncadd.s32 @!p0 s1  }
0x17e: {  	[bflag:$0x3] =	sbarrier.arrive $0xFFFF  }
0x17f: {  	_ =	shalt  }

</sc_bundles>
